<compile_context>
chip_gen: v7x
topology: tpu7x:2x2x1
jax: 0.10.2.dev20260603
libtpu: 0.0.44.dev20260713+nightly
codegen_flags: <defaults>
</compile_context>

<pallas_src>
import functools

import jax
import jax.numpy as jnp
from jax import lax
from jax.experimental import pallas as pl
from jax.experimental.pallas import tpu as pltpu
from jax.experimental.pallas import tpu_sc as plsc

N_NODES = 4096
HIDDEN = 128
NUM_FILTERS = 128
NUM_GAUSSIANS = 50
NODE_CLASS = 120
CUTOFF = 10.0
_DELTA = CUTOFF / (NUM_GAUSSIANS - 1)
_COEFF = -0.5 / _DELTA ** 2
_LOG2 = 0.6931471805599453

_NW = 32
_JPT = N_NODES // _NW
_SLOTS = 96
_E_SLOTS = N_NODES * _SLOTS
_SENTINEL = 1e12
_NPAD = N_NODES + 16
_BLK_B = 2048


def _ssp(x):
    return jnp.maximum(x, 0.0) + jnp.log1p(jnp.exp(-jnp.abs(x))) - _LOG2


def _prep_body(z_ref, pos_ref, am_ref, emb_ref, lin1_ref, xl_ref, post_ref,
               postb_ref, sq_ref):
    z = z_ref[...]
    onehot = (jax.lax.broadcasted_iota(jnp.int32, (N_NODES, NODE_CLASS), 1)
              == z).astype(jnp.float32)
    mass = jax.lax.dot_general(
        onehot, am_ref[...], (((1,), (0,)), ((), ())),
        precision=jax.lax.Precision.HIGHEST,
        preferred_element_type=jnp.float32)
    row = jax.lax.broadcasted_iota(jnp.int32, (N_NODES, 1), 0)
    mass = jnp.where(row < N_NODES - 1, mass, 0.0)
    pos = pos_ref[...]
    num = jnp.sum(mass * pos, axis=0, keepdims=True)
    den = jnp.sum(mass)
    c = num / den
    pos = jnp.where(row == N_NODES - 1, c, pos)
    eye3 = (jax.lax.broadcasted_iota(jnp.int32, (3, 3), 0)
            == jax.lax.broadcasted_iota(jnp.int32, (3, 3), 1)).astype(jnp.float32)
    post = jax.lax.dot_general(eye3, pos, (((1,), (1,)), ((), ())),
                               precision=jax.lax.Precision.HIGHEST,
                               preferred_element_type=jnp.float32)
    post_ref[...] = post
    postb_ref[...] = post.astype(jnp.bfloat16).astype(jnp.float32)
    x2 = post[0:1] * post[0:1]
    y2 = post[1:2] * post[1:2]
    z2 = post[2:3] * post[2:3]
    sq_ref[...] = (x2 + y2) + z2
    e2 = jax.lax.dot_general(emb_ref[...], lin1_ref[...],
                             (((1,), (0,)), ((), ())),
                             precision=jax.lax.Precision.HIGHEST,
                             preferred_element_type=jnp.float32)
    xl_ref[...] = jax.lax.dot_general(onehot, e2, (((1,), (0,)), ((), ())),
                                      precision=jax.lax.Precision.HIGHEST,
                                      preferred_element_type=jnp.float32)


def _edges_body(pose_hbm, src_hbm, d2_hbm, pose_v, src_v, d2_v):
    cid = lax.axis_index("c")
    sid = lax.axis_index("s")
    wid = sid * 2 + cid
    pltpu.sync_copy(pose_hbm, pose_v)
    zero16 = jnp.zeros((16,), jnp.int32)
    sent16 = jnp.full((16,), _SENTINEL, jnp.float32)

    @pl.loop(0, (_JPT * _SLOTS) // 16)
    def _init(k):
        src_v[pl.ds(k * 16, 16)] = zero16
        d2_v[pl.ds(k * 16, 16)] = sent16

    iota16 = lax.iota(jnp.int32, 16)

    @pl.loop(0, _JPT // 16)
    def _jg_loop(jg):
        gbase = wid * _JPT + jg * 16
        gsl = pl.ds(gbase, 16)
        xjv = pose_v[0, gsl]
        yjv = pose_v[1, gsl]
        zjv = pose_v[2, gsl]
        xbjv = pose_v[3, gsl]
        ybjv = pose_v[4, gsl]
        zbjv = pose_v[5, gsl]
        sqjv = pose_v[6, gsl]
        for jl16 in range(16):
            j = gbase + jl16
            xj = xjv[jl16]
            yj = yjv[jl16]
            zj = zjv[jl16]
            xbj = xbjv[jl16]
            ybj = ybjv[jl16]
            zbj = zbjv[jl16]
            sqj = sqjv[jl16]
            base = (jg * 16 + jl16) * _SLOTS
            limit = base + _SLOTS

            def iv_body(iv, off, xj=xj, yj=yj, zj=zj, xbj=xbj, ybj=ybj,
                        zbj=zbj, sqj=sqj, j=j, limit=limit):
                sl = pl.ds(iv * 16, 16)
                xi = pose_v[0, sl]
                yi = pose_v[1, sl]
                zi = pose_v[2, sl]
                xbi = pose_v[3, sl]
                ybi = pose_v[4, sl]
                zbi = pose_v[5, sl]
                sqi = pose_v[6, sl]
                dx = xi - xj
                dy = yi - yj
                dz = zi - zj
                d2e = dx * dx + dy * dy + dz * dz
                pp = xbi * xbj + ybi * ybj + zbi * zbj
                d2a = (sqi + sqj) - 2.0 * pp
                ivec = iv * 16 + iota16
                mask = (d2a < CUTOFF * CUTOFF) & (ivec != j)
                cum = plsc.cumsum(jnp.where(mask, 1, 0))
                positions = off + cum - 1
                mask2 = mask & (positions < limit)
                plsc.store_scatter(src_v, [positions], ivec, mask=mask2)
                plsc.store_scatter(d2_v, [positions], d2e, mask=mask2)
                return off + plsc.all_reduce_population_count(mask2)

            lax.fori_loop(0, N_NODES // 16, iv_body,
                          jnp.full((16,), base, jnp.int32))

    nmy = _JPT * _SLOTS
    pltpu.sync_copy(src_v, src_hbm.at[pl.ds(wid * nmy, nmy)])
    pltpu.sync_copy(d2_v, d2_hbm.at[pl.ds(wid * nmy, nmy)])


def _filter_body(d2_ref, w1_ref, b1_ref, w2_ref, b2_ref, out_ref):
    d2 = d2_ref[...]
    d = jnp.sqrt(d2 + 1e-12)
    offs = (jax.lax.broadcasted_iota(jnp.int32, (1, NUM_GAUSSIANS), 1)
            .astype(jnp.float32) * _DELTA)
    ea = jnp.exp(_COEFF * (d - offs) ** 2)
    h1 = jax.lax.dot_general(ea.astype(jnp.bfloat16), w1_ref[...],
                             (((1,), (0,)), ((), ())),
                             preferred_element_type=jnp.float32) + b1_ref[...]
    a = _ssp(h1)
    w = jax.lax.dot_general(a.astype(jnp.bfloat16), w2_ref[...],
                            (((1,), (0,)), ((), ())),
                            preferred_element_type=jnp.float32) + b2_ref[...]
    cmask = jnp.where(d2 < 1e11,
                      0.5 * (jnp.cos(d * (jnp.pi / CUTOFF)) + 1.0), 0.0)
    out_ref[...] = w * cmask


_RING = 4


def _agg_body(xl_hbm, w_hbm, src_hbm, agg_hbm, src_v,
              xe0, xe1, xe2, xe3, w0, w1, w2, w3, agg_v,
              sem0, sem1, sem2, sem3):
    cid = lax.axis_index("c")
    sid = lax.axis_index("s")
    wid = sid * 2 + cid
    nmy = _JPT * _SLOTS
    gbase = wid * nmy
    pltpu.sync_copy(src_hbm.at[pl.ds(gbase, nmy)], src_v)
    xe = (xe0, xe1, xe2, xe3)
    wv = (w0, w1, w2, w3)
    sem = (sem0, sem1, sem2, sem3)

    def fire(jl, b):
        base = jl * _SLOTS
        pltpu.async_copy(xl_hbm.at[src_v.at[pl.ds(base, _SLOTS)]], xe[b],
                         sem[b])
        pltpu.async_copy(w_hbm.at[pl.ds(gbase + base, _SLOTS)], wv[b], sem[b])

    def wait(b):
        pltpu.make_async_copy(xl_hbm.at[pl.ds(0, _SLOTS)], xe[b],
                              sem[b]).wait()
        pltpu.make_async_copy(w_hbm.at[pl.ds(0, _SLOTS)], wv[b],
                              sem[b]).wait()

    def compute(jl, b):
        zeros = jnp.zeros((16,), jnp.float32)

        def e_body(e, accs):
            return tuple(
                accs[v] + xe[b][e, pl.ds(v * 16, 16)]
                * wv[b][e, pl.ds(v * 16, 16)]
                for v in range(8))

        accs = lax.fori_loop(0, _SLOTS, e_body, (zeros,) * 8)
        for v in range(8):
            agg_v[jl, pl.ds(v * 16, 16)] = accs[v]

    for b in range(_RING):
        fire(b, b)

    @pl.loop(0, _JPT // _RING)
    def _grp(g):
        for b in range(_RING):
            jl = g * _RING + b
            wait(b)
            compute(jl, b)

            @pl.when(g < _JPT // _RING - 1)
            def _(jl=jl, b=b):
                fire(jl + _RING, b)

    pltpu.sync_copy(agg_v, agg_hbm.at[pl.ds(wid * _JPT, _JPT)])


def _out_body(agg_ref, lin2w_ref, lin2b_ref, linw_ref, linb_ref, o_ref):
    x = jax.lax.dot_general(agg_ref[...], lin2w_ref[...],
                            (((1,), (0,)), ((), ())),
                            precision=jax.lax.Precision.HIGHEST,
                            preferred_element_type=jnp.float32) + lin2b_ref[...]
    x = _ssp(x)
    o_ref[...] = jax.lax.dot_general(x, linw_ref[...], (((1,), (0,)), ((), ())),
                                     precision=jax.lax.Precision.HIGHEST,
                                     preferred_element_type=jnp.float32) + linb_ref[...]


def kernel(z, pos, atomic_mass, embedding, mlp_w1, mlp_b1, mlp_w2, mlp_b2,
           lin1_w, lin2_w, lin2_b, lin_w, lin_b):
    n = N_NODES
    xl, post, postb, sq = pl.pallas_call(
        _prep_body,
        out_shape=(jax.ShapeDtypeStruct((n, NUM_FILTERS), jnp.float32),
                   jax.ShapeDtypeStruct((3, n), jnp.float32),
                   jax.ShapeDtypeStruct((3, n), jnp.float32),
                   jax.ShapeDtypeStruct((1, n), jnp.float32)),
    )(z.reshape(n, 1), pos, atomic_mass.reshape(NODE_CLASS, 1), embedding,
      lin1_w)

    pose = jnp.concatenate([post, postb, sq, jnp.zeros((1, n), jnp.float32)],
                           axis=0)
    pose = jnp.pad(pose, ((0, 0), (0, _NPAD - n)))

    mesh = plsc.VectorSubcoreMesh(core_axis_name="c", subcore_axis_name="s", num_cores=2, num_subcores=16)
    src_e, d2_e = pl.kernel(
        _edges_body,
        out_type=(jax.ShapeDtypeStruct((_E_SLOTS,), jnp.int32),
                  jax.ShapeDtypeStruct((_E_SLOTS,), jnp.float32)),
        mesh=mesh,
        compiler_params=pltpu.CompilerParams(needs_layout_passes=False),
        scratch_types=(pltpu.VMEM((8, _NPAD), jnp.float32),
                       pltpu.VMEM((_JPT * _SLOTS,), jnp.int32),
                       pltpu.VMEM((_JPT * _SLOTS,), jnp.float32)),
    )(pose)

    w_e = pl.pallas_call(
        _filter_body,
        grid=(_E_SLOTS // _BLK_B,),
        in_specs=[
            pl.BlockSpec((_BLK_B, 1), lambda i: (i, 0)),
            pl.BlockSpec((NUM_GAUSSIANS, NUM_FILTERS), lambda i: (0, 0)),
            pl.BlockSpec((1, NUM_FILTERS), lambda i: (0, 0)),
            pl.BlockSpec((NUM_FILTERS, NUM_FILTERS), lambda i: (0, 0)),
            pl.BlockSpec((1, NUM_FILTERS), lambda i: (0, 0)),
        ],
        out_specs=pl.BlockSpec((_BLK_B, NUM_FILTERS), lambda i: (i, 0)),
        out_shape=jax.ShapeDtypeStruct((_E_SLOTS, NUM_FILTERS), jnp.float32),
    )(d2_e.reshape(_E_SLOTS, 1), mlp_w1.astype(jnp.bfloat16),
      mlp_b1.reshape(1, NUM_FILTERS), mlp_w2.astype(jnp.bfloat16),
      mlp_b2.reshape(1, NUM_FILTERS))

    agg = pl.kernel(
        _agg_body,
        out_type=jax.ShapeDtypeStruct((n, NUM_FILTERS), jnp.float32),
        mesh=plsc.VectorSubcoreMesh(core_axis_name="c", subcore_axis_name="s", num_cores=2, num_subcores=16),
        compiler_params=pltpu.CompilerParams(needs_layout_passes=False),
        scratch_types=(pltpu.VMEM((_JPT * _SLOTS,), jnp.int32),)
        + (pltpu.VMEM((_SLOTS, NUM_FILTERS), jnp.float32),) * 8
        + (pltpu.VMEM((_JPT, NUM_FILTERS), jnp.float32),)
        + (pltpu.SemaphoreType.DMA,) * 4,
    )(xl, w_e, src_e)

    x = pl.pallas_call(
        _out_body,
        grid=(8,),
        in_specs=[
            pl.BlockSpec((n // 8, NUM_FILTERS), lambda i: (i, 0)),
            pl.BlockSpec((NUM_FILTERS, HIDDEN), lambda i: (0, 0)),
            pl.BlockSpec((1, HIDDEN), lambda i: (0, 0)),
            pl.BlockSpec((HIDDEN, HIDDEN), lambda i: (0, 0)),
            pl.BlockSpec((1, HIDDEN), lambda i: (0, 0)),
        ],
        out_specs=pl.BlockSpec((n // 8, HIDDEN), lambda i: (i, 0)),
        out_shape=jax.ShapeDtypeStruct((n, HIDDEN), jnp.float32),
    )(agg, lin2_w, lin2_b.reshape(1, HIDDEN), lin_w, lin_b.reshape(1, HIDDEN))
    return x

# --- scband reference (transcript-rebuilt; emitter-appended) ---
"""Pipeline reference for scband-sch-net-block-66975720014132 (READ-ONLY COPY).

The authoritative reference and input builder live on the scoring server;
editing this copy changes nothing except your own understanding.
"""

import jax, jax.numpy as jnp
import numpy as np

N_NODES = 4096
NODE_CLASS = 120
HIDDEN = 128
NUM_FILTERS = 128
NUM_GAUSSIANS = 50
CUTOFF = 10.0
BOX = 81.0


def ssp(x):
    # shifted softplus used throughout SchNet
    return jax.nn.softplus(x) - jnp.log(2.0)


def setup_inputs(seed: int = 0) -> dict:
    key = jax.random.key(seed)
    ks = jax.random.split(key, 12)
    z = jax.random.randint(ks[0], (N_NODES,), 0, 119, dtype=jnp.int32)
    pos = jax.random.uniform(ks[1], (N_NODES, 3), dtype=jnp.float32) * BOX
    atomic_mass = jax.random.uniform(ks[2], (NODE_CLASS,), minval=1.0, maxval=200.0, dtype=jnp.float32)
    embedding = jax.random.normal(ks[3], (NODE_CLASS, HIDDEN), dtype=jnp.float32) * 0.1
    s1 = 1.0 / np.sqrt(NUM_GAUSSIANS)
    s2 = 1.0 / np.sqrt(NUM_FILTERS)
    s3 = 1.0 / np.sqrt(HIDDEN)
    mlp_w1 = jax.random.normal(ks[4], (NUM_GAUSSIANS, NUM_FILTERS), dtype=jnp.float32) * s1
    mlp_b1 = jnp.zeros((NUM_FILTERS,), dtype=jnp.float32)
    mlp_w2 = jax.random.normal(ks[5], (NUM_FILTERS, NUM_FILTERS), dtype=jnp.float32) * s2
    mlp_b2 = jnp.zeros((NUM_FILTERS,), dtype=jnp.float32)
    lin1_w = jax.random.normal(ks[6], (HIDDEN, NUM_FILTERS), dtype=jnp.float32) * s3  # no bias (CFConv.lin1)
    lin2_w = jax.random.normal(ks[7], (NUM_FILTERS, HIDDEN), dtype=jnp.float32) * s2
    lin2_b = jnp.zeros((HIDDEN,), dtype=jnp.float32)
    lin_w = jax.random.normal(ks[8], (HIDDEN, HIDDEN), dtype=jnp.float32) * s3
    lin_b = jnp.zeros((HIDDEN,), dtype=jnp.float32)
    return {
        "z": z, "pos": pos, "atomic_mass": atomic_mass, "embedding": embedding,
        "mlp_w1": mlp_w1, "mlp_b1": mlp_b1, "mlp_w2": mlp_w2, "mlp_b2": mlp_b2,
        "lin1_w": lin1_w, "lin2_w": lin2_w, "lin2_b": lin2_b, "lin_w": lin_w, "lin_b": lin_b,
    }


def reference(z, pos, atomic_mass, embedding, mlp_w1, mlp_b1, mlp_w2, mlp_b2, lin1_w, lin2_w, lin2_b, lin_w, lin_b):
    n = z.shape[0]
    batch = jnp.zeros_like(z)
    # interaction_rep == 'com': place last (virtual) atom at center of mass of the others
    mass = atomic_mass[z[:-1]][:, None]
    num = jax.ops.segment_sum(mass * pos[:-1], batch[:-1], num_segments=1)
    den = jax.ops.segment_sum(mass, batch[:-1], num_segments=1)
    c = num / den
    pos = pos.at[-1].set(c[0])
    # embedding lookup
    h = embedding[z]
    # radius_graph (single batch): all pairs within cutoff, no self loops
    sq = jnp.sum(pos * pos, axis=1)
    d2 = sq[:, None] + sq[None, :] - 2.0 * (pos @ pos.T)
    d2 = jnp.maximum(d2, 0.0)
    adj = (d2 < CUTOFF ** 2) & (~jnp.eye(n, dtype=bool))
    # edge weight (distance) for every candidate pair
    diff = pos[:, None, :] - pos[None, :, :]
    ew_full = jnp.sqrt(jnp.sum(diff * diff, axis=-1) + 1e-12)
    offset = jnp.linspace(0.0, CUTOFF, NUM_GAUSSIANS)
    coeff = -0.5 / (offset[1] - offset[0]) ** 2
    xl = h @ lin1_w

    def col_agg(args):
        ew, m = args
        ea = jnp.exp(coeff * (ew[:, None] - offset[None, :]) ** 2)
        C = 0.5 * (jnp.cos(ew * jnp.pi / CUTOFF) + 1.0)
        W = ssp(ea @ mlp_w1 + mlp_b1)
        W = (W @ mlp_w2 + mlp_b2) * C[:, None]
        msgs = xl * W
        return jnp.sum(jnp.where(m[:, None], msgs, 0.0), axis=0)

    agg = jax.lax.map(col_agg, (ew_full.T, adj.T))
    x = agg @ lin2_w + lin2_b
    x = ssp(x)
    x = x @ lin_w + lin_b
    return x

if __name__ == "__main__":
    import jax
    _d = setup_inputs()
    print(jax.jit(kernel)(*tuple(_d.values())))

</pallas_src>

<mosaic_0001>
#map = affine_map<(d0, d1) -> (0, 0)>
#map1 = affine_map<(d0, d1) -> (0)>
module attributes {stable_mosaic.version = 14 : i64} {
  func.func @_edges_body(%arg0: i32, %arg1: i32, %arg2: memref<8x4112xf32, #tpu.memory_space<hbm>>, %arg3: memref<393216xi32, #tpu.memory_space<hbm>>, %arg4: memref<393216xf32, #tpu.memory_space<hbm>>, %arg5: memref<8x4112xf32, #tpu.memory_space<vmem>>, %arg6: memref<12288xi32, #tpu.memory_space<vmem>>, %arg7: memref<12288xf32, #tpu.memory_space<vmem>>) attributes {dimension_semantics = [#tpu.dimension_semantics<core_parallel>, #tpu.dimension_semantics<subcore_parallel>], iteration_bounds = array<i64: 2, 16>, scalar_prefetch = 0 : i64, scratch_operands = 3 : i64, tpu.core_type = #tpu.core_type<sc_vector_subcore>, window_params = [{transform_indices = #map}, {transform_indices = #map1}, {transform_indices = #map1}]} {
    %mul3A = arith.constant 2 : i32
    %mul3A_0 = arith.muli %arg1, %mul3A : i32
    %add3A = arith.addi %mul3A_0, %arg0 : i32
    "tpu.region"() ({
      %run_scoped3A = tpu.sem_alloc : memref<!tpu.dma_semaphore, #tpu.memory_space<semaphore_mem>>
      tpu.enqueue_dma source(%arg2 : memref<8x4112xf32, #tpu.memory_space<hbm>>) target(%arg5 : memref<8x4112xf32, #tpu.memory_space<vmem>>) target_semaphore(%run_scoped3A : memref<!tpu.dma_semaphore, #tpu.memory_space<semaphore_mem>>)
      tpu.wait_dma2 semaphore(%run_scoped3A : memref<!tpu.dma_semaphore, #tpu.memory_space<semaphore_mem>>) src(%arg2 : memref<8x4112xf32, #tpu.memory_space<hbm>>) dst(%arg5 : memref<8x4112xf32, #tpu.memory_space<vmem>>)
      tpu.yield
    }) : () -> ()
    %broadcast_in_dim3A = arith.constant 0 : i32
    %broadcast_in_dim3A_1 = vector.broadcast %broadcast_in_dim3A : i32 to vector<16xi32>
    %broadcast_in_dim3A_2 = arith.constant 9.99999995E+11 : f32
    %broadcast_in_dim3A_3 = vector.broadcast %broadcast_in_dim3A_2 : f32 to vector<16xf32>
    %scan3A = arith.constant 0 : i32
    %scan3A_4 = arith.constant 768 : i32
    %scan3A_5 = arith.addi %scan3A, %scan3A_4 : i32
    %scan3A_6 = arith.constant 1 : i32
    scf.for %scan3A_17 = %scan3A to %scan3A_5 step %scan3A_6  : i32 {
      %mul3A_18 = arith.constant 1 : i32
      %mul3A_19 = arith.muli %scan3A_17, %mul3A_18 : i32
      %add3A_20 = arith.constant 0 : i32
      %add3A_21 = arith.addi %add3A_20, %mul3A_19 : i32
      %mul3A_22 = arith.constant 16 : i32
      %mul3A_23 = arith.muli %add3A_21, %mul3A_22 : i32
      %swap3A = arith.index_cast %mul3A_23 : i32 to index
      %swap3A_24 = tpu.vector_load %arg6[%swap3A] {strides = array<i32>} : memref<12288xi32, #tpu.memory_space<vmem>>, vector<16xi32>,
      tpu.vector_store %arg6[%swap3A], %broadcast_in_dim3A_1 {strides = array<i32>} : memref<12288xi32, #tpu.memory_space<vmem>>, vector<16xi32>,
      %mul3A_25 = arith.constant 16 : i32
      %mul3A_26 = arith.muli %add3A_21, %mul3A_25 : i32
      %swap3A_27 = arith.index_cast %mul3A_26 : i32 to index
      %swap3A_28 = tpu.vector_load %arg7[%swap3A_27] {strides = array<i32>} : memref<12288xf32, #tpu.memory_space<vmem>>, vector<16xf32>,
      tpu.vector_store %arg7[%swap3A_27], %broadcast_in_dim3A_3 {strides = array<i32>} : memref<12288xf32, #tpu.memory_space<vmem>>, vector<16xf32>,
    }
    %scan3A_7 = arith.constant 768 : i32
    %iota3A = tpu.iota {dimensions = array<i32: 0>} : vector<16xi32>
    %scan3A_8 = arith.constant 0 : i32
    %scan3A_9 = arith.constant 8 : i32
    %scan3A_10 = arith.addi %scan3A_8, %scan3A_9 : i32
    %scan3A_11 = arith.constant 1 : i32
    scf.for %scan3A_17 = %scan3A_8 to %scan3A_10 step %scan3A_11  : i32 {
      %mul3A_18 = arith.constant 1 : i32
      %mul3A_19 = arith.muli %scan3A_17, %mul3A_18 : i32
      %add3A_20 = arith.constant 0 : i32
      %add3A_21 = arith.addi %add3A_20, %mul3A_19 : i32
      %mul3A_22 = arith.constant 128 : i32
      %mul3A_23 = arith.muli %add3A, %mul3A_22 : i32
      %mul3A_24 = arith.constant 16 : i32
      %mul3A_25 = arith.muli %add3A_21, %mul3A_24 : i32
      %add3A_26 = arith.addi %mul3A_23, %mul3A_25 : i32
      %get3A = arith.constant 0 : i32
      %get3A_27 = arith.index_cast %get3A : i32 to index
      %get3A_28 = arith.index_cast %add3A_26 : i32 to index
      %get3A_29 = tpu.vector_load %arg5[%get3A_27, %get3A_28] {strides = array<i32>} : memref<8x4112xf32, #tpu.memory_space<vmem>>, vector<16xf32>,
      %get3A_30 = arith.constant 1 : i32
      %get3A_31 = arith.index_cast %get3A_30 : i32 to index
      %get3A_32 = arith.index_cast %add3A_26 : i32 to index
      %get3A_33 = tpu.vector_load %arg5[%get3A_31, %get3A_32] {strides = array<i32>} : memref<8x4112xf32, #tpu.memory_space<vmem>>, vector<16xf32>,
      %get3A_34 = arith.constant 2 : i32
      %get3A_35 = arith.index_cast %get3A_34 : i32 to index
      %get3A_36 = arith.index_cast %add3A_26 : i32 to index
      %get3A_37 = tpu.vector_load %arg5[%get3A_35, %get3A_36] {strides = array<i32>} : memref<8x4112xf32, #tpu.memory_space<vmem>>, vector<16xf32>,
      %get3A_38 = arith.constant 3 : i32
      %get3A_39 = arith.index_cast %get3A_38 : i32 to index
      %get3A_40 = arith.index_cast %add3A_26 : i32 to index
      %get3A_41 = tpu.vector_load %arg5[%get3A_39, %get3A_40] {strides = array<i32>} : memref<8x4112xf32, #tpu.memory_space<vmem>>, vector<16xf32>,
      %get3A_42 = arith.constant 4 : i32
      %get3A_43 = arith.index_cast %get3A_42 : i32 to index
      %get3A_44 = arith.index_cast %add3A_26 : i32 to index
      %get3A_45 = tpu.vector_load %arg5[%get3A_43, %get3A_44] {strides = array<i32>} : memref<8x4112xf32, #tpu.memory_space<vmem>>, vector<16xf32>,
      %get3A_46 = arith.constant 5 : i32
      %get3A_47 = arith.index_cast %get3A_46 : i32 to index
      %get3A_48 = arith.index_cast %add3A_26 : i32 to index
      %get3A_49 = tpu.vector_load %arg5[%get3A_47, %get3A_48] {strides = array<i32>} : memref<8x4112xf32, #tpu.memory_space<vmem>>, vector<16xf32>,
      %get3A_50 = arith.constant 6 : i32
      %get3A_51 = arith.index_cast %get3A_50 : i32 to index
      %get3A_52 = arith.index_cast %add3A_26 : i32 to index
      %get3A_53 = tpu.vector_load %arg5[%get3A_51, %get3A_52] {strides = array<i32>} : memref<8x4112xf32, #tpu.memory_space<vmem>>, vector<16xf32>,
      %add3A_54 = arith.constant 0 : i32
      %add3A_55 = arith.addi %add3A_26, %add3A_54 : i32
      %slice3A = vector.extract_strided_slice %get3A_29 {offsets = [0], sizes = [1], strides = [1]} : vector<16xf32> to vector<1xf32>
      %squeeze3A = vector.extract %slice3A[0] : f32 from vector<1xf32>
      %slice3A_56 = vector.extract_strided_slice %get3A_33 {offsets = [0], sizes = [1], strides = [1]} : vector<16xf32> to vector<1xf32>
      %squeeze3A_57 = vector.extract %slice3A_56[0] : f32 from vector<1xf32>
      %slice3A_58 = vector.extract_strided_slice %get3A_37 {offsets = [0], sizes = [1], strides = [1]} : vector<16xf32> to vector<1xf32>
      %squeeze3A_59 = vector.extract %slice3A_58[0] : f32 from vector<1xf32>
      %slice3A_60 = vector.extract_strided_slice %get3A_41 {offsets = [0], sizes = [1], strides = [1]} : vector<16xf32> to vector<1xf32>
      %squeeze3A_61 = vector.extract %slice3A_60[0] : f32 from vector<1xf32>
      %slice3A_62 = vector.extract_strided_slice %get3A_45 {offsets = [0], sizes = [1], strides = [1]} : vector<16xf32> to vector<1xf32>
      %squeeze3A_63 = vector.extract %slice3A_62[0] : f32 from vector<1xf32>
      %slice3A_64 = vector.extract_strided_slice %get3A_49 {offsets = [0], sizes = [1], strides = [1]} : vector<16xf32> to vector<1xf32>
      %squeeze3A_65 = vector.extract %slice3A_64[0] : f32 from vector<1xf32>
      %slice3A_66 = vector.extract_strided_slice %get3A_53 {offsets = [0], sizes = [1], strides = [1]} : vector<16xf32> to vector<1xf32>
      %squeeze3A_67 = vector.extract %slice3A_66[0] : f32 from vector<1xf32>
      %mul3A_68 = arith.constant 16 : i32
      %mul3A_69 = arith.muli %add3A_21, %mul3A_68 : i32
      %add3A_70 = arith.constant 0 : i32
      %add3A_71 = arith.addi %mul3A_69, %add3A_70 : i32
      %mul3A_72 = arith.constant 96 : i32
      %mul3A_73 = arith.muli %add3A_71, %mul3A_72 : i32
      %add3A_74 = arith.constant 96 : i32
      %add3A_75 = arith.addi %mul3A_73, %add3A_74 : i32
      %broadcast_in_dim3A_76 = vector.broadcast %mul3A_73 : i32 to vector<16xi32>
      %scan3A_77 = arith.constant 0 : i32
      %scan3A_78 = arith.constant 256 : i32
      %scan3A_79 = arith.addi %scan3A_77, %scan3A_78 : i32
      %scan3A_80 = arith.constant 1 : i32
      %scan3A_81 = scf.for %scan3A_548 = %scan3A_77 to %scan3A_79 step %scan3A_80 iter_args(%scan3A_549 = %broadcast_in_dim3A_76) -> (vector<16xi32>)  : i32 {
        %mul3A_550 = arith.constant 16 : i32
        %mul3A_551 = arith.muli %scan3A_548, %mul3A_550 : i32
        %get3A_552 = arith.constant 0 : i32
        %get3A_553 = arith.index_cast %get3A_552 : i32 to index
        %get3A_554 = arith.index_cast %mul3A_551 : i32 to index
        %get3A_555 = tpu.vector_load %arg5[%get3A_553, %get3A_554] {strides = array<i32>} : memref<8x4112xf32, #tpu.memory_space<vmem>>, vector<16xf32>,
        %get3A_556 = arith.constant 1 : i32
        %get3A_557 = arith.index_cast %get3A_556 : i32 to index
        %get3A_558 = arith.index_cast %mul3A_551 : i32 to index
        %get3A_559 = tpu.vector_load %arg5[%get3A_557, %get3A_558] {strides = array<i32>} : memref<8x4112xf32, #tpu.memory_space<vmem>>, vector<16xf32>,
        %get3A_560 = arith.constant 2 : i32
        %get3A_561 = arith.index_cast %get3A_560 : i32 to index
        %get3A_562 = arith.index_cast %mul3A_551 : i32 to index
        %get3A_563 = tpu.vector_load %arg5[%get3A_561, %get3A_562] {strides = array<i32>} : memref<8x4112xf32, #tpu.memory_space<vmem>>, vector<16xf32>,
        %get3A_564 = arith.constant 3 : i32
        %get3A_565 = arith.index_cast %get3A_564 : i32 to index
        %get3A_566 = arith.index_cast %mul3A_551 : i32 to index
        %get3A_567 = tpu.vector_load %arg5[%get3A_565, %get3A_566] {strides = array<i32>} : memref<8x4112xf32, #tpu.memory_space<vmem>>, vector<16xf32>,
        %get3A_568 = arith.constant 4 : i32
        %get3A_569 = arith.index_cast %get3A_568 : i32 to index
        %get3A_570 = arith.index_cast %mul3A_551 : i32 to index
        %get3A_571 = tpu.vector_load %arg5[%get3A_569, %get3A_570] {strides = array<i32>} : memref<8x4112xf32, #tpu.memory_space<vmem>>, vector<16xf32>,
        %get3A_572 = arith.constant 5 : i32
        %get3A_573 = arith.index_cast %get3A_572 : i32 to index
        %get3A_574 = arith.index_cast %mul3A_551 : i32 to index
        %get3A_575 = tpu.vector_load %arg5[%get3A_573, %get3A_574] {strides = array<i32>} : memref<8x4112xf32, #tpu.memory_space<vmem>>, vector<16xf32>,
        %get3A_576 = arith.constant 6 : i32
        %get3A_577 = arith.index_cast %get3A_576 : i32 to index
        %get3A_578 = arith.index_cast %mul3A_551 : i32 to index
        %get3A_579 = tpu.vector_load %arg5[%get3A_577, %get3A_578] {strides = array<i32>} : memref<8x4112xf32, #tpu.memory_space<vmem>>, vector<16xf32>,
        %sub3A = vector.broadcast %squeeze3A : f32 to vector<16xf32>
        %sub3A_580 = arith.subf %get3A_555, %sub3A : vector<16xf32>
        %sub3A_581 = vector.broadcast %squeeze3A_57 : f32 to vector<16xf32>
        %sub3A_582 = arith.subf %get3A_559, %sub3A_581 : vector<16xf32>
        %sub3A_583 = vector.broadcast %squeeze3A_59 : f32 to vector<16xf32>
        %sub3A_584 = arith.subf %get3A_563, %sub3A_583 : vector<16xf32>
        %mul3A_585 = arith.mulf %sub3A_580, %sub3A_580 : vector<16xf32>
        %mul3A_586 = arith.mulf %sub3A_582, %sub3A_582 : vector<16xf32>
        %add3A_587 = arith.addf %mul3A_585, %mul3A_586 : vector<16xf32>
        %mul3A_588 = arith.mulf %sub3A_584, %sub3A_584 : vector<16xf32>
        %add3A_589 = arith.addf %add3A_587, %mul3A_588 : vector<16xf32>
        %mul3A_590 = vector.broadcast %squeeze3A_61 : f32 to vector<16xf32>
        %mul3A_591 = arith.mulf %get3A_567, %mul3A_590 : vector<16xf32>
        %mul3A_592 = vector.broadcast %squeeze3A_63 : f32 to vector<16xf32>
        %mul3A_593 = arith.mulf %get3A_571, %mul3A_592 : vector<16xf32>
        %add3A_594 = arith.addf %mul3A_591, %mul3A_593 : vector<16xf32>
        %mul3A_595 = vector.broadcast %squeeze3A_65 : f32 to vector<16xf32>
        %mul3A_596 = arith.mulf %get3A_575, %mul3A_595 : vector<16xf32>
        %add3A_597 = arith.addf %add3A_594, %mul3A_596 : vector<16xf32>
        %add3A_598 = vector.broadcast %squeeze3A_67 : f32 to vector<16xf32>
        %add3A_599 = arith.addf %get3A_579, %add3A_598 : vector<16xf32>
        %mul3A_600 = arith.constant 2.000000e+00 : f32
        %mul3A_601 = vector.broadcast %mul3A_600 : f32 to vector<16xf32>
        %mul3A_602 = arith.mulf %mul3A_601, %add3A_597 : vector<16xf32>
        %sub3A_603 = arith.subf %add3A_599, %mul3A_602 : vector<16xf32>
        %mul3A_604 = arith.constant 16 : i32
        %mul3A_605 = arith.muli %scan3A_548, %mul3A_604 : i32
        %add3A_606 = vector.broadcast %mul3A_605 : i32 to vector<16xi32>
        %add3A_607 = arith.addi %add3A_606, %iota3A : vector<16xi32>
        %lt3A = arith.constant 1.000000e+02 : f32
        %lt3A_608 = vector.broadcast %lt3A : f32 to vector<16xf32>
        %lt3A_609 = arith.cmpf olt, %sub3A_603, %lt3A_608 : vector<16xf32>
        %ne3A = vector.broadcast %add3A_55 : i32 to vector<16xi32>
        %ne3A_610 = arith.cmpi ne, %add3A_607, %ne3A : vector<16xi32>
        %and3A = arith.andi %lt3A_609, %ne3A_610 : vector<16xi1>
        %jit3A = arith.constant 1 : i32
        %jit3A_611 = arith.constant 0 : i32
        %broadcast_in_dim3A_612 = vector.broadcast %jit3A : i32 to vector<16xi32>
        %broadcast_in_dim3A_613 = vector.broadcast %jit3A_611 : i32 to vector<16xi32>
        %select_n3A = arith.select %and3A, %broadcast_in_dim3A_612, %broadcast_in_dim3A_613 : vector<16xi1>, vector<16xi32>
        %broadcast_in_dim3A_614 = arith.constant true
        %broadcast_in_dim3A_615 = vector.broadcast %broadcast_in_dim3A_614 : i1 to vector<16xi1>
        %masked_cumsum3A = tpu.scan <sum>, %select_n3A masked %broadcast_in_dim3A_615 : vector<16xi32>, vector<16xi1> -> vector<16xi32>
        %add3A_616 = arith.addi %scan3A_549, %masked_cumsum3A : vector<16xi32>
        %sub3A_617 = arith.constant 1 : i32
        %sub3A_618 = vector.broadcast %sub3A_617 : i32 to vector<16xi32>
        %sub3A_619 = arith.subi %add3A_616, %sub3A_618 : vector<16xi32>
        %lt3A_620 = vector.broadcast %add3A_75 : i32 to vector<16xi32>
        %lt3A_621 = arith.cmpi slt, %sub3A_619, %lt3A_620 : vector<16xi32>
        %and3A_622 = arith.andi %and3A, %lt3A_621 : vector<16xi1>
        tpu.vector_store_idx %arg6[%sub3A_619], %add3A_607 masked %and3A_622 : memref<12288xi32, #tpu.memory_space<vmem>>[vector<16xi32>], vector<16xi32>, vector<16xi1>
        tpu.vector_store_idx %arg7[%sub3A_619], %add3A_589 masked %and3A_622 : memref<12288xf32, #tpu.memory_space<vmem>>[vector<16xi32>], vector<16xf32>, vector<16xi1>
        %all_reduce_population_count3A = tpu.all_reduce %and3A_622 {dim = 0 : i64, kind = #tpu.reduction_kind<sum>} : vector<16xi1> -> vector<16xi32>
        %add3A_623 = arith.addi %scan3A_549, %all_reduce_population_count3A : vector<16xi32>
        scf.yield %add3A_623 : vector<16xi32>
      }
      %scan3A_82 = arith.constant 256 : i32
      %add3A_83 = arith.constant 1 : i32
      %add3A_84 = arith.addi %add3A_26, %add3A_83 : i32
      %slice3A_85 = vector.extract_strided_slice %get3A_29 {offsets = [1], sizes = [1], strides = [1]} : vector<16xf32> to vector<1xf32>
      %squeeze3A_86 = vector.extract %slice3A_85[0] : f32 from vector<1xf32>
      %slice3A_87 = vector.extract_strided_slice %get3A_33 {offsets = [1], sizes = [1], strides = [1]} : vector<16xf32> to vector<1xf32>
      %squeeze3A_88 = vector.extract %slice3A_87[0] : f32 from vector<1xf32>
      %slice3A_89 = vector.extract_strided_slice %get3A_37 {offsets = [1], sizes = [1], strides = [1]} : vector<16xf32> to vector<1xf32>
      %squeeze3A_90 = vector.extract %slice3A_89[0] : f32 from vector<1xf32>
      %slice3A_91 = vector.extract_strided_slice %get3A_41 {offsets = [1], sizes = [1], strides = [1]} : vector<16xf32> to vector<1xf32>
      %squeeze3A_92 = vector.extract %slice3A_91[0] : f32 from vector<1xf32>
      %slice3A_93 = vector.extract_strided_slice %get3A_45 {offsets = [1], sizes = [1], strides = [1]} : vector<16xf32> to vector<1xf32>
      %squeeze3A_94 = vector.extract %slice3A_93[0] : f32 from vector<1xf32>
      %slice3A_95 = vector.extract_strided_slice %get3A_49 {offsets = [1], sizes = [1], strides = [1]} : vector<16xf32> to vector<1xf32>
      %squeeze3A_96 = vector.extract %slice3A_95[0] : f32 from vector<1xf32>
      %slice3A_97 = vector.extract_strided_slice %get3A_53 {offsets = [1], sizes = [1], strides = [1]} : vector<16xf32> to vector<1xf32>
      %squeeze3A_98 = vector.extract %slice3A_97[0] : f32 from vector<1xf32>
      %mul3A_99 = arith.constant 16 : i32
      %mul3A_100 = arith.muli %add3A_21, %mul3A_99 : i32
      %add3A_101 = arith.constant 1 : i32
      %add3A_102 = arith.addi %mul3A_100, %add3A_101 : i32
      %mul3A_103 = arith.constant 96 : i32
      %mul3A_104 = arith.muli %add3A_102, %mul3A_103 : i32
      %add3A_105 = arith.constant 96 : i32
      %add3A_106 = arith.addi %mul3A_104, %add3A_105 : i32
      %broadcast_in_dim3A_107 = vector.broadcast %mul3A_104 : i32 to vector<16xi32>
      %scan3A_108 = arith.constant 0 : i32
      %scan3A_109 = arith.constant 256 : i32
      %scan3A_110 = arith.addi %scan3A_108, %scan3A_109 : i32
      %scan3A_111 = arith.constant 1 : i32
      %scan3A_112 = scf.for %scan3A_548 = %scan3A_108 to %scan3A_110 step %scan3A_111 iter_args(%scan3A_549 = %broadcast_in_dim3A_107) -> (vector<16xi32>)  : i32 {
        %mul3A_550 = arith.constant 16 : i32
        %mul3A_551 = arith.muli %scan3A_548, %mul3A_550 : i32
        %get3A_552 = arith.constant 0 : i32
        %get3A_553 = arith.index_cast %get3A_552 : i32 to index
        %get3A_554 = arith.index_cast %mul3A_551 : i32 to index
        %get3A_555 = tpu.vector_load %arg5[%get3A_553, %get3A_554] {strides = array<i32>} : memref<8x4112xf32, #tpu.memory_space<vmem>>, vector<16xf32>,
        %get3A_556 = arith.constant 1 : i32
        %get3A_557 = arith.index_cast %get3A_556 : i32 to index
        %get3A_558 = arith.index_cast %mul3A_551 : i32 to index
        %get3A_559 = tpu.vector_load %arg5[%get3A_557, %get3A_558] {strides = array<i32>} : memref<8x4112xf32, #tpu.memory_space<vmem>>, vector<16xf32>,
        %get3A_560 = arith.constant 2 : i32
        %get3A_561 = arith.index_cast %get3A_560 : i32 to index
        %get3A_562 = arith.index_cast %mul3A_551 : i32 to index
        %get3A_563 = tpu.vector_load %arg5[%get3A_561, %get3A_562] {strides = array<i32>} : memref<8x4112xf32, #tpu.memory_space<vmem>>, vector<16xf32>,
        %get3A_564 = arith.constant 3 : i32
        %get3A_565 = arith.index_cast %get3A_564 : i32 to index
        %get3A_566 = arith.index_cast %mul3A_551 : i32 to index
        %get3A_567 = tpu.vector_load %arg5[%get3A_565, %get3A_566] {strides = array<i32>} : memref<8x4112xf32, #tpu.memory_space<vmem>>, vector<16xf32>,
        %get3A_568 = arith.constant 4 : i32
        %get3A_569 = arith.index_cast %get3A_568 : i32 to index
        %get3A_570 = arith.index_cast %mul3A_551 : i32 to index
        %get3A_571 = tpu.vector_load %arg5[%get3A_569, %get3A_570] {strides = array<i32>} : memref<8x4112xf32, #tpu.memory_space<vmem>>, vector<16xf32>,
        %get3A_572 = arith.constant 5 : i32
        %get3A_573 = arith.index_cast %get3A_572 : i32 to index
        %get3A_574 = arith.index_cast %mul3A_551 : i32 to index
        %get3A_575 = tpu.vector_load %arg5[%get3A_573, %get3A_574] {strides = array<i32>} : memref<8x4112xf32, #tpu.memory_space<vmem>>, vector<16xf32>,
        %get3A_576 = arith.constant 6 : i32
        %get3A_577 = arith.index_cast %get3A_576 : i32 to index
        %get3A_578 = arith.index_cast %mul3A_551 : i32 to index
        %get3A_579 = tpu.vector_load %arg5[%get3A_577, %get3A_578] {strides = array<i32>} : memref<8x4112xf32, #tpu.memory_space<vmem>>, vector<16xf32>,
        %sub3A = vector.broadcast %squeeze3A_86 : f32 to vector<16xf32>
        %sub3A_580 = arith.subf %get3A_555, %sub3A : vector<16xf32>
        %sub3A_581 = vector.broadcast %squeeze3A_88 : f32 to vector<16xf32>
        %sub3A_582 = arith.subf %get3A_559, %sub3A_581 : vector<16xf32>
        %sub3A_583 = vector.broadcast %squeeze3A_90 : f32 to vector<16xf32>
        %sub3A_584 = arith.subf %get3A_563, %sub3A_583 : vector<16xf32>
        %mul3A_585 = arith.mulf %sub3A_580, %sub3A_580 : vector<16xf32>
        %mul3A_586 = arith.mulf %sub3A_582, %sub3A_582 : vector<16xf32>
        %add3A_587 = arith.addf %mul3A_585, %mul3A_586 : vector<16xf32>
        %mul3A_588 = arith.mulf %sub3A_584, %sub3A_584 : vector<16xf32>
        %add3A_589 = arith.addf %add3A_587, %mul3A_588 : vector<16xf32>
        %mul3A_590 = vector.broadcast %squeeze3A_92 : f32 to vector<16xf32>
        %mul3A_591 = arith.mulf %get3A_567, %mul3A_590 : vector<16xf32>
        %mul3A_592 = vector.broadcast %squeeze3A_94 : f32 to vector<16xf32>
        %mul3A_593 = arith.mulf %get3A_571, %mul3A_592 : vector<16xf32>
        %add3A_594 = arith.addf %mul3A_591, %mul3A_593 : vector<16xf32>
        %mul3A_595 = vector.broadcast %squeeze3A_96 : f32 to vector<16xf32>
        %mul3A_596 = arith.mulf %get3A_575, %mul3A_595 : vector<16xf32>
        %add3A_597 = arith.addf %add3A_594, %mul3A_596 : vector<16xf32>
        %add3A_598 = vector.broadcast %squeeze3A_98 : f32 to vector<16xf32>
        %add3A_599 = arith.addf %get3A_579, %add3A_598 : vector<16xf32>
        %mul3A_600 = arith.constant 2.000000e+00 : f32
        %mul3A_601 = vector.broadcast %mul3A_600 : f32 to vector<16xf32>
        %mul3A_602 = arith.mulf %mul3A_601, %add3A_597 : vector<16xf32>
        %sub3A_603 = arith.subf %add3A_599, %mul3A_602 : vector<16xf32>
        %mul3A_604 = arith.constant 16 : i32
        %mul3A_605 = arith.muli %scan3A_548, %mul3A_604 : i32
        %add3A_606 = vector.broadcast %mul3A_605 : i32 to vector<16xi32>
        %add3A_607 = arith.addi %add3A_606, %iota3A : vector<16xi32>
        %lt3A = arith.constant 1.000000e+02 : f32
        %lt3A_608 = vector.broadcast %lt3A : f32 to vector<16xf32>
        %lt3A_609 = arith.cmpf olt, %sub3A_603, %lt3A_608 : vector<16xf32>
        %ne3A = vector.broadcast %add3A_84 : i32 to vector<16xi32>
        %ne3A_610 = arith.cmpi ne, %add3A_607, %ne3A : vector<16xi32>
        %and3A = arith.andi %lt3A_609, %ne3A_610 : vector<16xi1>
        %jit3A = arith.constant 1 : i32
        %jit3A_611 = arith.constant 0 : i32
        %broadcast_in_dim3A_612 = vector.broadcast %jit3A : i32 to vector<16xi32>
        %broadcast_in_dim3A_613 = vector.broadcast %jit3A_611 : i32 to vector<16xi32>
        %select_n3A = arith.select %and3A, %broadcast_in_dim3A_612, %broadcast_in_dim3A_613 : vector<16xi1>, vector<16xi32>
        %broadcast_in_dim3A_614 = arith.constant true
        %broadcast_in_dim3A_615 = vector.broadcast %broadcast_in_dim3A_614 : i1 to vector<16xi1>
        %masked_cumsum3A = tpu.scan <sum>, %select_n3A masked %broadcast_in_dim3A_615 : vector<16xi32>, vector<16xi1> -> vector<16xi32>
        %add3A_616 = arith.addi %scan3A_549, %masked_cumsum3A : vector<16xi32>
        %sub3A_617 = arith.constant 1 : i32
        %sub3A_618 = vector.broadcast %sub3A_617 : i32 to vector<16xi32>
        %sub3A_619 = arith.subi %add3A_616, %sub3A_618 : vector<16xi32>
        %lt3A_620 = vector.broadcast %add3A_106 : i32 to vector<16xi32>
        %lt3A_621 = arith.cmpi slt, %sub3A_619, %lt3A_620 : vector<16xi32>
        %and3A_622 = arith.andi %and3A, %lt3A_621 : vector<16xi1>
        tpu.vector_store_idx %arg6[%sub3A_619], %add3A_607 masked %and3A_622 : memref<12288xi32, #tpu.memory_space<vmem>>[vector<16xi32>], vector<16xi32>, vector<16xi1>
        tpu.vector_store_idx %arg7[%sub3A_619], %add3A_589 masked %and3A_622 : memref<12288xf32, #tpu.memory_space<vmem>>[vector<16xi32>], vector<16xf32>, vector<16xi1>
        %all_reduce_population_count3A = tpu.all_reduce %and3A_622 {dim = 0 : i64, kind = #tpu.reduction_kind<sum>} : vector<16xi1> -> vector<16xi32>
        %add3A_623 = arith.addi %scan3A_549, %all_reduce_population_count3A : vector<16xi32>
        scf.yield %add3A_623 : vector<16xi32>
      }
      %scan3A_113 = arith.constant 256 : i32
      %add3A_114 = arith.constant 2 : i32
      %add3A_115 = arith.addi %add3A_26, %add3A_114 : i32
      %slice3A_116 = vector.extract_strided_slice %get3A_29 {offsets = [2], sizes = [1], strides = [1]} : vector<16xf32> to vector<1xf32>
      %squeeze3A_117 = vector.extract %slice3A_116[0] : f32 from vector<1xf32>
      %slice3A_118 = vector.extract_strided_slice %get3A_33 {offsets = [2], sizes = [1], strides = [1]} : vector<16xf32> to vector<1xf32>
      %squeeze3A_119 = vector.extract %slice3A_118[0] : f32 from vector<1xf32>
      %slice3A_120 = vector.extract_strided_slice %get3A_37 {offsets = [2], sizes = [1], strides = [1]} : vector<16xf32> to vector<1xf32>
      %squeeze3A_121 = vector.extract %slice3A_120[0] : f32 from vector<1xf32>
      %slice3A_122 = vector.extract_strided_slice %get3A_41 {offsets = [2], sizes = [1], strides = [1]} : vector<16xf32> to vector<1xf32>
      %squeeze3A_123 = vector.extract %slice3A_122[0] : f32 from vector<1xf32>
      %slice3A_124 = vector.extract_strided_slice %get3A_45 {offsets = [2], sizes = [1], strides = [1]} : vector<16xf32> to vector<1xf32>
      %squeeze3A_125 = vector.extract %slice3A_124[0] : f32 from vector<1xf32>
      %slice3A_126 = vector.extract_strided_slice %get3A_49 {offsets = [2], sizes = [1], strides = [1]} : vector<16xf32> to vector<1xf32>
      %squeeze3A_127 = vector.extract %slice3A_126[0] : f32 from vector<1xf32>
      %slice3A_128 = vector.extract_strided_slice %get3A_53 {offsets = [2], sizes = [1], strides = [1]} : vector<16xf32> to vector<1xf32>
      %squeeze3A_129 = vector.extract %slice3A_128[0] : f32 from vector<1xf32>
      %mul3A_130 = arith.constant 16 : i32
      %mul3A_131 = arith.muli %add3A_21, %mul3A_130 : i32
      %add3A_132 = arith.constant 2 : i32
      %add3A_133 = arith.addi %mul3A_131, %add3A_132 : i32
      %mul3A_134 = arith.constant 96 : i32
      %mul3A_135 = arith.muli %add3A_133, %mul3A_134 : i32
      %add3A_136 = arith.constant 96 : i32
      %add3A_137 = arith.addi %mul3A_135, %add3A_136 : i32
      %broadcast_in_dim3A_138 = vector.broadcast %mul3A_135 : i32 to vector<16xi32>
      %scan3A_139 = arith.constant 0 : i32
      %scan3A_140 = arith.constant 256 : i32
      %scan3A_141 = arith.addi %scan3A_139, %scan3A_140 : i32
      %scan3A_142 = arith.constant 1 : i32
      %scan3A_143 = scf.for %scan3A_548 = %scan3A_139 to %scan3A_141 step %scan3A_142 iter_args(%scan3A_549 = %broadcast_in_dim3A_138) -> (vector<16xi32>)  : i32 {
        %mul3A_550 = arith.constant 16 : i32
        %mul3A_551 = arith.muli %scan3A_548, %mul3A_550 : i32
        %get3A_552 = arith.constant 0 : i32
        %get3A_553 = arith.index_cast %get3A_552 : i32 to index
        %get3A_554 = arith.index_cast %mul3A_551 : i32 to index
        %get3A_555 = tpu.vector_load %arg5[%get3A_553, %get3A_554] {strides = array<i32>} : memref<8x4112xf32, #tpu.memory_space<vmem>>, vector<16xf32>,
        %get3A_556 = arith.constant 1 : i32
        %get3A_557 = arith.index_cast %get3A_556 : i32 to index
        %get3A_558 = arith.index_cast %mul3A_551 : i32 to index
        %get3A_559 = tpu.vector_load %arg5[%get3A_557, %get3A_558] {strides = array<i32>} : memref<8x4112xf32, #tpu.memory_space<vmem>>, vector<16xf32>,
        %get3A_560 = arith.constant 2 : i32
        %get3A_561 = arith.index_cast %get3A_560 : i32 to index
        %get3A_562 = arith.index_cast %mul3A_551 : i32 to index
        %get3A_563 = tpu.vector_load %arg5[%get3A_561, %get3A_562] {strides = array<i32>} : memref<8x4112xf32, #tpu.memory_space<vmem>>, vector<16xf32>,
        %get3A_564 = arith.constant 3 : i32
        %get3A_565 = arith.index_cast %get3A_564 : i32 to index
        %get3A_566 = arith.index_cast %mul3A_551 : i32 to index
        %get3A_567 = tpu.vector_load %arg5[%get3A_565, %get3A_566] {strides = array<i32>} : memref<8x4112xf32, #tpu.memory_space<vmem>>, vector<16xf32>,
        %get3A_568 = arith.constant 4 : i32
        %get3A_569 = arith.index_cast %get3A_568 : i32 to index
        %get3A_570 = arith.index_cast %mul3A_551 : i32 to index
        %get3A_571 = tpu.vector_load %arg5[%get3A_569, %get3A_570] {strides = array<i32>} : memref<8x4112xf32, #tpu.memory_space<vmem>>, vector<16xf32>,
        %get3A_572 = arith.constant 5 : i32
        %get3A_573 = arith.index_cast %get3A_572 : i32 to index
        %get3A_574 = arith.index_cast %mul3A_551 : i32 to index
        %get3A_575 = tpu.vector_load %arg5[%get3A_573, %get3A_574] {strides = array<i32>} : memref<8x4112xf32, #tpu.memory_space<vmem>>, vector<16xf32>,
        %get3A_576 = arith.constant 6 : i32
        %get3A_577 = arith.index_cast %get3A_576 : i32 to index
        %get3A_578 = arith.index_cast %mul3A_551 : i32 to index
        %get3A_579 = tpu.vector_load %arg5[%get3A_577, %get3A_578] {strides = array<i32>} : memref<8x4112xf32, #tpu.memory_space<vmem>>, vector<16xf32>,
        %sub3A = vector.broadcast %squeeze3A_117 : f32 to vector<16xf32>
        %sub3A_580 = arith.subf %get3A_555, %sub3A : vector<16xf32>
        %sub3A_581 = vector.broadcast %squeeze3A_119 : f32 to vector<16xf32>
        %sub3A_582 = arith.subf %get3A_559, %sub3A_581 : vector<16xf32>
        %sub3A_583 = vector.broadcast %squeeze3A_121 : f32 to vector<16xf32>
        %sub3A_584 = arith.subf %get3A_563, %sub3A_583 : vector<16xf32>
        %mul3A_585 = arith.mulf %sub3A_580, %sub3A_580 : vector<16xf32>
        %mul3A_586 = arith.mulf %sub3A_582, %sub3A_582 : vector<16xf32>
        %add3A_587 = arith.addf %mul3A_585, %mul3A_586 : vector<16xf32>
        %mul3A_588 = arith.mulf %sub3A_584, %sub3A_584 : vector<16xf32>
        %add3A_589 = arith.addf %add3A_587, %mul3A_588 : vector<16xf32>
        %mul3A_590 = vector.broadcast %squeeze3A_123 : f32 to vector<16xf32>
        %mul3A_591 = arith.mulf %get3A_567, %mul3A_590 : vector<16xf32>
        %mul3A_592 = vector.broadcast %squeeze3A_125 : f32 to vector<16xf32>
        %mul3A_593 = arith.mulf %get3A_571, %mul3A_592 : vector<16xf32>
        %add3A_594 = arith.addf %mul3A_591, %mul3A_593 : vector<16xf32>
        %mul3A_595 = vector.broadcast %squeeze3A_127 : f32 to vector<16xf32>
        %mul3A_596 = arith.mulf %get3A_575, %mul3A_595 : vector<16xf32>
        %add3A_597 = arith.addf %add3A_594, %mul3A_596 : vector<16xf32>
        %add3A_598 = vector.broadcast %squeeze3A_129 : f32 to vector<16xf32>
        %add3A_599 = arith.addf %get3A_579, %add3A_598 : vector<16xf32>
        %mul3A_600 = arith.constant 2.000000e+00 : f32
        %mul3A_601 = vector.broadcast %mul3A_600 : f32 to vector<16xf32>
        %mul3A_602 = arith.mulf %mul3A_601, %add3A_597 : vector<16xf32>
        %sub3A_603 = arith.subf %add3A_599, %mul3A_602 : vector<16xf32>
        %mul3A_604 = arith.constant 16 : i32
        %mul3A_605 = arith.muli %scan3A_548, %mul3A_604 : i32
        %add3A_606 = vector.broadcast %mul3A_605 : i32 to vector<16xi32>
        %add3A_607 = arith.addi %add3A_606, %iota3A : vector<16xi32>
        %lt3A = arith.constant 1.000000e+02 : f32
        %lt3A_608 = vector.broadcast %lt3A : f32 to vector<16xf32>
        %lt3A_609 = arith.cmpf olt, %sub3A_603, %lt3A_608 : vector<16xf32>
        %ne3A = vector.broadcast %add3A_115 : i32 to vector<16xi32>
        %ne3A_610 = arith.cmpi ne, %add3A_607, %ne3A : vector<16xi32>
        %and3A = arith.andi %lt3A_609, %ne3A_610 : vector<16xi1>
        %jit3A = arith.constant 1 : i32
        %jit3A_611 = arith.constant 0 : i32
        %broadcast_in_dim3A_612 = vector.broadcast %jit3A : i32 to vector<16xi32>
        %broadcast_in_dim3A_613 = vector.broadcast %jit3A_611 : i32 to vector<16xi32>
        %select_n3A = arith.select %and3A, %broadcast_in_dim3A_612, %broadcast_in_dim3A_613 : vector<16xi1>, vector<16xi32>
        %broadcast_in_dim3A_614 = arith.constant true
        %broadcast_in_dim3A_615 = vector.broadcast %broadcast_in_dim3A_614 : i1 to vector<16xi1>
        %masked_cumsum3A = tpu.scan <sum>, %select_n3A masked %broadcast_in_dim3A_615 : vector<16xi32>, vector<16xi1> -> vector<16xi32>
        %add3A_616 = arith.addi %scan3A_549, %masked_cumsum3A : vector<16xi32>
        %sub3A_617 = arith.constant 1 : i32
        %sub3A_618 = vector.broadcast %sub3A_617 : i32 to vector<16xi32>
        %sub3A_619 = arith.subi %add3A_616, %sub3A_618 : vector<16xi32>
        %lt3A_620 = vector.broadcast %add3A_137 : i32 to vector<16xi32>
        %lt3A_621 = arith.cmpi slt, %sub3A_619, %lt3A_620 : vector<16xi32>
        %and3A_622 = arith.andi %and3A, %lt3A_621 : vector<16xi1>
        tpu.vector_store_idx %arg6[%sub3A_619], %add3A_607 masked %and3A_622 : memref<12288xi32, #tpu.memory_space<vmem>>[vector<16xi32>], vector<16xi32>, vector<16xi1>
        tpu.vector_store_idx %arg7[%sub3A_619], %add3A_589 masked %and3A_622 : memref<12288xf32, #tpu.memory_space<vmem>>[vector<16xi32>], vector<16xf32>, vector<16xi1>
        %all_reduce_population_count3A = tpu.all_reduce %and3A_622 {dim = 0 : i64, kind = #tpu.reduction_kind<sum>} : vector<16xi1> -> vector<16xi32>
        %add3A_623 = arith.addi %scan3A_549, %all_reduce_population_count3A : vector<16xi32>
        scf.yield %add3A_623 : vector<16xi32>
      }
      %scan3A_144 = arith.constant 256 : i32
      %add3A_145 = arith.constant 3 : i32
      %add3A_146 = arith.addi %add3A_26, %add3A_145 : i32
      %slice3A_147 = vector.extract_strided_slice %get3A_29 {offsets = [3], sizes = [1], strides = [1]} : vector<16xf32> to vector<1xf32>
      %squeeze3A_148 = vector.extract %slice3A_147[0] : f32 from vector<1xf32>
      %slice3A_149 = vector.extract_strided_slice %get3A_33 {offsets = [3], sizes = [1], strides = [1]} : vector<16xf32> to vector<1xf32>
      %squeeze3A_150 = vector.extract %slice3A_149[0] : f32 from vector<1xf32>
      %slice3A_151 = vector.extract_strided_slice %get3A_37 {offsets = [3], sizes = [1], strides = [1]} : vector<16xf32> to vector<1xf32>
      %squeeze3A_152 = vector.extract %slice3A_151[0] : f32 from vector<1xf32>
      %slice3A_153 = vector.extract_strided_slice %get3A_41 {offsets = [3], sizes = [1], strides = [1]} : vector<16xf32> to vector<1xf32>
      %squeeze3A_154 = vector.extract %slice3A_153[0] : f32 from vector<1xf32>
      %slice3A_155 = vector.extract_strided_slice %get3A_45 {offsets = [3], sizes = [1], strides = [1]} : vector<16xf32> to vector<1xf32>
      %squeeze3A_156 = vector.extract %slice3A_155[0] : f32 from vector<1xf32>
      %slice3A_157 = vector.extract_strided_slice %get3A_49 {offsets = [3], sizes = [1], strides = [1]} : vector<16xf32> to vector<1xf32>
      %squeeze3A_158 = vector.extract %slice3A_157[0] : f32 from vector<1xf32>
      %slice3A_159 = vector.extract_strided_slice %get3A_53 {offsets = [3], sizes = [1], strides = [1]} : vector<16xf32> to vector<1xf32>
      %squeeze3A_160 = vector.extract %slice3A_159[0] : f32 from vector<1xf32>
      %mul3A_161 = arith.constant 16 : i32
      %mul3A_162 = arith.muli %add3A_21, %mul3A_161 : i32
      %add3A_163 = arith.constant 3 : i32
      %add3A_164 = arith.addi %mul3A_162, %add3A_163 : i32
      %mul3A_165 = arith.constant 96 : i32
      %mul3A_166 = arith.muli %add3A_164, %mul3A_165 : i32
      %add3A_167 = arith.constant 96 : i32
      %add3A_168 = arith.addi %mul3A_166, %add3A_167 : i32
      %broadcast_in_dim3A_169 = vector.broadcast %mul3A_166 : i32 to vector<16xi32>
      %scan3A_170 = arith.constant 0 : i32
      %scan3A_171 = arith.constant 256 : i32
      %scan3A_172 = arith.addi %scan3A_170, %scan3A_171 : i32
      %scan3A_173 = arith.constant 1 : i32
      %scan3A_174 = scf.for %scan3A_548 = %scan3A_170 to %scan3A_172 step %scan3A_173 iter_args(%scan3A_549 = %broadcast_in_dim3A_169) -> (vector<16xi32>)  : i32 {
        %mul3A_550 = arith.constant 16 : i32
        %mul3A_551 = arith.muli %scan3A_548, %mul3A_550 : i32
        %get3A_552 = arith.constant 0 : i32
        %get3A_553 = arith.index_cast %get3A_552 : i32 to index
        %get3A_554 = arith.index_cast %mul3A_551 : i32 to index
        %get3A_555 = tpu.vector_load %arg5[%get3A_553, %get3A_554] {strides = array<i32>} : memref<8x4112xf32, #tpu.memory_space<vmem>>, vector<16xf32>,
        %get3A_556 = arith.constant 1 : i32
        %get3A_557 = arith.index_cast %get3A_556 : i32 to index
        %get3A_558 = arith.index_cast %mul3A_551 : i32 to index
        %get3A_559 = tpu.vector_load %arg5[%get3A_557, %get3A_558] {strides = array<i32>} : memref<8x4112xf32, #tpu.memory_space<vmem>>, vector<16xf32>,
        %get3A_560 = arith.constant 2 : i32
        %get3A_561 = arith.index_cast %get3A_560 : i32 to index
        %get3A_562 = arith.index_cast %mul3A_551 : i32 to index
        %get3A_563 = tpu.vector_load %arg5[%get3A_561, %get3A_562] {strides = array<i32>} : memref<8x4112xf32, #tpu.memory_space<vmem>>, vector<16xf32>,
        %get3A_564 = arith.constant 3 : i32
        %get3A_565 = arith.index_cast %get3A_564 : i32 to index
        %get3A_566 = arith.index_cast %mul3A_551 : i32 to index
        %get3A_567 = tpu.vector_load %arg5[%get3A_565, %get3A_566] {strides = array<i32>} : memref<8x4112xf32, #tpu.memory_space<vmem>>, vector<16xf32>,
        %get3A_568 = arith.constant 4 : i32
        %get3A_569 = arith.index_cast %get3A_568 : i32 to index
        %get3A_570 = arith.index_cast %mul3A_551 : i32 to index
        %get3A_571 = tpu.vector_load %arg5[%get3A_569, %get3A_570] {strides = array<i32>} : memref<8x4112xf32, #tpu.memory_space<vmem>>, vector<16xf32>,
        %get3A_572 = arith.constant 5 : i32
        %get3A_573 = arith.index_cast %get3A_572 : i32 to index
        %get3A_574 = arith.index_cast %mul3A_551 : i32 to index
        %get3A_575 = tpu.vector_load %arg5[%get3A_573, %get3A_574] {strides = array<i32>} : memref<8x4112xf32, #tpu.memory_space<vmem>>, vector<16xf32>,
        %get3A_576 = arith.constant 6 : i32
        %get3A_577 = arith.index_cast %get3A_576 : i32 to index
        %get3A_578 = arith.index_cast %mul3A_551 : i32 to index
        %get3A_579 = tpu.vector_load %arg5[%get3A_577, %get3A_578] {strides = array<i32>} : memref<8x4112xf32, #tpu.memory_space<vmem>>, vector<16xf32>,
        %sub3A = vector.broadcast %squeeze3A_148 : f32 to vector<16xf32>
        %sub3A_580 = arith.subf %get3A_555, %sub3A : vector<16xf32>
        %sub3A_581 = vector.broadcast %squeeze3A_150 : f32 to vector<16xf32>
        %sub3A_582 = arith.subf %get3A_559, %sub3A_581 : vector<16xf32>
        %sub3A_583 = vector.broadcast %squeeze3A_152 : f32 to vector<16xf32>
        %sub3A_584 = arith.subf %get3A_563, %sub3A_583 : vector<16xf32>
        %mul3A_585 = arith.mulf %sub3A_580, %sub3A_580 : vector<16xf32>
        %mul3A_586 = arith.mulf %sub3A_582, %sub3A_582 : vector<16xf32>
        %add3A_587 = arith.addf %mul3A_585, %mul3A_586 : vector<16xf32>
        %mul3A_588 = arith.mulf %sub3A_584, %sub3A_584 : vector<16xf32>
        %add3A_589 = arith.addf %add3A_587, %mul3A_588 : vector<16xf32>
        %mul3A_590 = vector.broadcast %squeeze3A_154 : f32 to vector<16xf32>
        %mul3A_591 = arith.mulf %get3A_567, %mul3A_590 : vector<16xf32>
        %mul3A_592 = vector.broadcast %squeeze3A_156 : f32 to vector<16xf32>
        %mul3A_593 = arith.mulf %get3A_571, %mul3A_592 : vector<16xf32>
        %add3A_594 = arith.addf %mul3A_591, %mul3A_593 : vector<16xf32>
        %mul3A_595 = vector.broadcast %squeeze3A_158 : f32 to vector<16xf32>
        %mul3A_596 = arith.mulf %get3A_575, %mul3A_595 : vector<16xf32>
        %add3A_597 = arith.addf %add3A_594, %mul3A_596 : vector<16xf32>
        %add3A_598 = vector.broadcast %squeeze3A_160 : f32 to vector<16xf32>
        %add3A_599 = arith.addf %get3A_579, %add3A_598 : vector<16xf32>
        %mul3A_600 = arith.constant 2.000000e+00 : f32
        %mul3A_601 = vector.broadcast %mul3A_600 : f32 to vector<16xf32>
        %mul3A_602 = arith.mulf %mul3A_601, %add3A_597 : vector<16xf32>
        %sub3A_603 = arith.subf %add3A_599, %mul3A_602 : vector<16xf32>
        %mul3A_604 = arith.constant 16 : i32
        %mul3A_605 = arith.muli %scan3A_548, %mul3A_604 : i32
        %add3A_606 = vector.broadcast %mul3A_605 : i32 to vector<16xi32>
        %add3A_607 = arith.addi %add3A_606, %iota3A : vector<16xi32>
        %lt3A = arith.constant 1.000000e+02 : f32
        %lt3A_608 = vector.broadcast %lt3A : f32 to vector<16xf32>
        %lt3A_609 = arith.cmpf olt, %sub3A_603, %lt3A_608 : vector<16xf32>
        %ne3A = vector.broadcast %add3A_146 : i32 to vector<16xi32>
        %ne3A_610 = arith.cmpi ne, %add3A_607, %ne3A : vector<16xi32>
        %and3A = arith.andi %lt3A_609, %ne3A_610 : vector<16xi1>
        %jit3A = arith.constant 1 : i32
        %jit3A_611 = arith.constant 0 : i32
        %broadcast_in_dim3A_612 = vector.broadcast %jit3A : i32 to vector<16xi32>
        %broadcast_in_dim3A_613 = vector.broadcast %jit3A_611 : i32 to vector<16xi32>
        %select_n3A = arith.select %and3A, %broadcast_in_dim3A_612, %broadcast_in_dim3A_613 : vector<16xi1>, vector<16xi32>
        %broadcast_in_dim3A_614 = arith.constant true
        %broadcast_in_dim3A_615 = vector.broadcast %broadcast_in_dim3A_614 : i1 to vector<16xi1>
        %masked_cumsum3A = tpu.scan <sum>, %select_n3A masked %broadcast_in_dim3A_615 : vector<16xi32>, vector<16xi1> -> vector<16xi32>
        %add3A_616 = arith.addi %scan3A_549, %masked_cumsum3A : vector<16xi32>
        %sub3A_617 = arith.constant 1 : i32
        %sub3A_618 = vector.broadcast %sub3A_617 : i32 to vector<16xi32>
        %sub3A_619 = arith.subi %add3A_616, %sub3A_618 : vector<16xi32>
        %lt3A_620 = vector.broadcast %add3A_168 : i32 to vector<16xi32>
        %lt3A_621 = arith.cmpi slt, %sub3A_619, %lt3A_620 : vector<16xi32>
        %and3A_622 = arith.andi %and3A, %lt3A_621 : vector<16xi1>
        tpu.vector_store_idx %arg6[%sub3A_619], %add3A_607 masked %and3A_622 : memref<12288xi32, #tpu.memory_space<vmem>>[vector<16xi32>], vector<16xi32>, vector<16xi1>
        tpu.vector_store_idx %arg7[%sub3A_619], %add3A_589 masked %and3A_622 : memref<12288xf32, #tpu.memory_space<vmem>>[vector<16xi32>], vector<16xf32>, vector<16xi1>
        %all_reduce_population_count3A = tpu.all_reduce %and3A_622 {dim = 0 : i64, kind = #tpu.reduction_kind<sum>} : vector<16xi1> -> vector<16xi32>
        %add3A_623 = arith.addi %scan3A_549, %all_reduce_population_count3A : vector<16xi32>
        scf.yield %add3A_623 : vector<16xi32>
      }
      %scan3A_175 = arith.constant 256 : i32
      %add3A_176 = arith.constant 4 : i32
      %add3A_177 = arith.addi %add3A_26, %add3A_176 : i32
      %slice3A_178 = vector.extract_strided_slice %get3A_29 {offsets = [4], sizes = [1], strides = [1]} : vector<16xf32> to vector<1xf32>
      %squeeze3A_179 = vector.extract %slice3A_178[0] : f32 from vector<1xf32>
      %slice3A_180 = vector.extract_strided_slice %get3A_33 {offsets = [4], sizes = [1], strides = [1]} : vector<16xf32> to vector<1xf32>
      %squeeze3A_181 = vector.extract %slice3A_180[0] : f32 from vector<1xf32>
      %slice3A_182 = vector.extract_strided_slice %get3A_37 {offsets = [4], sizes = [1], strides = [1]} : vector<16xf32> to vector<1xf32>
      %squeeze3A_183 = vector.extract %slice3A_182[0] : f32 from vector<1xf32>
      %slice3A_184 = vector.extract_strided_slice %get3A_41 {offsets = [4], sizes = [1], strides = [1]} : vector<16xf32> to vector<1xf32>
      %squeeze3A_185 = vector.extract %slice3A_184[0] : f32 from vector<1xf32>
      %slice3A_186 = vector.extract_strided_slice %get3A_45 {offsets = [4], sizes = [1], strides = [1]} : vector<16xf32> to vector<1xf32>
      %squeeze3A_187 = vector.extract %slice3A_186[0] : f32 from vector<1xf32>
      %slice3A_188 = vector.extract_strided_slice %get3A_49 {offsets = [4], sizes = [1], strides = [1]} : vector<16xf32> to vector<1xf32>
      %squeeze3A_189 = vector.extract %slice3A_188[0] : f32 from vector<1xf32>
      %slice3A_190 = vector.extract_strided_slice %get3A_53 {offsets = [4], sizes = [1], strides = [1]} : vector<16xf32> to vector<1xf32>
      %squeeze3A_191 = vector.extract %slice3A_190[0] : f32 from vector<1xf32>
      %mul3A_192 = arith.constant 16 : i32
      %mul3A_193 = arith.muli %add3A_21, %mul3A_192 : i32
      %add3A_194 = arith.constant 4 : i32
      %add3A_195 = arith.addi %mul3A_193, %add3A_194 : i32
      %mul3A_196 = arith.constant 96 : i32
      %mul3A_197 = arith.muli %add3A_195, %mul3A_196 : i32
      %add3A_198 = arith.constant 96 : i32
      %add3A_199 = arith.addi %mul3A_197, %add3A_198 : i32
      %broadcast_in_dim3A_200 = vector.broadcast %mul3A_197 : i32 to vector<16xi32>
      %scan3A_201 = arith.constant 0 : i32
      %scan3A_202 = arith.constant 256 : i32
      %scan3A_203 = arith.addi %scan3A_201, %scan3A_202 : i32
      %scan3A_204 = arith.constant 1 : i32
      %scan3A_205 = scf.for %scan3A_548 = %scan3A_201 to %scan3A_203 step %scan3A_204 iter_args(%scan3A_549 = %broadcast_in_dim3A_200) -> (vector<16xi32>)  : i32 {
        %mul3A_550 = arith.constant 16 : i32
        %mul3A_551 = arith.muli %scan3A_548, %mul3A_550 : i32
        %get3A_552 = arith.constant 0 : i32
        %get3A_553 = arith.index_cast %get3A_552 : i32 to index
        %get3A_554 = arith.index_cast %mul3A_551 : i32 to index
        %get3A_555 = tpu.vector_load %arg5[%get3A_553, %get3A_554] {strides = array<i32>} : memref<8x4112xf32, #tpu.memory_space<vmem>>, vector<16xf32>,
        %get3A_556 = arith.constant 1 : i32
        %get3A_557 = arith.index_cast %get3A_556 : i32 to index
        %get3A_558 = arith.index_cast %mul3A_551 : i32 to index
        %get3A_559 = tpu.vector_load %arg5[%get3A_557, %get3A_558] {strides = array<i32>} : memref<8x4112xf32, #tpu.memory_space<vmem>>, vector<16xf32>,
        %get3A_560 = arith.constant 2 : i32
        %get3A_561 = arith.index_cast %get3A_560 : i32 to index
        %get3A_562 = arith.index_cast %mul3A_551 : i32 to index
        %get3A_563 = tpu.vector_load %arg5[%get3A_561, %get3A_562] {strides = array<i32>} : memref<8x4112xf32, #tpu.memory_space<vmem>>, vector<16xf32>,
        %get3A_564 = arith.constant 3 : i32
        %get3A_565 = arith.index_cast %get3A_564 : i32 to index
        %get3A_566 = arith.index_cast %mul3A_551 : i32 to index
        %get3A_567 = tpu.vector_load %arg5[%get3A_565, %get3A_566] {strides = array<i32>} : memref<8x4112xf32, #tpu.memory_space<vmem>>, vector<16xf32>,
        %get3A_568 = arith.constant 4 : i32
        %get3A_569 = arith.index_cast %get3A_568 : i32 to index
        %get3A_570 = arith.index_cast %mul3A_551 : i32 to index
        %get3A_571 = tpu.vector_load %arg5[%get3A_569, %get3A_570] {strides = array<i32>} : memref<8x4112xf32, #tpu.memory_space<vmem>>, vector<16xf32>,
        %get3A_572 = arith.constant 5 : i32
        %get3A_573 = arith.index_cast %get3A_572 : i32 to index
        %get3A_574 = arith.index_cast %mul3A_551 : i32 to index
        %get3A_575 = tpu.vector_load %arg5[%get3A_573, %get3A_574] {strides = array<i32>} : memref<8x4112xf32, #tpu.memory_space<vmem>>, vector<16xf32>,
        %get3A_576 = arith.constant 6 : i32
        %get3A_577 = arith.index_cast %get3A_576 : i32 to index
        %get3A_578 = arith.index_cast %mul3A_551 : i32 to index
        %get3A_579 = tpu.vector_load %arg5[%get3A_577, %get3A_578] {strides = array<i32>} : memref<8x4112xf32, #tpu.memory_space<vmem>>, vector<16xf32>,
        %sub3A = vector.broadcast %squeeze3A_179 : f32 to vector<16xf32>
        %sub3A_580 = arith.subf %get3A_555, %sub3A : vector<16xf32>
        %sub3A_581 = vector.broadcast %squeeze3A_181 : f32 to vector<16xf32>
        %sub3A_582 = arith.subf %get3A_559, %sub3A_581 : vector<16xf32>
        %sub3A_583 = vector.broadcast %squeeze3A_183 : f32 to vector<16xf32>
        %sub3A_584 = arith.subf %get3A_563, %sub3A_583 : vector<16xf32>
        %mul3A_585 = arith.mulf %sub3A_580, %sub3A_580 : vector<16xf32>
        %mul3A_586 = arith.mulf %sub3A_582, %sub3A_582 : vector<16xf32>
        %add3A_587 = arith.addf %mul3A_585, %mul3A_586 : vector<16xf32>
        %mul3A_588 = arith.mulf %sub3A_584, %sub3A_584 : vector<16xf32>
        %add3A_589 = arith.addf %add3A_587, %mul3A_588 : vector<16xf32>
        %mul3A_590 = vector.broadcast %squeeze3A_185 : f32 to vector<16xf32>
        %mul3A_591 = arith.mulf %get3A_567, %mul3A_590 : vector<16xf32>
        %mul3A_592 = vector.broadcast %squeeze3A_187 : f32 to vector<16xf32>
        %mul3A_593 = arith.mulf %get3A_571, %mul3A_592 : vector<16xf32>
        %add3A_594 = arith.addf %mul3A_591, %mul3A_593 : vector<16xf32>
        %mul3A_595 = vector.broadcast %squeeze3A_189 : f32 to vector<16xf32>
        %mul3A_596 = arith.mulf %get3A_575, %mul3A_595 : vector<16xf32>
        %add3A_597 = arith.addf %add3A_594, %mul3A_596 : vector<16xf32>
        %add3A_598 = vector.broadcast %squeeze3A_191 : f32 to vector<16xf32>
        %add3A_599 = arith.addf %get3A_579, %add3A_598 : vector<16xf32>
        %mul3A_600 = arith.constant 2.000000e+00 : f32
        %mul3A_601 = vector.broadcast %mul3A_600 : f32 to vector<16xf32>
        %mul3A_602 = arith.mulf %mul3A_601, %add3A_597 : vector<16xf32>
        %sub3A_603 = arith.subf %add3A_599, %mul3A_602 : vector<16xf32>
        %mul3A_604 = arith.constant 16 : i32
        %mul3A_605 = arith.muli %scan3A_548, %mul3A_604 : i32
        %add3A_606 = vector.broadcast %mul3A_605 : i32 to vector<16xi32>
        %add3A_607 = arith.addi %add3A_606, %iota3A : vector<16xi32>
        %lt3A = arith.constant 1.000000e+02 : f32
        %lt3A_608 = vector.broadcast %lt3A : f32 to vector<16xf32>
        %lt3A_609 = arith.cmpf olt, %sub3A_603, %lt3A_608 : vector<16xf32>
        %ne3A = vector.broadcast %add3A_177 : i32 to vector<16xi32>
        %ne3A_610 = arith.cmpi ne, %add3A_607, %ne3A : vector<16xi32>
        %and3A = arith.andi %lt3A_609, %ne3A_610 : vector<16xi1>
        %jit3A = arith.constant 1 : i32
        %jit3A_611 = arith.constant 0 : i32
        %broadcast_in_dim3A_612 = vector.broadcast %jit3A : i32 to vector<16xi32>
        %broadcast_in_dim3A_613 = vector.broadcast %jit3A_611 : i32 to vector<16xi32>
        %select_n3A = arith.select %and3A, %broadcast_in_dim3A_612, %broadcast_in_dim3A_613 : vector<16xi1>, vector<16xi32>
        %broadcast_in_dim3A_614 = arith.constant true
        %broadcast_in_dim3A_615 = vector.broadcast %broadcast_in_dim3A_614 : i1 to vector<16xi1>
        %masked_cumsum3A = tpu.scan <sum>, %select_n3A masked %broadcast_in_dim3A_615 : vector<16xi32>, vector<16xi1> -> vector<16xi32>
        %add3A_616 = arith.addi %scan3A_549, %masked_cumsum3A : vector<16xi32>
        %sub3A_617 = arith.constant 1 : i32
        %sub3A_618 = vector.broadcast %sub3A_617 : i32 to vector<16xi32>
        %sub3A_619 = arith.subi %add3A_616, %sub3A_618 : vector<16xi32>
        %lt3A_620 = vector.broadcast %add3A_199 : i32 to vector<16xi32>
        %lt3A_621 = arith.cmpi slt, %sub3A_619, %lt3A_620 : vector<16xi32>
        %and3A_622 = arith.andi %and3A, %lt3A_621 : vector<16xi1>
        tpu.vector_store_idx %arg6[%sub3A_619], %add3A_607 masked %and3A_622 : memref<12288xi32, #tpu.memory_space<vmem>>[vector<16xi32>], vector<16xi32>, vector<16xi1>
        tpu.vector_store_idx %arg7[%sub3A_619], %add3A_589 masked %and3A_622 : memref<12288xf32, #tpu.memory_space<vmem>>[vector<16xi32>], vector<16xf32>, vector<16xi1>
        %all_reduce_population_count3A = tpu.all_reduce %and3A_622 {dim = 0 : i64, kind = #tpu.reduction_kind<sum>} : vector<16xi1> -> vector<16xi32>
        %add3A_623 = arith.addi %scan3A_549, %all_reduce_population_count3A : vector<16xi32>
        scf.yield %add3A_623 : vector<16xi32>
      }
      %scan3A_206 = arith.constant 256 : i32
      %add3A_207 = arith.constant 5 : i32
      %add3A_208 = arith.addi %add3A_26, %add3A_207 : i32
      %slice3A_209 = vector.extract_strided_slice %get3A_29 {offsets = [5], sizes = [1], strides = [1]} : vector<16xf32> to vector<1xf32>
      %squeeze3A_210 = vector.extract %slice3A_209[0] : f32 from vector<1xf32>
      %slice3A_211 = vector.extract_strided_slice %get3A_33 {offsets = [5], sizes = [1], strides = [1]} : vector<16xf32> to vector<1xf32>
      %squeeze3A_212 = vector.extract %slice3A_211[0] : f32 from vector<1xf32>
      %slice3A_213 = vector.extract_strided_slice %get3A_37 {offsets = [5], sizes = [1], strides = [1]} : vector<16xf32> to vector<1xf32>
      %squeeze3A_214 = vector.extract %slice3A_213[0] : f32 from vector<1xf32>
      %slice3A_215 = vector.extract_strided_slice %get3A_41 {offsets = [5], sizes = [1], strides = [1]} : vector<16xf32> to vector<1xf32>
      %squeeze3A_216 = vector.extract %slice3A_215[0] : f32 from vector<1xf32>
      %slice3A_217 = vector.extract_strided_slice %get3A_45 {offsets = [5], sizes = [1], strides = [1]} : vector<16xf32> to vector<1xf32>
      %squeeze3A_218 = vector.extract %slice3A_217[0] : f32 from vector<1xf32>
      %slice3A_219 = vector.extract_strided_slice %get3A_49 {offsets = [5], sizes = [1], strides = [1]} : vector<16xf32> to vector<1xf32>
      %squeeze3A_220 = vector.extract %slice3A_219[0] : f32 from vector<1xf32>
      %slice3A_221 = vector.extract_strided_slice %get3A_53 {offsets = [5], sizes = [1], strides = [1]} : vector<16xf32> to vector<1xf32>
      %squeeze3A_222 = vector.extract %slice3A_221[0] : f32 from vector<1xf32>
      %mul3A_223 = arith.constant 16 : i32
      %mul3A_224 = arith.muli %add3A_21, %mul3A_223 : i32
      %add3A_225 = arith.constant 5 : i32
      %add3A_226 = arith.addi %mul3A_224, %add3A_225 : i32
      %mul3A_227 = arith.constant 96 : i32
      %mul3A_228 = arith.muli %add3A_226, %mul3A_227 : i32
      %add3A_229 = arith.constant 96 : i32
      %add3A_230 = arith.addi %mul3A_228, %add3A_229 : i32
      %broadcast_in_dim3A_231 = vector.broadcast %mul3A_228 : i32 to vector<16xi32>
      %scan3A_232 = arith.constant 0 : i32
      %scan3A_233 = arith.constant 256 : i32
      %scan3A_234 = arith.addi %scan3A_232, %scan3A_233 : i32
      %scan3A_235 = arith.constant 1 : i32
      %scan3A_236 = scf.for %scan3A_548 = %scan3A_232 to %scan3A_234 step %scan3A_235 iter_args(%scan3A_549 = %broadcast_in_dim3A_231) -> (vector<16xi32>)  : i32 {
        %mul3A_550 = arith.constant 16 : i32
        %mul3A_551 = arith.muli %scan3A_548, %mul3A_550 : i32
        %get3A_552 = arith.constant 0 : i32
        %get3A_553 = arith.index_cast %get3A_552 : i32 to index
        %get3A_554 = arith.index_cast %mul3A_551 : i32 to index
        %get3A_555 = tpu.vector_load %arg5[%get3A_553, %get3A_554] {strides = array<i32>} : memref<8x4112xf32, #tpu.memory_space<vmem>>, vector<16xf32>,
        %get3A_556 = arith.constant 1 : i32
        %get3A_557 = arith.index_cast %get3A_556 : i32 to index
        %get3A_558 = arith.index_cast %mul3A_551 : i32 to index
        %get3A_559 = tpu.vector_load %arg5[%get3A_557, %get3A_558] {strides = array<i32>} : memref<8x4112xf32, #tpu.memory_space<vmem>>, vector<16xf32>,
        %get3A_560 = arith.constant 2 : i32
        %get3A_561 = arith.index_cast %get3A_560 : i32 to index
        %get3A_562 = arith.index_cast %mul3A_551 : i32 to index
        %get3A_563 = tpu.vector_load %arg5[%get3A_561, %get3A_562] {strides = array<i32>} : memref<8x4112xf32, #tpu.memory_space<vmem>>, vector<16xf32>,
        %get3A_564 = arith.constant 3 : i32
        %get3A_565 = arith.index_cast %get3A_564 : i32 to index
        %get3A_566 = arith.index_cast %mul3A_551 : i32 to index
        %get3A_567 = tpu.vector_load %arg5[%get3A_565, %get3A_566] {strides = array<i32>} : memref<8x4112xf32, #tpu.memory_space<vmem>>, vector<16xf32>,
        %get3A_568 = arith.constant 4 : i32
        %get3A_569 = arith.index_cast %get3A_568 : i32 to index
        %get3A_570 = arith.index_cast %mul3A_551 : i32 to index
        %get3A_571 = tpu.vector_load %arg5[%get3A_569, %get3A_570] {strides = array<i32>} : memref<8x4112xf32, #tpu.memory_space<vmem>>, vector<16xf32>,
        %get3A_572 = arith.constant 5 : i32
        %get3A_573 = arith.index_cast %get3A_572 : i32 to index
        %get3A_574 = arith.index_cast %mul3A_551 : i32 to index
        %get3A_575 = tpu.vector_load %arg5[%get3A_573, %get3A_574] {strides = array<i32>} : memref<8x4112xf32, #tpu.memory_space<vmem>>, vector<16xf32>,
        %get3A_576 = arith.constant 6 : i32
        %get3A_577 = arith.index_cast %get3A_576 : i32 to index
        %get3A_578 = arith.index_cast %mul3A_551 : i32 to index
        %get3A_579 = tpu.vector_load %arg5[%get3A_577, %get3A_578] {strides = array<i32>} : memref<8x4112xf32, #tpu.memory_space<vmem>>, vector<16xf32>,
        %sub3A = vector.broadcast %squeeze3A_210 : f32 to vector<16xf32>
        %sub3A_580 = arith.subf %get3A_555, %sub3A : vector<16xf32>
        %sub3A_581 = vector.broadcast %squeeze3A_212 : f32 to vector<16xf32>
        %sub3A_582 = arith.subf %get3A_559, %sub3A_581 : vector<16xf32>
        %sub3A_583 = vector.broadcast %squeeze3A_214 : f32 to vector<16xf32>
        %sub3A_584 = arith.subf %get3A_563, %sub3A_583 : vector<16xf32>
        %mul3A_585 = arith.mulf %sub3A_580, %sub3A_580 : vector<16xf32>
        %mul3A_586 = arith.mulf %sub3A_582, %sub3A_582 : vector<16xf32>
        %add3A_587 = arith.addf %mul3A_585, %mul3A_586 : vector<16xf32>
        %mul3A_588 = arith.mulf %sub3A_584, %sub3A_584 : vector<16xf32>
        %add3A_589 = arith.addf %add3A_587, %mul3A_588 : vector<16xf32>
        %mul3A_590 = vector.broadcast %squeeze3A_216 : f32 to vector<16xf32>
        %mul3A_591 = arith.mulf %get3A_567, %mul3A_590 : vector<16xf32>
        %mul3A_592 = vector.broadcast %squeeze3A_218 : f32 to vector<16xf32>
        %mul3A_593 = arith.mulf %get3A_571, %mul3A_592 : vector<16xf32>
        %add3A_594 = arith.addf %mul3A_591, %mul3A_593 : vector<16xf32>
        %mul3A_595 = vector.broadcast %squeeze3A_220 : f32 to vector<16xf32>
        %mul3A_596 = arith.mulf %get3A_575, %mul3A_595 : vector<16xf32>
        %add3A_597 = arith.addf %add3A_594, %mul3A_596 : vector<16xf32>
        %add3A_598 = vector.broadcast %squeeze3A_222 : f32 to vector<16xf32>
        %add3A_599 = arith.addf %get3A_579, %add3A_598 : vector<16xf32>
        %mul3A_600 = arith.constant 2.000000e+00 : f32
        %mul3A_601 = vector.broadcast %mul3A_600 : f32 to vector<16xf32>
        %mul3A_602 = arith.mulf %mul3A_601, %add3A_597 : vector<16xf32>
        %sub3A_603 = arith.subf %add3A_599, %mul3A_602 : vector<16xf32>
        %mul3A_604 = arith.constant 16 : i32
        %mul3A_605 = arith.muli %scan3A_548, %mul3A_604 : i32
        %add3A_606 = vector.broadcast %mul3A_605 : i32 to vector<16xi32>
        %add3A_607 = arith.addi %add3A_606, %iota3A : vector<16xi32>
        %lt3A = arith.constant 1.000000e+02 : f32
        %lt3A_608 = vector.broadcast %lt3A : f32 to vector<16xf32>
        %lt3A_609 = arith.cmpf olt, %sub3A_603, %lt3A_608 : vector<16xf32>
        %ne3A = vector.broadcast %add3A_208 : i32 to vector<16xi32>
        %ne3A_610 = arith.cmpi ne, %add3A_607, %ne3A : vector<16xi32>
        %and3A = arith.andi %lt3A_609, %ne3A_610 : vector<16xi1>
        %jit3A = arith.constant 1 : i32
        %jit3A_611 = arith.constant 0 : i32
        %broadcast_in_dim3A_612 = vector.broadcast %jit3A : i32 to vector<16xi32>
        %broadcast_in_dim3A_613 = vector.broadcast %jit3A_611 : i32 to vector<16xi32>
        %select_n3A = arith.select %and3A, %broadcast_in_dim3A_612, %broadcast_in_dim3A_613 : vector<16xi1>, vector<16xi32>
        %broadcast_in_dim3A_614 = arith.constant true
        %broadcast_in_dim3A_615 = vector.broadcast %broadcast_in_dim3A_614 : i1 to vector<16xi1>
        %masked_cumsum3A = tpu.scan <sum>, %select_n3A masked %broadcast_in_dim3A_615 : vector<16xi32>, vector<16xi1> -> vector<16xi32>
        %add3A_616 = arith.addi %scan3A_549, %masked_cumsum3A : vector<16xi32>
        %sub3A_617 = arith.constant 1 : i32
        %sub3A_618 = vector.broadcast %sub3A_617 : i32 to vector<16xi32>
        %sub3A_619 = arith.subi %add3A_616, %sub3A_618 : vector<16xi32>
        %lt3A_620 = vector.broadcast %add3A_230 : i32 to vector<16xi32>
        %lt3A_621 = arith.cmpi slt, %sub3A_619, %lt3A_620 : vector<16xi32>
        %and3A_622 = arith.andi %and3A, %lt3A_621 : vector<16xi1>
        tpu.vector_store_idx %arg6[%sub3A_619], %add3A_607 masked %and3A_622 : memref<12288xi32, #tpu.memory_space<vmem>>[vector<16xi32>], vector<16xi32>, vector<16xi1>
        tpu.vector_store_idx %arg7[%sub3A_619], %add3A_589 masked %and3A_622 : memref<12288xf32, #tpu.memory_space<vmem>>[vector<16xi32>], vector<16xf32>, vector<16xi1>
        %all_reduce_population_count3A = tpu.all_reduce %and3A_622 {dim = 0 : i64, kind = #tpu.reduction_kind<sum>} : vector<16xi1> -> vector<16xi32>
        %add3A_623 = arith.addi %scan3A_549, %all_reduce_population_count3A : vector<16xi32>
        scf.yield %add3A_623 : vector<16xi32>
      }
      %scan3A_237 = arith.constant 256 : i32
      %add3A_238 = arith.constant 6 : i32
      %add3A_239 = arith.addi %add3A_26, %add3A_238 : i32
      %slice3A_240 = vector.extract_strided_slice %get3A_29 {offsets = [6], sizes = [1], strides = [1]} : vector<16xf32> to vector<1xf32>
      %squeeze3A_241 = vector.extract %slice3A_240[0] : f32 from vector<1xf32>
      %slice3A_242 = vector.extract_strided_slice %get3A_33 {offsets = [6], sizes = [1], strides = [1]} : vector<16xf32> to vector<1xf32>
      %squeeze3A_243 = vector.extract %slice3A_242[0] : f32 from vector<1xf32>
      %slice3A_244 = vector.extract_strided_slice %get3A_37 {offsets = [6], sizes = [1], strides = [1]} : vector<16xf32> to vector<1xf32>
      %squeeze3A_245 = vector.extract %slice3A_244[0] : f32 from vector<1xf32>
      %slice3A_246 = vector.extract_strided_slice %get3A_41 {offsets = [6], sizes = [1], strides = [1]} : vector<16xf32> to vector<1xf32>
      %squeeze3A_247 = vector.extract %slice3A_246[0] : f32 from vector<1xf32>
      %slice3A_248 = vector.extract_strided_slice %get3A_45 {offsets = [6], sizes = [1], strides = [1]} : vector<16xf32> to vector<1xf32>
      %squeeze3A_249 = vector.extract %slice3A_248[0] : f32 from vector<1xf32>
      %slice3A_250 = vector.extract_strided_slice %get3A_49 {offsets = [6], sizes = [1], strides = [1]} : vector<16xf32> to vector<1xf32>
      %squeeze3A_251 = vector.extract %slice3A_250[0] : f32 from vector<1xf32>
      %slice3A_252 = vector.extract_strided_slice %get3A_53 {offsets = [6], sizes = [1], strides = [1]} : vector<16xf32> to vector<1xf32>
      %squeeze3A_253 = vector.extract %slice3A_252[0] : f32 from vector<1xf32>
      %mul3A_254 = arith.constant 16 : i32
      %mul3A_255 = arith.muli %add3A_21, %mul3A_254 : i32
      %add3A_256 = arith.constant 6 : i32
      %add3A_257 = arith.addi %mul3A_255, %add3A_256 : i32
      %mul3A_258 = arith.constant 96 : i32
      %mul3A_259 = arith.muli %add3A_257, %mul3A_258 : i32
      %add3A_260 = arith.constant 96 : i32
      %add3A_261 = arith.addi %mul3A_259, %add3A_260 : i32
      %broadcast_in_dim3A_262 = vector.broadcast %mul3A_259 : i32 to vector<16xi32>
      %scan3A_263 = arith.constant 0 : i32
      %scan3A_264 = arith.constant 256 : i32
      %scan3A_265 = arith.addi %scan3A_263, %scan3A_264 : i32
      %scan3A_266 = arith.constant 1 : i32
      %scan3A_267 = scf.for %scan3A_548 = %scan3A_263 to %scan3A_265 step %scan3A_266 iter_args(%scan3A_549 = %broadcast_in_dim3A_262) -> (vector<16xi32>)  : i32 {
        %mul3A_550 = arith.constant 16 : i32
        %mul3A_551 = arith.muli %scan3A_548, %mul3A_550 : i32
        %get3A_552 = arith.constant 0 : i32
        %get3A_553 = arith.index_cast %get3A_552 : i32 to index
        %get3A_554 = arith.index_cast %mul3A_551 : i32 to index
        %get3A_555 = tpu.vector_load %arg5[%get3A_553, %get3A_554] {strides = array<i32>} : memref<8x4112xf32, #tpu.memory_space<vmem>>, vector<16xf32>,
        %get3A_556 = arith.constant 1 : i32
        %get3A_557 = arith.index_cast %get3A_556 : i32 to index
        %get3A_558 = arith.index_cast %mul3A_551 : i32 to index
        %get3A_559 = tpu.vector_load %arg5[%get3A_557, %get3A_558] {strides = array<i32>} : memref<8x4112xf32, #tpu.memory_space<vmem>>, vector<16xf32>,
        %get3A_560 = arith.constant 2 : i32
        %get3A_561 = arith.index_cast %get3A_560 : i32 to index
        %get3A_562 = arith.index_cast %mul3A_551 : i32 to index
        %get3A_563 = tpu.vector_load %arg5[%get3A_561, %get3A_562] {strides = array<i32>} : memref<8x4112xf32, #tpu.memory_space<vmem>>, vector<16xf32>,
        %get3A_564 = arith.constant 3 : i32
        %get3A_565 = arith.index_cast %get3A_564 : i32 to index
        %get3A_566 = arith.index_cast %mul3A_551 : i32 to index
        %get3A_567 = tpu.vector_load %arg5[%get3A_565, %get3A_566] {strides = array<i32>} : memref<8x4112xf32, #tpu.memory_space<vmem>>, vector<16xf32>,
        %get3A_568 = arith.constant 4 : i32
        %get3A_569 = arith.index_cast %get3A_568 : i32 to index
        %get3A_570 = arith.index_cast %mul3A_551 : i32 to index
        %get3A_571 = tpu.vector_load %arg5[%get3A_569, %get3A_570] {strides = array<i32>} : memref<8x4112xf32, #tpu.memory_space<vmem>>, vector<16xf32>,
        %get3A_572 = arith.constant 5 : i32
        %get3A_573 = arith.index_cast %get3A_572 : i32 to index
        %get3A_574 = arith.index_cast %mul3A_551 : i32 to index
        %get3A_575 = tpu.vector_load %arg5[%get3A_573, %get3A_574] {strides = array<i32>} : memref<8x4112xf32, #tpu.memory_space<vmem>>, vector<16xf32>,
        %get3A_576 = arith.constant 6 : i32
        %get3A_577 = arith.index_cast %get3A_576 : i32 to index
        %get3A_578 = arith.index_cast %mul3A_551 : i32 to index
        %get3A_579 = tpu.vector_load %arg5[%get3A_577, %get3A_578] {strides = array<i32>} : memref<8x4112xf32, #tpu.memory_space<vmem>>, vector<16xf32>,
        %sub3A = vector.broadcast %squeeze3A_241 : f32 to vector<16xf32>
        %sub3A_580 = arith.subf %get3A_555, %sub3A : vector<16xf32>
        %sub3A_581 = vector.broadcast %squeeze3A_243 : f32 to vector<16xf32>
        %sub3A_582 = arith.subf %get3A_559, %sub3A_581 : vector<16xf32>
        %sub3A_583 = vector.broadcast %squeeze3A_245 : f32 to vector<16xf32>
        %sub3A_584 = arith.subf %get3A_563, %sub3A_583 : vector<16xf32>
        %mul3A_585 = arith.mulf %sub3A_580, %sub3A_580 : vector<16xf32>
        %mul3A_586 = arith.mulf %sub3A_582, %sub3A_582 : vector<16xf32>
        %add3A_587 = arith.addf %mul3A_585, %mul3A_586 : vector<16xf32>
        %mul3A_588 = arith.mulf %sub3A_584, %sub3A_584 : vector<16xf32>
        %add3A_589 = arith.addf %add3A_587, %mul3A_588 : vector<16xf32>
        %mul3A_590 = vector.broadcast %squeeze3A_247 : f32 to vector<16xf32>
        %mul3A_591 = arith.mulf %get3A_567, %mul3A_590 : vector<16xf32>
        %mul3A_592 = vector.broadcast %squeeze3A_249 : f32 to vector<16xf32>
        %mul3A_593 = arith.mulf %get3A_571, %mul3A_592 : vector<16xf32>
        %add3A_594 = arith.addf %mul3A_591, %mul3A_593 : vector<16xf32>
        %mul3A_595 = vector.broadcast %squeeze3A_251 : f32 to vector<16xf32>
        %mul3A_596 = arith.mulf %get3A_575, %mul3A_595 : vector<16xf32>
        %add3A_597 = arith.addf %add3A_594, %mul3A_596 : vector<16xf32>
        %add3A_598 = vector.broadcast %squeeze3A_253 : f32 to vector<16xf32>
        %add3A_599 = arith.addf %get3A_579, %add3A_598 : vector<16xf32>
        %mul3A_600 = arith.constant 2.000000e+00 : f32
        %mul3A_601 = vector.broadcast %mul3A_600 : f32 to vector<16xf32>
        %mul3A_602 = arith.mulf %mul3A_601, %add3A_597 : vector<16xf32>
        %sub3A_603 = arith.subf %add3A_599, %mul3A_602 : vector<16xf32>
        %mul3A_604 = arith.constant 16 : i32
        %mul3A_605 = arith.muli %scan3A_548, %mul3A_604 : i32
        %add3A_606 = vector.broadcast %mul3A_605 : i32 to vector<16xi32>
        %add3A_607 = arith.addi %add3A_606, %iota3A : vector<16xi32>
        %lt3A = arith.constant 1.000000e+02 : f32
        %lt3A_608 = vector.broadcast %lt3A : f32 to vector<16xf32>
        %lt3A_609 = arith.cmpf olt, %sub3A_603, %lt3A_608 : vector<16xf32>
        %ne3A = vector.broadcast %add3A_239 : i32 to vector<16xi32>
        %ne3A_610 = arith.cmpi ne, %add3A_607, %ne3A : vector<16xi32>
        %and3A = arith.andi %lt3A_609, %ne3A_610 : vector<16xi1>
        %jit3A = arith.constant 1 : i32
        %jit3A_611 = arith.constant 0 : i32
        %broadcast_in_dim3A_612 = vector.broadcast %jit3A : i32 to vector<16xi32>
        %broadcast_in_dim3A_613 = vector.broadcast %jit3A_611 : i32 to vector<16xi32>
        %select_n3A = arith.select %and3A, %broadcast_in_dim3A_612, %broadcast_in_dim3A_613 : vector<16xi1>, vector<16xi32>
        %broadcast_in_dim3A_614 = arith.constant true
        %broadcast_in_dim3A_615 = vector.broadcast %broadcast_in_dim3A_614 : i1 to vector<16xi1>
        %masked_cumsum3A = tpu.scan <sum>, %select_n3A masked %broadcast_in_dim3A_615 : vector<16xi32>, vector<16xi1> -> vector<16xi32>
        %add3A_616 = arith.addi %scan3A_549, %masked_cumsum3A : vector<16xi32>
        %sub3A_617 = arith.constant 1 : i32
        %sub3A_618 = vector.broadcast %sub3A_617 : i32 to vector<16xi32>
        %sub3A_619 = arith.subi %add3A_616, %sub3A_618 : vector<16xi32>
        %lt3A_620 = vector.broadcast %add3A_261 : i32 to vector<16xi32>
        %lt3A_621 = arith.cmpi slt, %sub3A_619, %lt3A_620 : vector<16xi32>
        %and3A_622 = arith.andi %and3A, %lt3A_621 : vector<16xi1>
        tpu.vector_store_idx %arg6[%sub3A_619], %add3A_607 masked %and3A_622 : memref<12288xi32, #tpu.memory_space<vmem>>[vector<16xi32>], vector<16xi32>, vector<16xi1>
        tpu.vector_store_idx %arg7[%sub3A_619], %add3A_589 masked %and3A_622 : memref<12288xf32, #tpu.memory_space<vmem>>[vector<16xi32>], vector<16xf32>, vector<16xi1>
        %all_reduce_population_count3A = tpu.all_reduce %and3A_622 {dim = 0 : i64, kind = #tpu.reduction_kind<sum>} : vector<16xi1> -> vector<16xi32>
        %add3A_623 = arith.addi %scan3A_549, %all_reduce_population_count3A : vector<16xi32>
        scf.yield %add3A_623 : vector<16xi32>
      }
      %scan3A_268 = arith.constant 256 : i32
      %add3A_269 = arith.constant 7 : i32
      %add3A_270 = arith.addi %add3A_26, %add3A_269 : i32
      %slice3A_271 = vector.extract_strided_slice %get3A_29 {offsets = [7], sizes = [1], strides = [1]} : vector<16xf32> to vector<1xf32>
      %squeeze3A_272 = vector.extract %slice3A_271[0] : f32 from vector<1xf32>
      %slice3A_273 = vector.extract_strided_slice %get3A_33 {offsets = [7], sizes = [1], strides = [1]} : vector<16xf32> to vector<1xf32>
      %squeeze3A_274 = vector.extract %slice3A_273[0] : f32 from vector<1xf32>
      %slice3A_275 = vector.extract_strided_slice %get3A_37 {offsets = [7], sizes = [1], strides = [1]} : vector<16xf32> to vector<1xf32>
      %squeeze3A_276 = vector.extract %slice3A_275[0] : f32 from vector<1xf32>
      %slice3A_277 = vector.extract_strided_slice %get3A_41 {offsets = [7], sizes = [1], strides = [1]} : vector<16xf32> to vector<1xf32>
      %squeeze3A_278 = vector.extract %slice3A_277[0] : f32 from vector<1xf32>
      %slice3A_279 = vector.extract_strided_slice %get3A_45 {offsets = [7], sizes = [1], strides = [1]} : vector<16xf32> to vector<1xf32>
      %squeeze3A_280 = vector.extract %slice3A_279[0] : f32 from vector<1xf32>
      %slice3A_281 = vector.extract_strided_slice %get3A_49 {offsets = [7], sizes = [1], strides = [1]} : vector<16xf32> to vector<1xf32>
      %squeeze3A_282 = vector.extract %slice3A_281[0] : f32 from vector<1xf32>
      %slice3A_283 = vector.extract_strided_slice %get3A_53 {offsets = [7], sizes = [1], strides = [1]} : vector<16xf32> to vector<1xf32>
      %squeeze3A_284 = vector.extract %slice3A_283[0] : f32 from vector<1xf32>
      %mul3A_285 = arith.constant 16 : i32
      %mul3A_286 = arith.muli %add3A_21, %mul3A_285 : i32
      %add3A_287 = arith.constant 7 : i32
      %add3A_288 = arith.addi %mul3A_286, %add3A_287 : i32
      %mul3A_289 = arith.constant 96 : i32
      %mul3A_290 = arith.muli %add3A_288, %mul3A_289 : i32
      %add3A_291 = arith.constant 96 : i32
      %add3A_292 = arith.addi %mul3A_290, %add3A_291 : i32
      %broadcast_in_dim3A_293 = vector.broadcast %mul3A_290 : i32 to vector<16xi32>
      %scan3A_294 = arith.constant 0 : i32
      %scan3A_295 = arith.constant 256 : i32
      %scan3A_296 = arith.addi %scan3A_294, %scan3A_295 : i32
      %scan3A_297 = arith.constant 1 : i32
      %scan3A_298 = scf.for %scan3A_548 = %scan3A_294 to %scan3A_296 step %scan3A_297 iter_args(%scan3A_549 = %broadcast_in_dim3A_293) -> (vector<16xi32>)  : i32 {
        %mul3A_550 = arith.constant 16 : i32
        %mul3A_551 = arith.muli %scan3A_548, %mul3A_550 : i32
        %get3A_552 = arith.constant 0 : i32
        %get3A_553 = arith.index_cast %get3A_552 : i32 to index
        %get3A_554 = arith.index_cast %mul3A_551 : i32 to index
        %get3A_555 = tpu.vector_load %arg5[%get3A_553, %get3A_554] {strides = array<i32>} : memref<8x4112xf32, #tpu.memory_space<vmem>>, vector<16xf32>,
        %get3A_556 = arith.constant 1 : i32
        %get3A_557 = arith.index_cast %get3A_556 : i32 to index
        %get3A_558 = arith.index_cast %mul3A_551 : i32 to index
        %get3A_559 = tpu.vector_load %arg5[%get3A_557, %get3A_558] {strides = array<i32>} : memref<8x4112xf32, #tpu.memory_space<vmem>>, vector<16xf32>,
        %get3A_560 = arith.constant 2 : i32
        %get3A_561 = arith.index_cast %get3A_560 : i32 to index
        %get3A_562 = arith.index_cast %mul3A_551 : i32 to index
        %get3A_563 = tpu.vector_load %arg5[%get3A_561, %get3A_562] {strides = array<i32>} : memref<8x4112xf32, #tpu.memory_space<vmem>>, vector<16xf32>,
        %get3A_564 = arith.constant 3 : i32
        %get3A_565 = arith.index_cast %get3A_564 : i32 to index
        %get3A_566 = arith.index_cast %mul3A_551 : i32 to index
        %get3A_567 = tpu.vector_load %arg5[%get3A_565, %get3A_566] {strides = array<i32>} : memref<8x4112xf32, #tpu.memory_space<vmem>>, vector<16xf32>,
        %get3A_568 = arith.constant 4 : i32
        %get3A_569 = arith.index_cast %get3A_568 : i32 to index
        %get3A_570 = arith.index_cast %mul3A_551 : i32 to index
        %get3A_571 = tpu.vector_load %arg5[%get3A_569, %get3A_570] {strides = array<i32>} : memref<8x4112xf32, #tpu.memory_space<vmem>>, vector<16xf32>,
        %get3A_572 = arith.constant 5 : i32
        %get3A_573 = arith.index_cast %get3A_572 : i32 to index
        %get3A_574 = arith.index_cast %mul3A_551 : i32 to index
        %get3A_575 = tpu.vector_load %arg5[%get3A_573, %get3A_574] {strides = array<i32>} : memref<8x4112xf32, #tpu.memory_space<vmem>>, vector<16xf32>,
        %get3A_576 = arith.constant 6 : i32
        %get3A_577 = arith.index_cast %get3A_576 : i32 to index
        %get3A_578 = arith.index_cast %mul3A_551 : i32 to index
        %get3A_579 = tpu.vector_load %arg5[%get3A_577, %get3A_578] {strides = array<i32>} : memref<8x4112xf32, #tpu.memory_space<vmem>>, vector<16xf32>,
        %sub3A = vector.broadcast %squeeze3A_272 : f32 to vector<16xf32>
        %sub3A_580 = arith.subf %get3A_555, %sub3A : vector<16xf32>
        %sub3A_581 = vector.broadcast %squeeze3A_274 : f32 to vector<16xf32>
        %sub3A_582 = arith.subf %get3A_559, %sub3A_581 : vector<16xf32>
        %sub3A_583 = vector.broadcast %squeeze3A_276 : f32 to vector<16xf32>
        %sub3A_584 = arith.subf %get3A_563, %sub3A_583 : vector<16xf32>
        %mul3A_585 = arith.mulf %sub3A_580, %sub3A_580 : vector<16xf32>
        %mul3A_586 = arith.mulf %sub3A_582, %sub3A_582 : vector<16xf32>
        %add3A_587 = arith.addf %mul3A_585, %mul3A_586 : vector<16xf32>
        %mul3A_588 = arith.mulf %sub3A_584, %sub3A_584 : vector<16xf32>
        %add3A_589 = arith.addf %add3A_587, %mul3A_588 : vector<16xf32>
        %mul3A_590 = vector.broadcast %squeeze3A_278 : f32 to vector<16xf32>
        %mul3A_591 = arith.mulf %get3A_567, %mul3A_590 : vector<16xf32>
        %mul3A_592 = vector.broadcast %squeeze3A_280 : f32 to vector<16xf32>
        %mul3A_593 = arith.mulf %get3A_571, %mul3A_592 : vector<16xf32>
        %add3A_594 = arith.addf %mul3A_591, %mul3A_593 : vector<16xf32>
        %mul3A_595 = vector.broadcast %squeeze3A_282 : f32 to vector<16xf32>
        %mul3A_596 = arith.mulf %get3A_575, %mul3A_595 : vector<16xf32>
        %add3A_597 = arith.addf %add3A_594, %mul3A_596 : vector<16xf32>
        %add3A_598 = vector.broadcast %squeeze3A_284 : f32 to vector<16xf32>
        %add3A_599 = arith.addf %get3A_579, %add3A_598 : vector<16xf32>
        %mul3A_600 = arith.constant 2.000000e+00 : f32
        %mul3A_601 = vector.broadcast %mul3A_600 : f32 to vector<16xf32>
        %mul3A_602 = arith.mulf %mul3A_601, %add3A_597 : vector<16xf32>
        %sub3A_603 = arith.subf %add3A_599, %mul3A_602 : vector<16xf32>
        %mul3A_604 = arith.constant 16 : i32
        %mul3A_605 = arith.muli %scan3A_548, %mul3A_604 : i32
        %add3A_606 = vector.broadcast %mul3A_605 : i32 to vector<16xi32>
        %add3A_607 = arith.addi %add3A_606, %iota3A : vector<16xi32>
        %lt3A = arith.constant 1.000000e+02 : f32
        %lt3A_608 = vector.broadcast %lt3A : f32 to vector<16xf32>
        %lt3A_609 = arith.cmpf olt, %sub3A_603, %lt3A_608 : vector<16xf32>
        %ne3A = vector.broadcast %add3A_270 : i32 to vector<16xi32>
        %ne3A_610 = arith.cmpi ne, %add3A_607, %ne3A : vector<16xi32>
        %and3A = arith.andi %lt3A_609, %ne3A_610 : vector<16xi1>
        %jit3A = arith.constant 1 : i32
        %jit3A_611 = arith.constant 0 : i32
        %broadcast_in_dim3A_612 = vector.broadcast %jit3A : i32 to vector<16xi32>
        %broadcast_in_dim3A_613 = vector.broadcast %jit3A_611 : i32 to vector<16xi32>
        %select_n3A = arith.select %and3A, %broadcast_in_dim3A_612, %broadcast_in_dim3A_613 : vector<16xi1>, vector<16xi32>
        %broadcast_in_dim3A_614 = arith.constant true
        %broadcast_in_dim3A_615 = vector.broadcast %broadcast_in_dim3A_614 : i1 to vector<16xi1>
        %masked_cumsum3A = tpu.scan <sum>, %select_n3A masked %broadcast_in_dim3A_615 : vector<16xi32>, vector<16xi1> -> vector<16xi32>
        %add3A_616 = arith.addi %scan3A_549, %masked_cumsum3A : vector<16xi32>
        %sub3A_617 = arith.constant 1 : i32
        %sub3A_618 = vector.broadcast %sub3A_617 : i32 to vector<16xi32>
        %sub3A_619 = arith.subi %add3A_616, %sub3A_618 : vector<16xi32>
        %lt3A_620 = vector.broadcast %add3A_292 : i32 to vector<16xi32>
        %lt3A_621 = arith.cmpi slt, %sub3A_619, %lt3A_620 : vector<16xi32>
        %and3A_622 = arith.andi %and3A, %lt3A_621 : vector<16xi1>
        tpu.vector_store_idx %arg6[%sub3A_619], %add3A_607 masked %and3A_622 : memref<12288xi32, #tpu.memory_space<vmem>>[vector<16xi32>], vector<16xi32>, vector<16xi1>
        tpu.vector_store_idx %arg7[%sub3A_619], %add3A_589 masked %and3A_622 : memref<12288xf32, #tpu.memory_space<vmem>>[vector<16xi32>], vector<16xf32>, vector<16xi1>
        %all_reduce_population_count3A = tpu.all_reduce %and3A_622 {dim = 0 : i64, kind = #tpu.reduction_kind<sum>} : vector<16xi1> -> vector<16xi32>
        %add3A_623 = arith.addi %scan3A_549, %all_reduce_population_count3A : vector<16xi32>
        scf.yield %add3A_623 : vector<16xi32>
      }
      %scan3A_299 = arith.constant 256 : i32
      %add3A_300 = arith.constant 8 : i32
      %add3A_301 = arith.addi %add3A_26, %add3A_300 : i32
      %slice3A_302 = vector.extract_strided_slice %get3A_29 {offsets = [8], sizes = [1], strides = [1]} : vector<16xf32> to vector<1xf32>
      %squeeze3A_303 = vector.extract %slice3A_302[0] : f32 from vector<1xf32>
      %slice3A_304 = vector.extract_strided_slice %get3A_33 {offsets = [8], sizes = [1], strides = [1]} : vector<16xf32> to vector<1xf32>
      %squeeze3A_305 = vector.extract %slice3A_304[0] : f32 from vector<1xf32>
      %slice3A_306 = vector.extract_strided_slice %get3A_37 {offsets = [8], sizes = [1], strides = [1]} : vector<16xf32> to vector<1xf32>
      %squeeze3A_307 = vector.extract %slice3A_306[0] : f32 from vector<1xf32>
      %slice3A_308 = vector.extract_strided_slice %get3A_41 {offsets = [8], sizes = [1], strides = [1]} : vector<16xf32> to vector<1xf32>
      %squeeze3A_309 = vector.extract %slice3A_308[0] : f32 from vector<1xf32>
      %slice3A_310 = vector.extract_strided_slice %get3A_45 {offsets = [8], sizes = [1], strides = [1]} : vector<16xf32> to vector<1xf32>
      %squeeze3A_311 = vector.extract %slice3A_310[0] : f32 from vector<1xf32>
      %slice3A_312 = vector.extract_strided_slice %get3A_49 {offsets = [8], sizes = [1], strides = [1]} : vector<16xf32> to vector<1xf32>
      %squeeze3A_313 = vector.extract %slice3A_312[0] : f32 from vector<1xf32>
      %slice3A_314 = vector.extract_strided_slice %get3A_53 {offsets = [8], sizes = [1], strides = [1]} : vector<16xf32> to vector<1xf32>
      %squeeze3A_315 = vector.extract %slice3A_314[0] : f32 from vector<1xf32>
      %mul3A_316 = arith.constant 16 : i32
      %mul3A_317 = arith.muli %add3A_21, %mul3A_316 : i32
      %add3A_318 = arith.constant 8 : i32
      %add3A_319 = arith.addi %mul3A_317, %add3A_318 : i32
      %mul3A_320 = arith.constant 96 : i32
      %mul3A_321 = arith.muli %add3A_319, %mul3A_320 : i32
      %add3A_322 = arith.constant 96 : i32
      %add3A_323 = arith.addi %mul3A_321, %add3A_322 : i32
      %broadcast_in_dim3A_324 = vector.broadcast %mul3A_321 : i32 to vector<16xi32>
      %scan3A_325 = arith.constant 0 : i32
      %scan3A_326 = arith.constant 256 : i32
      %scan3A_327 = arith.addi %scan3A_325, %scan3A_326 : i32
      %scan3A_328 = arith.constant 1 : i32
      %scan3A_329 = scf.for %scan3A_548 = %scan3A_325 to %scan3A_327 step %scan3A_328 iter_args(%scan3A_549 = %broadcast_in_dim3A_324) -> (vector<16xi32>)  : i32 {
        %mul3A_550 = arith.constant 16 : i32
        %mul3A_551 = arith.muli %scan3A_548, %mul3A_550 : i32
        %get3A_552 = arith.constant 0 : i32
        %get3A_553 = arith.index_cast %get3A_552 : i32 to index
        %get3A_554 = arith.index_cast %mul3A_551 : i32 to index
        %get3A_555 = tpu.vector_load %arg5[%get3A_553, %get3A_554] {strides = array<i32>} : memref<8x4112xf32, #tpu.memory_space<vmem>>, vector<16xf32>,
        %get3A_556 = arith.constant 1 : i32
        %get3A_557 = arith.index_cast %get3A_556 : i32 to index
        %get3A_558 = arith.index_cast %mul3A_551 : i32 to index
        %get3A_559 = tpu.vector_load %arg5[%get3A_557, %get3A_558] {strides = array<i32>} : memref<8x4112xf32, #tpu.memory_space<vmem>>, vector<16xf32>,
        %get3A_560 = arith.constant 2 : i32
        %get3A_561 = arith.index_cast %get3A_560 : i32 to index
        %get3A_562 = arith.index_cast %mul3A_551 : i32 to index
        %get3A_563 = tpu.vector_load %arg5[%get3A_561, %get3A_562] {strides = array<i32>} : memref<8x4112xf32, #tpu.memory_space<vmem>>, vector<16xf32>,
        %get3A_564 = arith.constant 3 : i32
        %get3A_565 = arith.index_cast %get3A_564 : i32 to index
        %get3A_566 = arith.index_cast %mul3A_551 : i32 to index
        %get3A_567 = tpu.vector_load %arg5[%get3A_565, %get3A_566] {strides = array<i32>} : memref<8x4112xf32, #tpu.memory_space<vmem>>, vector<16xf32>,
        %get3A_568 = arith.constant 4 : i32
        %get3A_569 = arith.index_cast %get3A_568 : i32 to index
        %get3A_570 = arith.index_cast %mul3A_551 : i32 to index
        %get3A_571 = tpu.vector_load %arg5[%get3A_569, %get3A_570] {strides = array<i32>} : memref<8x4112xf32, #tpu.memory_space<vmem>>, vector<16xf32>,
        %get3A_572 = arith.constant 5 : i32
        %get3A_573 = arith.index_cast %get3A_572 : i32 to index
        %get3A_574 = arith.index_cast %mul3A_551 : i32 to index
        %get3A_575 = tpu.vector_load %arg5[%get3A_573, %get3A_574] {strides = array<i32>} : memref<8x4112xf32, #tpu.memory_space<vmem>>, vector<16xf32>,
        %get3A_576 = arith.constant 6 : i32
        %get3A_577 = arith.index_cast %get3A_576 : i32 to index
        %get3A_578 = arith.index_cast %mul3A_551 : i32 to index
        %get3A_579 = tpu.vector_load %arg5[%get3A_577, %get3A_578] {strides = array<i32>} : memref<8x4112xf32, #tpu.memory_space<vmem>>, vector<16xf32>,
        %sub3A = vector.broadcast %squeeze3A_303 : f32 to vector<16xf32>
        %sub3A_580 = arith.subf %get3A_555, %sub3A : vector<16xf32>
        %sub3A_581 = vector.broadcast %squeeze3A_305 : f32 to vector<16xf32>
        %sub3A_582 = arith.subf %get3A_559, %sub3A_581 : vector<16xf32>
        %sub3A_583 = vector.broadcast %squeeze3A_307 : f32 to vector<16xf32>
        %sub3A_584 = arith.subf %get3A_563, %sub3A_583 : vector<16xf32>
        %mul3A_585 = arith.mulf %sub3A_580, %sub3A_580 : vector<16xf32>
        %mul3A_586 = arith.mulf %sub3A_582, %sub3A_582 : vector<16xf32>
        %add3A_587 = arith.addf %mul3A_585, %mul3A_586 : vector<16xf32>
        %mul3A_588 = arith.mulf %sub3A_584, %sub3A_584 : vector<16xf32>
        %add3A_589 = arith.addf %add3A_587, %mul3A_588 : vector<16xf32>
        %mul3A_590 = vector.broadcast %squeeze3A_309 : f32 to vector<16xf32>
        %mul3A_591 = arith.mulf %get3A_567, %mul3A_590 : vector<16xf32>
        %mul3A_592 = vector.broadcast %squeeze3A_311 : f32 to vector<16xf32>
        %mul3A_593 = arith.mulf %get3A_571, %mul3A_592 : vector<16xf32>
        %add3A_594 = arith.addf %mul3A_591, %mul3A_593 : vector<16xf32>
        %mul3A_595 = vector.broadcast %squeeze3A_313 : f32 to vector<16xf32>
        %mul3A_596 = arith.mulf %get3A_575, %mul3A_595 : vector<16xf32>
        %add3A_597 = arith.addf %add3A_594, %mul3A_596 : vector<16xf32>
        %add3A_598 = vector.broadcast %squeeze3A_315 : f32 to vector<16xf32>
        %add3A_599 = arith.addf %get3A_579, %add3A_598 : vector<16xf32>
        %mul3A_600 = arith.constant 2.000000e+00 : f32
        %mul3A_601 = vector.broadcast %mul3A_600 : f32 to vector<16xf32>
        %mul3A_602 = arith.mulf %mul3A_601, %add3A_597 : vector<16xf32>
        %sub3A_603 = arith.subf %add3A_599, %mul3A_602 : vector<16xf32>
        %mul3A_604 = arith.constant 16 : i32
        %mul3A_605 = arith.muli %scan3A_548, %mul3A_604 : i32
        %add3A_606 = vector.broadcast %mul3A_605 : i32 to vector<16xi32>
        %add3A_607 = arith.addi %add3A_606, %iota3A : vector<16xi32>
        %lt3A = arith.constant 1.000000e+02 : f32
        %lt3A_608 = vector.broadcast %lt3A : f32 to vector<16xf32>
        %lt3A_609 = arith.cmpf olt, %sub3A_603, %lt3A_608 : vector<16xf32>
        %ne3A = vector.broadcast %add3A_301 : i32 to vector<16xi32>
        %ne3A_610 = arith.cmpi ne, %add3A_607, %ne3A : vector<16xi32>
        %and3A = arith.andi %lt3A_609, %ne3A_610 : vector<16xi1>
        %jit3A = arith.constant 1 : i32
        %jit3A_611 = arith.constant 0 : i32
        %broadcast_in_dim3A_612 = vector.broadcast %jit3A : i32 to vector<16xi32>
        %broadcast_in_dim3A_613 = vector.broadcast %jit3A_611 : i32 to vector<16xi32>
        %select_n3A = arith.select %and3A, %broadcast_in_dim3A_612, %broadcast_in_dim3A_613 : vector<16xi1>, vector<16xi32>
        %broadcast_in_dim3A_614 = arith.constant true
        %broadcast_in_dim3A_615 = vector.broadcast %broadcast_in_dim3A_614 : i1 to vector<16xi1>
        %masked_cumsum3A = tpu.scan <sum>, %select_n3A masked %broadcast_in_dim3A_615 : vector<16xi32>, vector<16xi1> -> vector<16xi32>
        %add3A_616 = arith.addi %scan3A_549, %masked_cumsum3A : vector<16xi32>
        %sub3A_617 = arith.constant 1 : i32
        %sub3A_618 = vector.broadcast %sub3A_617 : i32 to vector<16xi32>
        %sub3A_619 = arith.subi %add3A_616, %sub3A_618 : vector<16xi32>
        %lt3A_620 = vector.broadcast %add3A_323 : i32 to vector<16xi32>
        %lt3A_621 = arith.cmpi slt, %sub3A_619, %lt3A_620 : vector<16xi32>
        %and3A_622 = arith.andi %and3A, %lt3A_621 : vector<16xi1>
        tpu.vector_store_idx %arg6[%sub3A_619], %add3A_607 masked %and3A_622 : memref<12288xi32, #tpu.memory_space<vmem>>[vector<16xi32>], vector<16xi32>, vector<16xi1>
        tpu.vector_store_idx %arg7[%sub3A_619], %add3A_589 masked %and3A_622 : memref<12288xf32, #tpu.memory_space<vmem>>[vector<16xi32>], vector<16xf32>, vector<16xi1>
        %all_reduce_population_count3A = tpu.all_reduce %and3A_622 {dim = 0 : i64, kind = #tpu.reduction_kind<sum>} : vector<16xi1> -> vector<16xi32>
        %add3A_623 = arith.addi %scan3A_549, %all_reduce_population_count3A : vector<16xi32>
        scf.yield %add3A_623 : vector<16xi32>
      }
      %scan3A_330 = arith.constant 256 : i32
      %add3A_331 = arith.constant 9 : i32
      %add3A_332 = arith.addi %add3A_26, %add3A_331 : i32
      %slice3A_333 = vector.extract_strided_slice %get3A_29 {offsets = [9], sizes = [1], strides = [1]} : vector<16xf32> to vector<1xf32>
      %squeeze3A_334 = vector.extract %slice3A_333[0] : f32 from vector<1xf32>
      %slice3A_335 = vector.extract_strided_slice %get3A_33 {offsets = [9], sizes = [1], strides = [1]} : vector<16xf32> to vector<1xf32>
      %squeeze3A_336 = vector.extract %slice3A_335[0] : f32 from vector<1xf32>
      %slice3A_337 = vector.extract_strided_slice %get3A_37 {offsets = [9], sizes = [1], strides = [1]} : vector<16xf32> to vector<1xf32>
      %squeeze3A_338 = vector.extract %slice3A_337[0] : f32 from vector<1xf32>
      %slice3A_339 = vector.extract_strided_slice %get3A_41 {offsets = [9], sizes = [1], strides = [1]} : vector<16xf32> to vector<1xf32>
      %squeeze3A_340 = vector.extract %slice3A_339[0] : f32 from vector<1xf32>
      %slice3A_341 = vector.extract_strided_slice %get3A_45 {offsets = [9], sizes = [1], strides = [1]} : vector<16xf32> to vector<1xf32>
      %squeeze3A_342 = vector.extract %slice3A_341[0] : f32 from vector<1xf32>
      %slice3A_343 = vector.extract_strided_slice %get3A_49 {offsets = [9], sizes = [1], strides = [1]} : vector<16xf32> to vector<1xf32>
      %squeeze3A_344 = vector.extract %slice3A_343[0] : f32 from vector<1xf32>
      %slice3A_345 = vector.extract_strided_slice %get3A_53 {offsets = [9], sizes = [1], strides = [1]} : vector<16xf32> to vector<1xf32>
      %squeeze3A_346 = vector.extract %slice3A_345[0] : f32 from vector<1xf32>
      %mul3A_347 = arith.constant 16 : i32
      %mul3A_348 = arith.muli %add3A_21, %mul3A_347 : i32
      %add3A_349 = arith.constant 9 : i32
      %add3A_350 = arith.addi %mul3A_348, %add3A_349 : i32
      %mul3A_351 = arith.constant 96 : i32
      %mul3A_352 = arith.muli %add3A_350, %mul3A_351 : i32
      %add3A_353 = arith.constant 96 : i32
      %add3A_354 = arith.addi %mul3A_352, %add3A_353 : i32
      %broadcast_in_dim3A_355 = vector.broadcast %mul3A_352 : i32 to vector<16xi32>
      %scan3A_356 = arith.constant 0 : i32
      %scan3A_357 = arith.constant 256 : i32
      %scan3A_358 = arith.addi %scan3A_356, %scan3A_357 : i32
      %scan3A_359 = arith.constant 1 : i32
      %scan3A_360 = scf.for %scan3A_548 = %scan3A_356 to %scan3A_358 step %scan3A_359 iter_args(%scan3A_549 = %broadcast_in_dim3A_355) -> (vector<16xi32>)  : i32 {
        %mul3A_550 = arith.constant 16 : i32
        %mul3A_551 = arith.muli %scan3A_548, %mul3A_550 : i32
        %get3A_552 = arith.constant 0 : i32
        %get3A_553 = arith.index_cast %get3A_552 : i32 to index
        %get3A_554 = arith.index_cast %mul3A_551 : i32 to index
        %get3A_555 = tpu.vector_load %arg5[%get3A_553, %get3A_554] {strides = array<i32>} : memref<8x4112xf32, #tpu.memory_space<vmem>>, vector<16xf32>,
        %get3A_556 = arith.constant 1 : i32
        %get3A_557 = arith.index_cast %get3A_556 : i32 to index
        %get3A_558 = arith.index_cast %mul3A_551 : i32 to index
        %get3A_559 = tpu.vector_load %arg5[%get3A_557, %get3A_558] {strides = array<i32>} : memref<8x4112xf32, #tpu.memory_space<vmem>>, vector<16xf32>,
        %get3A_560 = arith.constant 2 : i32
        %get3A_561 = arith.index_cast %get3A_560 : i32 to index
        %get3A_562 = arith.index_cast %mul3A_551 : i32 to index
        %get3A_563 = tpu.vector_load %arg5[%get3A_561, %get3A_562] {strides = array<i32>} : memref<8x4112xf32, #tpu.memory_space<vmem>>, vector<16xf32>,
        %get3A_564 = arith.constant 3 : i32
        %get3A_565 = arith.index_cast %get3A_564 : i32 to index
        %get3A_566 = arith.index_cast %mul3A_551 : i32 to index
        %get3A_567 = tpu.vector_load %arg5[%get3A_565, %get3A_566] {strides = array<i32>} : memref<8x4112xf32, #tpu.memory_space<vmem>>, vector<16xf32>,
        %get3A_568 = arith.constant 4 : i32
        %get3A_569 = arith.index_cast %get3A_568 : i32 to index
        %get3A_570 = arith.index_cast %mul3A_551 : i32 to index
        %get3A_571 = tpu.vector_load %arg5[%get3A_569, %get3A_570] {strides = array<i32>} : memref<8x4112xf32, #tpu.memory_space<vmem>>, vector<16xf32>,
        %get3A_572 = arith.constant 5 : i32
        %get3A_573 = arith.index_cast %get3A_572 : i32 to index
        %get3A_574 = arith.index_cast %mul3A_551 : i32 to index
        %get3A_575 = tpu.vector_load %arg5[%get3A_573, %get3A_574] {strides = array<i32>} : memref<8x4112xf32, #tpu.memory_space<vmem>>, vector<16xf32>,
        %get3A_576 = arith.constant 6 : i32
        %get3A_577 = arith.index_cast %get3A_576 : i32 to index
        %get3A_578 = arith.index_cast %mul3A_551 : i32 to index
        %get3A_579 = tpu.vector_load %arg5[%get3A_577, %get3A_578] {strides = array<i32>} : memref<8x4112xf32, #tpu.memory_space<vmem>>, vector<16xf32>,
        %sub3A = vector.broadcast %squeeze3A_334 : f32 to vector<16xf32>
        %sub3A_580 = arith.subf %get3A_555, %sub3A : vector<16xf32>
        %sub3A_581 = vector.broadcast %squeeze3A_336 : f32 to vector<16xf32>
        %sub3A_582 = arith.subf %get3A_559, %sub3A_581 : vector<16xf32>
        %sub3A_583 = vector.broadcast %squeeze3A_338 : f32 to vector<16xf32>
        %sub3A_584 = arith.subf %get3A_563, %sub3A_583 : vector<16xf32>
        %mul3A_585 = arith.mulf %sub3A_580, %sub3A_580 : vector<16xf32>
        %mul3A_586 = arith.mulf %sub3A_582, %sub3A_582 : vector<16xf32>
        %add3A_587 = arith.addf %mul3A_585, %mul3A_586 : vector<16xf32>
        %mul3A_588 = arith.mulf %sub3A_584, %sub3A_584 : vector<16xf32>
        %add3A_589 = arith.addf %add3A_587, %mul3A_588 : vector<16xf32>
        %mul3A_590 = vector.broadcast %squeeze3A_340 : f32 to vector<16xf32>
        %mul3A_591 = arith.mulf %get3A_567, %mul3A_590 : vector<16xf32>
        %mul3A_592 = vector.broadcast %squeeze3A_342 : f32 to vector<16xf32>
        %mul3A_593 = arith.mulf %get3A_571, %mul3A_592 : vector<16xf32>
        %add3A_594 = arith.addf %mul3A_591, %mul3A_593 : vector<16xf32>
        %mul3A_595 = vector.broadcast %squeeze3A_344 : f32 to vector<16xf32>
        %mul3A_596 = arith.mulf %get3A_575, %mul3A_595 : vector<16xf32>
        %add3A_597 = arith.addf %add3A_594, %mul3A_596 : vector<16xf32>
        %add3A_598 = vector.broadcast %squeeze3A_346 : f32 to vector<16xf32>
        %add3A_599 = arith.addf %get3A_579, %add3A_598 : vector<16xf32>
        %mul3A_600 = arith.constant 2.000000e+00 : f32
        %mul3A_601 = vector.broadcast %mul3A_600 : f32 to vector<16xf32>
        %mul3A_602 = arith.mulf %mul3A_601, %add3A_597 : vector<16xf32>
        %sub3A_603 = arith.subf %add3A_599, %mul3A_602 : vector<16xf32>
        %mul3A_604 = arith.constant 16 : i32
        %mul3A_605 = arith.muli %scan3A_548, %mul3A_604 : i32
        %add3A_606 = vector.broadcast %mul3A_605 : i32 to vector<16xi32>
        %add3A_607 = arith.addi %add3A_606, %iota3A : vector<16xi32>
        %lt3A = arith.constant 1.000000e+02 : f32
        %lt3A_608 = vector.broadcast %lt3A : f32 to vector<16xf32>
        %lt3A_609 = arith.cmpf olt, %sub3A_603, %lt3A_608 : vector<16xf32>
        %ne3A = vector.broadcast %add3A_332 : i32 to vector<16xi32>
        %ne3A_610 = arith.cmpi ne, %add3A_607, %ne3A : vector<16xi32>
        %and3A = arith.andi %lt3A_609, %ne3A_610 : vector<16xi1>
        %jit3A = arith.constant 1 : i32
        %jit3A_611 = arith.constant 0 : i32
        %broadcast_in_dim3A_612 = vector.broadcast %jit3A : i32 to vector<16xi32>
        %broadcast_in_dim3A_613 = vector.broadcast %jit3A_611 : i32 to vector<16xi32>
        %select_n3A = arith.select %and3A, %broadcast_in_dim3A_612, %broadcast_in_dim3A_613 : vector<16xi1>, vector<16xi32>
        %broadcast_in_dim3A_614 = arith.constant true
        %broadcast_in_dim3A_615 = vector.broadcast %broadcast_in_dim3A_614 : i1 to vector<16xi1>
        %masked_cumsum3A = tpu.scan <sum>, %select_n3A masked %broadcast_in_dim3A_615 : vector<16xi32>, vector<16xi1> -> vector<16xi32>
        %add3A_616 = arith.addi %scan3A_549, %masked_cumsum3A : vector<16xi32>
        %sub3A_617 = arith.constant 1 : i32
        %sub3A_618 = vector.broadcast %sub3A_617 : i32 to vector<16xi32>
        %sub3A_619 = arith.subi %add3A_616, %sub3A_618 : vector<16xi32>
        %lt3A_620 = vector.broadcast %add3A_354 : i32 to vector<16xi32>
        %lt3A_621 = arith.cmpi slt, %sub3A_619, %lt3A_620 : vector<16xi32>
        %and3A_622 = arith.andi %and3A, %lt3A_621 : vector<16xi1>
        tpu.vector_store_idx %arg6[%sub3A_619], %add3A_607 masked %and3A_622 : memref<12288xi32, #tpu.memory_space<vmem>>[vector<16xi32>], vector<16xi32>, vector<16xi1>
        tpu.vector_store_idx %arg7[%sub3A_619], %add3A_589 masked %and3A_622 : memref<12288xf32, #tpu.memory_space<vmem>>[vector<16xi32>], vector<16xf32>, vector<16xi1>
        %all_reduce_population_count3A = tpu.all_reduce %and3A_622 {dim = 0 : i64, kind = #tpu.reduction_kind<sum>} : vector<16xi1> -> vector<16xi32>
        %add3A_623 = arith.addi %scan3A_549, %all_reduce_population_count3A : vector<16xi32>
        scf.yield %add3A_623 : vector<16xi32>
      }
      %scan3A_361 = arith.constant 256 : i32
      %add3A_362 = arith.constant 10 : i32
      %add3A_363 = arith.addi %add3A_26, %add3A_362 : i32
      %slice3A_364 = vector.extract_strided_slice %get3A_29 {offsets = [10], sizes = [1], strides = [1]} : vector<16xf32> to vector<1xf32>
      %squeeze3A_365 = vector.extract %slice3A_364[0] : f32 from vector<1xf32>
      %slice3A_366 = vector.extract_strided_slice %get3A_33 {offsets = [10], sizes = [1], strides = [1]} : vector<16xf32> to vector<1xf32>
      %squeeze3A_367 = vector.extract %slice3A_366[0] : f32 from vector<1xf32>
      %slice3A_368 = vector.extract_strided_slice %get3A_37 {offsets = [10], sizes = [1], strides = [1]} : vector<16xf32> to vector<1xf32>
      %squeeze3A_369 = vector.extract %slice3A_368[0] : f32 from vector<1xf32>
      %slice3A_370 = vector.extract_strided_slice %get3A_41 {offsets = [10], sizes = [1], strides = [1]} : vector<16xf32> to vector<1xf32>
      %squeeze3A_371 = vector.extract %slice3A_370[0] : f32 from vector<1xf32>
      %slice3A_372 = vector.extract_strided_slice %get3A_45 {offsets = [10], sizes = [1], strides = [1]} : vector<16xf32> to vector<1xf32>
      %squeeze3A_373 = vector.extract %slice3A_372[0] : f32 from vector<1xf32>
      %slice3A_374 = vector.extract_strided_slice %get3A_49 {offsets = [10], sizes = [1], strides = [1]} : vector<16xf32> to vector<1xf32>
      %squeeze3A_375 = vector.extract %slice3A_374[0] : f32 from vector<1xf32>
      %slice3A_376 = vector.extract_strided_slice %get3A_53 {offsets = [10], sizes = [1], strides = [1]} : vector<16xf32> to vector<1xf32>
      %squeeze3A_377 = vector.extract %slice3A_376[0] : f32 from vector<1xf32>
      %mul3A_378 = arith.constant 16 : i32
      %mul3A_379 = arith.muli %add3A_21, %mul3A_378 : i32
      %add3A_380 = arith.constant 10 : i32
      %add3A_381 = arith.addi %mul3A_379, %add3A_380 : i32
      %mul3A_382 = arith.constant 96 : i32
      %mul3A_383 = arith.muli %add3A_381, %mul3A_382 : i32
      %add3A_384 = arith.constant 96 : i32
      %add3A_385 = arith.addi %mul3A_383, %add3A_384 : i32
      %broadcast_in_dim3A_386 = vector.broadcast %mul3A_383 : i32 to vector<16xi32>
      %scan3A_387 = arith.constant 0 : i32
      %scan3A_388 = arith.constant 256 : i32
      %scan3A_389 = arith.addi %scan3A_387, %scan3A_388 : i32
      %scan3A_390 = arith.constant 1 : i32
      %scan3A_391 = scf.for %scan3A_548 = %scan3A_387 to %scan3A_389 step %scan3A_390 iter_args(%scan3A_549 = %broadcast_in_dim3A_386) -> (vector<16xi32>)  : i32 {
        %mul3A_550 = arith.constant 16 : i32
        %mul3A_551 = arith.muli %scan3A_548, %mul3A_550 : i32
        %get3A_552 = arith.constant 0 : i32
        %get3A_553 = arith.index_cast %get3A_552 : i32 to index
        %get3A_554 = arith.index_cast %mul3A_551 : i32 to index
        %get3A_555 = tpu.vector_load %arg5[%get3A_553, %get3A_554] {strides = array<i32>} : memref<8x4112xf32, #tpu.memory_space<vmem>>, vector<16xf32>,
        %get3A_556 = arith.constant 1 : i32
        %get3A_557 = arith.index_cast %get3A_556 : i32 to index
        %get3A_558 = arith.index_cast %mul3A_551 : i32 to index
        %get3A_559 = tpu.vector_load %arg5[%get3A_557, %get3A_558] {strides = array<i32>} : memref<8x4112xf32, #tpu.memory_space<vmem>>, vector<16xf32>,
        %get3A_560 = arith.constant 2 : i32
        %get3A_561 = arith.index_cast %get3A_560 : i32 to index
        %get3A_562 = arith.index_cast %mul3A_551 : i32 to index
        %get3A_563 = tpu.vector_load %arg5[%get3A_561, %get3A_562] {strides = array<i32>} : memref<8x4112xf32, #tpu.memory_space<vmem>>, vector<16xf32>,
        %get3A_564 = arith.constant 3 : i32
        %get3A_565 = arith.index_cast %get3A_564 : i32 to index
        %get3A_566 = arith.index_cast %mul3A_551 : i32 to index
        %get3A_567 = tpu.vector_load %arg5[%get3A_565, %get3A_566] {strides = array<i32>} : memref<8x4112xf32, #tpu.memory_space<vmem>>, vector<16xf32>,
        %get3A_568 = arith.constant 4 : i32
        %get3A_569 = arith.index_cast %get3A_568 : i32 to index
        %get3A_570 = arith.index_cast %mul3A_551 : i32 to index
        %get3A_571 = tpu.vector_load %arg5[%get3A_569, %get3A_570] {strides = array<i32>} : memref<8x4112xf32, #tpu.memory_space<vmem>>, vector<16xf32>,
        %get3A_572 = arith.constant 5 : i32
        %get3A_573 = arith.index_cast %get3A_572 : i32 to index
        %get3A_574 = arith.index_cast %mul3A_551 : i32 to index
        %get3A_575 = tpu.vector_load %arg5[%get3A_573, %get3A_574] {strides = array<i32>} : memref<8x4112xf32, #tpu.memory_space<vmem>>, vector<16xf32>,
        %get3A_576 = arith.constant 6 : i32
        %get3A_577 = arith.index_cast %get3A_576 : i32 to index
        %get3A_578 = arith.index_cast %mul3A_551 : i32 to index
        %get3A_579 = tpu.vector_load %arg5[%get3A_577, %get3A_578] {strides = array<i32>} : memref<8x4112xf32, #tpu.memory_space<vmem>>, vector<16xf32>,
        %sub3A = vector.broadcast %squeeze3A_365 : f32 to vector<16xf32>
        %sub3A_580 = arith.subf %get3A_555, %sub3A : vector<16xf32>
        %sub3A_581 = vector.broadcast %squeeze3A_367 : f32 to vector<16xf32>
        %sub3A_582 = arith.subf %get3A_559, %sub3A_581 : vector<16xf32>
        %sub3A_583 = vector.broadcast %squeeze3A_369 : f32 to vector<16xf32>
        %sub3A_584 = arith.subf %get3A_563, %sub3A_583 : vector<16xf32>
        %mul3A_585 = arith.mulf %sub3A_580, %sub3A_580 : vector<16xf32>
        %mul3A_586 = arith.mulf %sub3A_582, %sub3A_582 : vector<16xf32>
        %add3A_587 = arith.addf %mul3A_585, %mul3A_586 : vector<16xf32>
        %mul3A_588 = arith.mulf %sub3A_584, %sub3A_584 : vector<16xf32>
        %add3A_589 = arith.addf %add3A_587, %mul3A_588 : vector<16xf32>
        %mul3A_590 = vector.broadcast %squeeze3A_371 : f32 to vector<16xf32>
        %mul3A_591 = arith.mulf %get3A_567, %mul3A_590 : vector<16xf32>
        %mul3A_592 = vector.broadcast %squeeze3A_373 : f32 to vector<16xf32>
        %mul3A_593 = arith.mulf %get3A_571, %mul3A_592 : vector<16xf32>
        %add3A_594 = arith.addf %mul3A_591, %mul3A_593 : vector<16xf32>
        %mul3A_595 = vector.broadcast %squeeze3A_375 : f32 to vector<16xf32>
        %mul3A_596 = arith.mulf %get3A_575, %mul3A_595 : vector<16xf32>
        %add3A_597 = arith.addf %add3A_594, %mul3A_596 : vector<16xf32>
        %add3A_598 = vector.broadcast %squeeze3A_377 : f32 to vector<16xf32>
        %add3A_599 = arith.addf %get3A_579, %add3A_598 : vector<16xf32>
        %mul3A_600 = arith.constant 2.000000e+00 : f32
        %mul3A_601 = vector.broadcast %mul3A_600 : f32 to vector<16xf32>
        %mul3A_602 = arith.mulf %mul3A_601, %add3A_597 : vector<16xf32>
        %sub3A_603 = arith.subf %add3A_599, %mul3A_602 : vector<16xf32>
        %mul3A_604 = arith.constant 16 : i32
        %mul3A_605 = arith.muli %scan3A_548, %mul3A_604 : i32
        %add3A_606 = vector.broadcast %mul3A_605 : i32 to vector<16xi32>
        %add3A_607 = arith.addi %add3A_606, %iota3A : vector<16xi32>
        %lt3A = arith.constant 1.000000e+02 : f32
        %lt3A_608 = vector.broadcast %lt3A : f32 to vector<16xf32>
        %lt3A_609 = arith.cmpf olt, %sub3A_603, %lt3A_608 : vector<16xf32>
        %ne3A = vector.broadcast %add3A_363 : i32 to vector<16xi32>
        %ne3A_610 = arith.cmpi ne, %add3A_607, %ne3A : vector<16xi32>
        %and3A = arith.andi %lt3A_609, %ne3A_610 : vector<16xi1>
        %jit3A = arith.constant 1 : i32
        %jit3A_611 = arith.constant 0 : i32
        %broadcast_in_dim3A_612 = vector.broadcast %jit3A : i32 to vector<16xi32>
        %broadcast_in_dim3A_613 = vector.broadcast %jit3A_611 : i32 to vector<16xi32>
        %select_n3A = arith.select %and3A, %broadcast_in_dim3A_612, %broadcast_in_dim3A_613 : vector<16xi1>, vector<16xi32>
        %broadcast_in_dim3A_614 = arith.constant true
        %broadcast_in_dim3A_615 = vector.broadcast %broadcast_in_dim3A_614 : i1 to vector<16xi1>
        %masked_cumsum3A = tpu.scan <sum>, %select_n3A masked %broadcast_in_dim3A_615 : vector<16xi32>, vector<16xi1> -> vector<16xi32>
        %add3A_616 = arith.addi %scan3A_549, %masked_cumsum3A : vector<16xi32>
        %sub3A_617 = arith.constant 1 : i32
        %sub3A_618 = vector.broadcast %sub3A_617 : i32 to vector<16xi32>
        %sub3A_619 = arith.subi %add3A_616, %sub3A_618 : vector<16xi32>
        %lt3A_620 = vector.broadcast %add3A_385 : i32 to vector<16xi32>
        %lt3A_621 = arith.cmpi slt, %sub3A_619, %lt3A_620 : vector<16xi32>
        %and3A_622 = arith.andi %and3A, %lt3A_621 : vector<16xi1>
        tpu.vector_store_idx %arg6[%sub3A_619], %add3A_607 masked %and3A_622 : memref<12288xi32, #tpu.memory_space<vmem>>[vector<16xi32>], vector<16xi32>, vector<16xi1>
        tpu.vector_store_idx %arg7[%sub3A_619], %add3A_589 masked %and3A_622 : memref<12288xf32, #tpu.memory_space<vmem>>[vector<16xi32>], vector<16xf32>, vector<16xi1>
        %all_reduce_population_count3A = tpu.all_reduce %and3A_622 {dim = 0 : i64, kind = #tpu.reduction_kind<sum>} : vector<16xi1> -> vector<16xi32>
        %add3A_623 = arith.addi %scan3A_549, %all_reduce_population_count3A : vector<16xi32>
        scf.yield %add3A_623 : vector<16xi32>
      }
      %scan3A_392 = arith.constant 256 : i32
      %add3A_393 = arith.constant 11 : i32
      %add3A_394 = arith.addi %add3A_26, %add3A_393 : i32
      %slice3A_395 = vector.extract_strided_slice %get3A_29 {offsets = [11], sizes = [1], strides = [1]} : vector<16xf32> to vector<1xf32>
      %squeeze3A_396 = vector.extract %slice3A_395[0] : f32 from vector<1xf32>
      %slice3A_397 = vector.extract_strided_slice %get3A_33 {offsets = [11], sizes = [1], strides = [1]} : vector<16xf32> to vector<1xf32>
      %squeeze3A_398 = vector.extract %slice3A_397[0] : f32 from vector<1xf32>
      %slice3A_399 = vector.extract_strided_slice %get3A_37 {offsets = [11], sizes = [1], strides = [1]} : vector<16xf32> to vector<1xf32>
      %squeeze3A_400 = vector.extract %slice3A_399[0] : f32 from vector<1xf32>
      %slice3A_401 = vector.extract_strided_slice %get3A_41 {offsets = [11], sizes = [1], strides = [1]} : vector<16xf32> to vector<1xf32>
      %squeeze3A_402 = vector.extract %slice3A_401[0] : f32 from vector<1xf32>
      %slice3A_403 = vector.extract_strided_slice %get3A_45 {offsets = [11], sizes = [1], strides = [1]} : vector<16xf32> to vector<1xf32>
      %squeeze3A_404 = vector.extract %slice3A_403[0] : f32 from vector<1xf32>
      %slice3A_405 = vector.extract_strided_slice %get3A_49 {offsets = [11], sizes = [1], strides = [1]} : vector<16xf32> to vector<1xf32>
      %squeeze3A_406 = vector.extract %slice3A_405[0] : f32 from vector<1xf32>
      %slice3A_407 = vector.extract_strided_slice %get3A_53 {offsets = [11], sizes = [1], strides = [1]} : vector<16xf32> to vector<1xf32>
      %squeeze3A_408 = vector.extract %slice3A_407[0] : f32 from vector<1xf32>
      %mul3A_409 = arith.constant 16 : i32
      %mul3A_410 = arith.muli %add3A_21, %mul3A_409 : i32
      %add3A_411 = arith.constant 11 : i32
      %add3A_412 = arith.addi %mul3A_410, %add3A_411 : i32
      %mul3A_413 = arith.constant 96 : i32
      %mul3A_414 = arith.muli %add3A_412, %mul3A_413 : i32
      %add3A_415 = arith.constant 96 : i32
      %add3A_416 = arith.addi %mul3A_414, %add3A_415 : i32
      %broadcast_in_dim3A_417 = vector.broadcast %mul3A_414 : i32 to vector<16xi32>
      %scan3A_418 = arith.constant 0 : i32
      %scan3A_419 = arith.constant 256 : i32
      %scan3A_420 = arith.addi %scan3A_418, %scan3A_419 : i32
      %scan3A_421 = arith.constant 1 : i32
      %scan3A_422 = scf.for %scan3A_548 = %scan3A_418 to %scan3A_420 step %scan3A_421 iter_args(%scan3A_549 = %broadcast_in_dim3A_417) -> (vector<16xi32>)  : i32 {
        %mul3A_550 = arith.constant 16 : i32
        %mul3A_551 = arith.muli %scan3A_548, %mul3A_550 : i32
        %get3A_552 = arith.constant 0 : i32
        %get3A_553 = arith.index_cast %get3A_552 : i32 to index
        %get3A_554 = arith.index_cast %mul3A_551 : i32 to index
        %get3A_555 = tpu.vector_load %arg5[%get3A_553, %get3A_554] {strides = array<i32>} : memref<8x4112xf32, #tpu.memory_space<vmem>>, vector<16xf32>,
        %get3A_556 = arith.constant 1 : i32
        %get3A_557 = arith.index_cast %get3A_556 : i32 to index
        %get3A_558 = arith.index_cast %mul3A_551 : i32 to index
        %get3A_559 = tpu.vector_load %arg5[%get3A_557, %get3A_558] {strides = array<i32>} : memref<8x4112xf32, #tpu.memory_space<vmem>>, vector<16xf32>,
        %get3A_560 = arith.constant 2 : i32
        %get3A_561 = arith.index_cast %get3A_560 : i32 to index
        %get3A_562 = arith.index_cast %mul3A_551 : i32 to index
        %get3A_563 = tpu.vector_load %arg5[%get3A_561, %get3A_562] {strides = array<i32>} : memref<8x4112xf32, #tpu.memory_space<vmem>>, vector<16xf32>,
        %get3A_564 = arith.constant 3 : i32
        %get3A_565 = arith.index_cast %get3A_564 : i32 to index
        %get3A_566 = arith.index_cast %mul3A_551 : i32 to index
        %get3A_567 = tpu.vector_load %arg5[%get3A_565, %get3A_566] {strides = array<i32>} : memref<8x4112xf32, #tpu.memory_space<vmem>>, vector<16xf32>,
        %get3A_568 = arith.constant 4 : i32
        %get3A_569 = arith.index_cast %get3A_568 : i32 to index
        %get3A_570 = arith.index_cast %mul3A_551 : i32 to index
        %get3A_571 = tpu.vector_load %arg5[%get3A_569, %get3A_570] {strides = array<i32>} : memref<8x4112xf32, #tpu.memory_space<vmem>>, vector<16xf32>,
        %get3A_572 = arith.constant 5 : i32
        %get3A_573 = arith.index_cast %get3A_572 : i32 to index
        %get3A_574 = arith.index_cast %mul3A_551 : i32 to index
        %get3A_575 = tpu.vector_load %arg5[%get3A_573, %get3A_574] {strides = array<i32>} : memref<8x4112xf32, #tpu.memory_space<vmem>>, vector<16xf32>,
        %get3A_576 = arith.constant 6 : i32
        %get3A_577 = arith.index_cast %get3A_576 : i32 to index
        %get3A_578 = arith.index_cast %mul3A_551 : i32 to index
        %get3A_579 = tpu.vector_load %arg5[%get3A_577, %get3A_578] {strides = array<i32>} : memref<8x4112xf32, #tpu.memory_space<vmem>>, vector<16xf32>,
        %sub3A = vector.broadcast %squeeze3A_396 : f32 to vector<16xf32>
        %sub3A_580 = arith.subf %get3A_555, %sub3A : vector<16xf32>
        %sub3A_581 = vector.broadcast %squeeze3A_398 : f32 to vector<16xf32>
        %sub3A_582 = arith.subf %get3A_559, %sub3A_581 : vector<16xf32>
        %sub3A_583 = vector.broadcast %squeeze3A_400 : f32 to vector<16xf32>
        %sub3A_584 = arith.subf %get3A_563, %sub3A_583 : vector<16xf32>
        %mul3A_585 = arith.mulf %sub3A_580, %sub3A_580 : vector<16xf32>
        %mul3A_586 = arith.mulf %sub3A_582, %sub3A_582 : vector<16xf32>
        %add3A_587 = arith.addf %mul3A_585, %mul3A_586 : vector<16xf32>
        %mul3A_588 = arith.mulf %sub3A_584, %sub3A_584 : vector<16xf32>
        %add3A_589 = arith.addf %add3A_587, %mul3A_588 : vector<16xf32>
        %mul3A_590 = vector.broadcast %squeeze3A_402 : f32 to vector<16xf32>
        %mul3A_591 = arith.mulf %get3A_567, %mul3A_590 : vector<16xf32>
        %mul3A_592 = vector.broadcast %squeeze3A_404 : f32 to vector<16xf32>
        %mul3A_593 = arith.mulf %get3A_571, %mul3A_592 : vector<16xf32>
        %add3A_594 = arith.addf %mul3A_591, %mul3A_593 : vector<16xf32>
        %mul3A_595 = vector.broadcast %squeeze3A_406 : f32 to vector<16xf32>
        %mul3A_596 = arith.mulf %get3A_575, %mul3A_595 : vector<16xf32>
        %add3A_597 = arith.addf %add3A_594, %mul3A_596 : vector<16xf32>
        %add3A_598 = vector.broadcast %squeeze3A_408 : f32 to vector<16xf32>
        %add3A_599 = arith.addf %get3A_579, %add3A_598 : vector<16xf32>
        %mul3A_600 = arith.constant 2.000000e+00 : f32
        %mul3A_601 = vector.broadcast %mul3A_600 : f32 to vector<16xf32>
        %mul3A_602 = arith.mulf %mul3A_601, %add3A_597 : vector<16xf32>
        %sub3A_603 = arith.subf %add3A_599, %mul3A_602 : vector<16xf32>
        %mul3A_604 = arith.constant 16 : i32
        %mul3A_605 = arith.muli %scan3A_548, %mul3A_604 : i32
        %add3A_606 = vector.broadcast %mul3A_605 : i32 to vector<16xi32>
        %add3A_607 = arith.addi %add3A_606, %iota3A : vector<16xi32>
        %lt3A = arith.constant 1.000000e+02 : f32
        %lt3A_608 = vector.broadcast %lt3A : f32 to vector<16xf32>
        %lt3A_609 = arith.cmpf olt, %sub3A_603, %lt3A_608 : vector<16xf32>
        %ne3A = vector.broadcast %add3A_394 : i32 to vector<16xi32>
        %ne3A_610 = arith.cmpi ne, %add3A_607, %ne3A : vector<16xi32>
        %and3A = arith.andi %lt3A_609, %ne3A_610 : vector<16xi1>
        %jit3A = arith.constant 1 : i32
        %jit3A_611 = arith.constant 0 : i32
        %broadcast_in_dim3A_612 = vector.broadcast %jit3A : i32 to vector<16xi32>
        %broadcast_in_dim3A_613 = vector.broadcast %jit3A_611 : i32 to vector<16xi32>
        %select_n3A = arith.select %and3A, %broadcast_in_dim3A_612, %broadcast_in_dim3A_613 : vector<16xi1>, vector<16xi32>
        %broadcast_in_dim3A_614 = arith.constant true
        %broadcast_in_dim3A_615 = vector.broadcast %broadcast_in_dim3A_614 : i1 to vector<16xi1>
        %masked_cumsum3A = tpu.scan <sum>, %select_n3A masked %broadcast_in_dim3A_615 : vector<16xi32>, vector<16xi1> -> vector<16xi32>
        %add3A_616 = arith.addi %scan3A_549, %masked_cumsum3A : vector<16xi32>
        %sub3A_617 = arith.constant 1 : i32
        %sub3A_618 = vector.broadcast %sub3A_617 : i32 to vector<16xi32>
        %sub3A_619 = arith.subi %add3A_616, %sub3A_618 : vector<16xi32>
        %lt3A_620 = vector.broadcast %add3A_416 : i32 to vector<16xi32>
        %lt3A_621 = arith.cmpi slt, %sub3A_619, %lt3A_620 : vector<16xi32>
        %and3A_622 = arith.andi %and3A, %lt3A_621 : vector<16xi1>
        tpu.vector_store_idx %arg6[%sub3A_619], %add3A_607 masked %and3A_622 : memref<12288xi32, #tpu.memory_space<vmem>>[vector<16xi32>], vector<16xi32>, vector<16xi1>
        tpu.vector_store_idx %arg7[%sub3A_619], %add3A_589 masked %and3A_622 : memref<12288xf32, #tpu.memory_space<vmem>>[vector<16xi32>], vector<16xf32>, vector<16xi1>
        %all_reduce_population_count3A = tpu.all_reduce %and3A_622 {dim = 0 : i64, kind = #tpu.reduction_kind<sum>} : vector<16xi1> -> vector<16xi32>
        %add3A_623 = arith.addi %scan3A_549, %all_reduce_population_count3A : vector<16xi32>
        scf.yield %add3A_623 : vector<16xi32>
      }
      %scan3A_423 = arith.constant 256 : i32
      %add3A_424 = arith.constant 12 : i32
      %add3A_425 = arith.addi %add3A_26, %add3A_424 : i32
      %slice3A_426 = vector.extract_strided_slice %get3A_29 {offsets = [12], sizes = [1], strides = [1]} : vector<16xf32> to vector<1xf32>
      %squeeze3A_427 = vector.extract %slice3A_426[0] : f32 from vector<1xf32>
      %slice3A_428 = vector.extract_strided_slice %get3A_33 {offsets = [12], sizes = [1], strides = [1]} : vector<16xf32> to vector<1xf32>
      %squeeze3A_429 = vector.extract %slice3A_428[0] : f32 from vector<1xf32>
      %slice3A_430 = vector.extract_strided_slice %get3A_37 {offsets = [12], sizes = [1], strides = [1]} : vector<16xf32> to vector<1xf32>
      %squeeze3A_431 = vector.extract %slice3A_430[0] : f32 from vector<1xf32>
      %slice3A_432 = vector.extract_strided_slice %get3A_41 {offsets = [12], sizes = [1], strides = [1]} : vector<16xf32> to vector<1xf32>
      %squeeze3A_433 = vector.extract %slice3A_432[0] : f32 from vector<1xf32>
      %slice3A_434 = vector.extract_strided_slice %get3A_45 {offsets = [12], sizes = [1], strides = [1]} : vector<16xf32> to vector<1xf32>
      %squeeze3A_435 = vector.extract %slice3A_434[0] : f32 from vector<1xf32>
      %slice3A_436 = vector.extract_strided_slice %get3A_49 {offsets = [12], sizes = [1], strides = [1]} : vector<16xf32> to vector<1xf32>
      %squeeze3A_437 = vector.extract %slice3A_436[0] : f32 from vector<1xf32>
      %slice3A_438 = vector.extract_strided_slice %get3A_53 {offsets = [12], sizes = [1], strides = [1]} : vector<16xf32> to vector<1xf32>
      %squeeze3A_439 = vector.extract %slice3A_438[0] : f32 from vector<1xf32>
      %mul3A_440 = arith.constant 16 : i32
      %mul3A_441 = arith.muli %add3A_21, %mul3A_440 : i32
      %add3A_442 = arith.constant 12 : i32
      %add3A_443 = arith.addi %mul3A_441, %add3A_442 : i32
      %mul3A_444 = arith.constant 96 : i32
      %mul3A_445 = arith.muli %add3A_443, %mul3A_444 : i32
      %add3A_446 = arith.constant 96 : i32
      %add3A_447 = arith.addi %mul3A_445, %add3A_446 : i32
      %broadcast_in_dim3A_448 = vector.broadcast %mul3A_445 : i32 to vector<16xi32>
      %scan3A_449 = arith.constant 0 : i32
      %scan3A_450 = arith.constant 256 : i32
      %scan3A_451 = arith.addi %scan3A_449, %scan3A_450 : i32
      %scan3A_452 = arith.constant 1 : i32
      %scan3A_453 = scf.for %scan3A_548 = %scan3A_449 to %scan3A_451 step %scan3A_452 iter_args(%scan3A_549 = %broadcast_in_dim3A_448) -> (vector<16xi32>)  : i32 {
        %mul3A_550 = arith.constant 16 : i32
        %mul3A_551 = arith.muli %scan3A_548, %mul3A_550 : i32
        %get3A_552 = arith.constant 0 : i32
        %get3A_553 = arith.index_cast %get3A_552 : i32 to index
        %get3A_554 = arith.index_cast %mul3A_551 : i32 to index
        %get3A_555 = tpu.vector_load %arg5[%get3A_553, %get3A_554] {strides = array<i32>} : memref<8x4112xf32, #tpu.memory_space<vmem>>, vector<16xf32>,
        %get3A_556 = arith.constant 1 : i32
        %get3A_557 = arith.index_cast %get3A_556 : i32 to index
        %get3A_558 = arith.index_cast %mul3A_551 : i32 to index
        %get3A_559 = tpu.vector_load %arg5[%get3A_557, %get3A_558] {strides = array<i32>} : memref<8x4112xf32, #tpu.memory_space<vmem>>, vector<16xf32>,
        %get3A_560 = arith.constant 2 : i32
        %get3A_561 = arith.index_cast %get3A_560 : i32 to index
        %get3A_562 = arith.index_cast %mul3A_551 : i32 to index
        %get3A_563 = tpu.vector_load %arg5[%get3A_561, %get3A_562] {strides = array<i32>} : memref<8x4112xf32, #tpu.memory_space<vmem>>, vector<16xf32>,
        %get3A_564 = arith.constant 3 : i32
        %get3A_565 = arith.index_cast %get3A_564 : i32 to index
        %get3A_566 = arith.index_cast %mul3A_551 : i32 to index
        %get3A_567 = tpu.vector_load %arg5[%get3A_565, %get3A_566] {strides = array<i32>} : memref<8x4112xf32, #tpu.memory_space<vmem>>, vector<16xf32>,
        %get3A_568 = arith.constant 4 : i32
        %get3A_569 = arith.index_cast %get3A_568 : i32 to index
        %get3A_570 = arith.index_cast %mul3A_551 : i32 to index
        %get3A_571 = tpu.vector_load %arg5[%get3A_569, %get3A_570] {strides = array<i32>} : memref<8x4112xf32, #tpu.memory_space<vmem>>, vector<16xf32>,
        %get3A_572 = arith.constant 5 : i32
        %get3A_573 = arith.index_cast %get3A_572 : i32 to index
        %get3A_574 = arith.index_cast %mul3A_551 : i32 to index
        %get3A_575 = tpu.vector_load %arg5[%get3A_573, %get3A_574] {strides = array<i32>} : memref<8x4112xf32, #tpu.memory_space<vmem>>, vector<16xf32>,
        %get3A_576 = arith.constant 6 : i32
        %get3A_577 = arith.index_cast %get3A_576 : i32 to index
        %get3A_578 = arith.index_cast %mul3A_551 : i32 to index
        %get3A_579 = tpu.vector_load %arg5[%get3A_577, %get3A_578] {strides = array<i32>} : memref<8x4112xf32, #tpu.memory_space<vmem>>, vector<16xf32>,
        %sub3A = vector.broadcast %squeeze3A_427 : f32 to vector<16xf32>
        %sub3A_580 = arith.subf %get3A_555, %sub3A : vector<16xf32>
        %sub3A_581 = vector.broadcast %squeeze3A_429 : f32 to vector<16xf32>
        %sub3A_582 = arith.subf %get3A_559, %sub3A_581 : vector<16xf32>
        %sub3A_583 = vector.broadcast %squeeze3A_431 : f32 to vector<16xf32>
        %sub3A_584 = arith.subf %get3A_563, %sub3A_583 : vector<16xf32>
        %mul3A_585 = arith.mulf %sub3A_580, %sub3A_580 : vector<16xf32>
        %mul3A_586 = arith.mulf %sub3A_582, %sub3A_582 : vector<16xf32>
        %add3A_587 = arith.addf %mul3A_585, %mul3A_586 : vector<16xf32>
        %mul3A_588 = arith.mulf %sub3A_584, %sub3A_584 : vector<16xf32>
        %add3A_589 = arith.addf %add3A_587, %mul3A_588 : vector<16xf32>
        %mul3A_590 = vector.broadcast %squeeze3A_433 : f32 to vector<16xf32>
        %mul3A_591 = arith.mulf %get3A_567, %mul3A_590 : vector<16xf32>
        %mul3A_592 = vector.broadcast %squeeze3A_435 : f32 to vector<16xf32>
        %mul3A_593 = arith.mulf %get3A_571, %mul3A_592 : vector<16xf32>
        %add3A_594 = arith.addf %mul3A_591, %mul3A_593 : vector<16xf32>
        %mul3A_595 = vector.broadcast %squeeze3A_437 : f32 to vector<16xf32>
        %mul3A_596 = arith.mulf %get3A_575, %mul3A_595 : vector<16xf32>
        %add3A_597 = arith.addf %add3A_594, %mul3A_596 : vector<16xf32>
        %add3A_598 = vector.broadcast %squeeze3A_439 : f32 to vector<16xf32>
        %add3A_599 = arith.addf %get3A_579, %add3A_598 : vector<16xf32>
        %mul3A_600 = arith.constant 2.000000e+00 : f32
        %mul3A_601 = vector.broadcast %mul3A_600 : f32 to vector<16xf32>
        %mul3A_602 = arith.mulf %mul3A_601, %add3A_597 : vector<16xf32>
        %sub3A_603 = arith.subf %add3A_599, %mul3A_602 : vector<16xf32>
        %mul3A_604 = arith.constant 16 : i32
        %mul3A_605 = arith.muli %scan3A_548, %mul3A_604 : i32
        %add3A_606 = vector.broadcast %mul3A_605 : i32 to vector<16xi32>
        %add3A_607 = arith.addi %add3A_606, %iota3A : vector<16xi32>
        %lt3A = arith.constant 1.000000e+02 : f32
        %lt3A_608 = vector.broadcast %lt3A : f32 to vector<16xf32>
        %lt3A_609 = arith.cmpf olt, %sub3A_603, %lt3A_608 : vector<16xf32>
        %ne3A = vector.broadcast %add3A_425 : i32 to vector<16xi32>
        %ne3A_610 = arith.cmpi ne, %add3A_607, %ne3A : vector<16xi32>
        %and3A = arith.andi %lt3A_609, %ne3A_610 : vector<16xi1>
        %jit3A = arith.constant 1 : i32
        %jit3A_611 = arith.constant 0 : i32
        %broadcast_in_dim3A_612 = vector.broadcast %jit3A : i32 to vector<16xi32>
        %broadcast_in_dim3A_613 = vector.broadcast %jit3A_611 : i32 to vector<16xi32>
        %select_n3A = arith.select %and3A, %broadcast_in_dim3A_612, %broadcast_in_dim3A_613 : vector<16xi1>, vector<16xi32>
        %broadcast_in_dim3A_614 = arith.constant true
        %broadcast_in_dim3A_615 = vector.broadcast %broadcast_in_dim3A_614 : i1 to vector<16xi1>
        %masked_cumsum3A = tpu.scan <sum>, %select_n3A masked %broadcast_in_dim3A_615 : vector<16xi32>, vector<16xi1> -> vector<16xi32>
        %add3A_616 = arith.addi %scan3A_549, %masked_cumsum3A : vector<16xi32>
        %sub3A_617 = arith.constant 1 : i32
        %sub3A_618 = vector.broadcast %sub3A_617 : i32 to vector<16xi32>
        %sub3A_619 = arith.subi %add3A_616, %sub3A_618 : vector<16xi32>
        %lt3A_620 = vector.broadcast %add3A_447 : i32 to vector<16xi32>
        %lt3A_621 = arith.cmpi slt, %sub3A_619, %lt3A_620 : vector<16xi32>
        %and3A_622 = arith.andi %and3A, %lt3A_621 : vector<16xi1>
        tpu.vector_store_idx %arg6[%sub3A_619], %add3A_607 masked %and3A_622 : memref<12288xi32, #tpu.memory_space<vmem>>[vector<16xi32>], vector<16xi32>, vector<16xi1>
        tpu.vector_store_idx %arg7[%sub3A_619], %add3A_589 masked %and3A_622 : memref<12288xf32, #tpu.memory_space<vmem>>[vector<16xi32>], vector<16xf32>, vector<16xi1>
        %all_reduce_population_count3A = tpu.all_reduce %and3A_622 {dim = 0 : i64, kind = #tpu.reduction_kind<sum>} : vector<16xi1> -> vector<16xi32>
        %add3A_623 = arith.addi %scan3A_549, %all_reduce_population_count3A : vector<16xi32>
        scf.yield %add3A_623 : vector<16xi32>
      }
      %scan3A_454 = arith.constant 256 : i32
      %add3A_455 = arith.constant 13 : i32
      %add3A_456 = arith.addi %add3A_26, %add3A_455 : i32
      %slice3A_457 = vector.extract_strided_slice %get3A_29 {offsets = [13], sizes = [1], strides = [1]} : vector<16xf32> to vector<1xf32>
      %squeeze3A_458 = vector.extract %slice3A_457[0] : f32 from vector<1xf32>
      %slice3A_459 = vector.extract_strided_slice %get3A_33 {offsets = [13], sizes = [1], strides = [1]} : vector<16xf32> to vector<1xf32>
      %squeeze3A_460 = vector.extract %slice3A_459[0] : f32 from vector<1xf32>
      %slice3A_461 = vector.extract_strided_slice %get3A_37 {offsets = [13], sizes = [1], strides = [1]} : vector<16xf32> to vector<1xf32>
      %squeeze3A_462 = vector.extract %slice3A_461[0] : f32 from vector<1xf32>
      %slice3A_463 = vector.extract_strided_slice %get3A_41 {offsets = [13], sizes = [1], strides = [1]} : vector<16xf32> to vector<1xf32>
      %squeeze3A_464 = vector.extract %slice3A_463[0] : f32 from vector<1xf32>
      %slice3A_465 = vector.extract_strided_slice %get3A_45 {offsets = [13], sizes = [1], strides = [1]} : vector<16xf32> to vector<1xf32>
      %squeeze3A_466 = vector.extract %slice3A_465[0] : f32 from vector<1xf32>
      %slice3A_467 = vector.extract_strided_slice %get3A_49 {offsets = [13], sizes = [1], strides = [1]} : vector<16xf32> to vector<1xf32>
      %squeeze3A_468 = vector.extract %slice3A_467[0] : f32 from vector<1xf32>
      %slice3A_469 = vector.extract_strided_slice %get3A_53 {offsets = [13], sizes = [1], strides = [1]} : vector<16xf32> to vector<1xf32>
      %squeeze3A_470 = vector.extract %slice3A_469[0] : f32 from vector<1xf32>
      %mul3A_471 = arith.constant 16 : i32
      %mul3A_472 = arith.muli %add3A_21, %mul3A_471 : i32
      %add3A_473 = arith.constant 13 : i32
      %add3A_474 = arith.addi %mul3A_472, %add3A_473 : i32
      %mul3A_475 = arith.constant 96 : i32
      %mul3A_476 = arith.muli %add3A_474, %mul3A_475 : i32
      %add3A_477 = arith.constant 96 : i32
      %add3A_478 = arith.addi %mul3A_476, %add3A_477 : i32
      %broadcast_in_dim3A_479 = vector.broadcast %mul3A_476 : i32 to vector<16xi32>
      %scan3A_480 = arith.constant 0 : i32
      %scan3A_481 = arith.constant 256 : i32
      %scan3A_482 = arith.addi %scan3A_480, %scan3A_481 : i32
      %scan3A_483 = arith.constant 1 : i32
      %scan3A_484 = scf.for %scan3A_548 = %scan3A_480 to %scan3A_482 step %scan3A_483 iter_args(%scan3A_549 = %broadcast_in_dim3A_479) -> (vector<16xi32>)  : i32 {
        %mul3A_550 = arith.constant 16 : i32
        %mul3A_551 = arith.muli %scan3A_548, %mul3A_550 : i32
        %get3A_552 = arith.constant 0 : i32
        %get3A_553 = arith.index_cast %get3A_552 : i32 to index
        %get3A_554 = arith.index_cast %mul3A_551 : i32 to index
        %get3A_555 = tpu.vector_load %arg5[%get3A_553, %get3A_554] {strides = array<i32>} : memref<8x4112xf32, #tpu.memory_space<vmem>>, vector<16xf32>,
        %get3A_556 = arith.constant 1 : i32
        %get3A_557 = arith.index_cast %get3A_556 : i32 to index
        %get3A_558 = arith.index_cast %mul3A_551 : i32 to index
        %get3A_559 = tpu.vector_load %arg5[%get3A_557, %get3A_558] {strides = array<i32>} : memref<8x4112xf32, #tpu.memory_space<vmem>>, vector<16xf32>,
        %get3A_560 = arith.constant 2 : i32
        %get3A_561 = arith.index_cast %get3A_560 : i32 to index
        %get3A_562 = arith.index_cast %mul3A_551 : i32 to index
        %get3A_563 = tpu.vector_load %arg5[%get3A_561, %get3A_562] {strides = array<i32>} : memref<8x4112xf32, #tpu.memory_space<vmem>>, vector<16xf32>,
        %get3A_564 = arith.constant 3 : i32
        %get3A_565 = arith.index_cast %get3A_564 : i32 to index
        %get3A_566 = arith.index_cast %mul3A_551 : i32 to index
        %get3A_567 = tpu.vector_load %arg5[%get3A_565, %get3A_566] {strides = array<i32>} : memref<8x4112xf32, #tpu.memory_space<vmem>>, vector<16xf32>,
        %get3A_568 = arith.constant 4 : i32
        %get3A_569 = arith.index_cast %get3A_568 : i32 to index
        %get3A_570 = arith.index_cast %mul3A_551 : i32 to index
        %get3A_571 = tpu.vector_load %arg5[%get3A_569, %get3A_570] {strides = array<i32>} : memref<8x4112xf32, #tpu.memory_space<vmem>>, vector<16xf32>,
        %get3A_572 = arith.constant 5 : i32
        %get3A_573 = arith.index_cast %get3A_572 : i32 to index
        %get3A_574 = arith.index_cast %mul3A_551 : i32 to index
        %get3A_575 = tpu.vector_load %arg5[%get3A_573, %get3A_574] {strides = array<i32>} : memref<8x4112xf32, #tpu.memory_space<vmem>>, vector<16xf32>,
        %get3A_576 = arith.constant 6 : i32
        %get3A_577 = arith.index_cast %get3A_576 : i32 to index
        %get3A_578 = arith.index_cast %mul3A_551 : i32 to index
        %get3A_579 = tpu.vector_load %arg5[%get3A_577, %get3A_578] {strides = array<i32>} : memref<8x4112xf32, #tpu.memory_space<vmem>>, vector<16xf32>,
        %sub3A = vector.broadcast %squeeze3A_458 : f32 to vector<16xf32>
        %sub3A_580 = arith.subf %get3A_555, %sub3A : vector<16xf32>
        %sub3A_581 = vector.broadcast %squeeze3A_460 : f32 to vector<16xf32>
        %sub3A_582 = arith.subf %get3A_559, %sub3A_581 : vector<16xf32>
        %sub3A_583 = vector.broadcast %squeeze3A_462 : f32 to vector<16xf32>
        %sub3A_584 = arith.subf %get3A_563, %sub3A_583 : vector<16xf32>
        %mul3A_585 = arith.mulf %sub3A_580, %sub3A_580 : vector<16xf32>
        %mul3A_586 = arith.mulf %sub3A_582, %sub3A_582 : vector<16xf32>
        %add3A_587 = arith.addf %mul3A_585, %mul3A_586 : vector<16xf32>
        %mul3A_588 = arith.mulf %sub3A_584, %sub3A_584 : vector<16xf32>
        %add3A_589 = arith.addf %add3A_587, %mul3A_588 : vector<16xf32>
        %mul3A_590 = vector.broadcast %squeeze3A_464 : f32 to vector<16xf32>
        %mul3A_591 = arith.mulf %get3A_567, %mul3A_590 : vector<16xf32>
        %mul3A_592 = vector.broadcast %squeeze3A_466 : f32 to vector<16xf32>
        %mul3A_593 = arith.mulf %get3A_571, %mul3A_592 : vector<16xf32>
        %add3A_594 = arith.addf %mul3A_591, %mul3A_593 : vector<16xf32>
        %mul3A_595 = vector.broadcast %squeeze3A_468 : f32 to vector<16xf32>
        %mul3A_596 = arith.mulf %get3A_575, %mul3A_595 : vector<16xf32>
        %add3A_597 = arith.addf %add3A_594, %mul3A_596 : vector<16xf32>
        %add3A_598 = vector.broadcast %squeeze3A_470 : f32 to vector<16xf32>
        %add3A_599 = arith.addf %get3A_579, %add3A_598 : vector<16xf32>
        %mul3A_600 = arith.constant 2.000000e+00 : f32
        %mul3A_601 = vector.broadcast %mul3A_600 : f32 to vector<16xf32>
        %mul3A_602 = arith.mulf %mul3A_601, %add3A_597 : vector<16xf32>
        %sub3A_603 = arith.subf %add3A_599, %mul3A_602 : vector<16xf32>
        %mul3A_604 = arith.constant 16 : i32
        %mul3A_605 = arith.muli %scan3A_548, %mul3A_604 : i32
        %add3A_606 = vector.broadcast %mul3A_605 : i32 to vector<16xi32>
        %add3A_607 = arith.addi %add3A_606, %iota3A : vector<16xi32>
        %lt3A = arith.constant 1.000000e+02 : f32
        %lt3A_608 = vector.broadcast %lt3A : f32 to vector<16xf32>
        %lt3A_609 = arith.cmpf olt, %sub3A_603, %lt3A_608 : vector<16xf32>
        %ne3A = vector.broadcast %add3A_456 : i32 to vector<16xi32>
        %ne3A_610 = arith.cmpi ne, %add3A_607, %ne3A : vector<16xi32>
        %and3A = arith.andi %lt3A_609, %ne3A_610 : vector<16xi1>
        %jit3A = arith.constant 1 : i32
        %jit3A_611 = arith.constant 0 : i32
        %broadcast_in_dim3A_612 = vector.broadcast %jit3A : i32 to vector<16xi32>
        %broadcast_in_dim3A_613 = vector.broadcast %jit3A_611 : i32 to vector<16xi32>
        %select_n3A = arith.select %and3A, %broadcast_in_dim3A_612, %broadcast_in_dim3A_613 : vector<16xi1>, vector<16xi32>
        %broadcast_in_dim3A_614 = arith.constant true
        %broadcast_in_dim3A_615 = vector.broadcast %broadcast_in_dim3A_614 : i1 to vector<16xi1>
        %masked_cumsum3A = tpu.scan <sum>, %select_n3A masked %broadcast_in_dim3A_615 : vector<16xi32>, vector<16xi1> -> vector<16xi32>
        %add3A_616 = arith.addi %scan3A_549, %masked_cumsum3A : vector<16xi32>
        %sub3A_617 = arith.constant 1 : i32
        %sub3A_618 = vector.broadcast %sub3A_617 : i32 to vector<16xi32>
        %sub3A_619 = arith.subi %add3A_616, %sub3A_618 : vector<16xi32>
        %lt3A_620 = vector.broadcast %add3A_478 : i32 to vector<16xi32>
        %lt3A_621 = arith.cmpi slt, %sub3A_619, %lt3A_620 : vector<16xi32>
        %and3A_622 = arith.andi %and3A, %lt3A_621 : vector<16xi1>
        tpu.vector_store_idx %arg6[%sub3A_619], %add3A_607 masked %and3A_622 : memref<12288xi32, #tpu.memory_space<vmem>>[vector<16xi32>], vector<16xi32>, vector<16xi1>
        tpu.vector_store_idx %arg7[%sub3A_619], %add3A_589 masked %and3A_622 : memref<12288xf32, #tpu.memory_space<vmem>>[vector<16xi32>], vector<16xf32>, vector<16xi1>
        %all_reduce_population_count3A = tpu.all_reduce %and3A_622 {dim = 0 : i64, kind = #tpu.reduction_kind<sum>} : vector<16xi1> -> vector<16xi32>
        %add3A_623 = arith.addi %scan3A_549, %all_reduce_population_count3A : vector<16xi32>
        scf.yield %add3A_623 : vector<16xi32>
      }
      %scan3A_485 = arith.constant 256 : i32
      %add3A_486 = arith.constant 14 : i32
      %add3A_487 = arith.addi %add3A_26, %add3A_486 : i32
      %slice3A_488 = vector.extract_strided_slice %get3A_29 {offsets = [14], sizes = [1], strides = [1]} : vector<16xf32> to vector<1xf32>
      %squeeze3A_489 = vector.extract %slice3A_488[0] : f32 from vector<1xf32>
      %slice3A_490 = vector.extract_strided_slice %get3A_33 {offsets = [14], sizes = [1], strides = [1]} : vector<16xf32> to vector<1xf32>
      %squeeze3A_491 = vector.extract %slice3A_490[0] : f32 from vector<1xf32>
      %slice3A_492 = vector.extract_strided_slice %get3A_37 {offsets = [14], sizes = [1], strides = [1]} : vector<16xf32> to vector<1xf32>
      %squeeze3A_493 = vector.extract %slice3A_492[0] : f32 from vector<1xf32>
      %slice3A_494 = vector.extract_strided_slice %get3A_41 {offsets = [14], sizes = [1], strides = [1]} : vector<16xf32> to vector<1xf32>
      %squeeze3A_495 = vector.extract %slice3A_494[0] : f32 from vector<1xf32>
      %slice3A_496 = vector.extract_strided_slice %get3A_45 {offsets = [14], sizes = [1], strides = [1]} : vector<16xf32> to vector<1xf32>
      %squeeze3A_497 = vector.extract %slice3A_496[0] : f32 from vector<1xf32>
      %slice3A_498 = vector.extract_strided_slice %get3A_49 {offsets = [14], sizes = [1], strides = [1]} : vector<16xf32> to vector<1xf32>
      %squeeze3A_499 = vector.extract %slice3A_498[0] : f32 from vector<1xf32>
      %slice3A_500 = vector.extract_strided_slice %get3A_53 {offsets = [14], sizes = [1], strides = [1]} : vector<16xf32> to vector<1xf32>
      %squeeze3A_501 = vector.extract %slice3A_500[0] : f32 from vector<1xf32>
      %mul3A_502 = arith.constant 16 : i32
      %mul3A_503 = arith.muli %add3A_21, %mul3A_502 : i32
      %add3A_504 = arith.constant 14 : i32
      %add3A_505 = arith.addi %mul3A_503, %add3A_504 : i32
      %mul3A_506 = arith.constant 96 : i32
      %mul3A_507 = arith.muli %add3A_505, %mul3A_506 : i32
      %add3A_508 = arith.constant 96 : i32
      %add3A_509 = arith.addi %mul3A_507, %add3A_508 : i32
      %broadcast_in_dim3A_510 = vector.broadcast %mul3A_507 : i32 to vector<16xi32>
      %scan3A_511 = arith.constant 0 : i32
      %scan3A_512 = arith.constant 256 : i32
      %scan3A_513 = arith.addi %scan3A_511, %scan3A_512 : i32
      %scan3A_514 = arith.constant 1 : i32
      %scan3A_515 = scf.for %scan3A_548 = %scan3A_511 to %scan3A_513 step %scan3A_514 iter_args(%scan3A_549 = %broadcast_in_dim3A_510) -> (vector<16xi32>)  : i32 {
        %mul3A_550 = arith.constant 16 : i32
        %mul3A_551 = arith.muli %scan3A_548, %mul3A_550 : i32
        %get3A_552 = arith.constant 0 : i32
        %get3A_553 = arith.index_cast %get3A_552 : i32 to index
        %get3A_554 = arith.index_cast %mul3A_551 : i32 to index
        %get3A_555 = tpu.vector_load %arg5[%get3A_553, %get3A_554] {strides = array<i32>} : memref<8x4112xf32, #tpu.memory_space<vmem>>, vector<16xf32>,
        %get3A_556 = arith.constant 1 : i32
        %get3A_557 = arith.index_cast %get3A_556 : i32 to index
        %get3A_558 = arith.index_cast %mul3A_551 : i32 to index
        %get3A_559 = tpu.vector_load %arg5[%get3A_557, %get3A_558] {strides = array<i32>} : memref<8x4112xf32, #tpu.memory_space<vmem>>, vector<16xf32>,
        %get3A_560 = arith.constant 2 : i32
        %get3A_561 = arith.index_cast %get3A_560 : i32 to index
        %get3A_562 = arith.index_cast %mul3A_551 : i32 to index
        %get3A_563 = tpu.vector_load %arg5[%get3A_561, %get3A_562] {strides = array<i32>} : memref<8x4112xf32, #tpu.memory_space<vmem>>, vector<16xf32>,
        %get3A_564 = arith.constant 3 : i32
        %get3A_565 = arith.index_cast %get3A_564 : i32 to index
        %get3A_566 = arith.index_cast %mul3A_551 : i32 to index
        %get3A_567 = tpu.vector_load %arg5[%get3A_565, %get3A_566] {strides = array<i32>} : memref<8x4112xf32, #tpu.memory_space<vmem>>, vector<16xf32>,
        %get3A_568 = arith.constant 4 : i32
        %get3A_569 = arith.index_cast %get3A_568 : i32 to index
        %get3A_570 = arith.index_cast %mul3A_551 : i32 to index
        %get3A_571 = tpu.vector_load %arg5[%get3A_569, %get3A_570] {strides = array<i32>} : memref<8x4112xf32, #tpu.memory_space<vmem>>, vector<16xf32>,
        %get3A_572 = arith.constant 5 : i32
        %get3A_573 = arith.index_cast %get3A_572 : i32 to index
        %get3A_574 = arith.index_cast %mul3A_551 : i32 to index
        %get3A_575 = tpu.vector_load %arg5[%get3A_573, %get3A_574] {strides = array<i32>} : memref<8x4112xf32, #tpu.memory_space<vmem>>, vector<16xf32>,
        %get3A_576 = arith.constant 6 : i32
        %get3A_577 = arith.index_cast %get3A_576 : i32 to index
        %get3A_578 = arith.index_cast %mul3A_551 : i32 to index
        %get3A_579 = tpu.vector_load %arg5[%get3A_577, %get3A_578] {strides = array<i32>} : memref<8x4112xf32, #tpu.memory_space<vmem>>, vector<16xf32>,
        %sub3A = vector.broadcast %squeeze3A_489 : f32 to vector<16xf32>
        %sub3A_580 = arith.subf %get3A_555, %sub3A : vector<16xf32>
        %sub3A_581 = vector.broadcast %squeeze3A_491 : f32 to vector<16xf32>
        %sub3A_582 = arith.subf %get3A_559, %sub3A_581 : vector<16xf32>
        %sub3A_583 = vector.broadcast %squeeze3A_493 : f32 to vector<16xf32>
        %sub3A_584 = arith.subf %get3A_563, %sub3A_583 : vector<16xf32>
        %mul3A_585 = arith.mulf %sub3A_580, %sub3A_580 : vector<16xf32>
        %mul3A_586 = arith.mulf %sub3A_582, %sub3A_582 : vector<16xf32>
        %add3A_587 = arith.addf %mul3A_585, %mul3A_586 : vector<16xf32>
        %mul3A_588 = arith.mulf %sub3A_584, %sub3A_584 : vector<16xf32>
        %add3A_589 = arith.addf %add3A_587, %mul3A_588 : vector<16xf32>
        %mul3A_590 = vector.broadcast %squeeze3A_495 : f32 to vector<16xf32>
        %mul3A_591 = arith.mulf %get3A_567, %mul3A_590 : vector<16xf32>
        %mul3A_592 = vector.broadcast %squeeze3A_497 : f32 to vector<16xf32>
        %mul3A_593 = arith.mulf %get3A_571, %mul3A_592 : vector<16xf32>
        %add3A_594 = arith.addf %mul3A_591, %mul3A_593 : vector<16xf32>
        %mul3A_595 = vector.broadcast %squeeze3A_499 : f32 to vector<16xf32>
        %mul3A_596 = arith.mulf %get3A_575, %mul3A_595 : vector<16xf32>
        %add3A_597 = arith.addf %add3A_594, %mul3A_596 : vector<16xf32>
        %add3A_598 = vector.broadcast %squeeze3A_501 : f32 to vector<16xf32>
        %add3A_599 = arith.addf %get3A_579, %add3A_598 : vector<16xf32>
        %mul3A_600 = arith.constant 2.000000e+00 : f32
        %mul3A_601 = vector.broadcast %mul3A_600 : f32 to vector<16xf32>
        %mul3A_602 = arith.mulf %mul3A_601, %add3A_597 : vector<16xf32>
        %sub3A_603 = arith.subf %add3A_599, %mul3A_602 : vector<16xf32>
        %mul3A_604 = arith.constant 16 : i32
        %mul3A_605 = arith.muli %scan3A_548, %mul3A_604 : i32
        %add3A_606 = vector.broadcast %mul3A_605 : i32 to vector<16xi32>
        %add3A_607 = arith.addi %add3A_606, %iota3A : vector<16xi32>
        %lt3A = arith.constant 1.000000e+02 : f32
        %lt3A_608 = vector.broadcast %lt3A : f32 to vector<16xf32>
        %lt3A_609 = arith.cmpf olt, %sub3A_603, %lt3A_608 : vector<16xf32>
        %ne3A = vector.broadcast %add3A_487 : i32 to vector<16xi32>
        %ne3A_610 = arith.cmpi ne, %add3A_607, %ne3A : vector<16xi32>
        %and3A = arith.andi %lt3A_609, %ne3A_610 : vector<16xi1>
        %jit3A = arith.constant 1 : i32
        %jit3A_611 = arith.constant 0 : i32
        %broadcast_in_dim3A_612 = vector.broadcast %jit3A : i32 to vector<16xi32>
        %broadcast_in_dim3A_613 = vector.broadcast %jit3A_611 : i32 to vector<16xi32>
        %select_n3A = arith.select %and3A, %broadcast_in_dim3A_612, %broadcast_in_dim3A_613 : vector<16xi1>, vector<16xi32>
        %broadcast_in_dim3A_614 = arith.constant true
        %broadcast_in_dim3A_615 = vector.broadcast %broadcast_in_dim3A_614 : i1 to vector<16xi1>
        %masked_cumsum3A = tpu.scan <sum>, %select_n3A masked %broadcast_in_dim3A_615 : vector<16xi32>, vector<16xi1> -> vector<16xi32>
        %add3A_616 = arith.addi %scan3A_549, %masked_cumsum3A : vector<16xi32>
        %sub3A_617 = arith.constant 1 : i32
        %sub3A_618 = vector.broadcast %sub3A_617 : i32 to vector<16xi32>
        %sub3A_619 = arith.subi %add3A_616, %sub3A_618 : vector<16xi32>
        %lt3A_620 = vector.broadcast %add3A_509 : i32 to vector<16xi32>
        %lt3A_621 = arith.cmpi slt, %sub3A_619, %lt3A_620 : vector<16xi32>
        %and3A_622 = arith.andi %and3A, %lt3A_621 : vector<16xi1>
        tpu.vector_store_idx %arg6[%sub3A_619], %add3A_607 masked %and3A_622 : memref<12288xi32, #tpu.memory_space<vmem>>[vector<16xi32>], vector<16xi32>, vector<16xi1>
        tpu.vector_store_idx %arg7[%sub3A_619], %add3A_589 masked %and3A_622 : memref<12288xf32, #tpu.memory_space<vmem>>[vector<16xi32>], vector<16xf32>, vector<16xi1>
        %all_reduce_population_count3A = tpu.all_reduce %and3A_622 {dim = 0 : i64, kind = #tpu.reduction_kind<sum>} : vector<16xi1> -> vector<16xi32>
        %add3A_623 = arith.addi %scan3A_549, %all_reduce_population_count3A : vector<16xi32>
        scf.yield %add3A_623 : vector<16xi32>
      }
      %scan3A_516 = arith.constant 256 : i32
      %add3A_517 = arith.constant 15 : i32
      %add3A_518 = arith.addi %add3A_26, %add3A_517 : i32
      %slice3A_519 = vector.extract_strided_slice %get3A_29 {offsets = [15], sizes = [1], strides = [1]} : vector<16xf32> to vector<1xf32>
      %squeeze3A_520 = vector.extract %slice3A_519[0] : f32 from vector<1xf32>
      %slice3A_521 = vector.extract_strided_slice %get3A_33 {offsets = [15], sizes = [1], strides = [1]} : vector<16xf32> to vector<1xf32>
      %squeeze3A_522 = vector.extract %slice3A_521[0] : f32 from vector<1xf32>
      %slice3A_523 = vector.extract_strided_slice %get3A_37 {offsets = [15], sizes = [1], strides = [1]} : vector<16xf32> to vector<1xf32>
      %squeeze3A_524 = vector.extract %slice3A_523[0] : f32 from vector<1xf32>
      %slice3A_525 = vector.extract_strided_slice %get3A_41 {offsets = [15], sizes = [1], strides = [1]} : vector<16xf32> to vector<1xf32>
      %squeeze3A_526 = vector.extract %slice3A_525[0] : f32 from vector<1xf32>
      %slice3A_527 = vector.extract_strided_slice %get3A_45 {offsets = [15], sizes = [1], strides = [1]} : vector<16xf32> to vector<1xf32>
      %squeeze3A_528 = vector.extract %slice3A_527[0] : f32 from vector<1xf32>
      %slice3A_529 = vector.extract_strided_slice %get3A_49 {offsets = [15], sizes = [1], strides = [1]} : vector<16xf32> to vector<1xf32>
      %squeeze3A_530 = vector.extract %slice3A_529[0] : f32 from vector<1xf32>
      %slice3A_531 = vector.extract_strided_slice %get3A_53 {offsets = [15], sizes = [1], strides = [1]} : vector<16xf32> to vector<1xf32>
      %squeeze3A_532 = vector.extract %slice3A_531[0] : f32 from vector<1xf32>
      %mul3A_533 = arith.constant 16 : i32
      %mul3A_534 = arith.muli %add3A_21, %mul3A_533 : i32
      %add3A_535 = arith.constant 15 : i32
      %add3A_536 = arith.addi %mul3A_534, %add3A_535 : i32
      %mul3A_537 = arith.constant 96 : i32
      %mul3A_538 = arith.muli %add3A_536, %mul3A_537 : i32
      %add3A_539 = arith.constant 96 : i32
      %add3A_540 = arith.addi %mul3A_538, %add3A_539 : i32
      %broadcast_in_dim3A_541 = vector.broadcast %mul3A_538 : i32 to vector<16xi32>
      %scan3A_542 = arith.constant 0 : i32
      %scan3A_543 = arith.constant 256 : i32
      %scan3A_544 = arith.addi %scan3A_542, %scan3A_543 : i32
      %scan3A_545 = arith.constant 1 : i32
      %scan3A_546 = scf.for %scan3A_548 = %scan3A_542 to %scan3A_544 step %scan3A_545 iter_args(%scan3A_549 = %broadcast_in_dim3A_541) -> (vector<16xi32>)  : i32 {
        %mul3A_550 = arith.constant 16 : i32
        %mul3A_551 = arith.muli %scan3A_548, %mul3A_550 : i32
        %get3A_552 = arith.constant 0 : i32
        %get3A_553 = arith.index_cast %get3A_552 : i32 to index
        %get3A_554 = arith.index_cast %mul3A_551 : i32 to index
        %get3A_555 = tpu.vector_load %arg5[%get3A_553, %get3A_554] {strides = array<i32>} : memref<8x4112xf32, #tpu.memory_space<vmem>>, vector<16xf32>,
        %get3A_556 = arith.constant 1 : i32
        %get3A_557 = arith.index_cast %get3A_556 : i32 to index
        %get3A_558 = arith.index_cast %mul3A_551 : i32 to index
        %get3A_559 = tpu.vector_load %arg5[%get3A_557, %get3A_558] {strides = array<i32>} : memref<8x4112xf32, #tpu.memory_space<vmem>>, vector<16xf32>,
        %get3A_560 = arith.constant 2 : i32
        %get3A_561 = arith.index_cast %get3A_560 : i32 to index
        %get3A_562 = arith.index_cast %mul3A_551 : i32 to index
        %get3A_563 = tpu.vector_load %arg5[%get3A_561, %get3A_562] {strides = array<i32>} : memref<8x4112xf32, #tpu.memory_space<vmem>>, vector<16xf32>,
        %get3A_564 = arith.constant 3 : i32
        %get3A_565 = arith.index_cast %get3A_564 : i32 to index
        %get3A_566 = arith.index_cast %mul3A_551 : i32 to index
        %get3A_567 = tpu.vector_load %arg5[%get3A_565, %get3A_566] {strides = array<i32>} : memref<8x4112xf32, #tpu.memory_space<vmem>>, vector<16xf32>,
        %get3A_568 = arith.constant 4 : i32
        %get3A_569 = arith.index_cast %get3A_568 : i32 to index
        %get3A_570 = arith.index_cast %mul3A_551 : i32 to index
        %get3A_571 = tpu.vector_load %arg5[%get3A_569, %get3A_570] {strides = array<i32>} : memref<8x4112xf32, #tpu.memory_space<vmem>>, vector<16xf32>,
        %get3A_572 = arith.constant 5 : i32
        %get3A_573 = arith.index_cast %get3A_572 : i32 to index
        %get3A_574 = arith.index_cast %mul3A_551 : i32 to index
        %get3A_575 = tpu.vector_load %arg5[%get3A_573, %get3A_574] {strides = array<i32>} : memref<8x4112xf32, #tpu.memory_space<vmem>>, vector<16xf32>,
        %get3A_576 = arith.constant 6 : i32
        %get3A_577 = arith.index_cast %get3A_576 : i32 to index
        %get3A_578 = arith.index_cast %mul3A_551 : i32 to index
        %get3A_579 = tpu.vector_load %arg5[%get3A_577, %get3A_578] {strides = array<i32>} : memref<8x4112xf32, #tpu.memory_space<vmem>>, vector<16xf32>,
        %sub3A = vector.broadcast %squeeze3A_520 : f32 to vector<16xf32>
        %sub3A_580 = arith.subf %get3A_555, %sub3A : vector<16xf32>
        %sub3A_581 = vector.broadcast %squeeze3A_522 : f32 to vector<16xf32>
        %sub3A_582 = arith.subf %get3A_559, %sub3A_581 : vector<16xf32>
        %sub3A_583 = vector.broadcast %squeeze3A_524 : f32 to vector<16xf32>
        %sub3A_584 = arith.subf %get3A_563, %sub3A_583 : vector<16xf32>
        %mul3A_585 = arith.mulf %sub3A_580, %sub3A_580 : vector<16xf32>
        %mul3A_586 = arith.mulf %sub3A_582, %sub3A_582 : vector<16xf32>
        %add3A_587 = arith.addf %mul3A_585, %mul3A_586 : vector<16xf32>
        %mul3A_588 = arith.mulf %sub3A_584, %sub3A_584 : vector<16xf32>
        %add3A_589 = arith.addf %add3A_587, %mul3A_588 : vector<16xf32>
        %mul3A_590 = vector.broadcast %squeeze3A_526 : f32 to vector<16xf32>
        %mul3A_591 = arith.mulf %get3A_567, %mul3A_590 : vector<16xf32>
        %mul3A_592 = vector.broadcast %squeeze3A_528 : f32 to vector<16xf32>
        %mul3A_593 = arith.mulf %get3A_571, %mul3A_592 : vector<16xf32>
        %add3A_594 = arith.addf %mul3A_591, %mul3A_593 : vector<16xf32>
        %mul3A_595 = vector.broadcast %squeeze3A_530 : f32 to vector<16xf32>
        %mul3A_596 = arith.mulf %get3A_575, %mul3A_595 : vector<16xf32>
        %add3A_597 = arith.addf %add3A_594, %mul3A_596 : vector<16xf32>
        %add3A_598 = vector.broadcast %squeeze3A_532 : f32 to vector<16xf32>
        %add3A_599 = arith.addf %get3A_579, %add3A_598 : vector<16xf32>
        %mul3A_600 = arith.constant 2.000000e+00 : f32
        %mul3A_601 = vector.broadcast %mul3A_600 : f32 to vector<16xf32>
        %mul3A_602 = arith.mulf %mul3A_601, %add3A_597 : vector<16xf32>
        %sub3A_603 = arith.subf %add3A_599, %mul3A_602 : vector<16xf32>
        %mul3A_604 = arith.constant 16 : i32
        %mul3A_605 = arith.muli %scan3A_548, %mul3A_604 : i32
        %add3A_606 = vector.broadcast %mul3A_605 : i32 to vector<16xi32>
        %add3A_607 = arith.addi %add3A_606, %iota3A : vector<16xi32>
        %lt3A = arith.constant 1.000000e+02 : f32
        %lt3A_608 = vector.broadcast %lt3A : f32 to vector<16xf32>
        %lt3A_609 = arith.cmpf olt, %sub3A_603, %lt3A_608 : vector<16xf32>
        %ne3A = vector.broadcast %add3A_518 : i32 to vector<16xi32>
        %ne3A_610 = arith.cmpi ne, %add3A_607, %ne3A : vector<16xi32>
        %and3A = arith.andi %lt3A_609, %ne3A_610 : vector<16xi1>
        %jit3A = arith.constant 1 : i32
        %jit3A_611 = arith.constant 0 : i32
        %broadcast_in_dim3A_612 = vector.broadcast %jit3A : i32 to vector<16xi32>
        %broadcast_in_dim3A_613 = vector.broadcast %jit3A_611 : i32 to vector<16xi32>
        %select_n3A = arith.select %and3A, %broadcast_in_dim3A_612, %broadcast_in_dim3A_613 : vector<16xi1>, vector<16xi32>
        %broadcast_in_dim3A_614 = arith.constant true
        %broadcast_in_dim3A_615 = vector.broadcast %broadcast_in_dim3A_614 : i1 to vector<16xi1>
        %masked_cumsum3A = tpu.scan <sum>, %select_n3A masked %broadcast_in_dim3A_615 : vector<16xi32>, vector<16xi1> -> vector<16xi32>
        %add3A_616 = arith.addi %scan3A_549, %masked_cumsum3A : vector<16xi32>
        %sub3A_617 = arith.constant 1 : i32
        %sub3A_618 = vector.broadcast %sub3A_617 : i32 to vector<16xi32>
        %sub3A_619 = arith.subi %add3A_616, %sub3A_618 : vector<16xi32>
        %lt3A_620 = vector.broadcast %add3A_540 : i32 to vector<16xi32>
        %lt3A_621 = arith.cmpi slt, %sub3A_619, %lt3A_620 : vector<16xi32>
        %and3A_622 = arith.andi %and3A, %lt3A_621 : vector<16xi1>
        tpu.vector_store_idx %arg6[%sub3A_619], %add3A_607 masked %and3A_622 : memref<12288xi32, #tpu.memory_space<vmem>>[vector<16xi32>], vector<16xi32>, vector<16xi1>
        tpu.vector_store_idx %arg7[%sub3A_619], %add3A_589 masked %and3A_622 : memref<12288xf32, #tpu.memory_space<vmem>>[vector<16xi32>], vector<16xf32>, vector<16xi1>
        %all_reduce_population_count3A = tpu.all_reduce %and3A_622 {dim = 0 : i64, kind = #tpu.reduction_kind<sum>} : vector<16xi1> -> vector<16xi32>
        %add3A_623 = arith.addi %scan3A_549, %all_reduce_population_count3A : vector<16xi32>
        scf.yield %add3A_623 : vector<16xi32>
      }
      %scan3A_547 = arith.constant 256 : i32
    }
    %scan3A_12 = arith.constant 8 : i32
    %mul3A_13 = arith.constant 12288 : i32
    %mul3A_14 = arith.muli %add3A, %mul3A_13 : i32
    "tpu.region"() ({
      %run_scoped3A = tpu.sem_alloc : memref<!tpu.dma_semaphore, #tpu.memory_space<semaphore_mem>>
      %dma_start3A = tpu.memref_slice %arg3[%mul3A_14] : memref<393216xi32, #tpu.memory_space<hbm>> -> memref<12288xi32, #tpu.memory_space<hbm>>
      %dma_start3A_17 = tpu.memref_slice %arg3[%mul3A_14] : memref<393216xi32, #tpu.memory_space<hbm>> -> memref<12288xi32, #tpu.memory_space<hbm>>
      tpu.enqueue_dma source(%arg6 : memref<12288xi32, #tpu.memory_space<vmem>>) target(%dma_start3A_17 : memref<12288xi32, #tpu.memory_space<hbm>>) target_semaphore(%run_scoped3A : memref<!tpu.dma_semaphore, #tpu.memory_space<semaphore_mem>>)
      %dma_wait3A = tpu.memref_slice %arg3[%mul3A_14] : memref<393216xi32, #tpu.memory_space<hbm>> -> memref<12288xi32, #tpu.memory_space<hbm>>
      %dma_wait3A_18 = tpu.memref_slice %arg3[%mul3A_14] : memref<393216xi32, #tpu.memory_space<hbm>> -> memref<12288xi32, #tpu.memory_space<hbm>>
      tpu.wait_dma2 semaphore(%run_scoped3A : memref<!tpu.dma_semaphore, #tpu.memory_space<semaphore_mem>>) src(%arg6 : memref<12288xi32, #tpu.memory_space<vmem>>) dst(%dma_wait3A_18 : memref<12288xi32, #tpu.memory_space<hbm>>)
      tpu.yield
    }) : () -> ()
    %mul3A_15 = arith.constant 12288 : i32
    %mul3A_16 = arith.muli %add3A, %mul3A_15 : i32
    "tpu.region"() ({
      %run_scoped3A = tpu.sem_alloc : memref<!tpu.dma_semaphore, #tpu.memory_space<semaphore_mem>>
      %dma_start3A = tpu.memref_slice %arg4[%mul3A_16] : memref<393216xf32, #tpu.memory_space<hbm>> -> memref<12288xf32, #tpu.memory_space<hbm>>
      %dma_start3A_17 = tpu.memref_slice %arg4[%mul3A_16] : memref<393216xf32, #tpu.memory_space<hbm>> -> memref<12288xf32, #tpu.memory_space<hbm>>
      tpu.enqueue_dma source(%arg7 : memref<12288xf32, #tpu.memory_space<vmem>>) target(%dma_start3A_17 : memref<12288xf32, #tpu.memory_space<hbm>>) target_semaphore(%run_scoped3A : memref<!tpu.dma_semaphore, #tpu.memory_space<semaphore_mem>>)
      %dma_wait3A = tpu.memref_slice %arg4[%mul3A_16] : memref<393216xf32, #tpu.memory_space<hbm>> -> memref<12288xf32, #tpu.memory_space<hbm>>
      %dma_wait3A_18 = tpu.memref_slice %arg4[%mul3A_16] : memref<393216xf32, #tpu.memory_space<hbm>> -> memref<12288xf32, #tpu.memory_space<hbm>>
      tpu.wait_dma2 semaphore(%run_scoped3A : memref<!tpu.dma_semaphore, #tpu.memory_space<semaphore_mem>>) src(%arg7 : memref<12288xf32, #tpu.memory_space<vmem>>) dst(%dma_wait3A_18 : memref<12288xf32, #tpu.memory_space<hbm>>)
      tpu.yield
    }) : () -> ()
    return
  }
}

#map = affine_map<(d0, d1) -> (0, 0)>
#map1 = affine_map<(d0, d1) -> (0)>
module attributes {stable_mosaic.version = 14 : i64} {
  func.func @_agg_body(%arg0: i32, %arg1: i32, %arg2: memref<4096x128xf32, #tpu.memory_space<hbm>>, %arg3: memref<393216x128xf32, #tpu.memory_space<hbm>>, %arg4: memref<393216xi32, #tpu.memory_space<hbm>>, %arg5: memref<4096x128xf32, #tpu.memory_space<hbm>>, %arg6: memref<12288xi32, #tpu.memory_space<vmem>>, %arg7: memref<96x128xf32, #tpu.memory_space<vmem>>, %arg8: memref<96x128xf32, #tpu.memory_space<vmem>>, %arg9: memref<96x128xf32, #tpu.memory_space<vmem>>, %arg10: memref<96x128xf32, #tpu.memory_space<vmem>>, %arg11: memref<96x128xf32, #tpu.memory_space<vmem>>, %arg12: memref<96x128xf32, #tpu.memory_space<vmem>>, %arg13: memref<96x128xf32, #tpu.memory_space<vmem>>, %arg14: memref<96x128xf32, #tpu.memory_space<vmem>>, %arg15: memref<128x128xf32, #tpu.memory_space<vmem>>, %arg16: memref<!tpu.dma_semaphore, #tpu.memory_space<semaphore_mem>>, %arg17: memref<!tpu.dma_semaphore, #tpu.memory_space<semaphore_mem>>, %arg18: memref<!tpu.dma_semaphore, #tpu.memory_space<semaphore_mem>>, %arg19: memref<!tpu.dma_semaphore, #tpu.memory_space<semaphore_mem>>) attributes {dimension_semantics = [#tpu.dimension_semantics<core_parallel>, #tpu.dimension_semantics<subcore_parallel>], iteration_bounds = array<i64: 2, 16>, scalar_prefetch = 0 : i64, scratch_operands = 14 : i64, tpu.core_type = #tpu.core_type<sc_vector_subcore>, window_params = [{transform_indices = #map}, {transform_indices = #map}, {transform_indices = #map1}, {transform_indices = #map}]} {
    %mul3A = arith.constant 2 : i32
    %mul3A_0 = arith.muli %arg1, %mul3A : i32
    %add3A = arith.addi %mul3A_0, %arg0 : i32
    %mul3A_1 = arith.constant 12288 : i32
    %mul3A_2 = arith.muli %add3A, %mul3A_1 : i32
    "tpu.region"() ({
      %run_scoped3A = tpu.sem_alloc : memref<!tpu.dma_semaphore, #tpu.memory_space<semaphore_mem>>
      %dma_start3A_52 = tpu.memref_slice %arg4[%mul3A_2] : memref<393216xi32, #tpu.memory_space<hbm>> -> memref<12288xi32, #tpu.memory_space<hbm>>
      %dma_start3A_53 = tpu.memref_slice %arg4[%mul3A_2] : memref<393216xi32, #tpu.memory_space<hbm>> -> memref<12288xi32, #tpu.memory_space<hbm>>
      tpu.enqueue_dma source(%dma_start3A_53 : memref<12288xi32, #tpu.memory_space<hbm>>) target(%arg6 : memref<12288xi32, #tpu.memory_space<vmem>>) target_semaphore(%run_scoped3A : memref<!tpu.dma_semaphore, #tpu.memory_space<semaphore_mem>>)
      %dma_wait3A = tpu.memref_slice %arg4[%mul3A_2] : memref<393216xi32, #tpu.memory_space<hbm>> -> memref<12288xi32, #tpu.memory_space<hbm>>
      %dma_wait3A_54 = tpu.memref_slice %arg4[%mul3A_2] : memref<393216xi32, #tpu.memory_space<hbm>> -> memref<12288xi32, #tpu.memory_space<hbm>>
      tpu.wait_dma2 semaphore(%run_scoped3A : memref<!tpu.dma_semaphore, #tpu.memory_space<semaphore_mem>>) src(%dma_wait3A_54 : memref<12288xi32, #tpu.memory_space<hbm>>) dst(%arg6 : memref<12288xi32, #tpu.memory_space<vmem>>)
      tpu.yield
    }) : () -> ()
    %dma_start3A = arith.constant 0 : i32
    %dma_start3A_3 = tpu.memref_slice %arg6[%dma_start3A] : memref<12288xi32, #tpu.memory_space<vmem>> -> memref<96xi32, #tpu.memory_space<vmem>>
    %dma_start3A_4 = arith.constant 0 : i32
    %dma_start3A_5 = arith.constant 0 : i32
    %dma_start3A_6 = tpu.memref_slice %arg2[%dma_start3A_4, %dma_start3A_5] : memref<4096x128xf32, #tpu.memory_space<hbm>> -> memref<4096x128xf32, #tpu.memory_space<hbm>>
    tpu.enqueue_indirect_dma source(%dma_start3A_6 : memref<4096x128xf32, #tpu.memory_space<hbm>>) target(%arg7 : memref<96x128xf32, #tpu.memory_space<vmem>>) offsets(%dma_start3A_3 : memref<96xi32, #tpu.memory_space<vmem>>) semaphore(%arg16 : memref<!tpu.dma_semaphore, #tpu.memory_space<semaphore_mem>>)
    %add3A_7 = arith.constant 0 : i32
    %add3A_8 = arith.addi %mul3A_2, %add3A_7 : i32
    %dma_start3A_9 = arith.constant 0 : i32
    %dma_start3A_10 = tpu.memref_slice %arg3[%add3A_8, %dma_start3A_9] : memref<393216x128xf32, #tpu.memory_space<hbm>> -> memref<96x128xf32, #tpu.memory_space<hbm>>
    %dma_start3A_11 = arith.constant 0 : i32
    %dma_start3A_12 = tpu.memref_slice %arg3[%add3A_8, %dma_start3A_11] : memref<393216x128xf32, #tpu.memory_space<hbm>> -> memref<96x128xf32, #tpu.memory_space<hbm>>
    tpu.enqueue_dma source(%dma_start3A_12 : memref<96x128xf32, #tpu.memory_space<hbm>>) target(%arg11 : memref<96x128xf32, #tpu.memory_space<vmem>>) target_semaphore(%arg16 : memref<!tpu.dma_semaphore, #tpu.memory_space<semaphore_mem>>)
    %dma_start3A_13 = arith.constant 96 : i32
    %dma_start3A_14 = tpu.memref_slice %arg6[%dma_start3A_13] : memref<12288xi32, #tpu.memory_space<vmem>> -> memref<96xi32, #tpu.memory_space<vmem>>
    %dma_start3A_15 = arith.constant 0 : i32
    %dma_start3A_16 = arith.constant 0 : i32
    %dma_start3A_17 = tpu.memref_slice %arg2[%dma_start3A_15, %dma_start3A_16] : memref<4096x128xf32, #tpu.memory_space<hbm>> -> memref<4096x128xf32, #tpu.memory_space<hbm>>
    tpu.enqueue_indirect_dma source(%dma_start3A_17 : memref<4096x128xf32, #tpu.memory_space<hbm>>) target(%arg8 : memref<96x128xf32, #tpu.memory_space<vmem>>) offsets(%dma_start3A_14 : memref<96xi32, #tpu.memory_space<vmem>>) semaphore(%arg17 : memref<!tpu.dma_semaphore, #tpu.memory_space<semaphore_mem>>)
    %add3A_18 = arith.constant 96 : i32
    %add3A_19 = arith.addi %mul3A_2, %add3A_18 : i32
    %dma_start3A_20 = arith.constant 0 : i32
    %dma_start3A_21 = tpu.memref_slice %arg3[%add3A_19, %dma_start3A_20] : memref<393216x128xf32, #tpu.memory_space<hbm>> -> memref<96x128xf32, #tpu.memory_space<hbm>>
    %dma_start3A_22 = arith.constant 0 : i32
    %dma_start3A_23 = tpu.memref_slice %arg3[%add3A_19, %dma_start3A_22] : memref<393216x128xf32, #tpu.memory_space<hbm>> -> memref<96x128xf32, #tpu.memory_space<hbm>>
    tpu.enqueue_dma source(%dma_start3A_23 : memref<96x128xf32, #tpu.memory_space<hbm>>) target(%arg12 : memref<96x128xf32, #tpu.memory_space<vmem>>) target_semaphore(%arg17 : memref<!tpu.dma_semaphore, #tpu.memory_space<semaphore_mem>>)
    %dma_start3A_24 = arith.constant 192 : i32
    %dma_start3A_25 = tpu.memref_slice %arg6[%dma_start3A_24] : memref<12288xi32, #tpu.memory_space<vmem>> -> memref<96xi32, #tpu.memory_space<vmem>>
    %dma_start3A_26 = arith.constant 0 : i32
    %dma_start3A_27 = arith.constant 0 : i32
    %dma_start3A_28 = tpu.memref_slice %arg2[%dma_start3A_26, %dma_start3A_27] : memref<4096x128xf32, #tpu.memory_space<hbm>> -> memref<4096x128xf32, #tpu.memory_space<hbm>>
    tpu.enqueue_indirect_dma source(%dma_start3A_28 : memref<4096x128xf32, #tpu.memory_space<hbm>>) target(%arg9 : memref<96x128xf32, #tpu.memory_space<vmem>>) offsets(%dma_start3A_25 : memref<96xi32, #tpu.memory_space<vmem>>) semaphore(%arg18 : memref<!tpu.dma_semaphore, #tpu.memory_space<semaphore_mem>>)
    %add3A_29 = arith.constant 192 : i32
    %add3A_30 = arith.addi %mul3A_2, %add3A_29 : i32
    %dma_start3A_31 = arith.constant 0 : i32
    %dma_start3A_32 = tpu.memref_slice %arg3[%add3A_30, %dma_start3A_31] : memref<393216x128xf32, #tpu.memory_space<hbm>> -> memref<96x128xf32, #tpu.memory_space<hbm>>
    %dma_start3A_33 = arith.constant 0 : i32
    %dma_start3A_34 = tpu.memref_slice %arg3[%add3A_30, %dma_start3A_33] : memref<393216x128xf32, #tpu.memory_space<hbm>> -> memref<96x128xf32, #tpu.memory_space<hbm>>
    tpu.enqueue_dma source(%dma_start3A_34 : memref<96x128xf32, #tpu.memory_space<hbm>>) target(%arg13 : memref<96x128xf32, #tpu.memory_space<vmem>>) target_semaphore(%arg18 : memref<!tpu.dma_semaphore, #tpu.memory_space<semaphore_mem>>)
    %dma_start3A_35 = arith.constant 288 : i32
    %dma_start3A_36 = tpu.memref_slice %arg6[%dma_start3A_35] : memref<12288xi32, #tpu.memory_space<vmem>> -> memref<96xi32, #tpu.memory_space<vmem>>
    %dma_start3A_37 = arith.constant 0 : i32
    %dma_start3A_38 = arith.constant 0 : i32
    %dma_start3A_39 = tpu.memref_slice %arg2[%dma_start3A_37, %dma_start3A_38] : memref<4096x128xf32, #tpu.memory_space<hbm>> -> memref<4096x128xf32, #tpu.memory_space<hbm>>
    tpu.enqueue_indirect_dma source(%dma_start3A_39 : memref<4096x128xf32, #tpu.memory_space<hbm>>) target(%arg10 : memref<96x128xf32, #tpu.memory_space<vmem>>) offsets(%dma_start3A_36 : memref<96xi32, #tpu.memory_space<vmem>>) semaphore(%arg19 : memref<!tpu.dma_semaphore, #tpu.memory_space<semaphore_mem>>)
    %add3A_40 = arith.constant 288 : i32
    %add3A_41 = arith.addi %mul3A_2, %add3A_40 : i32
    %dma_start3A_42 = arith.constant 0 : i32
    %dma_start3A_43 = tpu.memref_slice %arg3[%add3A_41, %dma_start3A_42] : memref<393216x128xf32, #tpu.memory_space<hbm>> -> memref<96x128xf32, #tpu.memory_space<hbm>>
    %dma_start3A_44 = arith.constant 0 : i32
    %dma_start3A_45 = tpu.memref_slice %arg3[%add3A_41, %dma_start3A_44] : memref<393216x128xf32, #tpu.memory_space<hbm>> -> memref<96x128xf32, #tpu.memory_space<hbm>>
    tpu.enqueue_dma source(%dma_start3A_45 : memref<96x128xf32, #tpu.memory_space<hbm>>) target(%arg14 : memref<96x128xf32, #tpu.memory_space<vmem>>) target_semaphore(%arg19 : memref<!tpu.dma_semaphore, #tpu.memory_space<semaphore_mem>>)
    %scan3A = arith.constant 0 : i32
    %scan3A_46 = arith.constant 32 : i32
    %scan3A_47 = arith.addi %scan3A, %scan3A_46 : i32
    %scan3A_48 = arith.constant 1 : i32
    scf.for %scan3A_52 = %scan3A to %scan3A_47 step %scan3A_48  : i32 {
      %mul3A_53 = arith.constant 1 : i32
      %mul3A_54 = arith.muli %scan3A_52, %mul3A_53 : i32
      %add3A_55 = arith.constant 0 : i32
      %add3A_56 = arith.addi %add3A_55, %mul3A_54 : i32
      %mul3A_57 = arith.constant 4 : i32
      %mul3A_58 = arith.muli %add3A_56, %mul3A_57 : i32
      %add3A_59 = arith.constant 0 : i32
      %add3A_60 = arith.addi %mul3A_58, %add3A_59 : i32
      %dma_wait3A = arith.constant 0 : i32
      %dma_wait3A_61 = arith.constant 0 : i32
      %dma_wait3A_62 = tpu.memref_slice %arg2[%dma_wait3A, %dma_wait3A_61] : memref<4096x128xf32, #tpu.memory_space<hbm>> -> memref<96x128xf32, #tpu.memory_space<hbm>>
      %dma_wait3A_63 = arith.constant 0 : i32
      %dma_wait3A_64 = arith.constant 0 : i32
      %dma_wait3A_65 = tpu.memref_slice %arg2[%dma_wait3A_63, %dma_wait3A_64] : memref<4096x128xf32, #tpu.memory_space<hbm>> -> memref<96x128xf32, #tpu.memory_space<hbm>>
      tpu.wait_dma2 semaphore(%arg16 : memref<!tpu.dma_semaphore, #tpu.memory_space<semaphore_mem>>) src(%dma_wait3A_65 : memref<96x128xf32, #tpu.memory_space<hbm>>) dst(%arg7 : memref<96x128xf32, #tpu.memory_space<vmem>>)
      %dma_wait3A_66 = arith.constant 0 : i32
      %dma_wait3A_67 = arith.constant 0 : i32
      %dma_wait3A_68 = tpu.memref_slice %arg3[%dma_wait3A_66, %dma_wait3A_67] : memref<393216x128xf32, #tpu.memory_space<hbm>> -> memref<96x128xf32, #tpu.memory_space<hbm>>
      %dma_wait3A_69 = arith.constant 0 : i32
      %dma_wait3A_70 = arith.constant 0 : i32
      %dma_wait3A_71 = tpu.memref_slice %arg3[%dma_wait3A_69, %dma_wait3A_70] : memref<393216x128xf32, #tpu.memory_space<hbm>> -> memref<96x128xf32, #tpu.memory_space<hbm>>
      tpu.wait_dma2 semaphore(%arg16 : memref<!tpu.dma_semaphore, #tpu.memory_space<semaphore_mem>>) src(%dma_wait3A_71 : memref<96x128xf32, #tpu.memory_space<hbm>>) dst(%arg11 : memref<96x128xf32, #tpu.memory_space<vmem>>)
      %broadcast_in_dim3A = arith.constant 0.000000e+00 : f32
      %broadcast_in_dim3A_72 = vector.broadcast %broadcast_in_dim3A : f32 to vector<16xf32>
      %scan3A_73 = arith.constant 0 : i32
      %scan3A_74 = arith.constant 96 : i32
      %scan3A_75 = arith.addi %scan3A_73, %scan3A_74 : i32
      %scan3A_76 = arith.constant 1 : i32
      %scan3A_77:8 = scf.for %scan3A_263 = %scan3A_73 to %scan3A_75 step %scan3A_76 iter_args(%scan3A_264 = %broadcast_in_dim3A_72, %scan3A_265 = %broadcast_in_dim3A_72, %scan3A_266 = %broadcast_in_dim3A_72, %scan3A_267 = %broadcast_in_dim3A_72, %scan3A_268 = %broadcast_in_dim3A_72, %scan3A_269 = %broadcast_in_dim3A_72, %scan3A_270 = %broadcast_in_dim3A_72, %scan3A_271 = %broadcast_in_dim3A_72) -> (vector<16xf32>, vector<16xf32>, vector<16xf32>, vector<16xf32>, vector<16xf32>, vector<16xf32>, vector<16xf32>, vector<16xf32>)  : i32 {
        %get3A = arith.index_cast %scan3A_263 : i32 to index
        %get3A_272 = arith.constant 0 : index
        %get3A_273 = tpu.vector_load %arg7[%get3A, %get3A_272] {strides = array<i32>} : memref<96x128xf32, #tpu.memory_space<vmem>>, vector<16xf32>,
        %get3A_274 = arith.index_cast %scan3A_263 : i32 to index
        %get3A_275 = arith.constant 0 : index
        %get3A_276 = tpu.vector_load %arg11[%get3A_274, %get3A_275] {strides = array<i32>} : memref<96x128xf32, #tpu.memory_space<vmem>>, vector<16xf32>,
        %mul3A_277 = arith.mulf %get3A_273, %get3A_276 : vector<16xf32>
        %add3A_278 = arith.addf %scan3A_264, %mul3A_277 : vector<16xf32>
        %get3A_279 = arith.index_cast %scan3A_263 : i32 to index
        %get3A_280 = arith.constant 16 : index
        %get3A_281 = tpu.vector_load %arg7[%get3A_279, %get3A_280] {strides = array<i32>} : memref<96x128xf32, #tpu.memory_space<vmem>>, vector<16xf32>,
        %get3A_282 = arith.index_cast %scan3A_263 : i32 to index
        %get3A_283 = arith.constant 16 : index
        %get3A_284 = tpu.vector_load %arg11[%get3A_282, %get3A_283] {strides = array<i32>} : memref<96x128xf32, #tpu.memory_space<vmem>>, vector<16xf32>,
        %mul3A_285 = arith.mulf %get3A_281, %get3A_284 : vector<16xf32>
        %add3A_286 = arith.addf %scan3A_265, %mul3A_285 : vector<16xf32>
        %get3A_287 = arith.index_cast %scan3A_263 : i32 to index
        %get3A_288 = arith.constant 32 : index
        %get3A_289 = tpu.vector_load %arg7[%get3A_287, %get3A_288] {strides = array<i32>} : memref<96x128xf32, #tpu.memory_space<vmem>>, vector<16xf32>,
        %get3A_290 = arith.index_cast %scan3A_263 : i32 to index
        %get3A_291 = arith.constant 32 : index
        %get3A_292 = tpu.vector_load %arg11[%get3A_290, %get3A_291] {strides = array<i32>} : memref<96x128xf32, #tpu.memory_space<vmem>>, vector<16xf32>,
        %mul3A_293 = arith.mulf %get3A_289, %get3A_292 : vector<16xf32>
        %add3A_294 = arith.addf %scan3A_266, %mul3A_293 : vector<16xf32>
        %get3A_295 = arith.index_cast %scan3A_263 : i32 to index
        %get3A_296 = arith.constant 48 : index
        %get3A_297 = tpu.vector_load %arg7[%get3A_295, %get3A_296] {strides = array<i32>} : memref<96x128xf32, #tpu.memory_space<vmem>>, vector<16xf32>,
        %get3A_298 = arith.index_cast %scan3A_263 : i32 to index
        %get3A_299 = arith.constant 48 : index
        %get3A_300 = tpu.vector_load %arg11[%get3A_298, %get3A_299] {strides = array<i32>} : memref<96x128xf32, #tpu.memory_space<vmem>>, vector<16xf32>,
        %mul3A_301 = arith.mulf %get3A_297, %get3A_300 : vector<16xf32>
        %add3A_302 = arith.addf %scan3A_267, %mul3A_301 : vector<16xf32>
        %get3A_303 = arith.index_cast %scan3A_263 : i32 to index
        %get3A_304 = arith.constant 64 : index
        %get3A_305 = tpu.vector_load %arg7[%get3A_303, %get3A_304] {strides = array<i32>} : memref<96x128xf32, #tpu.memory_space<vmem>>, vector<16xf32>,
        %get3A_306 = arith.index_cast %scan3A_263 : i32 to index
        %get3A_307 = arith.constant 64 : index
        %get3A_308 = tpu.vector_load %arg11[%get3A_306, %get3A_307] {strides = array<i32>} : memref<96x128xf32, #tpu.memory_space<vmem>>, vector<16xf32>,
        %mul3A_309 = arith.mulf %get3A_305, %get3A_308 : vector<16xf32>
        %add3A_310 = arith.addf %scan3A_268, %mul3A_309 : vector<16xf32>
        %get3A_311 = arith.index_cast %scan3A_263 : i32 to index
        %get3A_312 = arith.constant 80 : index
        %get3A_313 = tpu.vector_load %arg7[%get3A_311, %get3A_312] {strides = array<i32>} : memref<96x128xf32, #tpu.memory_space<vmem>>, vector<16xf32>,
        %get3A_314 = arith.index_cast %scan3A_263 : i32 to index
        %get3A_315 = arith.constant 80 : index
        %get3A_316 = tpu.vector_load %arg11[%get3A_314, %get3A_315] {strides = array<i32>} : memref<96x128xf32, #tpu.memory_space<vmem>>, vector<16xf32>,
        %mul3A_317 = arith.mulf %get3A_313, %get3A_316 : vector<16xf32>
        %add3A_318 = arith.addf %scan3A_269, %mul3A_317 : vector<16xf32>
        %get3A_319 = arith.index_cast %scan3A_263 : i32 to index
        %get3A_320 = arith.constant 96 : index
        %get3A_321 = tpu.vector_load %arg7[%get3A_319, %get3A_320] {strides = array<i32>} : memref<96x128xf32, #tpu.memory_space<vmem>>, vector<16xf32>,
        %get3A_322 = arith.index_cast %scan3A_263 : i32 to index
        %get3A_323 = arith.constant 96 : index
        %get3A_324 = tpu.vector_load %arg11[%get3A_322, %get3A_323] {strides = array<i32>} : memref<96x128xf32, #tpu.memory_space<vmem>>, vector<16xf32>,
        %mul3A_325 = arith.mulf %get3A_321, %get3A_324 : vector<16xf32>
        %add3A_326 = arith.addf %scan3A_270, %mul3A_325 : vector<16xf32>
        %get3A_327 = arith.index_cast %scan3A_263 : i32 to index
        %get3A_328 = arith.constant 112 : index
        %get3A_329 = tpu.vector_load %arg7[%get3A_327, %get3A_328] {strides = array<i32>} : memref<96x128xf32, #tpu.memory_space<vmem>>, vector<16xf32>,
        %get3A_330 = arith.index_cast %scan3A_263 : i32 to index
        %get3A_331 = arith.constant 112 : index
        %get3A_332 = tpu.vector_load %arg11[%get3A_330, %get3A_331] {strides = array<i32>} : memref<96x128xf32, #tpu.memory_space<vmem>>, vector<16xf32>,
        %mul3A_333 = arith.mulf %get3A_329, %get3A_332 : vector<16xf32>
        %add3A_334 = arith.addf %scan3A_271, %mul3A_333 : vector<16xf32>
        scf.yield %add3A_278, %add3A_286, %add3A_294, %add3A_302, %add3A_310, %add3A_318, %add3A_326, %add3A_334 : vector<16xf32>, vector<16xf32>, vector<16xf32>, vector<16xf32>, vector<16xf32>, vector<16xf32>, vector<16xf32>, vector<16xf32>
      }
      %scan3A_78 = arith.constant 96 : i32
      %swap3A = arith.index_cast %add3A_60 : i32 to index
      %swap3A_79 = arith.constant 0 : index
      %swap3A_80 = tpu.vector_load %arg15[%swap3A, %swap3A_79] {strides = array<i32>} : memref<128x128xf32, #tpu.memory_space<vmem>>, vector<16xf32>,
      tpu.vector_store %arg15[%swap3A, %swap3A_79], %scan3A_77#0 {strides = array<i32>} : memref<128x128xf32, #tpu.memory_space<vmem>>, vector<16xf32>,
      %swap3A_81 = arith.index_cast %add3A_60 : i32 to index
      %swap3A_82 = arith.constant 16 : index
      %swap3A_83 = tpu.vector_load %arg15[%swap3A_81, %swap3A_82] {strides = array<i32>} : memref<128x128xf32, #tpu.memory_space<vmem>>, vector<16xf32>,
      tpu.vector_store %arg15[%swap3A_81, %swap3A_82], %scan3A_77#1 {strides = array<i32>} : memref<128x128xf32, #tpu.memory_space<vmem>>, vector<16xf32>,
      %swap3A_84 = arith.index_cast %add3A_60 : i32 to index
      %swap3A_85 = arith.constant 32 : index
      %swap3A_86 = tpu.vector_load %arg15[%swap3A_84, %swap3A_85] {strides = array<i32>} : memref<128x128xf32, #tpu.memory_space<vmem>>, vector<16xf32>,
      tpu.vector_store %arg15[%swap3A_84, %swap3A_85], %scan3A_77#2 {strides = array<i32>} : memref<128x128xf32, #tpu.memory_space<vmem>>, vector<16xf32>,
      %swap3A_87 = arith.index_cast %add3A_60 : i32 to index
      %swap3A_88 = arith.constant 48 : index
      %swap3A_89 = tpu.vector_load %arg15[%swap3A_87, %swap3A_88] {strides = array<i32>} : memref<128x128xf32, #tpu.memory_space<vmem>>, vector<16xf32>,
      tpu.vector_store %arg15[%swap3A_87, %swap3A_88], %scan3A_77#3 {strides = array<i32>} : memref<128x128xf32, #tpu.memory_space<vmem>>, vector<16xf32>,
      %swap3A_90 = arith.index_cast %add3A_60 : i32 to index
      %swap3A_91 = arith.constant 64 : index
      %swap3A_92 = tpu.vector_load %arg15[%swap3A_90, %swap3A_91] {strides = array<i32>} : memref<128x128xf32, #tpu.memory_space<vmem>>, vector<16xf32>,
      tpu.vector_store %arg15[%swap3A_90, %swap3A_91], %scan3A_77#4 {strides = array<i32>} : memref<128x128xf32, #tpu.memory_space<vmem>>, vector<16xf32>,
      %swap3A_93 = arith.index_cast %add3A_60 : i32 to index
      %swap3A_94 = arith.constant 80 : index
      %swap3A_95 = tpu.vector_load %arg15[%swap3A_93, %swap3A_94] {strides = array<i32>} : memref<128x128xf32, #tpu.memory_space<vmem>>, vector<16xf32>,
      tpu.vector_store %arg15[%swap3A_93, %swap3A_94], %scan3A_77#5 {strides = array<i32>} : memref<128x128xf32, #tpu.memory_space<vmem>>, vector<16xf32>,
      %swap3A_96 = arith.index_cast %add3A_60 : i32 to index
      %swap3A_97 = arith.constant 96 : index
      %swap3A_98 = tpu.vector_load %arg15[%swap3A_96, %swap3A_97] {strides = array<i32>} : memref<128x128xf32, #tpu.memory_space<vmem>>, vector<16xf32>,
      tpu.vector_store %arg15[%swap3A_96, %swap3A_97], %scan3A_77#6 {strides = array<i32>} : memref<128x128xf32, #tpu.memory_space<vmem>>, vector<16xf32>,
      %swap3A_99 = arith.index_cast %add3A_60 : i32 to index
      %swap3A_100 = arith.constant 112 : index
      %swap3A_101 = tpu.vector_load %arg15[%swap3A_99, %swap3A_100] {strides = array<i32>} : memref<128x128xf32, #tpu.memory_space<vmem>>, vector<16xf32>,
      tpu.vector_store %arg15[%swap3A_99, %swap3A_100], %scan3A_77#7 {strides = array<i32>} : memref<128x128xf32, #tpu.memory_space<vmem>>, vector<16xf32>,
      %lt3A = arith.constant 31 : i32
      %lt3A_102 = arith.cmpi slt, %add3A_56, %lt3A : i32
      %convert_element_type3A = arith.extui %lt3A_102 : i1 to i32
      %cond3A = arith.constant 0 : i32
      %cond3A_103 = arith.cmpi ne, %convert_element_type3A, %cond3A : i32
      scf.if %cond3A_103 {
        %add3A_263 = arith.constant 4 : i32
        %add3A_264 = arith.addi %add3A_60, %add3A_263 : i32
        %mul3A_265 = arith.constant 96 : i32
        %mul3A_266 = arith.muli %add3A_264, %mul3A_265 : i32
        %dma_start3A_267 = tpu.memref_slice %arg6[%mul3A_266] : memref<12288xi32, #tpu.memory_space<vmem>> -> memref<96xi32, #tpu.memory_space<vmem>>
        %dma_start3A_268 = arith.constant 0 : i32
        %dma_start3A_269 = arith.constant 0 : i32
        %dma_start3A_270 = tpu.memref_slice %arg2[%dma_start3A_268, %dma_start3A_269] : memref<4096x128xf32, #tpu.memory_space<hbm>> -> memref<4096x128xf32, #tpu.memory_space<hbm>>
        tpu.enqueue_indirect_dma source(%dma_start3A_270 : memref<4096x128xf32, #tpu.memory_space<hbm>>) target(%arg7 : memref<96x128xf32, #tpu.memory_space<vmem>>) offsets(%dma_start3A_267 : memref<96xi32, #tpu.memory_space<vmem>>) semaphore(%arg16 : memref<!tpu.dma_semaphore, #tpu.memory_space<semaphore_mem>>)
        %add3A_271 = arith.addi %mul3A_2, %mul3A_266 : i32
        %dma_start3A_272 = arith.constant 0 : i32
        %dma_start3A_273 = tpu.memref_slice %arg3[%add3A_271, %dma_start3A_272] : memref<393216x128xf32, #tpu.memory_space<hbm>> -> memref<96x128xf32, #tpu.memory_space<hbm>>
        %dma_start3A_274 = arith.constant 0 : i32
        %dma_start3A_275 = tpu.memref_slice %arg3[%add3A_271, %dma_start3A_274] : memref<393216x128xf32, #tpu.memory_space<hbm>> -> memref<96x128xf32, #tpu.memory_space<hbm>>
        tpu.enqueue_dma source(%dma_start3A_275 : memref<96x128xf32, #tpu.memory_space<hbm>>) target(%arg11 : memref<96x128xf32, #tpu.memory_space<vmem>>) target_semaphore(%arg16 : memref<!tpu.dma_semaphore, #tpu.memory_space<semaphore_mem>>)
      } else {
      }
      %mul3A_104 = arith.constant 4 : i32
      %mul3A_105 = arith.muli %add3A_56, %mul3A_104 : i32
      %add3A_106 = arith.constant 1 : i32
      %add3A_107 = arith.addi %mul3A_105, %add3A_106 : i32
      %dma_wait3A_108 = arith.constant 0 : i32
      %dma_wait3A_109 = arith.constant 0 : i32
      %dma_wait3A_110 = tpu.memref_slice %arg2[%dma_wait3A_108, %dma_wait3A_109] : memref<4096x128xf32, #tpu.memory_space<hbm>> -> memref<96x128xf32, #tpu.memory_space<hbm>>
      %dma_wait3A_111 = arith.constant 0 : i32
      %dma_wait3A_112 = arith.constant 0 : i32
      %dma_wait3A_113 = tpu.memref_slice %arg2[%dma_wait3A_111, %dma_wait3A_112] : memref<4096x128xf32, #tpu.memory_space<hbm>> -> memref<96x128xf32, #tpu.memory_space<hbm>>
      tpu.wait_dma2 semaphore(%arg17 : memref<!tpu.dma_semaphore, #tpu.memory_space<semaphore_mem>>) src(%dma_wait3A_113 : memref<96x128xf32, #tpu.memory_space<hbm>>) dst(%arg8 : memref<96x128xf32, #tpu.memory_space<vmem>>)
      %dma_wait3A_114 = arith.constant 0 : i32
      %dma_wait3A_115 = arith.constant 0 : i32
      %dma_wait3A_116 = tpu.memref_slice %arg3[%dma_wait3A_114, %dma_wait3A_115] : memref<393216x128xf32, #tpu.memory_space<hbm>> -> memref<96x128xf32, #tpu.memory_space<hbm>>
      %dma_wait3A_117 = arith.constant 0 : i32
      %dma_wait3A_118 = arith.constant 0 : i32
      %dma_wait3A_119 = tpu.memref_slice %arg3[%dma_wait3A_117, %dma_wait3A_118] : memref<393216x128xf32, #tpu.memory_space<hbm>> -> memref<96x128xf32, #tpu.memory_space<hbm>>
      tpu.wait_dma2 semaphore(%arg17 : memref<!tpu.dma_semaphore, #tpu.memory_space<semaphore_mem>>) src(%dma_wait3A_119 : memref<96x128xf32, #tpu.memory_space<hbm>>) dst(%arg12 : memref<96x128xf32, #tpu.memory_space<vmem>>)
      %broadcast_in_dim3A_120 = arith.constant 0.000000e+00 : f32
      %broadcast_in_dim3A_121 = vector.broadcast %broadcast_in_dim3A_120 : f32 to vector<16xf32>
      %scan3A_122 = arith.constant 0 : i32
      %scan3A_123 = arith.constant 96 : i32
      %scan3A_124 = arith.addi %scan3A_122, %scan3A_123 : i32
      %scan3A_125 = arith.constant 1 : i32
      %scan3A_126:8 = scf.for %scan3A_263 = %scan3A_122 to %scan3A_124 step %scan3A_125 iter_args(%scan3A_264 = %broadcast_in_dim3A_121, %scan3A_265 = %broadcast_in_dim3A_121, %scan3A_266 = %broadcast_in_dim3A_121, %scan3A_267 = %broadcast_in_dim3A_121, %scan3A_268 = %broadcast_in_dim3A_121, %scan3A_269 = %broadcast_in_dim3A_121, %scan3A_270 = %broadcast_in_dim3A_121, %scan3A_271 = %broadcast_in_dim3A_121) -> (vector<16xf32>, vector<16xf32>, vector<16xf32>, vector<16xf32>, vector<16xf32>, vector<16xf32>, vector<16xf32>, vector<16xf32>)  : i32 {
        %get3A = arith.index_cast %scan3A_263 : i32 to index
        %get3A_272 = arith.constant 0 : index
        %get3A_273 = tpu.vector_load %arg8[%get3A, %get3A_272] {strides = array<i32>} : memref<96x128xf32, #tpu.memory_space<vmem>>, vector<16xf32>,
        %get3A_274 = arith.index_cast %scan3A_263 : i32 to index
        %get3A_275 = arith.constant 0 : index
        %get3A_276 = tpu.vector_load %arg12[%get3A_274, %get3A_275] {strides = array<i32>} : memref<96x128xf32, #tpu.memory_space<vmem>>, vector<16xf32>,
        %mul3A_277 = arith.mulf %get3A_273, %get3A_276 : vector<16xf32>
        %add3A_278 = arith.addf %scan3A_264, %mul3A_277 : vector<16xf32>
        %get3A_279 = arith.index_cast %scan3A_263 : i32 to index
        %get3A_280 = arith.constant 16 : index
        %get3A_281 = tpu.vector_load %arg8[%get3A_279, %get3A_280] {strides = array<i32>} : memref<96x128xf32, #tpu.memory_space<vmem>>, vector<16xf32>,
        %get3A_282 = arith.index_cast %scan3A_263 : i32 to index
        %get3A_283 = arith.constant 16 : index
        %get3A_284 = tpu.vector_load %arg12[%get3A_282, %get3A_283] {strides = array<i32>} : memref<96x128xf32, #tpu.memory_space<vmem>>, vector<16xf32>,
        %mul3A_285 = arith.mulf %get3A_281, %get3A_284 : vector<16xf32>
        %add3A_286 = arith.addf %scan3A_265, %mul3A_285 : vector<16xf32>
        %get3A_287 = arith.index_cast %scan3A_263 : i32 to index
        %get3A_288 = arith.constant 32 : index
        %get3A_289 = tpu.vector_load %arg8[%get3A_287, %get3A_288] {strides = array<i32>} : memref<96x128xf32, #tpu.memory_space<vmem>>, vector<16xf32>,
        %get3A_290 = arith.index_cast %scan3A_263 : i32 to index
        %get3A_291 = arith.constant 32 : index
        %get3A_292 = tpu.vector_load %arg12[%get3A_290, %get3A_291] {strides = array<i32>} : memref<96x128xf32, #tpu.memory_space<vmem>>, vector<16xf32>,
        %mul3A_293 = arith.mulf %get3A_289, %get3A_292 : vector<16xf32>
        %add3A_294 = arith.addf %scan3A_266, %mul3A_293 : vector<16xf32>
        %get3A_295 = arith.index_cast %scan3A_263 : i32 to index
        %get3A_296 = arith.constant 48 : index
        %get3A_297 = tpu.vector_load %arg8[%get3A_295, %get3A_296] {strides = array<i32>} : memref<96x128xf32, #tpu.memory_space<vmem>>, vector<16xf32>,
        %get3A_298 = arith.index_cast %scan3A_263 : i32 to index
        %get3A_299 = arith.constant 48 : index
        %get3A_300 = tpu.vector_load %arg12[%get3A_298, %get3A_299] {strides = array<i32>} : memref<96x128xf32, #tpu.memory_space<vmem>>, vector<16xf32>,
        %mul3A_301 = arith.mulf %get3A_297, %get3A_300 : vector<16xf32>
        %add3A_302 = arith.addf %scan3A_267, %mul3A_301 : vector<16xf32>
        %get3A_303 = arith.index_cast %scan3A_263 : i32 to index
        %get3A_304 = arith.constant 64 : index
        %get3A_305 = tpu.vector_load %arg8[%get3A_303, %get3A_304] {strides = array<i32>} : memref<96x128xf32, #tpu.memory_space<vmem>>, vector<16xf32>,
        %get3A_306 = arith.index_cast %scan3A_263 : i32 to index
        %get3A_307 = arith.constant 64 : index
        %get3A_308 = tpu.vector_load %arg12[%get3A_306, %get3A_307] {strides = array<i32>} : memref<96x128xf32, #tpu.memory_space<vmem>>, vector<16xf32>,
        %mul3A_309 = arith.mulf %get3A_305, %get3A_308 : vector<16xf32>
        %add3A_310 = arith.addf %scan3A_268, %mul3A_309 : vector<16xf32>
        %get3A_311 = arith.index_cast %scan3A_263 : i32 to index
        %get3A_312 = arith.constant 80 : index
        %get3A_313 = tpu.vector_load %arg8[%get3A_311, %get3A_312] {strides = array<i32>} : memref<96x128xf32, #tpu.memory_space<vmem>>, vector<16xf32>,
        %get3A_314 = arith.index_cast %scan3A_263 : i32 to index
        %get3A_315 = arith.constant 80 : index
        %get3A_316 = tpu.vector_load %arg12[%get3A_314, %get3A_315] {strides = array<i32>} : memref<96x128xf32, #tpu.memory_space<vmem>>, vector<16xf32>,
        %mul3A_317 = arith.mulf %get3A_313, %get3A_316 : vector<16xf32>
        %add3A_318 = arith.addf %scan3A_269, %mul3A_317 : vector<16xf32>
        %get3A_319 = arith.index_cast %scan3A_263 : i32 to index
        %get3A_320 = arith.constant 96 : index
        %get3A_321 = tpu.vector_load %arg8[%get3A_319, %get3A_320] {strides = array<i32>} : memref<96x128xf32, #tpu.memory_space<vmem>>, vector<16xf32>,
        %get3A_322 = arith.index_cast %scan3A_263 : i32 to index
        %get3A_323 = arith.constant 96 : index
        %get3A_324 = tpu.vector_load %arg12[%get3A_322, %get3A_323] {strides = array<i32>} : memref<96x128xf32, #tpu.memory_space<vmem>>, vector<16xf32>,
        %mul3A_325 = arith.mulf %get3A_321, %get3A_324 : vector<16xf32>
        %add3A_326 = arith.addf %scan3A_270, %mul3A_325 : vector<16xf32>
        %get3A_327 = arith.index_cast %scan3A_263 : i32 to index
        %get3A_328 = arith.constant 112 : index
        %get3A_329 = tpu.vector_load %arg8[%get3A_327, %get3A_328] {strides = array<i32>} : memref<96x128xf32, #tpu.memory_space<vmem>>, vector<16xf32>,
        %get3A_330 = arith.index_cast %scan3A_263 : i32 to index
        %get3A_331 = arith.constant 112 : index
        %get3A_332 = tpu.vector_load %arg12[%get3A_330, %get3A_331] {strides = array<i32>} : memref<96x128xf32, #tpu.memory_space<vmem>>, vector<16xf32>,
        %mul3A_333 = arith.mulf %get3A_329, %get3A_332 : vector<16xf32>
        %add3A_334 = arith.addf %scan3A_271, %mul3A_333 : vector<16xf32>
        scf.yield %add3A_278, %add3A_286, %add3A_294, %add3A_302, %add3A_310, %add3A_318, %add3A_326, %add3A_334 : vector<16xf32>, vector<16xf32>, vector<16xf32>, vector<16xf32>, vector<16xf32>, vector<16xf32>, vector<16xf32>, vector<16xf32>
      }
      %scan3A_127 = arith.constant 96 : i32
      %swap3A_128 = arith.index_cast %add3A_107 : i32 to index
      %swap3A_129 = arith.constant 0 : index
      %swap3A_130 = tpu.vector_load %arg15[%swap3A_128, %swap3A_129] {strides = array<i32>} : memref<128x128xf32, #tpu.memory_space<vmem>>, vector<16xf32>,
      tpu.vector_store %arg15[%swap3A_128, %swap3A_129], %scan3A_126#0 {strides = array<i32>} : memref<128x128xf32, #tpu.memory_space<vmem>>, vector<16xf32>,
      %swap3A_131 = arith.index_cast %add3A_107 : i32 to index
      %swap3A_132 = arith.constant 16 : index
      %swap3A_133 = tpu.vector_load %arg15[%swap3A_131, %swap3A_132] {strides = array<i32>} : memref<128x128xf32, #tpu.memory_space<vmem>>, vector<16xf32>,
      tpu.vector_store %arg15[%swap3A_131, %swap3A_132], %scan3A_126#1 {strides = array<i32>} : memref<128x128xf32, #tpu.memory_space<vmem>>, vector<16xf32>,
      %swap3A_134 = arith.index_cast %add3A_107 : i32 to index
      %swap3A_135 = arith.constant 32 : index
      %swap3A_136 = tpu.vector_load %arg15[%swap3A_134, %swap3A_135] {strides = array<i32>} : memref<128x128xf32, #tpu.memory_space<vmem>>, vector<16xf32>,
      tpu.vector_store %arg15[%swap3A_134, %swap3A_135], %scan3A_126#2 {strides = array<i32>} : memref<128x128xf32, #tpu.memory_space<vmem>>, vector<16xf32>,
      %swap3A_137 = arith.index_cast %add3A_107 : i32 to index
      %swap3A_138 = arith.constant 48 : index
      %swap3A_139 = tpu.vector_load %arg15[%swap3A_137, %swap3A_138] {strides = array<i32>} : memref<128x128xf32, #tpu.memory_space<vmem>>, vector<16xf32>,
      tpu.vector_store %arg15[%swap3A_137, %swap3A_138], %scan3A_126#3 {strides = array<i32>} : memref<128x128xf32, #tpu.memory_space<vmem>>, vector<16xf32>,
      %swap3A_140 = arith.index_cast %add3A_107 : i32 to index
      %swap3A_141 = arith.constant 64 : index
      %swap3A_142 = tpu.vector_load %arg15[%swap3A_140, %swap3A_141] {strides = array<i32>} : memref<128x128xf32, #tpu.memory_space<vmem>>, vector<16xf32>,
      tpu.vector_store %arg15[%swap3A_140, %swap3A_141], %scan3A_126#4 {strides = array<i32>} : memref<128x128xf32, #tpu.memory_space<vmem>>, vector<16xf32>,
      %swap3A_143 = arith.index_cast %add3A_107 : i32 to index
      %swap3A_144 = arith.constant 80 : index
      %swap3A_145 = tpu.vector_load %arg15[%swap3A_143, %swap3A_144] {strides = array<i32>} : memref<128x128xf32, #tpu.memory_space<vmem>>, vector<16xf32>,
      tpu.vector_store %arg15[%swap3A_143, %swap3A_144], %scan3A_126#5 {strides = array<i32>} : memref<128x128xf32, #tpu.memory_space<vmem>>, vector<16xf32>,
      %swap3A_146 = arith.index_cast %add3A_107 : i32 to index
      %swap3A_147 = arith.constant 96 : index
      %swap3A_148 = tpu.vector_load %arg15[%swap3A_146, %swap3A_147] {strides = array<i32>} : memref<128x128xf32, #tpu.memory_space<vmem>>, vector<16xf32>,
      tpu.vector_store %arg15[%swap3A_146, %swap3A_147], %scan3A_126#6 {strides = array<i32>} : memref<128x128xf32, #tpu.memory_space<vmem>>, vector<16xf32>,
      %swap3A_149 = arith.index_cast %add3A_107 : i32 to index
      %swap3A_150 = arith.constant 112 : index
      %swap3A_151 = tpu.vector_load %arg15[%swap3A_149, %swap3A_150] {strides = array<i32>} : memref<128x128xf32, #tpu.memory_space<vmem>>, vector<16xf32>,
      tpu.vector_store %arg15[%swap3A_149, %swap3A_150], %scan3A_126#7 {strides = array<i32>} : memref<128x128xf32, #tpu.memory_space<vmem>>, vector<16xf32>,
      %lt3A_152 = arith.constant 31 : i32
      %lt3A_153 = arith.cmpi slt, %add3A_56, %lt3A_152 : i32
      %convert_element_type3A_154 = arith.extui %lt3A_153 : i1 to i32
      %cond3A_155 = arith.constant 0 : i32
      %cond3A_156 = arith.cmpi ne, %convert_element_type3A_154, %cond3A_155 : i32
      scf.if %cond3A_156 {
        %add3A_263 = arith.constant 4 : i32
        %add3A_264 = arith.addi %add3A_107, %add3A_263 : i32
        %mul3A_265 = arith.constant 96 : i32
        %mul3A_266 = arith.muli %add3A_264, %mul3A_265 : i32
        %dma_start3A_267 = tpu.memref_slice %arg6[%mul3A_266] : memref<12288xi32, #tpu.memory_space<vmem>> -> memref<96xi32, #tpu.memory_space<vmem>>
        %dma_start3A_268 = arith.constant 0 : i32
        %dma_start3A_269 = arith.constant 0 : i32
        %dma_start3A_270 = tpu.memref_slice %arg2[%dma_start3A_268, %dma_start3A_269] : memref<4096x128xf32, #tpu.memory_space<hbm>> -> memref<4096x128xf32, #tpu.memory_space<hbm>>
        tpu.enqueue_indirect_dma source(%dma_start3A_270 : memref<4096x128xf32, #tpu.memory_space<hbm>>) target(%arg8 : memref<96x128xf32, #tpu.memory_space<vmem>>) offsets(%dma_start3A_267 : memref<96xi32, #tpu.memory_space<vmem>>) semaphore(%arg17 : memref<!tpu.dma_semaphore, #tpu.memory_space<semaphore_mem>>)
        %add3A_271 = arith.addi %mul3A_2, %mul3A_266 : i32
        %dma_start3A_272 = arith.constant 0 : i32
        %dma_start3A_273 = tpu.memref_slice %arg3[%add3A_271, %dma_start3A_272] : memref<393216x128xf32, #tpu.memory_space<hbm>> -> memref<96x128xf32, #tpu.memory_space<hbm>>
        %dma_start3A_274 = arith.constant 0 : i32
        %dma_start3A_275 = tpu.memref_slice %arg3[%add3A_271, %dma_start3A_274] : memref<393216x128xf32, #tpu.memory_space<hbm>> -> memref<96x128xf32, #tpu.memory_space<hbm>>
        tpu.enqueue_dma source(%dma_start3A_275 : memref<96x128xf32, #tpu.memory_space<hbm>>) target(%arg12 : memref<96x128xf32, #tpu.memory_space<vmem>>) target_semaphore(%arg17 : memref<!tpu.dma_semaphore, #tpu.memory_space<semaphore_mem>>)
      } else {
      }
      %mul3A_157 = arith.constant 4 : i32
      %mul3A_158 = arith.muli %add3A_56, %mul3A_157 : i32
      %add3A_159 = arith.constant 2 : i32
      %add3A_160 = arith.addi %mul3A_158, %add3A_159 : i32
      %dma_wait3A_161 = arith.constant 0 : i32
      %dma_wait3A_162 = arith.constant 0 : i32
      %dma_wait3A_163 = tpu.memref_slice %arg2[%dma_wait3A_161, %dma_wait3A_162] : memref<4096x128xf32, #tpu.memory_space<hbm>> -> memref<96x128xf32, #tpu.memory_space<hbm>>
      %dma_wait3A_164 = arith.constant 0 : i32
      %dma_wait3A_165 = arith.constant 0 : i32
      %dma_wait3A_166 = tpu.memref_slice %arg2[%dma_wait3A_164, %dma_wait3A_165] : memref<4096x128xf32, #tpu.memory_space<hbm>> -> memref<96x128xf32, #tpu.memory_space<hbm>>
      tpu.wait_dma2 semaphore(%arg18 : memref<!tpu.dma_semaphore, #tpu.memory_space<semaphore_mem>>) src(%dma_wait3A_166 : memref<96x128xf32, #tpu.memory_space<hbm>>) dst(%arg9 : memref<96x128xf32, #tpu.memory_space<vmem>>)
      %dma_wait3A_167 = arith.constant 0 : i32
      %dma_wait3A_168 = arith.constant 0 : i32
      %dma_wait3A_169 = tpu.memref_slice %arg3[%dma_wait3A_167, %dma_wait3A_168] : memref<393216x128xf32, #tpu.memory_space<hbm>> -> memref<96x128xf32, #tpu.memory_space<hbm>>
      %dma_wait3A_170 = arith.constant 0 : i32
      %dma_wait3A_171 = arith.constant 0 : i32
      %dma_wait3A_172 = tpu.memref_slice %arg3[%dma_wait3A_170, %dma_wait3A_171] : memref<393216x128xf32, #tpu.memory_space<hbm>> -> memref<96x128xf32, #tpu.memory_space<hbm>>
      tpu.wait_dma2 semaphore(%arg18 : memref<!tpu.dma_semaphore, #tpu.memory_space<semaphore_mem>>) src(%dma_wait3A_172 : memref<96x128xf32, #tpu.memory_space<hbm>>) dst(%arg13 : memref<96x128xf32, #tpu.memory_space<vmem>>)
      %broadcast_in_dim3A_173 = arith.constant 0.000000e+00 : f32
      %broadcast_in_dim3A_174 = vector.broadcast %broadcast_in_dim3A_173 : f32 to vector<16xf32>
      %scan3A_175 = arith.constant 0 : i32
      %scan3A_176 = arith.constant 96 : i32
      %scan3A_177 = arith.addi %scan3A_175, %scan3A_176 : i32
      %scan3A_178 = arith.constant 1 : i32
      %scan3A_179:8 = scf.for %scan3A_263 = %scan3A_175 to %scan3A_177 step %scan3A_178 iter_args(%scan3A_264 = %broadcast_in_dim3A_174, %scan3A_265 = %broadcast_in_dim3A_174, %scan3A_266 = %broadcast_in_dim3A_174, %scan3A_267 = %broadcast_in_dim3A_174, %scan3A_268 = %broadcast_in_dim3A_174, %scan3A_269 = %broadcast_in_dim3A_174, %scan3A_270 = %broadcast_in_dim3A_174, %scan3A_271 = %broadcast_in_dim3A_174) -> (vector<16xf32>, vector<16xf32>, vector<16xf32>, vector<16xf32>, vector<16xf32>, vector<16xf32>, vector<16xf32>, vector<16xf32>)  : i32 {
        %get3A = arith.index_cast %scan3A_263 : i32 to index
        %get3A_272 = arith.constant 0 : index
        %get3A_273 = tpu.vector_load %arg9[%get3A, %get3A_272] {strides = array<i32>} : memref<96x128xf32, #tpu.memory_space<vmem>>, vector<16xf32>,
        %get3A_274 = arith.index_cast %scan3A_263 : i32 to index
        %get3A_275 = arith.constant 0 : index
        %get3A_276 = tpu.vector_load %arg13[%get3A_274, %get3A_275] {strides = array<i32>} : memref<96x128xf32, #tpu.memory_space<vmem>>, vector<16xf32>,
        %mul3A_277 = arith.mulf %get3A_273, %get3A_276 : vector<16xf32>
        %add3A_278 = arith.addf %scan3A_264, %mul3A_277 : vector<16xf32>
        %get3A_279 = arith.index_cast %scan3A_263 : i32 to index
        %get3A_280 = arith.constant 16 : index
        %get3A_281 = tpu.vector_load %arg9[%get3A_279, %get3A_280] {strides = array<i32>} : memref<96x128xf32, #tpu.memory_space<vmem>>, vector<16xf32>,
        %get3A_282 = arith.index_cast %scan3A_263 : i32 to index
        %get3A_283 = arith.constant 16 : index
        %get3A_284 = tpu.vector_load %arg13[%get3A_282, %get3A_283] {strides = array<i32>} : memref<96x128xf32, #tpu.memory_space<vmem>>, vector<16xf32>,
        %mul3A_285 = arith.mulf %get3A_281, %get3A_284 : vector<16xf32>
        %add3A_286 = arith.addf %scan3A_265, %mul3A_285 : vector<16xf32>
        %get3A_287 = arith.index_cast %scan3A_263 : i32 to index
        %get3A_288 = arith.constant 32 : index
        %get3A_289 = tpu.vector_load %arg9[%get3A_287, %get3A_288] {strides = array<i32>} : memref<96x128xf32, #tpu.memory_space<vmem>>, vector<16xf32>,
        %get3A_290 = arith.index_cast %scan3A_263 : i32 to index
        %get3A_291 = arith.constant 32 : index
        %get3A_292 = tpu.vector_load %arg13[%get3A_290, %get3A_291] {strides = array<i32>} : memref<96x128xf32, #tpu.memory_space<vmem>>, vector<16xf32>,
        %mul3A_293 = arith.mulf %get3A_289, %get3A_292 : vector<16xf32>
        %add3A_294 = arith.addf %scan3A_266, %mul3A_293 : vector<16xf32>
        %get3A_295 = arith.index_cast %scan3A_263 : i32 to index
        %get3A_296 = arith.constant 48 : index
        %get3A_297 = tpu.vector_load %arg9[%get3A_295, %get3A_296] {strides = array<i32>} : memref<96x128xf32, #tpu.memory_space<vmem>>, vector<16xf32>,
        %get3A_298 = arith.index_cast %scan3A_263 : i32 to index
        %get3A_299 = arith.constant 48 : index
        %get3A_300 = tpu.vector_load %arg13[%get3A_298, %get3A_299] {strides = array<i32>} : memref<96x128xf32, #tpu.memory_space<vmem>>, vector<16xf32>,
        %mul3A_301 = arith.mulf %get3A_297, %get3A_300 : vector<16xf32>
        %add3A_302 = arith.addf %scan3A_267, %mul3A_301 : vector<16xf32>
        %get3A_303 = arith.index_cast %scan3A_263 : i32 to index
        %get3A_304 = arith.constant 64 : index
        %get3A_305 = tpu.vector_load %arg9[%get3A_303, %get3A_304] {strides = array<i32>} : memref<96x128xf32, #tpu.memory_space<vmem>>, vector<16xf32>,
        %get3A_306 = arith.index_cast %scan3A_263 : i32 to index
        %get3A_307 = arith.constant 64 : index
        %get3A_308 = tpu.vector_load %arg13[%get3A_306, %get3A_307] {strides = array<i32>} : memref<96x128xf32, #tpu.memory_space<vmem>>, vector<16xf32>,
        %mul3A_309 = arith.mulf %get3A_305, %get3A_308 : vector<16xf32>
        %add3A_310 = arith.addf %scan3A_268, %mul3A_309 : vector<16xf32>
        %get3A_311 = arith.index_cast %scan3A_263 : i32 to index
        %get3A_312 = arith.constant 80 : index
        %get3A_313 = tpu.vector_load %arg9[%get3A_311, %get3A_312] {strides = array<i32>} : memref<96x128xf32, #tpu.memory_space<vmem>>, vector<16xf32>,
        %get3A_314 = arith.index_cast %scan3A_263 : i32 to index
        %get3A_315 = arith.constant 80 : index
        %get3A_316 = tpu.vector_load %arg13[%get3A_314, %get3A_315] {strides = array<i32>} : memref<96x128xf32, #tpu.memory_space<vmem>>, vector<16xf32>,
        %mul3A_317 = arith.mulf %get3A_313, %get3A_316 : vector<16xf32>
        %add3A_318 = arith.addf %scan3A_269, %mul3A_317 : vector<16xf32>
        %get3A_319 = arith.index_cast %scan3A_263 : i32 to index
        %get3A_320 = arith.constant 96 : index
        %get3A_321 = tpu.vector_load %arg9[%get3A_319, %get3A_320] {strides = array<i32>} : memref<96x128xf32, #tpu.memory_space<vmem>>, vector<16xf32>,
        %get3A_322 = arith.index_cast %scan3A_263 : i32 to index
        %get3A_323 = arith.constant 96 : index
        %get3A_324 = tpu.vector_load %arg13[%get3A_322, %get3A_323] {strides = array<i32>} : memref<96x128xf32, #tpu.memory_space<vmem>>, vector<16xf32>,
        %mul3A_325 = arith.mulf %get3A_321, %get3A_324 : vector<16xf32>
        %add3A_326 = arith.addf %scan3A_270, %mul3A_325 : vector<16xf32>
        %get3A_327 = arith.index_cast %scan3A_263 : i32 to index
        %get3A_328 = arith.constant 112 : index
        %get3A_329 = tpu.vector_load %arg9[%get3A_327, %get3A_328] {strides = array<i32>} : memref<96x128xf32, #tpu.memory_space<vmem>>, vector<16xf32>,
        %get3A_330 = arith.index_cast %scan3A_263 : i32 to index
        %get3A_331 = arith.constant 112 : index
        %get3A_332 = tpu.vector_load %arg13[%get3A_330, %get3A_331] {strides = array<i32>} : memref<96x128xf32, #tpu.memory_space<vmem>>, vector<16xf32>,
        %mul3A_333 = arith.mulf %get3A_329, %get3A_332 : vector<16xf32>
        %add3A_334 = arith.addf %scan3A_271, %mul3A_333 : vector<16xf32>
        scf.yield %add3A_278, %add3A_286, %add3A_294, %add3A_302, %add3A_310, %add3A_318, %add3A_326, %add3A_334 : vector<16xf32>, vector<16xf32>, vector<16xf32>, vector<16xf32>, vector<16xf32>, vector<16xf32>, vector<16xf32>, vector<16xf32>
      }
      %scan3A_180 = arith.constant 96 : i32
      %swap3A_181 = arith.index_cast %add3A_160 : i32 to index
      %swap3A_182 = arith.constant 0 : index
      %swap3A_183 = tpu.vector_load %arg15[%swap3A_181, %swap3A_182] {strides = array<i32>} : memref<128x128xf32, #tpu.memory_space<vmem>>, vector<16xf32>,
      tpu.vector_store %arg15[%swap3A_181, %swap3A_182], %scan3A_179#0 {strides = array<i32>} : memref<128x128xf32, #tpu.memory_space<vmem>>, vector<16xf32>,
      %swap3A_184 = arith.index_cast %add3A_160 : i32 to index
      %swap3A_185 = arith.constant 16 : index
      %swap3A_186 = tpu.vector_load %arg15[%swap3A_184, %swap3A_185] {strides = array<i32>} : memref<128x128xf32, #tpu.memory_space<vmem>>, vector<16xf32>,
      tpu.vector_store %arg15[%swap3A_184, %swap3A_185], %scan3A_179#1 {strides = array<i32>} : memref<128x128xf32, #tpu.memory_space<vmem>>, vector<16xf32>,
      %swap3A_187 = arith.index_cast %add3A_160 : i32 to index
      %swap3A_188 = arith.constant 32 : index
      %swap3A_189 = tpu.vector_load %arg15[%swap3A_187, %swap3A_188] {strides = array<i32>} : memref<128x128xf32, #tpu.memory_space<vmem>>, vector<16xf32>,
      tpu.vector_store %arg15[%swap3A_187, %swap3A_188], %scan3A_179#2 {strides = array<i32>} : memref<128x128xf32, #tpu.memory_space<vmem>>, vector<16xf32>,
      %swap3A_190 = arith.index_cast %add3A_160 : i32 to index
      %swap3A_191 = arith.constant 48 : index
      %swap3A_192 = tpu.vector_load %arg15[%swap3A_190, %swap3A_191] {strides = array<i32>} : memref<128x128xf32, #tpu.memory_space<vmem>>, vector<16xf32>,
      tpu.vector_store %arg15[%swap3A_190, %swap3A_191], %scan3A_179#3 {strides = array<i32>} : memref<128x128xf32, #tpu.memory_space<vmem>>, vector<16xf32>,
      %swap3A_193 = arith.index_cast %add3A_160 : i32 to index
      %swap3A_194 = arith.constant 64 : index
      %swap3A_195 = tpu.vector_load %arg15[%swap3A_193, %swap3A_194] {strides = array<i32>} : memref<128x128xf32, #tpu.memory_space<vmem>>, vector<16xf32>,
      tpu.vector_store %arg15[%swap3A_193, %swap3A_194], %scan3A_179#4 {strides = array<i32>} : memref<128x128xf32, #tpu.memory_space<vmem>>, vector<16xf32>,
      %swap3A_196 = arith.index_cast %add3A_160 : i32 to index
      %swap3A_197 = arith.constant 80 : index
      %swap3A_198 = tpu.vector_load %arg15[%swap3A_196, %swap3A_197] {strides = array<i32>} : memref<128x128xf32, #tpu.memory_space<vmem>>, vector<16xf32>,
      tpu.vector_store %arg15[%swap3A_196, %swap3A_197], %scan3A_179#5 {strides = array<i32>} : memref<128x128xf32, #tpu.memory_space<vmem>>, vector<16xf32>,
      %swap3A_199 = arith.index_cast %add3A_160 : i32 to index
      %swap3A_200 = arith.constant 96 : index
      %swap3A_201 = tpu.vector_load %arg15[%swap3A_199, %swap3A_200] {strides = array<i32>} : memref<128x128xf32, #tpu.memory_space<vmem>>, vector<16xf32>,
      tpu.vector_store %arg15[%swap3A_199, %swap3A_200], %scan3A_179#6 {strides = array<i32>} : memref<128x128xf32, #tpu.memory_space<vmem>>, vector<16xf32>,
      %swap3A_202 = arith.index_cast %add3A_160 : i32 to index
      %swap3A_203 = arith.constant 112 : index
      %swap3A_204 = tpu.vector_load %arg15[%swap3A_202, %swap3A_203] {strides = array<i32>} : memref<128x128xf32, #tpu.memory_space<vmem>>, vector<16xf32>,
      tpu.vector_store %arg15[%swap3A_202, %swap3A_203], %scan3A_179#7 {strides = array<i32>} : memref<128x128xf32, #tpu.memory_space<vmem>>, vector<16xf32>,
      %lt3A_205 = arith.constant 31 : i32
      %lt3A_206 = arith.cmpi slt, %add3A_56, %lt3A_205 : i32
      %convert_element_type3A_207 = arith.extui %lt3A_206 : i1 to i32
      %cond3A_208 = arith.constant 0 : i32
      %cond3A_209 = arith.cmpi ne, %convert_element_type3A_207, %cond3A_208 : i32
      scf.if %cond3A_209 {
        %add3A_263 = arith.constant 4 : i32
        %add3A_264 = arith.addi %add3A_160, %add3A_263 : i32
        %mul3A_265 = arith.constant 96 : i32
        %mul3A_266 = arith.muli %add3A_264, %mul3A_265 : i32
        %dma_start3A_267 = tpu.memref_slice %arg6[%mul3A_266] : memref<12288xi32, #tpu.memory_space<vmem>> -> memref<96xi32, #tpu.memory_space<vmem>>
        %dma_start3A_268 = arith.constant 0 : i32
        %dma_start3A_269 = arith.constant 0 : i32
        %dma_start3A_270 = tpu.memref_slice %arg2[%dma_start3A_268, %dma_start3A_269] : memref<4096x128xf32, #tpu.memory_space<hbm>> -> memref<4096x128xf32, #tpu.memory_space<hbm>>
        tpu.enqueue_indirect_dma source(%dma_start3A_270 : memref<4096x128xf32, #tpu.memory_space<hbm>>) target(%arg9 : memref<96x128xf32, #tpu.memory_space<vmem>>) offsets(%dma_start3A_267 : memref<96xi32, #tpu.memory_space<vmem>>) semaphore(%arg18 : memref<!tpu.dma_semaphore, #tpu.memory_space<semaphore_mem>>)
        %add3A_271 = arith.addi %mul3A_2, %mul3A_266 : i32
        %dma_start3A_272 = arith.constant 0 : i32
        %dma_start3A_273 = tpu.memref_slice %arg3[%add3A_271, %dma_start3A_272] : memref<393216x128xf32, #tpu.memory_space<hbm>> -> memref<96x128xf32, #tpu.memory_space<hbm>>
        %dma_start3A_274 = arith.constant 0 : i32
        %dma_start3A_275 = tpu.memref_slice %arg3[%add3A_271, %dma_start3A_274] : memref<393216x128xf32, #tpu.memory_space<hbm>> -> memref<96x128xf32, #tpu.memory_space<hbm>>
        tpu.enqueue_dma source(%dma_start3A_275 : memref<96x128xf32, #tpu.memory_space<hbm>>) target(%arg13 : memref<96x128xf32, #tpu.memory_space<vmem>>) target_semaphore(%arg18 : memref<!tpu.dma_semaphore, #tpu.memory_space<semaphore_mem>>)
      } else {
      }
      %mul3A_210 = arith.constant 4 : i32
      %mul3A_211 = arith.muli %add3A_56, %mul3A_210 : i32
      %add3A_212 = arith.constant 3 : i32
      %add3A_213 = arith.addi %mul3A_211, %add3A_212 : i32
      %dma_wait3A_214 = arith.constant 0 : i32
      %dma_wait3A_215 = arith.constant 0 : i32
      %dma_wait3A_216 = tpu.memref_slice %arg2[%dma_wait3A_214, %dma_wait3A_215] : memref<4096x128xf32, #tpu.memory_space<hbm>> -> memref<96x128xf32, #tpu.memory_space<hbm>>
      %dma_wait3A_217 = arith.constant 0 : i32
      %dma_wait3A_218 = arith.constant 0 : i32
      %dma_wait3A_219 = tpu.memref_slice %arg2[%dma_wait3A_217, %dma_wait3A_218] : memref<4096x128xf32, #tpu.memory_space<hbm>> -> memref<96x128xf32, #tpu.memory_space<hbm>>
      tpu.wait_dma2 semaphore(%arg19 : memref<!tpu.dma_semaphore, #tpu.memory_space<semaphore_mem>>) src(%dma_wait3A_219 : memref<96x128xf32, #tpu.memory_space<hbm>>) dst(%arg10 : memref<96x128xf32, #tpu.memory_space<vmem>>)
      %dma_wait3A_220 = arith.constant 0 : i32
      %dma_wait3A_221 = arith.constant 0 : i32
      %dma_wait3A_222 = tpu.memref_slice %arg3[%dma_wait3A_220, %dma_wait3A_221] : memref<393216x128xf32, #tpu.memory_space<hbm>> -> memref<96x128xf32, #tpu.memory_space<hbm>>
      %dma_wait3A_223 = arith.constant 0 : i32
      %dma_wait3A_224 = arith.constant 0 : i32
      %dma_wait3A_225 = tpu.memref_slice %arg3[%dma_wait3A_223, %dma_wait3A_224] : memref<393216x128xf32, #tpu.memory_space<hbm>> -> memref<96x128xf32, #tpu.memory_space<hbm>>
      tpu.wait_dma2 semaphore(%arg19 : memref<!tpu.dma_semaphore, #tpu.memory_space<semaphore_mem>>) src(%dma_wait3A_225 : memref<96x128xf32, #tpu.memory_space<hbm>>) dst(%arg14 : memref<96x128xf32, #tpu.memory_space<vmem>>)
      %broadcast_in_dim3A_226 = arith.constant 0.000000e+00 : f32
      %broadcast_in_dim3A_227 = vector.broadcast %broadcast_in_dim3A_226 : f32 to vector<16xf32>
      %scan3A_228 = arith.constant 0 : i32
      %scan3A_229 = arith.constant 96 : i32
      %scan3A_230 = arith.addi %scan3A_228, %scan3A_229 : i32
      %scan3A_231 = arith.constant 1 : i32
      %scan3A_232:8 = scf.for %scan3A_263 = %scan3A_228 to %scan3A_230 step %scan3A_231 iter_args(%scan3A_264 = %broadcast_in_dim3A_227, %scan3A_265 = %broadcast_in_dim3A_227, %scan3A_266 = %broadcast_in_dim3A_227, %scan3A_267 = %broadcast_in_dim3A_227, %scan3A_268 = %broadcast_in_dim3A_227, %scan3A_269 = %broadcast_in_dim3A_227, %scan3A_270 = %broadcast_in_dim3A_227, %scan3A_271 = %broadcast_in_dim3A_227) -> (vector<16xf32>, vector<16xf32>, vector<16xf32>, vector<16xf32>, vector<16xf32>, vector<16xf32>, vector<16xf32>, vector<16xf32>)  : i32 {
        %get3A = arith.index_cast %scan3A_263 : i32 to index
        %get3A_272 = arith.constant 0 : index
        %get3A_273 = tpu.vector_load %arg10[%get3A, %get3A_272] {strides = array<i32>} : memref<96x128xf32, #tpu.memory_space<vmem>>, vector<16xf32>,
        %get3A_274 = arith.index_cast %scan3A_263 : i32 to index
        %get3A_275 = arith.constant 0 : index
        %get3A_276 = tpu.vector_load %arg14[%get3A_274, %get3A_275] {strides = array<i32>} : memref<96x128xf32, #tpu.memory_space<vmem>>, vector<16xf32>,
        %mul3A_277 = arith.mulf %get3A_273, %get3A_276 : vector<16xf32>
        %add3A_278 = arith.addf %scan3A_264, %mul3A_277 : vector<16xf32>
        %get3A_279 = arith.index_cast %scan3A_263 : i32 to index
        %get3A_280 = arith.constant 16 : index
        %get3A_281 = tpu.vector_load %arg10[%get3A_279, %get3A_280] {strides = array<i32>} : memref<96x128xf32, #tpu.memory_space<vmem>>, vector<16xf32>,
        %get3A_282 = arith.index_cast %scan3A_263 : i32 to index
        %get3A_283 = arith.constant 16 : index
        %get3A_284 = tpu.vector_load %arg14[%get3A_282, %get3A_283] {strides = array<i32>} : memref<96x128xf32, #tpu.memory_space<vmem>>, vector<16xf32>,
        %mul3A_285 = arith.mulf %get3A_281, %get3A_284 : vector<16xf32>
        %add3A_286 = arith.addf %scan3A_265, %mul3A_285 : vector<16xf32>
        %get3A_287 = arith.index_cast %scan3A_263 : i32 to index
        %get3A_288 = arith.constant 32 : index
        %get3A_289 = tpu.vector_load %arg10[%get3A_287, %get3A_288] {strides = array<i32>} : memref<96x128xf32, #tpu.memory_space<vmem>>, vector<16xf32>,
        %get3A_290 = arith.index_cast %scan3A_263 : i32 to index
        %get3A_291 = arith.constant 32 : index
        %get3A_292 = tpu.vector_load %arg14[%get3A_290, %get3A_291] {strides = array<i32>} : memref<96x128xf32, #tpu.memory_space<vmem>>, vector<16xf32>,
        %mul3A_293 = arith.mulf %get3A_289, %get3A_292 : vector<16xf32>
        %add3A_294 = arith.addf %scan3A_266, %mul3A_293 : vector<16xf32>
        %get3A_295 = arith.index_cast %scan3A_263 : i32 to index
        %get3A_296 = arith.constant 48 : index
        %get3A_297 = tpu.vector_load %arg10[%get3A_295, %get3A_296] {strides = array<i32>} : memref<96x128xf32, #tpu.memory_space<vmem>>, vector<16xf32>,
        %get3A_298 = arith.index_cast %scan3A_263 : i32 to index
        %get3A_299 = arith.constant 48 : index
        %get3A_300 = tpu.vector_load %arg14[%get3A_298, %get3A_299] {strides = array<i32>} : memref<96x128xf32, #tpu.memory_space<vmem>>, vector<16xf32>,
        %mul3A_301 = arith.mulf %get3A_297, %get3A_300 : vector<16xf32>
        %add3A_302 = arith.addf %scan3A_267, %mul3A_301 : vector<16xf32>
        %get3A_303 = arith.index_cast %scan3A_263 : i32 to index
        %get3A_304 = arith.constant 64 : index
        %get3A_305 = tpu.vector_load %arg10[%get3A_303, %get3A_304] {strides = array<i32>} : memref<96x128xf32, #tpu.memory_space<vmem>>, vector<16xf32>,
        %get3A_306 = arith.index_cast %scan3A_263 : i32 to index
        %get3A_307 = arith.constant 64 : index
        %get3A_308 = tpu.vector_load %arg14[%get3A_306, %get3A_307] {strides = array<i32>} : memref<96x128xf32, #tpu.memory_space<vmem>>, vector<16xf32>,
        %mul3A_309 = arith.mulf %get3A_305, %get3A_308 : vector<16xf32>
        %add3A_310 = arith.addf %scan3A_268, %mul3A_309 : vector<16xf32>
        %get3A_311 = arith.index_cast %scan3A_263 : i32 to index
        %get3A_312 = arith.constant 80 : index
        %get3A_313 = tpu.vector_load %arg10[%get3A_311, %get3A_312] {strides = array<i32>} : memref<96x128xf32, #tpu.memory_space<vmem>>, vector<16xf32>,
        %get3A_314 = arith.index_cast %scan3A_263 : i32 to index
        %get3A_315 = arith.constant 80 : index
        %get3A_316 = tpu.vector_load %arg14[%get3A_314, %get3A_315] {strides = array<i32>} : memref<96x128xf32, #tpu.memory_space<vmem>>, vector<16xf32>,
        %mul3A_317 = arith.mulf %get3A_313, %get3A_316 : vector<16xf32>
        %add3A_318 = arith.addf %scan3A_269, %mul3A_317 : vector<16xf32>
        %get3A_319 = arith.index_cast %scan3A_263 : i32 to index
        %get3A_320 = arith.constant 96 : index
        %get3A_321 = tpu.vector_load %arg10[%get3A_319, %get3A_320] {strides = array<i32>} : memref<96x128xf32, #tpu.memory_space<vmem>>, vector<16xf32>,
        %get3A_322 = arith.index_cast %scan3A_263 : i32 to index
        %get3A_323 = arith.constant 96 : index
        %get3A_324 = tpu.vector_load %arg14[%get3A_322, %get3A_323] {strides = array<i32>} : memref<96x128xf32, #tpu.memory_space<vmem>>, vector<16xf32>,
        %mul3A_325 = arith.mulf %get3A_321, %get3A_324 : vector<16xf32>
        %add3A_326 = arith.addf %scan3A_270, %mul3A_325 : vector<16xf32>
        %get3A_327 = arith.index_cast %scan3A_263 : i32 to index
        %get3A_328 = arith.constant 112 : index
        %get3A_329 = tpu.vector_load %arg10[%get3A_327, %get3A_328] {strides = array<i32>} : memref<96x128xf32, #tpu.memory_space<vmem>>, vector<16xf32>,
        %get3A_330 = arith.index_cast %scan3A_263 : i32 to index
        %get3A_331 = arith.constant 112 : index
        %get3A_332 = tpu.vector_load %arg14[%get3A_330, %get3A_331] {strides = array<i32>} : memref<96x128xf32, #tpu.memory_space<vmem>>, vector<16xf32>,
        %mul3A_333 = arith.mulf %get3A_329, %get3A_332 : vector<16xf32>
        %add3A_334 = arith.addf %scan3A_271, %mul3A_333 : vector<16xf32>
        scf.yield %add3A_278, %add3A_286, %add3A_294, %add3A_302, %add3A_310, %add3A_318, %add3A_326, %add3A_334 : vector<16xf32>, vector<16xf32>, vector<16xf32>, vector<16xf32>, vector<16xf32>, vector<16xf32>, vector<16xf32>, vector<16xf32>
      }
      %scan3A_233 = arith.constant 96 : i32
      %swap3A_234 = arith.index_cast %add3A_213 : i32 to index
      %swap3A_235 = arith.constant 0 : index
      %swap3A_236 = tpu.vector_load %arg15[%swap3A_234, %swap3A_235] {strides = array<i32>} : memref<128x128xf32, #tpu.memory_space<vmem>>, vector<16xf32>,
      tpu.vector_store %arg15[%swap3A_234, %swap3A_235], %scan3A_232#0 {strides = array<i32>} : memref<128x128xf32, #tpu.memory_space<vmem>>, vector<16xf32>,
      %swap3A_237 = arith.index_cast %add3A_213 : i32 to index
      %swap3A_238 = arith.constant 16 : index
      %swap3A_239 = tpu.vector_load %arg15[%swap3A_237, %swap3A_238] {strides = array<i32>} : memref<128x128xf32, #tpu.memory_space<vmem>>, vector<16xf32>,
      tpu.vector_store %arg15[%swap3A_237, %swap3A_238], %scan3A_232#1 {strides = array<i32>} : memref<128x128xf32, #tpu.memory_space<vmem>>, vector<16xf32>,
      %swap3A_240 = arith.index_cast %add3A_213 : i32 to index
      %swap3A_241 = arith.constant 32 : index
      %swap3A_242 = tpu.vector_load %arg15[%swap3A_240, %swap3A_241] {strides = array<i32>} : memref<128x128xf32, #tpu.memory_space<vmem>>, vector<16xf32>,
      tpu.vector_store %arg15[%swap3A_240, %swap3A_241], %scan3A_232#2 {strides = array<i32>} : memref<128x128xf32, #tpu.memory_space<vmem>>, vector<16xf32>,
      %swap3A_243 = arith.index_cast %add3A_213 : i32 to index
      %swap3A_244 = arith.constant 48 : index
      %swap3A_245 = tpu.vector_load %arg15[%swap3A_243, %swap3A_244] {strides = array<i32>} : memref<128x128xf32, #tpu.memory_space<vmem>>, vector<16xf32>,
      tpu.vector_store %arg15[%swap3A_243, %swap3A_244], %scan3A_232#3 {strides = array<i32>} : memref<128x128xf32, #tpu.memory_space<vmem>>, vector<16xf32>,
      %swap3A_246 = arith.index_cast %add3A_213 : i32 to index
      %swap3A_247 = arith.constant 64 : index
      %swap3A_248 = tpu.vector_load %arg15[%swap3A_246, %swap3A_247] {strides = array<i32>} : memref<128x128xf32, #tpu.memory_space<vmem>>, vector<16xf32>,
      tpu.vector_store %arg15[%swap3A_246, %swap3A_247], %scan3A_232#4 {strides = array<i32>} : memref<128x128xf32, #tpu.memory_space<vmem>>, vector<16xf32>,
      %swap3A_249 = arith.index_cast %add3A_213 : i32 to index
      %swap3A_250 = arith.constant 80 : index
      %swap3A_251 = tpu.vector_load %arg15[%swap3A_249, %swap3A_250] {strides = array<i32>} : memref<128x128xf32, #tpu.memory_space<vmem>>, vector<16xf32>,
      tpu.vector_store %arg15[%swap3A_249, %swap3A_250], %scan3A_232#5 {strides = array<i32>} : memref<128x128xf32, #tpu.memory_space<vmem>>, vector<16xf32>,
      %swap3A_252 = arith.index_cast %add3A_213 : i32 to index
      %swap3A_253 = arith.constant 96 : index
      %swap3A_254 = tpu.vector_load %arg15[%swap3A_252, %swap3A_253] {strides = array<i32>} : memref<128x128xf32, #tpu.memory_space<vmem>>, vector<16xf32>,
      tpu.vector_store %arg15[%swap3A_252, %swap3A_253], %scan3A_232#6 {strides = array<i32>} : memref<128x128xf32, #tpu.memory_space<vmem>>, vector<16xf32>,
      %swap3A_255 = arith.index_cast %add3A_213 : i32 to index
      %swap3A_256 = arith.constant 112 : index
      %swap3A_257 = tpu.vector_load %arg15[%swap3A_255, %swap3A_256] {strides = array<i32>} : memref<128x128xf32, #tpu.memory_space<vmem>>, vector<16xf32>,
      tpu.vector_store %arg15[%swap3A_255, %swap3A_256], %scan3A_232#7 {strides = array<i32>} : memref<128x128xf32, #tpu.memory_space<vmem>>, vector<16xf32>,
      %lt3A_258 = arith.constant 31 : i32
      %lt3A_259 = arith.cmpi slt, %add3A_56, %lt3A_258 : i32
      %convert_element_type3A_260 = arith.extui %lt3A_259 : i1 to i32
      %cond3A_261 = arith.constant 0 : i32
      %cond3A_262 = arith.cmpi ne, %convert_element_type3A_260, %cond3A_261 : i32
      scf.if %cond3A_262 {
        %add3A_263 = arith.constant 4 : i32
        %add3A_264 = arith.addi %add3A_213, %add3A_263 : i32
        %mul3A_265 = arith.constant 96 : i32
        %mul3A_266 = arith.muli %add3A_264, %mul3A_265 : i32
        %dma_start3A_267 = tpu.memref_slice %arg6[%mul3A_266] : memref<12288xi32, #tpu.memory_space<vmem>> -> memref<96xi32, #tpu.memory_space<vmem>>
        %dma_start3A_268 = arith.constant 0 : i32
        %dma_start3A_269 = arith.constant 0 : i32
        %dma_start3A_270 = tpu.memref_slice %arg2[%dma_start3A_268, %dma_start3A_269] : memref<4096x128xf32, #tpu.memory_space<hbm>> -> memref<4096x128xf32, #tpu.memory_space<hbm>>
        tpu.enqueue_indirect_dma source(%dma_start3A_270 : memref<4096x128xf32, #tpu.memory_space<hbm>>) target(%arg10 : memref<96x128xf32, #tpu.memory_space<vmem>>) offsets(%dma_start3A_267 : memref<96xi32, #tpu.memory_space<vmem>>) semaphore(%arg19 : memref<!tpu.dma_semaphore, #tpu.memory_space<semaphore_mem>>)
        %add3A_271 = arith.addi %mul3A_2, %mul3A_266 : i32
        %dma_start3A_272 = arith.constant 0 : i32
        %dma_start3A_273 = tpu.memref_slice %arg3[%add3A_271, %dma_start3A_272] : memref<393216x128xf32, #tpu.memory_space<hbm>> -> memref<96x128xf32, #tpu.memory_space<hbm>>
        %dma_start3A_274 = arith.constant 0 : i32
        %dma_start3A_275 = tpu.memref_slice %arg3[%add3A_271, %dma_start3A_274] : memref<393216x128xf32, #tpu.memory_space<hbm>> -> memref<96x128xf32, #tpu.memory_space<hbm>>
        tpu.enqueue_dma source(%dma_start3A_275 : memref<96x128xf32, #tpu.memory_space<hbm>>) target(%arg14 : memref<96x128xf32, #tpu.memory_space<vmem>>) target_semaphore(%arg19 : memref<!tpu.dma_semaphore, #tpu.memory_space<semaphore_mem>>)
      } else {
      }
    }
    %scan3A_49 = arith.constant 32 : i32
    %mul3A_50 = arith.constant 128 : i32
    %mul3A_51 = arith.muli %add3A, %mul3A_50 : i32
    "tpu.region"() ({
      %run_scoped3A = tpu.sem_alloc : memref<!tpu.dma_semaphore, #tpu.memory_space<semaphore_mem>>
      %dma_start3A_52 = arith.constant 0 : i32
      %dma_start3A_53 = tpu.memref_slice %arg5[%mul3A_51, %dma_start3A_52] : memref<4096x128xf32, #tpu.memory_space<hbm>> -> memref<128x128xf32, #tpu.memory_space<hbm>>
      %dma_start3A_54 = arith.constant 0 : i32
      %dma_start3A_55 = tpu.memref_slice %arg5[%mul3A_51, %dma_start3A_54] : memref<4096x128xf32, #tpu.memory_space<hbm>> -> memref<128x128xf32, #tpu.memory_space<hbm>>
      tpu.enqueue_dma source(%arg15 : memref<128x128xf32, #tpu.memory_space<vmem>>) target(%dma_start3A_55 : memref<128x128xf32, #tpu.memory_space<hbm>>) target_semaphore(%run_scoped3A : memref<!tpu.dma_semaphore, #tpu.memory_space<semaphore_mem>>)
      %dma_wait3A = arith.constant 0 : i32
      %dma_wait3A_56 = tpu.memref_slice %arg5[%mul3A_51, %dma_wait3A] : memref<4096x128xf32, #tpu.memory_space<hbm>> -> memref<128x128xf32, #tpu.memory_space<hbm>>
      %dma_wait3A_57 = arith.constant 0 : i32
      %dma_wait3A_58 = tpu.memref_slice %arg5[%mul3A_51, %dma_wait3A_57] : memref<4096x128xf32, #tpu.memory_space<hbm>> -> memref<128x128xf32, #tpu.memory_space<hbm>>
      tpu.wait_dma2 semaphore(%run_scoped3A : memref<!tpu.dma_semaphore, #tpu.memory_space<semaphore_mem>>) src(%arg15 : memref<128x128xf32, #tpu.memory_space<vmem>>) dst(%dma_wait3A_58 : memref<128x128xf32, #tpu.memory_space<hbm>>)
      tpu.yield
    }) : () -> ()
    return
  }
}

module attributes {stable_mosaic.version = 14 : i64} {
  func.func @_prep_body(%arg0: memref<4096x1xi32, #tpu.memory_space<vmem>>, %arg1: memref<4096x3xf32, #tpu.memory_space<vmem>>, %arg2: memref<120x1xf32, #tpu.memory_space<vmem>>, %arg3: memref<120x128xf32, #tpu.memory_space<vmem>>, %arg4: memref<128x128xf32, #tpu.memory_space<vmem>>, %arg5: memref<4096x128xf32, #tpu.memory_space<vmem>>, %arg6: memref<3x4096xf32, #tpu.memory_space<vmem>>, %arg7: memref<3x4096xf32, #tpu.memory_space<vmem>>, %arg8: memref<1x4096xf32, #tpu.memory_space<vmem>>) attributes {dimension_semantics = [], scalar_prefetch = 0 : i64, scratch_operands = 0 : i64, tpu.core_type = #tpu.core_type<tc>} {
    %get3A = arith.constant 0 : index
    %get3A_0 = arith.constant 0 : index
    %get3A_1 = vector.load %arg0[%get3A, %get3A_0] : memref<4096x1xi32, #tpu.memory_space<vmem>>, vector<4096x1xi32>
    %iota3A = tpu.iota {dimensions = array<i32: 1>} : vector<4096x120xi32>
    %eq3A = vector.broadcast %get3A_1 : vector<4096x1xi32> to vector<4096x120xi32>
    %eq3A_2 = arith.cmpi eq, %iota3A, %eq3A : vector<4096x120xi32>
    %convert_element_type3A = arith.extui %eq3A_2 : vector<4096x120xi1> to vector<4096x120xi32>
    %convert_element_type3A_3 = arith.sitofp %convert_element_type3A : vector<4096x120xi32> to vector<4096x120xf32>
    %get3A_4 = arith.constant 0 : index
    %get3A_5 = arith.constant 0 : index
    %get3A_6 = vector.load %arg2[%get3A_4, %get3A_5] : memref<120x1xf32, #tpu.memory_space<vmem>>, vector<120x1xf32>
    %dot_general3A = arith.constant dense<0.000000e+00> : vector<4096x1xf32>
    %dot_general3A_7 = tpu.matmul %convert_element_type3A_3, %get3A_6, %dot_general3A {dimension_numbers = #tpu.dot_dimension_numbers<[1], [0], [0], [1], [0, 0, 1, 1], [], []>, precision = #tpu.contract_precision<fp32>, transpose_lhs_hint = false} : vector<4096x120xf32>, vector<120x1xf32>, vector<4096x1xf32> -> vector<4096x1xf32>
    %iota3A_8 = tpu.iota {dimensions = array<i32: 0>} : vector<4096x1xi32>
    %lt3A = arith.constant 4095 : i32
    %lt3A_9 = vector.broadcast %lt3A : i32 to vector<4096x1xi32>
    %lt3A_10 = arith.cmpi slt, %iota3A_8, %lt3A_9 : vector<4096x1xi32>
    %jit3A = arith.constant 0.000000e+00 : f32
    %broadcast_in_dim3A = vector.broadcast %jit3A : f32 to vector<4096x1xf32>
    %select_n3A = arith.select %lt3A_10, %dot_general3A_7, %broadcast_in_dim3A : vector<4096x1xi1>, vector<4096x1xf32>
    %get3A_11 = arith.constant 0 : index
    %get3A_12 = arith.constant 0 : index
    %get3A_13 = vector.load %arg1[%get3A_11, %get3A_12] : memref<4096x3xf32, #tpu.memory_space<vmem>>, vector<4096x3xf32>
    %mul3A = vector.broadcast %select_n3A : vector<4096x1xf32> to vector<4096x3xf32>
    %mul3A_14 = arith.mulf %mul3A, %get3A_13 : vector<4096x3xf32>
    %reduce_sum3A = arith.constant dense<0.000000e+00> : vector<3xf32>
    %reduce_sum3A_15 = vector.multi_reduction <add>, %mul3A_14, %reduce_sum3A [0] : vector<4096x3xf32> to vector<3xf32>
    %broadcast_in_dim3A_16 = vector.shape_cast %reduce_sum3A_15 : vector<3xf32> to vector<1x3xf32>
    %reduce_sum3A_17 = vector.shape_cast %select_n3A : vector<4096x1xf32> to vector<1x4096x1xf32>
    %reduce_sum3A_18 = arith.constant dense<0.000000e+00> : vector<1xf32>
    %reduce_sum3A_19 = vector.multi_reduction <add>, %reduce_sum3A_17, %reduce_sum3A_18 [1, 2] : vector<1x4096x1xf32> to vector<1xf32>
    %reduce_sum3A_20 = vector.shape_cast %reduce_sum3A_19 : vector<1xf32> to vector<1x1x1xf32>
    %reduce_sum3A_21 = vector.extract %reduce_sum3A_20[0, 0, 0] : f32 from vector<1x1x1xf32>
    %div3A = vector.broadcast %reduce_sum3A_21 : f32 to vector<1x3xf32>
    %div3A_22 = arith.divf %broadcast_in_dim3A_16, %div3A : vector<1x3xf32>
    %eq3A_23 = arith.constant 4095 : i32
    %eq3A_24 = vector.broadcast %eq3A_23 : i32 to vector<4096x1xi32>
    %eq3A_25 = arith.cmpi eq, %iota3A_8, %eq3A_24 : vector<4096x1xi32>
    %broadcast_in_dim3A_26 = vector.shape_cast %eq3A_25 : vector<4096x1xi1> to vector<4096x1xi1>
    %broadcast_in_dim3A_27 = vector.broadcast %broadcast_in_dim3A_26 : vector<4096x1xi1> to vector<4096x3xi1>
    %broadcast_in_dim3A_28 = vector.shape_cast %div3A_22 : vector<1x3xf32> to vector<1x3xf32>
    %broadcast_in_dim3A_29 = vector.broadcast %broadcast_in_dim3A_28 : vector<1x3xf32> to vector<4096x3xf32>
    %select_n3A_30 = arith.select %broadcast_in_dim3A_27, %broadcast_in_dim3A_29, %get3A_13 : vector<4096x3xi1>, vector<4096x3xf32>
    %iota3A_31 = tpu.iota {dimensions = array<i32: 0>} : vector<3x3xi32>
    %iota3A_32 = tpu.iota {dimensions = array<i32: 1>} : vector<3x3xi32>
    %eq3A_33 = arith.cmpi eq, %iota3A_31, %iota3A_32 : vector<3x3xi32>
    %convert_element_type3A_34 = arith.extui %eq3A_33 : vector<3x3xi1> to vector<3x3xi32>
    %convert_element_type3A_35 = arith.sitofp %convert_element_type3A_34 : vector<3x3xi32> to vector<3x3xf32>
    %dot_general3A_36 = arith.constant dense<0.000000e+00> : vector<3x4096xf32>
    %dot_general3A_37 = tpu.matmul %convert_element_type3A_35, %select_n3A_30, %dot_general3A_36 {dimension_numbers = #tpu.dot_dimension_numbers<[1], [1], [0], [0], [0, 0, 1, 0], [], []>, precision = #tpu.contract_precision<fp32>, transpose_lhs_hint = false} : vector<3x3xf32>, vector<4096x3xf32>, vector<3x4096xf32> -> vector<3x4096xf32>
    %swap3A = arith.constant 0 : index
    %swap3A_38 = arith.constant 0 : index
    %swap3A_39 = vector.load %arg6[%swap3A, %swap3A_38] : memref<3x4096xf32, #tpu.memory_space<vmem>>, vector<3x4096xf32>
    tpu.vector_store %arg6[%swap3A, %swap3A_38], %dot_general3A_37 {strides = array<i32>} : memref<3x4096xf32, #tpu.memory_space<vmem>>, vector<3x4096xf32>,
    %convert_element_type3A_40 = arith.truncf %dot_general3A_37 : vector<3x4096xf32> to vector<3x4096xbf16>
    %convert_element_type3A_41 = arith.extf %convert_element_type3A_40 : vector<3x4096xbf16> to vector<3x4096xf32>
    %swap3A_42 = arith.constant 0 : index
    %swap3A_43 = arith.constant 0 : index
    %swap3A_44 = vector.load %arg7[%swap3A_42, %swap3A_43] : memref<3x4096xf32, #tpu.memory_space<vmem>>, vector<3x4096xf32>
    tpu.vector_store %arg7[%swap3A_42, %swap3A_43], %convert_element_type3A_41 {strides = array<i32>} : memref<3x4096xf32, #tpu.memory_space<vmem>>, vector<3x4096xf32>,
    %slice3A = vector.extract_strided_slice %dot_general3A_37 {offsets = [0, 0], sizes = [1, 4096], strides = [1, 1]} : vector<3x4096xf32> to vector<1x4096xf32>
    %slice3A_45 = vector.extract_strided_slice %dot_general3A_37 {offsets = [0, 0], sizes = [1, 4096], strides = [1, 1]} : vector<3x4096xf32> to vector<1x4096xf32>
    %mul3A_46 = arith.mulf %slice3A, %slice3A_45 : vector<1x4096xf32>
    %slice3A_47 = vector.extract_strided_slice %dot_general3A_37 {offsets = [1, 0], sizes = [1, 4096], strides = [1, 1]} : vector<3x4096xf32> to vector<1x4096xf32>
    %slice3A_48 = vector.extract_strided_slice %dot_general3A_37 {offsets = [1, 0], sizes = [1, 4096], strides = [1, 1]} : vector<3x4096xf32> to vector<1x4096xf32>
    %mul3A_49 = arith.mulf %slice3A_47, %slice3A_48 : vector<1x4096xf32>
    %slice3A_50 = vector.extract_strided_slice %dot_general3A_37 {offsets = [2, 0], sizes = [1, 4096], strides = [1, 1]} : vector<3x4096xf32> to vector<1x4096xf32>
    %slice3A_51 = vector.extract_strided_slice %dot_general3A_37 {offsets = [2, 0], sizes = [1, 4096], strides = [1, 1]} : vector<3x4096xf32> to vector<1x4096xf32>
    %mul3A_52 = arith.mulf %slice3A_50, %slice3A_51 : vector<1x4096xf32>
    %add3A = arith.addf %mul3A_46, %mul3A_49 : vector<1x4096xf32>
    %add3A_53 = arith.addf %add3A, %mul3A_52 : vector<1x4096xf32>
    %swap3A_54 = arith.constant 0 : index
    %swap3A_55 = arith.constant 0 : index
    %swap3A_56 = vector.load %arg8[%swap3A_54, %swap3A_55] : memref<1x4096xf32, #tpu.memory_space<vmem>>, vector<1x4096xf32>
    tpu.vector_store %arg8[%swap3A_54, %swap3A_55], %add3A_53 {strides = array<i32>} : memref<1x4096xf32, #tpu.memory_space<vmem>>, vector<1x4096xf32>,
    %get3A_57 = arith.constant 0 : index
    %get3A_58 = arith.constant 0 : index
    %get3A_59 = vector.load %arg3[%get3A_57, %get3A_58] : memref<120x128xf32, #tpu.memory_space<vmem>>, vector<120x128xf32>
    %get3A_60 = arith.constant 0 : index
    %get3A_61 = arith.constant 0 : index
    %get3A_62 = vector.load %arg4[%get3A_60, %get3A_61] : memref<128x128xf32, #tpu.memory_space<vmem>>, vector<128x128xf32>
    %dot_general3A_63 = arith.constant dense<0.000000e+00> : vector<120x128xf32>
    %dot_general3A_64 = tpu.matmul %get3A_59, %get3A_62, %dot_general3A_63 {dimension_numbers = #tpu.dot_dimension_numbers<[1], [0], [0], [1], [0, 0, 1, 1], [], []>, precision = #tpu.contract_precision<fp32>, transpose_lhs_hint = false} : vector<120x128xf32>, vector<128x128xf32>, vector<120x128xf32> -> vector<120x128xf32>
    %dot_general3A_65 = arith.constant dense<0.000000e+00> : vector<4096x128xf32>
    %dot_general3A_66 = tpu.matmul %convert_element_type3A_3, %dot_general3A_64, %dot_general3A_65 {dimension_numbers = #tpu.dot_dimension_numbers<[1], [0], [0], [1], [0, 0, 1, 1], [], []>, precision = #tpu.contract_precision<fp32>, transpose_lhs_hint = false} : vector<4096x120xf32>, vector<120x128xf32>, vector<4096x128xf32> -> vector<4096x128xf32>
    %swap3A_67 = arith.constant 0 : index
    %swap3A_68 = arith.constant 0 : index
    %swap3A_69 = vector.load %arg5[%swap3A_67, %swap3A_68] : memref<4096x128xf32, #tpu.memory_space<vmem>>, vector<4096x128xf32>
    tpu.vector_store %arg5[%swap3A_67, %swap3A_68], %dot_general3A_66 {strides = array<i32>} : memref<4096x128xf32, #tpu.memory_space<vmem>>, vector<4096x128xf32>,
    return
  }
}

module attributes {stable_mosaic.version = 14 : i64} {
  func.func @_filter_body(%arg0: i32, %arg1: memref<2048x1xf32, #tpu.memory_space<vmem>>, %arg2: memref<50x128xbf16, #tpu.memory_space<vmem>>, %arg3: memref<1x128xf32, #tpu.memory_space<vmem>>, %arg4: memref<128x128xbf16, #tpu.memory_space<vmem>>, %arg5: memref<1x128xf32, #tpu.memory_space<vmem>>, %arg6: memref<2048x128xf32, #tpu.memory_space<vmem>>) attributes {dimension_semantics = [#tpu.dimension_semantics<arbitrary>], iteration_bounds = array<i64: 192>, scalar_prefetch = 0 : i64, scratch_operands = 0 : i64, tpu.core_type = #tpu.core_type<tc>, window_params = [{transform_indices = @transform_0, window_bounds = array<i64: 2048, 1>}, {pipeline_mode = #tpu.pipeline_mode<synchronous>, transform_indices = @transform_1, window_bounds = array<i64: 50, 128>}, {pipeline_mode = #tpu.pipeline_mode<synchronous>, transform_indices = @transform_2, window_bounds = array<i64: 1, 128>}, {pipeline_mode = #tpu.pipeline_mode<synchronous>, transform_indices = @transform_3, window_bounds = array<i64: 128, 128>}, {pipeline_mode = #tpu.pipeline_mode<synchronous>, transform_indices = @transform_4, window_bounds = array<i64: 1, 128>}, {transform_indices = @transform_5, window_bounds = array<i64: 2048, 128>}]} {
    %get3A = arith.constant 0 : index
    %get3A_0 = arith.constant 0 : index
    %get3A_1 = vector.load %arg1[%get3A, %get3A_0] : memref<2048x1xf32, #tpu.memory_space<vmem>>, vector<2048x1xf32>
    %add3A = arith.constant 9.99999996E-13 : f32
    %add3A_2 = vector.broadcast %add3A : f32 to vector<2048x1xf32>
    %add3A_3 = arith.addf %get3A_1, %add3A_2 : vector<2048x1xf32>
    %sqrt3A = math.sqrt %add3A_3 : vector<2048x1xf32>
    %iota3A = tpu.iota {dimensions = array<i32: 1>} : vector<1x50xi32>
    %convert_element_type3A = arith.sitofp %iota3A : vector<1x50xi32> to vector<1x50xf32>
    %mul3A = arith.constant 0.20408164 : f32
    %mul3A_4 = vector.broadcast %mul3A : f32 to vector<1x50xf32>
    %mul3A_5 = arith.mulf %convert_element_type3A, %mul3A_4 : vector<1x50xf32>
    %sub3A = vector.broadcast %sqrt3A : vector<2048x1xf32> to vector<2048x50xf32>
    %sub3A_6 = vector.broadcast %mul3A_5 : vector<1x50xf32> to vector<2048x50xf32>
    %sub3A_7 = arith.subf %sub3A, %sub3A_6 : vector<2048x50xf32>
    %integer_pow3A = arith.mulf %sub3A_7, %sub3A_7 : vector<2048x50xf32>
    %mul3A_8 = arith.constant -1.200500e+01 : f32
    %mul3A_9 = vector.broadcast %mul3A_8 : f32 to vector<2048x50xf32>
    %mul3A_10 = arith.mulf %mul3A_9, %integer_pow3A : vector<2048x50xf32>
    %exp3A = math.exp %mul3A_10 : vector<2048x50xf32>
    %convert_element_type3A_11 = arith.truncf %exp3A : vector<2048x50xf32> to vector<2048x50xbf16>
    %get3A_12 = arith.constant 0 : index
    %get3A_13 = arith.constant 0 : index
    %get3A_14 = vector.load %arg2[%get3A_12, %get3A_13] : memref<50x128xbf16, #tpu.memory_space<vmem>>, vector<50x128xbf16>
    %dot_general3A = arith.constant dense<0.000000e+00> : vector<2048x128xf32>
    %dot_general3A_15 = tpu.matmul %convert_element_type3A_11, %get3A_14, %dot_general3A {dimension_numbers = #tpu.dot_dimension_numbers<[1], [0], [0], [1], [0, 0, 1, 1], [], []>, transpose_lhs_hint = false} : vector<2048x50xbf16>, vector<50x128xbf16>, vector<2048x128xf32> -> vector<2048x128xf32>
    %get3A_16 = arith.constant 0 : index
    %get3A_17 = arith.constant 0 : index
    %get3A_18 = vector.load %arg3[%get3A_16, %get3A_17] : memref<1x128xf32, #tpu.memory_space<vmem>>, vector<1x128xf32>
    %add3A_19 = vector.broadcast %get3A_18 : vector<1x128xf32> to vector<2048x128xf32>
    %add3A_20 = arith.addf %dot_general3A_15, %add3A_19 : vector<2048x128xf32>
    %max3A = arith.constant 0.000000e+00 : f32
    %max3A_21 = vector.broadcast %max3A : f32 to vector<2048x128xf32>
    %max3A_22 = arith.maximumf %add3A_20, %max3A_21 : vector<2048x128xf32>
    %abs3A = math.absf %add3A_20 : vector<2048x128xf32>
    %neg3A = arith.constant 0.000000e+00 : f32
    %neg3A_23 = vector.broadcast %neg3A : f32 to vector<2048x128xf32>
    %neg3A_24 = arith.subf %neg3A_23, %abs3A : vector<2048x128xf32>
    %exp3A_25 = math.exp %neg3A_24 : vector<2048x128xf32>
    %log1p3A = math.log1p %exp3A_25 : vector<2048x128xf32>
    %add3A_26 = arith.addf %max3A_22, %log1p3A : vector<2048x128xf32>
    %sub3A_27 = arith.constant 0.693147182 : f32
    %sub3A_28 = vector.broadcast %sub3A_27 : f32 to vector<2048x128xf32>
    %sub3A_29 = arith.subf %add3A_26, %sub3A_28 : vector<2048x128xf32>
    %convert_element_type3A_30 = arith.truncf %sub3A_29 : vector<2048x128xf32> to vector<2048x128xbf16>
    %get3A_31 = arith.constant 0 : index
    %get3A_32 = arith.constant 0 : index
    %get3A_33 = vector.load %arg4[%get3A_31, %get3A_32] : memref<128x128xbf16, #tpu.memory_space<vmem>>, vector<128x128xbf16>
    %dot_general3A_34 = arith.constant dense<0.000000e+00> : vector<2048x128xf32>
    %dot_general3A_35 = tpu.matmul %convert_element_type3A_30, %get3A_33, %dot_general3A_34 {dimension_numbers = #tpu.dot_dimension_numbers<[1], [0], [0], [1], [0, 0, 1, 1], [], []>, transpose_lhs_hint = false} : vector<2048x128xbf16>, vector<128x128xbf16>, vector<2048x128xf32> -> vector<2048x128xf32>
    %get3A_36 = arith.constant 0 : index
    %get3A_37 = arith.constant 0 : index
    %get3A_38 = vector.load %arg5[%get3A_36, %get3A_37] : memref<1x128xf32, #tpu.memory_space<vmem>>, vector<1x128xf32>
    %add3A_39 = vector.broadcast %get3A_38 : vector<1x128xf32> to vector<2048x128xf32>
    %add3A_40 = arith.addf %dot_general3A_35, %add3A_39 : vector<2048x128xf32>
    %lt3A = arith.constant 9.99999979E+10 : f32
    %lt3A_41 = vector.broadcast %lt3A : f32 to vector<2048x1xf32>
    %lt3A_42 = arith.cmpf olt, %get3A_1, %lt3A_41 : vector<2048x1xf32>
    %mul3A_43 = arith.constant 0.314159274 : f32
    %mul3A_44 = vector.broadcast %mul3A_43 : f32 to vector<2048x1xf32>
    %mul3A_45 = arith.mulf %sqrt3A, %mul3A_44 : vector<2048x1xf32>
    %cos3A = math.cos %mul3A_45 : vector<2048x1xf32>
    %add3A_46 = arith.constant 1.000000e+00 : f32
    %add3A_47 = vector.broadcast %add3A_46 : f32 to vector<2048x1xf32>
    %add3A_48 = arith.addf %cos3A, %add3A_47 : vector<2048x1xf32>
    %mul3A_49 = arith.constant 5.000000e-01 : f32
    %mul3A_50 = vector.broadcast %mul3A_49 : f32 to vector<2048x1xf32>
    %mul3A_51 = arith.mulf %mul3A_50, %add3A_48 : vector<2048x1xf32>
    %jit3A = arith.constant 0.000000e+00 : f32
    %broadcast_in_dim3A = vector.broadcast %jit3A : f32 to vector<2048x1xf32>
    %select_n3A = arith.select %lt3A_42, %mul3A_51, %broadcast_in_dim3A : vector<2048x1xi1>, vector<2048x1xf32>
    %mul3A_52 = vector.broadcast %select_n3A : vector<2048x1xf32> to vector<2048x128xf32>
    %mul3A_53 = arith.mulf %add3A_40, %mul3A_52 : vector<2048x128xf32>
    %swap3A = arith.constant 0 : index
    %swap3A_54 = arith.constant 0 : index
    %swap3A_55 = vector.load %arg6[%swap3A, %swap3A_54] : memref<2048x128xf32, #tpu.memory_space<vmem>>, vector<2048x128xf32>
    tpu.vector_store %arg6[%swap3A, %swap3A_54], %mul3A_53 {strides = array<i32>} : memref<2048x128xf32, #tpu.memory_space<vmem>>, vector<2048x128xf32>,
    return
  }
  func.func @transform_0(%arg0: i32) -> (i32, i32) {
    %c0_i32 = arith.constant 0 : i32
    %c0_i32_0 = arith.constant 0 : i32
    return %arg0, %c0_i32 : i32, i32
  }
  func.func @transform_1(%arg0: i32) -> (i32, i32) {
    %c0_i32 = arith.constant 0 : i32
    %c0_i32_0 = arith.constant 0 : i32
    %c0_i32_1 = arith.constant 0 : i32
    return %c0_i32, %c0_i32_0 : i32, i32
  }
  func.func @transform_2(%arg0: i32) -> (i32, i32) {
    %c0_i32 = arith.constant 0 : i32
    %c0_i32_0 = arith.constant 0 : i32
    %c0_i32_1 = arith.constant 0 : i32
    return %c0_i32, %c0_i32_0 : i32, i32
  }
  func.func @transform_3(%arg0: i32) -> (i32, i32) {
    %c0_i32 = arith.constant 0 : i32
    %c0_i32_0 = arith.constant 0 : i32
    %c0_i32_1 = arith.constant 0 : i32
    return %c0_i32, %c0_i32_0 : i32, i32
  }
  func.func @transform_4(%arg0: i32) -> (i32, i32) {
    %c0_i32 = arith.constant 0 : i32
    %c0_i32_0 = arith.constant 0 : i32
    %c0_i32_1 = arith.constant 0 : i32
    return %c0_i32, %c0_i32_0 : i32, i32
  }
  func.func @transform_5(%arg0: i32) -> (i32, i32) {
    %c0_i32 = arith.constant 0 : i32
    %c0_i32_0 = arith.constant 0 : i32
    return %arg0, %c0_i32 : i32, i32
  }
}

module attributes {stable_mosaic.version = 14 : i64} {
  func.func @_out_body(%arg0: i32, %arg1: memref<512x128xf32, #tpu.memory_space<vmem>>, %arg2: memref<128x128xf32, #tpu.memory_space<vmem>>, %arg3: memref<1x128xf32, #tpu.memory_space<vmem>>, %arg4: memref<128x128xf32, #tpu.memory_space<vmem>>, %arg5: memref<1x128xf32, #tpu.memory_space<vmem>>, %arg6: memref<512x128xf32, #tpu.memory_space<vmem>>) attributes {dimension_semantics = [#tpu.dimension_semantics<arbitrary>], iteration_bounds = array<i64: 8>, scalar_prefetch = 0 : i64, scratch_operands = 0 : i64, tpu.core_type = #tpu.core_type<tc>, window_params = [{transform_indices = @transform_0, window_bounds = array<i64: 512, 128>}, {pipeline_mode = #tpu.pipeline_mode<synchronous>, transform_indices = @transform_1, window_bounds = array<i64: 128, 128>}, {pipeline_mode = #tpu.pipeline_mode<synchronous>, transform_indices = @transform_2, window_bounds = array<i64: 1, 128>}, {pipeline_mode = #tpu.pipeline_mode<synchronous>, transform_indices = @transform_3, window_bounds = array<i64: 128, 128>}, {pipeline_mode = #tpu.pipeline_mode<synchronous>, transform_indices = @transform_4, window_bounds = array<i64: 1, 128>}, {transform_indices = @transform_5, window_bounds = array<i64: 512, 128>}]} {
    %get3A = arith.constant 0 : index
    %get3A_0 = arith.constant 0 : index
    %get3A_1 = vector.load %arg1[%get3A, %get3A_0] : memref<512x128xf32, #tpu.memory_space<vmem>>, vector<512x128xf32>
    %get3A_2 = arith.constant 0 : index
    %get3A_3 = arith.constant 0 : index
    %get3A_4 = vector.load %arg2[%get3A_2, %get3A_3] : memref<128x128xf32, #tpu.memory_space<vmem>>, vector<128x128xf32>
    %dot_general3A = arith.constant dense<0.000000e+00> : vector<512x128xf32>
    %dot_general3A_5 = tpu.matmul %get3A_1, %get3A_4, %dot_general3A {dimension_numbers = #tpu.dot_dimension_numbers<[1], [0], [0], [1], [0, 0, 1, 1], [], []>, precision = #tpu.contract_precision<fp32>, transpose_lhs_hint = false} : vector<512x128xf32>, vector<128x128xf32>, vector<512x128xf32> -> vector<512x128xf32>
    %get3A_6 = arith.constant 0 : index
    %get3A_7 = arith.constant 0 : index
    %get3A_8 = vector.load %arg3[%get3A_6, %get3A_7] : memref<1x128xf32, #tpu.memory_space<vmem>>, vector<1x128xf32>
    %add3A = vector.broadcast %get3A_8 : vector<1x128xf32> to vector<512x128xf32>
    %add3A_9 = arith.addf %dot_general3A_5, %add3A : vector<512x128xf32>
    %max3A = arith.constant 0.000000e+00 : f32
    %max3A_10 = vector.broadcast %max3A : f32 to vector<512x128xf32>
    %max3A_11 = arith.maximumf %add3A_9, %max3A_10 : vector<512x128xf32>
    %abs3A = math.absf %add3A_9 : vector<512x128xf32>
    %neg3A = arith.constant 0.000000e+00 : f32
    %neg3A_12 = vector.broadcast %neg3A : f32 to vector<512x128xf32>
    %neg3A_13 = arith.subf %neg3A_12, %abs3A : vector<512x128xf32>
    %exp3A = math.exp %neg3A_13 : vector<512x128xf32>
    %log1p3A = math.log1p %exp3A : vector<512x128xf32>
    %add3A_14 = arith.addf %max3A_11, %log1p3A : vector<512x128xf32>
    %sub3A = arith.constant 0.693147182 : f32
    %sub3A_15 = vector.broadcast %sub3A : f32 to vector<512x128xf32>
    %sub3A_16 = arith.subf %add3A_14, %sub3A_15 : vector<512x128xf32>
    %get3A_17 = arith.constant 0 : index
    %get3A_18 = arith.constant 0 : index
    %get3A_19 = vector.load %arg4[%get3A_17, %get3A_18] : memref<128x128xf32, #tpu.memory_space<vmem>>, vector<128x128xf32>
    %dot_general3A_20 = arith.constant dense<0.000000e+00> : vector<512x128xf32>
    %dot_general3A_21 = tpu.matmul %sub3A_16, %get3A_19, %dot_general3A_20 {dimension_numbers = #tpu.dot_dimension_numbers<[1], [0], [0], [1], [0, 0, 1, 1], [], []>, precision = #tpu.contract_precision<fp32>, transpose_lhs_hint = false} : vector<512x128xf32>, vector<128x128xf32>, vector<512x128xf32> -> vector<512x128xf32>
    %get3A_22 = arith.constant 0 : index
    %get3A_23 = arith.constant 0 : index
    %get3A_24 = vector.load %arg5[%get3A_22, %get3A_23] : memref<1x128xf32, #tpu.memory_space<vmem>>, vector<1x128xf32>
    %add3A_25 = vector.broadcast %get3A_24 : vector<1x128xf32> to vector<512x128xf32>
    %add3A_26 = arith.addf %dot_general3A_21, %add3A_25 : vector<512x128xf32>
    %swap3A = arith.constant 0 : index
    %swap3A_27 = arith.constant 0 : index
    %swap3A_28 = vector.load %arg6[%swap3A, %swap3A_27] : memref<512x128xf32, #tpu.memory_space<vmem>>, vector<512x128xf32>
    tpu.vector_store %arg6[%swap3A, %swap3A_27], %add3A_26 {strides = array<i32>} : memref<512x128xf32, #tpu.memory_space<vmem>>, vector<512x128xf32>,
    return
  }
  func.func @transform_0(%arg0: i32) -> (i32, i32) {
    %c0_i32 = arith.constant 0 : i32
    %c0_i32_0 = arith.constant 0 : i32
    return %arg0, %c0_i32 : i32, i32
  }
  func.func @transform_1(%arg0: i32) -> (i32, i32) {
    %c0_i32 = arith.constant 0 : i32
    %c0_i32_0 = arith.constant 0 : i32
    %c0_i32_1 = arith.constant 0 : i32
    return %c0_i32, %c0_i32_0 : i32, i32
  }
  func.func @transform_2(%arg0: i32) -> (i32, i32) {
    %c0_i32 = arith.constant 0 : i32
    %c0_i32_0 = arith.constant 0 : i32
    %c0_i32_1 = arith.constant 0 : i32
    return %c0_i32, %c0_i32_0 : i32, i32
  }
  func.func @transform_3(%arg0: i32) -> (i32, i32) {
    %c0_i32 = arith.constant 0 : i32
    %c0_i32_0 = arith.constant 0 : i32
    %c0_i32_1 = arith.constant 0 : i32
    return %c0_i32, %c0_i32_0 : i32, i32
  }
  func.func @transform_4(%arg0: i32) -> (i32, i32) {
    %c0_i32 = arith.constant 0 : i32
    %c0_i32_0 = arith.constant 0 : i32
    %c0_i32_1 = arith.constant 0 : i32
    return %c0_i32, %c0_i32_0 : i32, i32
  }
  func.func @transform_5(%arg0: i32) -> (i32, i32) {
    %c0_i32 = arith.constant 0 : i32
    %c0_i32_0 = arith.constant 0 : i32
    return %arg0, %c0_i32 : i32, i32
  }
}

</mosaic_0001>

<sc_bundles>
// kernel: kernel.10.cloned.1.call-start
scs
__scs_entry_jumppad:
0x0: {  	(pc) =	sbr.rel $0x88, $3  }
0x1: {  	(tag) =	ssettag $0x0;
	lr =	simm.s32 $0x1  }
0x2: {  	[smem:$0x3F94] =	sst lr;
	_ =	strace $0xD0000000  }
0x3: {  	_ = 	snop  }
0x4: {  	_ = 	snop  }
0x5: {  	_ = 	snop  }
0x6: {  	_ = 	snop  }
0x7: {  	_ = 	snop  }
__scs_overlays_trampoline_lowered:
0x8: {  	[smem:$0x3FA3] =	sst s0  }
0x9: {  	[smem:$0x3FA4] =	sst s1  }
0xa: {  	[smem:$0x3FA5] =	sst s2  }
0xb: {  	[smem:$0x3FA6] =	sst s3  }
0xc: {  	[smem:$0x3FA7] =	sst s4  }
0xd: {  	[smem:$0x3FA8] =	sst s5  }
0xe: {  	[smem:$0x3FA9] =	sst s6  }
0xf: {  	[smem:$0x3FAA] =	sst s7  }
0x10: {  	[smem:$0x3FAB] =	sst s8  }
0x11: {  	[smem:$0x3FAC] =	sst s9;
	s0 =	simm.s32 @!p0 $0x0  }
0x12: {  	s1 =	sld [smem:$0x3F92];
	s0 =	simm.s32 @p0 $0x1  }
0x13: {  	[smem:$0x3FAD] =	sst s0;
	s0 =	simm.s32 @!p1 $0x0  }
0x14: {  	s2 =	sld [smem:$0x3F91];
	s0 =	simm.s32 @p1 $0x1  }
0x15: {  	[smem:$0x3FAE] =	sst s0;
	s0 =	simm.s32 @!p2 $0x0  }
0x16: {  	s3 =	sld [smem:$0x3FDB];
	s0 =	simm.s32 @p2 $0x1  }
0x17: {  	s4 =	simm.s32 $0x1BF5;
	[smem:$0x3FB0] =	sst s0  }
0x18: {  	s0 =	sld [smem:$0x3F93];
	_ =	swait.ge [sflag:s4], $0x0  }
0x19: {  	s7 =	sld [smem:$0x3F94]  }
0x1a: {  	s8 =	sadd.s32 $0xFFFFE003, lr  }
0x1b: {  	s9 =	sadd.s32 $0xFFFFFEF7, lr;
	s5 =	simm.s32 $0xFFFFFFFF;
	p2 =	slt.u32 s8, $0xFFFFF086  }
0x1c: {  	p1 =	slt.u32 s9, $0xF7A;
	s5 =	simm.s32 @!p2 $0x0  }
0x1d: {  	s5 =	simm.s32 @p1 $0x1;
	p0 =	seq.s32 s7, s2  }
0x1e: {  	s7 =	smul.u32 @!p0 $0xF7A, s2;
	p2 =	seq.s32 @!p0 s5, $0x0  }
0x1f: {  	s9 =	smul.u32 $0xF7A, s1;
	s8 =	simm.s32 @!p0 $0x1BF5;
	p2 =	por !p2, p0  }
0x20: {  	[sflag:s8] =	ssyncset.s32 @!p0 $0xFFFFF086;
	s6 =	sadd.s32 @!p0 s3, s7;
	s7 =	simm.s32 @!p0 $0x108  }
0x21: {  	s3 =	sadd.s32 s3, s9;
	s6 =	sadd.s32 @!p0 $0x88, s6;
	s7 =	simm.s32 @p2 $0x1082  }
0x22: {  	[simem:s7], [sflag:s8] =	dma.local @!p0 [hbm:s6], $0xF7A  }
0x23: {  	s9 =	sor.u32 $0xD0000000, s2;
	s6 =	simm.s32 $0x108;
	_ =	swait.ge @!p0 [sflag:s8], $0x0  }
0x24: {  	s3 =	sadd.s32 $0x88, s3;
	s6 =	simm.s32 @!p1 $0x1082;
	[sflag:s4] =	ssyncset.s32 $0xFFFFF086  }
0x25: {  	[simem:s6], [sflag:s4] =	dma.local [hbm:s3], $0xF7A  }
0x26: {  	[smem:$0x3F94] =	sst s1;
	(tag) =	ssettag s2;
	_ =	strace s9  }
0x27: {  	s1 =	sld [smem:$0x3FA4]  }
0x28: {  	s2 =	sld [smem:$0x3FA5]  }
0x29: {  	s4 =	sld [smem:$0x3FA7]  }
0x2a: {  	p0 =	seq.s32 s5, $0x0;
	s5 =	sld [smem:$0x3FA8]  }
0x2b: {  	s6 =	sld [smem:$0x3FA9]  }
0x2c: {  	s7 =	sld [smem:$0x3FAA]  }
0x2d: {  	s3 =	simm.s32 $0x108;
	s8 =	sld [smem:$0x3FAB]  }
0x2e: {  	s3 =	simm.s32 @!p0 $0x1082;
	s9 =	sld [smem:$0x3FAC]  }
0x2f: {  	lr =	sadd.s32 s0, s3;
	s0 =	sld [smem:$0x3FA3]  }
0x30: {  	s3 =	sld [smem:$0x3FA6]  }
0x31: {  	[smem:$0x3FAF] =	sst s10  }
0x32: {  	s10 =	sld [smem:$0x3FAD];
	_ =	sdelay $0x3  }
0x33: {  	p0 =	seq.s32 s10, $0x1;
	s10 =	sld [smem:$0x3FAF];
	_ =	sdelay $0x3  }
0x34: {  	[smem:$0x3FAF] =	sst s10  }
0x35: {  	s10 =	sld [smem:$0x3FAE];
	_ =	sdelay $0x3  }
0x36: {  	p1 =	seq.s32 s10, $0x1;
	s10 =	sld [smem:$0x3FAF];
	_ =	sdelay $0x3  }
0x37: {  	[smem:$0x3FAF] =	sst s10  }
0x38: {  	s10 =	sld [smem:$0x3FB0]  }
0x39: {  	_ = 	snop;
	(pc) =	sbr.ind lr, $3  }
0x3a: {  	_ = 	snop  }
0x3b: {  	_ = 	snop  }
0x3c: {  	p2 =	seq.s32 s10, $0x1;
	s10 =	sld [smem:$0x3FAF]  }
0x3d: {  	_ =	shalt  }
0x3e: {  	_ =	shalt  }
0x3f: {  	_ =	shalt  }
0x40: {  	_ =	shalt  }
0x41: {  	_ =	shalt  }
0x42: {  	_ =	shalt  }
0x43: {  	_ =	shalt  }
0x44: {  	_ =	shalt  }
0x45: {  	_ =	shalt  }
0x46: {  	_ =	shalt  }
0x47: {  	_ =	shalt  }
0x48: {  	_ =	shalt  }
0x49: {  	_ =	shalt  }
0x4a: {  	_ =	shalt  }
0x4b: {  	_ =	shalt  }
0x4c: {  	_ =	shalt  }
0x4d: {  	_ =	shalt  }
0x4e: {  	_ =	shalt  }
0x4f: {  	_ =	shalt  }
0x50: {  	_ =	shalt  }
0x51: {  	_ =	shalt  }
0x52: {  	_ =	shalt  }
0x53: {  	_ =	shalt  }
0x54: {  	_ =	shalt  }
0x55: {  	_ =	shalt  }
0x56: {  	_ =	shalt  }
0x57: {  	_ =	shalt  }
0x58: {  	_ =	shalt  }
0x59: {  	_ =	shalt  }
0x5a: {  	_ =	shalt  }
0x5b: {  	_ =	shalt  }
0x5c: {  	_ =	shalt  }
0x5d: {  	_ =	shalt  }
0x5e: {  	_ =	shalt  }
0x5f: {  	_ =	shalt  }
0x60: {  	_ =	shalt  }
0x61: {  	_ =	shalt  }
0x62: {  	_ =	shalt  }
0x63: {  	_ =	shalt  }
0x64: {  	_ =	shalt  }
0x65: {  	_ =	shalt  }
0x66: {  	_ =	shalt  }
0x67: {  	_ =	shalt  }
0x68: {  	_ =	shalt  }
0x69: {  	_ =	shalt  }
0x6a: {  	_ =	shalt  }
0x6b: {  	_ =	shalt  }
0x6c: {  	_ =	shalt  }
0x6d: {  	_ =	shalt  }
0x6e: {  	_ =	shalt  }
0x6f: {  	_ =	shalt  }
0x70: {  	_ =	shalt  }
0x71: {  	_ =	shalt  }
0x72: {  	_ =	shalt  }
0x73: {  	_ =	shalt  }
0x74: {  	_ =	shalt  }
0x75: {  	_ =	shalt  }
0x76: {  	_ =	shalt  }
0x77: {  	_ =	shalt  }
0x78: {  	_ =	shalt  }
0x79: {  	_ =	shalt  }
0x7a: {  	_ =	shalt  }
0x7b: {  	_ =	shalt  }
0x7c: {  	_ =	shalt  }
0x7d: {  	_ =	shalt  }
0x7e: {  	_ =	shalt  }
0x7f: {  	_ =	shalt  }
0x80: {  	_ =	shalt  }
0x81: {  	_ =	shalt  }
0x82: {  	_ =	shalt  }
0x83: {  	_ =	shalt  }
0x84: {  	_ =	shalt  }
0x85: {  	_ =	shalt  }
0x86: {  	_ =	shalt  }
0x87: {  	_ =	shalt  }
.Lfunc_end0:
.L_simem_size_0:
called_computation.1_lowered:
.L_overlay_start_0:
0x88: {  	s2 =	sld [smem:$0x3FD9]  }
0x89: {  	s3 =	sld [smem:$0x3FFE];
	_ =	sdelay $0x1  }
0x8a: {  	s1 =	srdreg.scid  }
0x8b: {  	s0 =	sand.u32 $0x1, s1  }
0x8c: {  	s17 =	sshll.u32 s0, $0xA;
	s2 =	sadd.s32 s3, s2  }
0x8d: {  	s2 =	sadd.s32 s2, s17  }
0x8e: {  	[smem:$0x3FBB] =	sst s2  }
0x8f: {  	_ = 	snop  }
0x90: {  	s2 =	sld [smem:$0x3FD0];
	(tm) =	ssettm $0x1  }
0x91: {  	s18 =	sld [smem:$0x3FFB];
	_ =	sdelay $0x3  }
0x92: {  	_ =	strace s18  }
0x93: {  	s3 =	sld [smem:$0x3FFC];
	_ =	sdelay $0x3  }
0x94: {  	_ =	strace s3  }
0x95: {  	s3 =	sld [smem:$0x3FFD];
	_ =	sdelay $0x3  }
0x96: {  	_ =	strace s3  }
0x97: {  	_ =	strace $0x8FFFFFFF  }
0x98: {  	s19 =	sld [smem:$0x3FDB];
	_ =	sdelay $0x1  }
0x99: {  	s4 =	simm.s32 $_scs_section_size  }
0x9a: {  	s5 =	simm.s32 $_size__tile_overlayer_lowered;
	s6 =	simm.s32 $_tile_overlayer_lowered  }
0x9b: {  	s22 =	simm.s32 $0x1BFF;
	s21 =	sshll.u32 s6, $0x1;
	s3 =	sadd.s32 s4, s19  }
0x9c: {  	s7 =	simm.s32 $0x0;
	s20 =	sshll.u32 s5, $0x1;
	s5 =	sadd.s32 s21, s3  }
0x9d: {  	[timem:s7], [sflag:s22] =	dma.local [hbm:s5], s20  }
0x9e: {  	_ =	swait.ge [sflag:s22], s20  }
0x9f: {  	s4 =	ssub.s32 $0x0, s20;
	[sflag:s22] =	ssyncset.done $0x0  }
0xa0: {  	[sflag:s22] =	ssyncadd.s32 s4;
	_ =	sdelay $0x1  }
0xa1: {  	s23 =	simm.s32 $0x1B8B  }
0xa2: {  	_ =	swait.ge [sflag:s23], $0x1  }
0xa3: {  	[sflag:s23] =	ssyncset.done $0x0  }
0xa4: {  	s25 =	simm.s32 $0x1B8E;
	s24 =	sld [smem:$0x3FFE];
	[sflag:s23] =	ssyncadd.s32 $0xFFFFFFFF  }
0xa5: {  	s26 =	simm.s32 $execute0_lowered;
	[smem:$0x3FD2] =	sst s25  }
0xa6: {  	s5 =	sshll.u32 s26, $0x1;
	_ =	strace $0x80000049;
	[dreg:$0x1] =	wrdreg $0xFFFFFFFF  }
0xa7: {  	s28 =	simm.s32 $_size_execute0_lowered;
	s3 =	sadd.s32 s3, s5;
	[dreg:$0x0] =	wrdreg $0x0  }
0xa8: {  	s5 =	sshll.u32 s28, $0x1;
	[dreg:$0x2] =	wrdreg s3  }
0xa9: {  	[dreg:$0x3] =	wrdreg s5  }
0xaa: {  	[dreg:$0x4] =	wrdreg $0xC0  }
0xab: {  	_ =	task [dreg:s7], $0x5FFFF  }
0xac: {  	[dreg:$0x1] =	wrdreg $0xFFFFFFFF  }
0xad: {  	[dreg:$0x0] =	wrdreg $0x60  }
0xae: {  	[dreg:$0x2] =	wrdreg s2  }
0xaf: {  	[dreg:$0x3] =	wrdreg s24  }
0xb0: {  	[dreg:$0x4] =	wrdreg $0x9  }
0xb1: {  	_ =	task.clear_ibuf [dreg:s7], $0x5FFFF;
	_ =	strace $0x90000049  }
0xb2: {  	s29 =	simm.s32 $0x9;
	_ =	strace $0x8000004B  }
0xb3: {  	_ =	swait.ge [sflag:s29], $0x1  }
0xb4: {  	[sflag:s29] =	ssyncadd.s32 $0xFFFFFFFF  }
0xb5: {  	_ =	strace $0x9000004B  }
0xb6: {  	_ =	sfence  }
0xb7: {  	s30 =	sld [smem:$0x0];
	_ =	sdelay $0x2  }
0xb8: {  	s31 =	sshll.u32 s1, $0xD;
	s1 =	sshrl.u32 s1, $0x2  }
0xb9: {  	s3 =	sand.u32 $0x4000, s31;
	s1 =	sadd.s32 s1, s30  }
0xba: {  	s0 =	sor.u32 s3, s0;
	s1 =	sshll.u32 s1, $0x11  }
0xbb: {  	s0 =	sor.u32 s1, s0  }
0xbc: {  	s0 =	sadd.s32 $0x8F2B, s0  }
0xbd: {  	[sflag:s0] =	ssyncadd.remote.s32 $0x1  }
0xbe: {  	_ =	sfence.sel $0xFFFF  }
0xbf: {  	[dreg:$0x0] =	wrdreg $0xFFFFFFFF;
	(pc) =	sbr.abs _section_cstart, $3  }
0xc0: {  	[dreg:$0x1] =	wrdreg $0xFFFFFFFF  }
0xc1: {  	_ =	task.clear_ibuf [dreg:s7], $0x2FFFF;
	_ =	strace $0x9FFFFFFF  }
0xc2: {  	(tm) =	ssettm $0x7FFFFFFF  }
0xc3: {  	_ =	shalt  }
tec
execute0_lowered:
.L_overlay_start_1:
0x0: {  	(tag) =	ssettag $0x1  }
0x1: {  	s2 =	rddreg [dreg:$0x0]  }
0x2: {  	s0 =	srdreg.scid;
	s3 =	stileid.u32  }
0x3: {  	s1 =	rddreg [dreg:$0x1];
	s13 =	simm.s32 $0x5;
	s14 =	simm.s32 $0x60  }
0x4: {  	s19 =	simm.s32 $0xC0;
	s20 =	simm.s32 $0x9000;
	s21 =	simm.s32 $0x15000  }
0x5: {  	s22 =	simm.s32 $0x120;
	s23 =	simm.s32 $0xC000;
	s24 =	simm.s32 $0x18000  }
0x6: {  	s25 =	simm.s32 $0x1;
	s26 =	simm.s32 $0x2;
	s28 =	simm.s32 $0x3  }
0x7: {  	s29 =	simm.s32 $0x4;
	s0 =	sand.u32 $0x1, s0;
	s4 =	sshll.u32 s3, $0x1  }
0x8: {  	s30 =	simm.s32 $0x1B000;
	s31 =	simm.s32 $0x0;
	s6 =	sor.u32 s0, s4  }
0x9: {  	s3 =	simm.s32 $0x0;
	s5 =	sadd.s32 $0x61BA00, s1;
	s4 =	smul.u32 $0x3000, s6  }
0xa: {  	[smem:$0x7FF] =	sst s3;
	s0 =	ssub.s32 $0x2, s0;
	s8 =	smul.u32 $0x30000, s6  }
.Ltmp0:
0xb: {  	_ =	strace $0x8000004A;
	s9 =	sshrl.u32 s0, $0x1;
	(pc) =	sbr.rel .LBB2_1-.Ltmp0, $4  }
0xc: {  	s6 =	sshll.u32 s6, $0xB;
	s0 =	ssub.s32 s0, s9;
	s7 =	sshrl.u32 s4, $0x3  }
0xd: {  	s7 =	sadd.s32 s7, s1;
	s1 =	sadd.s32 s6, s1;
	s6 =	sadd.s32 s5, s8  }
0xe: {  	s12 =	smax.u32 s0, $0x1;
	s7 =	sadd.s32 $0xFA00, s7;
	s8 =	sadd.s32 $0x600, s6  }
0xf: {  	s9 =	sadd.s32 $0xC00, s6;
	s10 =	sadd.s32 $0x1200, s6;
	s11 =	sadd.s32 $0x1BA00, s1  }
.LBB2_12:
0x10: {  	s31 =	sadd.s32 $0x1, s31  }
0x11: {  	p0 =	sne.s32 s31, s12  }
.Ltmp1:
0x12: {  	_ = 	snop;
	(pc) =	sbr.rel @!p0 .LBB2_13-.Ltmp1, $4  }
0x13: {  	[hbm4b:s11+s3] =	stream.linear.scatter [tilespmem:s30], [sflag:$0x5], $0x4000, $0x38;
	[tilespmem:$0x1F000] =	vst v63  }
0x14: {  	_ =	swait.ge [sflag:s13], $0x4000  }
0x15: {  	[sflag:s13] =	ssyncset.done $0x0  }
0x16: {  	[sflag:s13] =	ssyncadd.s32 $0xFFFFC000  }
.LBB2_1:
0x17: {  	[tilespmem:s3], [sflag:$0x5] =	stream.linear.gather [hbm4b:s7+s3], $0x3000, $0x38;
	[tilespmem:$0x1F000] =	vst v63  }
0x18: {  	_ =	swait.ge [sflag:s13], $0x3000  }
0x19: {  	[sflag:s13] =	ssyncset.done $0x0  }
0x1a: {  	s0 =	simm.s32 $0x3000;
	[sflag:s13] =	ssyncadd.s32 $0xFFFFD000  }
0x1b: {  	[tilespmem:s0], [sflag:$0x1] =	stream.indirect.gather [hbm4b:s2+s14], $0x80, s3, s14, $0xb8;
	[tilespmem:$0x1F000] =	vst v63  }
0x1c: {  	s16 =	simm.s32 $0xF000  }
0x1d: {  	[tilespmem:s16], [sflag:$0x1] =	stream.linear.gather [hbm4b:s6+s3], $0x3000, $0x38;
	[tilespmem:$0x1F000] =	vst v63  }
0x1e: {  	s17 =	simm.s32 $0x6000  }
0x1f: {  	[tilespmem:s17], [sflag:$0x2] =	stream.indirect.gather [hbm4b:s2+s14], $0x80, s14, s14, $0xb8;
	[tilespmem:$0x1F000] =	vst v63  }
0x20: {  	s18 =	simm.s32 $0x12000  }
0x21: {  	[tilespmem:s18], [sflag:$0x2] =	stream.linear.gather [hbm4b:s8+s3], $0x3000, $0x38;
	[tilespmem:$0x1F000] =	vst v63  }
0x22: {  	_ = 	snop  }
0x23: {  	[tilespmem:s20], [sflag:$0x3] =	stream.indirect.gather [hbm4b:s2+s14], $0x80, s19, s14, $0xb8;
	[tilespmem:$0x1F000] =	vst v63  }
0x24: {  	_ = 	snop  }
0x25: {  	[tilespmem:s21], [sflag:$0x3] =	stream.linear.gather [hbm4b:s9+s3], $0x3000, $0x38;
	[tilespmem:$0x1F000] =	vst v63  }
0x26: {  	_ = 	snop  }
0x27: {  	[tilespmem:s23], [sflag:$0x4] =	stream.indirect.gather [hbm4b:s2+s14], $0x80, s22, s14, $0xb8;
	[tilespmem:$0x1F000] =	vst v63  }
0x28: {  	s1 =	simm.s32 $0x0  }
0x29: {  	[tilespmem:s24], [sflag:$0x4] =	stream.linear.gather [hbm4b:s10+s3], $0x3000, $0x38;
	[tilespmem:$0x1F000] =	vst v63  }
.LBB2_2:
0x2a: {  	_ =	swait.ge [sflag:s25], $0x3000  }
0x2b: {  	[sflag:s25] =	ssyncset.done $0x0  }
0x2c: {  	[sflag:s25] =	ssyncadd.s32 $0xFFFFD000  }
0x2d: {  	_ =	swait.ge [sflag:s25], $0x3000  }
0x2e: {  	[sflag:s25] =	ssyncset.done $0x0  }
0x2f: {  	s15 =	simm.s32 $0x0;
	[sflag:s25] =	ssyncadd.s32 $0xFFFFD000  }
0x30: {  	v0 =	vld [tilespmem:s15+$0x3070]  }
0x31: {  	v1 =	vld [tilespmem:s15+$0xF070]  }
0x32: {  	v2 =	vld [tilespmem:s15+$0x3000]  }
0x33: {  	v3 =	vld [tilespmem:s15+$0xF000]  }
0x34: {  	v4 =	vld [tilespmem:s15+$0x3010]  }
0x35: {  	v5 =	vld [tilespmem:s15+$0xF010]  }
0x36: {  	v6 =	vld [tilespmem:s15+$0x3020]  }
0x37: {  	v7 =	vld [tilespmem:s15+$0xF020]  }
0x38: {  	v8 =	vld [tilespmem:s15+$0x3030]  }
0x39: {  	v10 =	vld [tilespmem:s15+$0xF030]  }
0x3a: {  	v13 =	vld [tilespmem:s15+$0x3040]  }
0x3b: {  	v14 =	vld [tilespmem:s15+$0xF040];
	_ =	sdelay $0x1  }
0x3c: {  	v9 =	vld [tilespmem:s15+$0x3050];
	v0 =	vmul.f32 v1, v0;
	v2 =	vmul.f32 v3, v2  }
0x3d: {  	v11 =	vld [tilespmem:s15+$0xF050];
	v1 =	vimm.f32 $0.0e+00;
	v3 =	vmul.f32 v5, v4;
	v4 =	vmul.f32 v7, v6  }
0x3e: {  	v12 =	vld [tilespmem:s15+$0xF060];
	v6 =	vmul.f32 v10, v8;
	v0 =	vadd.f32 v0, v1;
	v7 =	vadd.f32 v2, v1  }
0x3f: {  	s0 =	simm.s32 $0x80;
	v10 =	vld [tilespmem:s15+$0x3060];
	v13 =	vmul.f32 v14, v13;
	v5 =	vadd.f32 v3, v1;
	v3 =	vadd.f32 v4, v1  }
0x40: {  	v8 =	vld [tilespmem:s0+$0x3070];
	s15 =	simm.s32 $0x400;
	v2 =	vadd.f32 v6, v1;
	v6 =	vimm.f32 $0.0e+00;
	v4 =	vimm.f32 $0.0e+00  }
.LBB2_3:
0x41: {  	p0 =	sne.s32 s15, $0xBE00;
	v14 =	vld [tilespmem:s0+$0xF070]  }
0x42: {  	v15 =	vld [tilespmem:s0+$0x3000];
	v1 =	vadd.f32 v13, v1;
	v9 =	vmul.f32 v11, v9  }
0x43: {  	v11 =	vld [tilespmem:s0+$0xF000]  }
0x44: {  	v13 =	vld [tilespmem:s0+$0x3010];
	v6 =	vadd.f32 v9, v6;
	v9 =	vmul.f32 v12, v10  }
0x45: {  	v10 =	vld [tilespmem:s0+$0xF010]  }
0x46: {  	v12 =	vld [tilespmem:s0+$0x3020];
	v8 =	vmul.f32 v14, v8;
	v4 =	vadd.f32 v9, v4  }
0x47: {  	v9 =	vld [tilespmem:s0+$0xF020]  }
0x48: {  	v11 =	vmul.f32 v11, v15;
	v14 =	vld [tilespmem:s0+$0x3030];
	v0 =	vadd.f32 v8, v0  }
0x49: {  	v8 =	vld [tilespmem:s0+$0xF030]  }
0x4a: {  	v7 =	vadd.f32 v11, v7;
	v10 =	vmul.f32 v10, v13;
	v13 =	vld [tilespmem:s0+$0x3040]  }
0x4b: {  	v15 =	vld [tilespmem:s0+$0xF040]  }
.Ltmp2:
0x4c: {  	v5 =	vadd.f32 v10, v5;
	v10 =	vmul.f32 v9, v12;
	v9 =	vld [tilespmem:s0+$0x3050];
	(pc) =	sbr.rel @p0 .LBB2_3-.Ltmp2, $4  }
0x4d: {  	v11 =	vld [tilespmem:s0+$0xF050]  }
0x4e: {  	v3 =	vadd.f32 v10, v3;
	v14 =	vmul.f32 v8, v14;
	v10 =	vld [tilespmem:s0+$0x3060]  }
0x4f: {  	v12 =	vld [tilespmem:s0+$0xF060];
	s0 =	sshra.s32 s15, $0x2  }
0x50: {  	s15 =	sadd.s32 $0x200, s15;
	v8 =	vld [tilespmem:s0+$0x3070];
	v2 =	vadd.f32 v14, v2;
	v13 =	vmul.f32 v15, v13  }
0x51: {  	v14 =	vld [tilespmem:s0+$0x3000]  }
0x52: {  	v15 =	vld [tilespmem:s0+$0xF000]  }
0x53: {  	v16 =	vld [tilespmem:s0+$0x3010]  }
0x54: {  	v17 =	vld [tilespmem:s0+$0xF010]  }
0x55: {  	v18 =	vld [tilespmem:s0+$0x3020]  }
0x56: {  	v19 =	vld [tilespmem:s0+$0xF020]  }
0x57: {  	v20 =	vld [tilespmem:s0+$0x3030]  }
0x58: {  	v21 =	vld [tilespmem:s0+$0xF030]  }
0x59: {  	v22 =	vld [tilespmem:s0+$0x3040]  }
0x5a: {  	v23 =	vld [tilespmem:s0+$0xF040]  }
0x5b: {  	v24 =	vld [tilespmem:s0+$0x3050]  }
0x5c: {  	v25 =	vld [tilespmem:s0+$0xF050]  }
0x5d: {  	v63 =	vld [tilespmem:s0+$0xF060];
	v14 =	vmul.f32 v15, v14  }
0x5e: {  	v15 =	vld [tilespmem:s0+$0x3060];
	v16 =	vmul.f32 v17, v16  }
0x5f: {  	s17 =	sshll.u32 s1, $0x9;
	v1 =	vadd.f32 v13, v1;
	v13 =	vmul.f32 v19, v18;
	v7 =	vadd.f32 v14, v7;
	v14 =	vld [tilespmem:s0+$0xF070]  }
0x60: {  	v9 =	vmul.f32 v11, v9;
	v11 =	vmul.f32 v21, v20;
	v5 =	vadd.f32 v16, v5;
	s0 =	sand.u32 $0x3FFFFE00, s17  }
0x61: {  	v10 =	vmul.f32 v12, v10;
	v12 =	vmul.f32 v23, v22;
	v3 =	vadd.f32 v13, v3;
	[tilespmem:s0+$0x1B000] =	vst v7  }
0x62: {  	v6 =	vadd.f32 v9, v6;
	v2 =	vadd.f32 v11, v2;
	v7 =	vmul.f32 v25, v24;
	[tilespmem:s0+$0x1B010] =	vst v5  }
0x63: {  	v4 =	vadd.f32 v10, v4;
	v1 =	vadd.f32 v12, v1;
	[tilespmem:s0+$0x1B020] =	vst v3;
	v5 =	vmul.f32 v63, v15  }
0x64: {  	[tilespmem:s0+$0x1B030] =	vst v2;
	v6 =	vadd.f32 v7, v6;
	v3 =	vmul.f32 v14, v8  }
0x65: {  	p0 =	seq.s32 s1, $0x1F;
	[tilespmem:s0+$0x1B040] =	vst v1;
	v2 =	vadd.f32 v5, v4  }
0x66: {  	s15 =	smul.u32 @!p0 $0x180, s1;
	[tilespmem:s0+$0x1B050] =	vst v6;
	v0 =	vadd.f32 v3, v0  }
0x67: {  	[tilespmem:s0+$0x1B060] =	vst v2  }
0x68: {  	s18 =	simm.s32 @!p0 $0x3000;
	s16 =	sadd.s32 @!p0 $0x180, s15;
	s17 =	simm.s32 @!p0 $0x60;
	[tilespmem:s0+$0x1B070] =	vst v0  }
0x69: {  	[tilespmem:s18], [sflag:$0x1] =	stream.indirect.gather @!p0 [hbm4b:s2+s17], $0x80, s16, s17, $0xb8;
	[tilespmem:$0x1F000] =	vst v63  }
0x6a: {  	s16 =	sadd.s32 @!p0 s4, s16  }
0x6b: {  	s16 =	sshll.u32 @!p0 s16, $0x4  }
0x6c: {  	s17 =	simm.s32 @!p0 $0x0;
	s18 =	simm.s32 @!p0 $0xF000;
	s16 =	sadd.s32 @!p0 s5, s16  }
0x6d: {  	[tilespmem:s18], [sflag:$0x1] =	stream.linear.gather @!p0 [hbm4b:s16+s17], $0x3000, $0x38;
	[tilespmem:$0x1F000] =	vst v63  }
0x6e: {  	_ =	swait.ge [sflag:s26], $0x3000  }
0x6f: {  	[sflag:s26] =	ssyncset.done $0x0  }
0x70: {  	[sflag:s26] =	ssyncadd.s32 $0xFFFFD000  }
0x71: {  	_ =	swait.ge [sflag:s26], $0x3000  }
0x72: {  	[sflag:s26] =	ssyncset.done $0x0  }
0x73: {  	s18 =	simm.s32 $0x0;
	[sflag:s26] =	ssyncadd.s32 $0xFFFFD000  }
0x74: {  	v0 =	vld [tilespmem:s18+$0x6070]  }
0x75: {  	v1 =	vld [tilespmem:s18+$0x12070]  }
0x76: {  	v2 =	vld [tilespmem:s18+$0x6000]  }
0x77: {  	v3 =	vld [tilespmem:s18+$0x12000]  }
0x78: {  	v4 =	vld [tilespmem:s18+$0x6010]  }
0x79: {  	v5 =	vld [tilespmem:s18+$0x12010]  }
0x7a: {  	v6 =	vld [tilespmem:s18+$0x6020]  }
0x7b: {  	v7 =	vld [tilespmem:s18+$0x12020]  }
0x7c: {  	v8 =	vld [tilespmem:s18+$0x6030]  }
0x7d: {  	v10 =	vld [tilespmem:s18+$0x12030]  }
0x7e: {  	v13 =	vld [tilespmem:s18+$0x6040]  }
0x7f: {  	v14 =	vld [tilespmem:s18+$0x12040];
	_ =	sdelay $0x1  }
0x80: {  	v9 =	vld [tilespmem:s18+$0x6050];
	v0 =	vmul.f32 v1, v0;
	v2 =	vmul.f32 v3, v2  }
0x81: {  	v11 =	vld [tilespmem:s18+$0x12050];
	v1 =	vimm.f32 $0.0e+00;
	v3 =	vmul.f32 v5, v4;
	v4 =	vmul.f32 v7, v6  }
0x82: {  	v12 =	vld [tilespmem:s18+$0x12060];
	v6 =	vmul.f32 v10, v8;
	v0 =	vadd.f32 v0, v1;
	v7 =	vadd.f32 v2, v1  }
0x83: {  	s16 =	simm.s32 $0x80;
	v10 =	vld [tilespmem:s18+$0x6060];
	v13 =	vmul.f32 v14, v13;
	v5 =	vadd.f32 v3, v1;
	v3 =	vadd.f32 v4, v1  }
0x84: {  	s17 =	simm.s32 $0x400;
	v8 =	vld [tilespmem:s16+$0x6070];
	v2 =	vadd.f32 v6, v1;
	v6 =	vimm.f32 $0.0e+00;
	v4 =	vimm.f32 $0.0e+00  }
.LBB2_5:
0x85: {  	p1 =	sne.s32 s17, $0xBE00;
	v14 =	vld [tilespmem:s16+$0x12070]  }
0x86: {  	v15 =	vld [tilespmem:s16+$0x6000];
	v1 =	vadd.f32 v13, v1;
	v9 =	vmul.f32 v11, v9  }
0x87: {  	v11 =	vld [tilespmem:s16+$0x12000]  }
0x88: {  	v13 =	vld [tilespmem:s16+$0x6010];
	v6 =	vadd.f32 v9, v6;
	v9 =	vmul.f32 v12, v10  }
0x89: {  	v10 =	vld [tilespmem:s16+$0x12010]  }
0x8a: {  	v12 =	vld [tilespmem:s16+$0x6020];
	v8 =	vmul.f32 v14, v8;
	v4 =	vadd.f32 v9, v4  }
0x8b: {  	v9 =	vld [tilespmem:s16+$0x12020]  }
0x8c: {  	v11 =	vmul.f32 v11, v15;
	v14 =	vld [tilespmem:s16+$0x6030];
	v0 =	vadd.f32 v8, v0  }
0x8d: {  	v8 =	vld [tilespmem:s16+$0x12030]  }
0x8e: {  	v7 =	vadd.f32 v11, v7;
	v10 =	vmul.f32 v10, v13;
	v13 =	vld [tilespmem:s16+$0x6040]  }
0x8f: {  	v15 =	vld [tilespmem:s16+$0x12040]  }
.Ltmp3:
0x90: {  	v5 =	vadd.f32 v10, v5;
	v10 =	vmul.f32 v9, v12;
	v9 =	vld [tilespmem:s16+$0x6050];
	(pc) =	sbr.rel @p1 .LBB2_5-.Ltmp3, $4  }
0x91: {  	v11 =	vld [tilespmem:s16+$0x12050]  }
0x92: {  	v3 =	vadd.f32 v10, v3;
	v14 =	vmul.f32 v8, v14;
	v10 =	vld [tilespmem:s16+$0x6060]  }
0x93: {  	v12 =	vld [tilespmem:s16+$0x12060];
	s16 =	sshra.s32 s17, $0x2  }
0x94: {  	s17 =	sadd.s32 $0x200, s17;
	v8 =	vld [tilespmem:s16+$0x6070];
	v2 =	vadd.f32 v14, v2;
	v13 =	vmul.f32 v15, v13  }
0x95: {  	v14 =	vld [tilespmem:s16+$0x6000]  }
0x96: {  	v15 =	vld [tilespmem:s16+$0x12000]  }
0x97: {  	v16 =	vld [tilespmem:s16+$0x6010]  }
0x98: {  	v17 =	vld [tilespmem:s16+$0x12010]  }
0x99: {  	v18 =	vld [tilespmem:s16+$0x6020]  }
0x9a: {  	v19 =	vld [tilespmem:s16+$0x12020]  }
0x9b: {  	v20 =	vld [tilespmem:s16+$0x6030]  }
0x9c: {  	v21 =	vld [tilespmem:s16+$0x12030]  }
0x9d: {  	v22 =	vld [tilespmem:s16+$0x6040]  }
0x9e: {  	v23 =	vld [tilespmem:s16+$0x12040]  }
0x9f: {  	v24 =	vld [tilespmem:s16+$0x6050]  }
0xa0: {  	v25 =	vld [tilespmem:s16+$0x12050]  }
0xa1: {  	v63 =	vld [tilespmem:s16+$0x12060];
	v14 =	vmul.f32 v15, v14  }
0xa2: {  	v15 =	vld [tilespmem:s16+$0x6060];
	v16 =	vmul.f32 v17, v16  }
0xa3: {  	v1 =	vadd.f32 v13, v1;
	v13 =	vmul.f32 v19, v18;
	v7 =	vadd.f32 v14, v7;
	v14 =	vld [tilespmem:s16+$0x12070]  }
0xa4: {  	v9 =	vmul.f32 v11, v9;
	v11 =	vmul.f32 v21, v20;
	v5 =	vadd.f32 v16, v5  }
0xa5: {  	v10 =	vmul.f32 v12, v10;
	v12 =	vmul.f32 v23, v22;
	v3 =	vadd.f32 v13, v3;
	[tilespmem:s0+$0x1B080] =	vst v7  }
0xa6: {  	v6 =	vadd.f32 v9, v6;
	v2 =	vadd.f32 v11, v2;
	v7 =	vmul.f32 v25, v24;
	[tilespmem:s0+$0x1B090] =	vst v5  }
0xa7: {  	v4 =	vadd.f32 v10, v4;
	v1 =	vadd.f32 v12, v1;
	[tilespmem:s0+$0x1B0A0] =	vst v3;
	v5 =	vmul.f32 v63, v15  }
0xa8: {  	[tilespmem:s0+$0x1B0B0] =	vst v2;
	v6 =	vadd.f32 v7, v6;
	v3 =	vmul.f32 v14, v8  }
0xa9: {  	[tilespmem:s0+$0x1B0C0] =	vst v1;
	v2 =	vadd.f32 v5, v4  }
0xaa: {  	[tilespmem:s0+$0x1B0D0] =	vst v6;
	v0 =	vadd.f32 v3, v0  }
0xab: {  	[tilespmem:s0+$0x1B0E0] =	vst v2  }
0xac: {  	s17 =	simm.s32 @!p0 $0x60;
	s18 =	simm.s32 @!p0 $0x6000;
	s16 =	sadd.s32 @!p0 $0x1E0, s15;
	[tilespmem:s0+$0x1B0F0] =	vst v0  }
0xad: {  	[tilespmem:s18], [sflag:$0x2] =	stream.indirect.gather @!p0 [hbm4b:s2+s17], $0x80, s16, s17, $0xb8;
	[tilespmem:$0x1F000] =	vst v63  }
0xae: {  	s16 =	sadd.s32 @!p0 s4, s16  }
0xaf: {  	s16 =	sshll.u32 @!p0 s16, $0x4  }
0xb0: {  	s17 =	simm.s32 @!p0 $0x0;
	s18 =	simm.s32 @!p0 $0x12000;
	s16 =	sadd.s32 @!p0 s5, s16  }
0xb1: {  	[tilespmem:s18], [sflag:$0x2] =	stream.linear.gather @!p0 [hbm4b:s16+s17], $0x3000, $0x38;
	[tilespmem:$0x1F000] =	vst v63  }
0xb2: {  	_ =	swait.ge [sflag:s28], $0x3000  }
0xb3: {  	[sflag:s28] =	ssyncset.done $0x0  }
0xb4: {  	[sflag:s28] =	ssyncadd.s32 $0xFFFFD000  }
0xb5: {  	_ =	swait.ge [sflag:s28], $0x3000  }
0xb6: {  	[sflag:s28] =	ssyncset.done $0x0  }
0xb7: {  	s18 =	simm.s32 $0x0;
	[sflag:s28] =	ssyncadd.s32 $0xFFFFD000  }
0xb8: {  	v0 =	vld [tilespmem:s18+$0x9070]  }
0xb9: {  	v1 =	vld [tilespmem:s18+$0x15070]  }
0xba: {  	v2 =	vld [tilespmem:s18+$0x9000]  }
0xbb: {  	v3 =	vld [tilespmem:s18+$0x15000]  }
0xbc: {  	v4 =	vld [tilespmem:s18+$0x9010]  }
0xbd: {  	v5 =	vld [tilespmem:s18+$0x15010]  }
0xbe: {  	v6 =	vld [tilespmem:s18+$0x9020]  }
0xbf: {  	v7 =	vld [tilespmem:s18+$0x15020]  }
0xc0: {  	v8 =	vld [tilespmem:s18+$0x9030]  }
0xc1: {  	v10 =	vld [tilespmem:s18+$0x15030]  }
0xc2: {  	v13 =	vld [tilespmem:s18+$0x9040]  }
0xc3: {  	v14 =	vld [tilespmem:s18+$0x15040];
	_ =	sdelay $0x1  }
0xc4: {  	v9 =	vld [tilespmem:s18+$0x9050];
	v0 =	vmul.f32 v1, v0;
	v2 =	vmul.f32 v3, v2  }
0xc5: {  	v11 =	vld [tilespmem:s18+$0x15050];
	v1 =	vimm.f32 $0.0e+00;
	v3 =	vmul.f32 v5, v4;
	v4 =	vmul.f32 v7, v6  }
0xc6: {  	v12 =	vld [tilespmem:s18+$0x15060];
	v6 =	vmul.f32 v10, v8;
	v0 =	vadd.f32 v0, v1;
	v7 =	vadd.f32 v2, v1  }
0xc7: {  	s16 =	simm.s32 $0x80;
	v10 =	vld [tilespmem:s18+$0x9060];
	v13 =	vmul.f32 v14, v13;
	v5 =	vadd.f32 v3, v1;
	v3 =	vadd.f32 v4, v1  }
0xc8: {  	s17 =	simm.s32 $0x400;
	v8 =	vld [tilespmem:s16+$0x9070];
	v2 =	vadd.f32 v6, v1;
	v6 =	vimm.f32 $0.0e+00;
	v4 =	vimm.f32 $0.0e+00  }
.LBB2_7:
0xc9: {  	p1 =	sne.s32 s17, $0xBE00;
	v14 =	vld [tilespmem:s16+$0x15070]  }
0xca: {  	v15 =	vld [tilespmem:s16+$0x9000];
	v1 =	vadd.f32 v13, v1;
	v9 =	vmul.f32 v11, v9  }
0xcb: {  	v11 =	vld [tilespmem:s16+$0x15000]  }
0xcc: {  	v13 =	vld [tilespmem:s16+$0x9010];
	v6 =	vadd.f32 v9, v6;
	v9 =	vmul.f32 v12, v10  }
0xcd: {  	v10 =	vld [tilespmem:s16+$0x15010]  }
0xce: {  	v12 =	vld [tilespmem:s16+$0x9020];
	v8 =	vmul.f32 v14, v8;
	v4 =	vadd.f32 v9, v4  }
0xcf: {  	v9 =	vld [tilespmem:s16+$0x15020]  }
0xd0: {  	v11 =	vmul.f32 v11, v15;
	v14 =	vld [tilespmem:s16+$0x9030];
	v0 =	vadd.f32 v8, v0  }
0xd1: {  	v8 =	vld [tilespmem:s16+$0x15030]  }
0xd2: {  	v7 =	vadd.f32 v11, v7;
	v10 =	vmul.f32 v10, v13;
	v13 =	vld [tilespmem:s16+$0x9040]  }
0xd3: {  	v15 =	vld [tilespmem:s16+$0x15040]  }
.Ltmp4:
0xd4: {  	v5 =	vadd.f32 v10, v5;
	v10 =	vmul.f32 v9, v12;
	v9 =	vld [tilespmem:s16+$0x9050];
	(pc) =	sbr.rel @p1 .LBB2_7-.Ltmp4, $4  }
0xd5: {  	v11 =	vld [tilespmem:s16+$0x15050]  }
0xd6: {  	v3 =	vadd.f32 v10, v3;
	v14 =	vmul.f32 v8, v14;
	v10 =	vld [tilespmem:s16+$0x9060]  }
0xd7: {  	v12 =	vld [tilespmem:s16+$0x15060];
	s16 =	sshra.s32 s17, $0x2  }
0xd8: {  	s17 =	sadd.s32 $0x200, s17;
	v8 =	vld [tilespmem:s16+$0x9070];
	v2 =	vadd.f32 v14, v2;
	v13 =	vmul.f32 v15, v13  }
0xd9: {  	v14 =	vld [tilespmem:s16+$0x9000]  }
0xda: {  	v15 =	vld [tilespmem:s16+$0x15000]  }
0xdb: {  	v16 =	vld [tilespmem:s16+$0x9010]  }
0xdc: {  	v17 =	vld [tilespmem:s16+$0x15010]  }
0xdd: {  	v18 =	vld [tilespmem:s16+$0x9020]  }
0xde: {  	v19 =	vld [tilespmem:s16+$0x15020]  }
0xdf: {  	v20 =	vld [tilespmem:s16+$0x9030]  }
0xe0: {  	v21 =	vld [tilespmem:s16+$0x15030]  }
0xe1: {  	v22 =	vld [tilespmem:s16+$0x9040]  }
0xe2: {  	v23 =	vld [tilespmem:s16+$0x15040]  }
0xe3: {  	v24 =	vld [tilespmem:s16+$0x9050]  }
0xe4: {  	v25 =	vld [tilespmem:s16+$0x15050]  }
0xe5: {  	v63 =	vld [tilespmem:s16+$0x15060];
	v14 =	vmul.f32 v15, v14  }
0xe6: {  	v15 =	vld [tilespmem:s16+$0x9060];
	v16 =	vmul.f32 v17, v16  }
0xe7: {  	v1 =	vadd.f32 v13, v1;
	v13 =	vmul.f32 v19, v18;
	v7 =	vadd.f32 v14, v7;
	v14 =	vld [tilespmem:s16+$0x15070]  }
0xe8: {  	v9 =	vmul.f32 v11, v9;
	v11 =	vmul.f32 v21, v20;
	v5 =	vadd.f32 v16, v5  }
0xe9: {  	v10 =	vmul.f32 v12, v10;
	v12 =	vmul.f32 v23, v22;
	v3 =	vadd.f32 v13, v3;
	[tilespmem:s0+$0x1B100] =	vst v7  }
0xea: {  	v6 =	vadd.f32 v9, v6;
	v2 =	vadd.f32 v11, v2;
	v7 =	vmul.f32 v25, v24;
	[tilespmem:s0+$0x1B110] =	vst v5  }
0xeb: {  	v4 =	vadd.f32 v10, v4;
	v1 =	vadd.f32 v12, v1;
	[tilespmem:s0+$0x1B120] =	vst v3;
	v5 =	vmul.f32 v63, v15  }
0xec: {  	[tilespmem:s0+$0x1B130] =	vst v2;
	v6 =	vadd.f32 v7, v6;
	v3 =	vmul.f32 v14, v8  }
0xed: {  	[tilespmem:s0+$0x1B140] =	vst v1;
	v2 =	vadd.f32 v5, v4  }
0xee: {  	[tilespmem:s0+$0x1B150] =	vst v6;
	v0 =	vadd.f32 v3, v0  }
0xef: {  	[tilespmem:s0+$0x1B160] =	vst v2  }
0xf0: {  	s15 =	sadd.s32 @!p0 $0x240, s15;
	s17 =	simm.s32 @!p0 $0x9000;
	s16 =	simm.s32 @!p0 $0x60;
	[tilespmem:s0+$0x1B170] =	vst v0  }
0xf1: {  	[tilespmem:s17], [sflag:$0x3] =	stream.indirect.gather @!p0 [hbm4b:s2+s16], $0x80, s15, s16, $0xb8;
	[tilespmem:$0x1F000] =	vst v63  }
0xf2: {  	s15 =	sadd.s32 @!p0 s4, s15  }
0xf3: {  	s15 =	sshll.u32 @!p0 s15, $0x4  }
0xf4: {  	s16 =	simm.s32 @!p0 $0x0;
	s17 =	simm.s32 @!p0 $0x15000;
	s15 =	sadd.s32 @!p0 s5, s15  }
0xf5: {  	[tilespmem:s17], [sflag:$0x3] =	stream.linear.gather @!p0 [hbm4b:s15+s16], $0x3000, $0x38;
	[tilespmem:$0x1F000] =	vst v63  }
0xf6: {  	_ =	swait.ge [sflag:s29], $0x3000  }
0xf7: {  	[sflag:s29] =	ssyncset.done $0x0  }
0xf8: {  	[sflag:s29] =	ssyncadd.s32 $0xFFFFD000  }
0xf9: {  	_ =	swait.ge [sflag:s29], $0x3000  }
0xfa: {  	[sflag:s29] =	ssyncset.done $0x0  }
0xfb: {  	s18 =	simm.s32 $0x0;
	[sflag:s29] =	ssyncadd.s32 $0xFFFFD000  }
0xfc: {  	v0 =	vld [tilespmem:s18+$0xC070]  }
0xfd: {  	v1 =	vld [tilespmem:s18+$0x18070]  }
0xfe: {  	v2 =	vld [tilespmem:s18+$0xC000]  }
0xff: {  	v3 =	vld [tilespmem:s18+$0x18000]  }
0x100: {  	v4 =	vld [tilespmem:s18+$0xC010]  }
0x101: {  	v5 =	vld [tilespmem:s18+$0x18010]  }
0x102: {  	v6 =	vld [tilespmem:s18+$0xC020]  }
0x103: {  	v7 =	vld [tilespmem:s18+$0x18020]  }
0x104: {  	v8 =	vld [tilespmem:s18+$0xC030]  }
0x105: {  	v10 =	vld [tilespmem:s18+$0x18030]  }
0x106: {  	v13 =	vld [tilespmem:s18+$0xC040]  }
0x107: {  	v14 =	vld [tilespmem:s18+$0x18040];
	_ =	sdelay $0x1  }
0x108: {  	v9 =	vld [tilespmem:s18+$0xC050];
	v0 =	vmul.f32 v1, v0;
	v2 =	vmul.f32 v3, v2  }
0x109: {  	v11 =	vld [tilespmem:s18+$0x18050];
	v1 =	vimm.f32 $0.0e+00;
	v3 =	vmul.f32 v5, v4;
	v4 =	vmul.f32 v7, v6  }
0x10a: {  	v12 =	vld [tilespmem:s18+$0x18060];
	v6 =	vmul.f32 v10, v8;
	v0 =	vadd.f32 v0, v1;
	v7 =	vadd.f32 v2, v1  }
0x10b: {  	s15 =	simm.s32 $0x80;
	v10 =	vld [tilespmem:s18+$0xC060];
	v13 =	vmul.f32 v14, v13;
	v5 =	vadd.f32 v3, v1;
	v3 =	vadd.f32 v4, v1  }
0x10c: {  	s16 =	simm.s32 $0x400;
	v8 =	vld [tilespmem:s15+$0xC070];
	v2 =	vadd.f32 v6, v1;
	v6 =	vimm.f32 $0.0e+00;
	v4 =	vimm.f32 $0.0e+00  }
.LBB2_9:
0x10d: {  	p1 =	sne.s32 s16, $0xBE00;
	v14 =	vld [tilespmem:s15+$0x18070]  }
0x10e: {  	v15 =	vld [tilespmem:s15+$0xC000];
	v1 =	vadd.f32 v13, v1;
	v9 =	vmul.f32 v11, v9  }
0x10f: {  	v11 =	vld [tilespmem:s15+$0x18000]  }
0x110: {  	v13 =	vld [tilespmem:s15+$0xC010];
	v6 =	vadd.f32 v9, v6;
	v9 =	vmul.f32 v12, v10  }
0x111: {  	v10 =	vld [tilespmem:s15+$0x18010]  }
0x112: {  	v12 =	vld [tilespmem:s15+$0xC020];
	v8 =	vmul.f32 v14, v8;
	v4 =	vadd.f32 v9, v4  }
0x113: {  	v9 =	vld [tilespmem:s15+$0x18020]  }
0x114: {  	v11 =	vmul.f32 v11, v15;
	v14 =	vld [tilespmem:s15+$0xC030];
	v0 =	vadd.f32 v8, v0  }
0x115: {  	v8 =	vld [tilespmem:s15+$0x18030]  }
0x116: {  	v7 =	vadd.f32 v11, v7;
	v10 =	vmul.f32 v10, v13;
	v13 =	vld [tilespmem:s15+$0xC040]  }
0x117: {  	v15 =	vld [tilespmem:s15+$0x18040]  }
.Ltmp5:
0x118: {  	v5 =	vadd.f32 v10, v5;
	v10 =	vmul.f32 v9, v12;
	v9 =	vld [tilespmem:s15+$0xC050];
	(pc) =	sbr.rel @p1 .LBB2_9-.Ltmp5, $4  }
0x119: {  	v11 =	vld [tilespmem:s15+$0x18050]  }
0x11a: {  	v3 =	vadd.f32 v10, v3;
	v14 =	vmul.f32 v8, v14;
	v10 =	vld [tilespmem:s15+$0xC060]  }
0x11b: {  	v12 =	vld [tilespmem:s15+$0x18060];
	s15 =	sshra.s32 s16, $0x2  }
0x11c: {  	s16 =	sadd.s32 $0x200, s16;
	v8 =	vld [tilespmem:s15+$0xC070];
	v2 =	vadd.f32 v14, v2;
	v13 =	vmul.f32 v15, v13  }
0x11d: {  	v14 =	vld [tilespmem:s15+$0xC000]  }
0x11e: {  	v15 =	vld [tilespmem:s15+$0x18000]  }
0x11f: {  	v16 =	vld [tilespmem:s15+$0xC010]  }
0x120: {  	v17 =	vld [tilespmem:s15+$0x18010]  }
0x121: {  	v18 =	vld [tilespmem:s15+$0xC020]  }
0x122: {  	v19 =	vld [tilespmem:s15+$0x18020]  }
0x123: {  	v20 =	vld [tilespmem:s15+$0xC030]  }
0x124: {  	v21 =	vld [tilespmem:s15+$0x18030]  }
0x125: {  	v22 =	vld [tilespmem:s15+$0xC040]  }
0x126: {  	v23 =	vld [tilespmem:s15+$0x18040]  }
0x127: {  	v24 =	vld [tilespmem:s15+$0xC050]  }
0x128: {  	v25 =	vld [tilespmem:s15+$0x18050]  }
0x129: {  	v54 =	vld [tilespmem:s15+$0xC060];
	v14 =	vmul.f32 v15, v14  }
0x12a: {  	v55 =	vld [tilespmem:s15+$0x18060];
	v16 =	vmul.f32 v17, v16  }
0x12b: {  	v57 =	vld [tilespmem:s15+$0x18070];
	v1 =	vadd.f32 v13, v1;
	v56 =	vmul.f32 v19, v18;
	v7 =	vadd.f32 v14, v7  }
0x12c: {  	v9 =	vmul.f32 v11, v9;
	v58 =	vmul.f32 v21, v20;
	v5 =	vadd.f32 v16, v5  }
0x12d: {  	v10 =	vmul.f32 v12, v10;
	v59 =	vmul.f32 v23, v22;
	v3 =	vadd.f32 v56, v3;
	[tilespmem:s0+$0x1B180] =	vst v7  }
0x12e: {  	v6 =	vadd.f32 v9, v6;
	v60 =	vmul.f32 v25, v24;
	v2 =	vadd.f32 v58, v2;
	[tilespmem:s0+$0x1B190] =	vst v5  }
0x12f: {  	v4 =	vadd.f32 v10, v4;
	v61 =	vmul.f32 v55, v54;
	v1 =	vadd.f32 v59, v1;
	[tilespmem:s0+$0x1B1A0] =	vst v3  }
.Ltmp6:
0x130: {  	v62 =	vmul.f32 v57, v8;
	v6 =	vadd.f32 v60, v6;
	[tilespmem:s0+$0x1B1B0] =	vst v2;
	(pc) =	sbr.rel @p0 .LBB2_12-.Ltmp6, $4  }
0x131: {  	v63 =	vadd.f32 v61, v4;
	[tilespmem:s0+$0x1B1C0] =	vst v1  }
0x132: {  	v0 =	vadd.f32 v62, v0;
	[tilespmem:s0+$0x1B1D0] =	vst v6  }
0x133: {  	[tilespmem:s0+$0x1B1E0] =	vst v63  }
0x134: {  	[tilespmem:s0+$0x1B1F0] =	vst v0  }
0x135: {  	s0 =	smul.u32 $0x180, s1;
	_ =	sdelay $0x1  }
0x136: {  	s0 =	sadd.s32 $0x2A0, s0  }
0x137: {  	[tilespmem:s23], [sflag:$0x4] =	stream.indirect.gather [hbm4b:s2+s14], $0x80, s0, s14, $0xb8;
	[tilespmem:$0x1F000] =	vst v63  }
.Ltmp7:
0x138: {  	_ = 	snop;
	(pc) =	sbr.rel .LBB2_2-.Ltmp7, $4  }
0x139: {  	s0 =	sadd.s32 s4, s0  }
0x13a: {  	s0 =	sshll.u32 s0, $0x4  }
0x13b: {  	s1 =	sadd.s32 $0x1, s1;
	s0 =	sadd.s32 s5, s0  }
0x13c: {  	[tilespmem:s24], [sflag:$0x4] =	stream.linear.gather [hbm4b:s0+s3], $0x3000, $0x38;
	[tilespmem:$0x1F000] =	vst v63  }
.LBB2_13:
0x13d: {  	_ =	sfence.sel $0x180000  }
0x13e: {  	[bflag:$0x0] =	sbarrier.arrive $0xFFFF  }
0x13f: {  	_ =	strace $0x9000004A  }
0x140: {  	s0 =	stileid.u32;
	[bflag:$0x2] =	sbarrier.arrive $0xFFFF  }
0x141: {  	p0 =	sne.s32 s0, $0x0;
	s0 =	rddreg [dreg:$0x2]  }
0x142: {  	s0 =	sadd.s32 @!p0 $0x100000, s0  }
0x143: {  	[sflag:s0] =	ssyncadd.tile.s32 @!p0 $0x1;
	_ =	shalt  }
.Lfunc_end2:
_tile_overlayer_lowered:
.L_overlay_start_2:
0x144: {  	(tag) =	ssettag $0x2  }
0x145: {  	s0 =	rddreg [dreg:$0x0];
	s2 =	stileid.u32  }
0x146: {  	s1 =	rddreg [dreg:$0x1];
	p0 =	sne.s32 s2, $0x0  }
0x147: {  	s3 =	rddreg [dreg:$0x2];
	[bflag:$0x3] =	sbarrier.arrive $0xFFFF;
	s2 =	simm.s32 @!p0 $0x1C05  }
0x148: {  	[timem:s3], [sflag:s2] =	dma.local @!p0 [hbm:s0], s1  }
0x149: {  	s0 =	simm.s32 @!p0 $0x5  }
0x14a: {  	_ =	swait.ge @!p0 [sflag:s0], s1  }
0x14b: {  	s1 =	ssub.s32 @!p0 $0x0, s1;
	[sflag:s0] =	ssyncset.done @!p0 $0x0  }
0x14c: {  	[sflag:s0] =	ssyncadd.s32 @!p0 s1  }
0x14d: {  	[bflag:$0x3] =	sbarrier.arrive $0xFFFF  }
0x14e: {  	_ =	shalt  }

// kernel: kernel.7.cloned.1.call-start
scs
__scs_entry_jumppad:
0x0: {  	(pc) =	sbr.rel $0x88, $3  }
0x1: {  	(tag) =	ssettag $0x0;
	lr =	simm.s32 $0x1  }
0x2: {  	[smem:$0x3F94] =	sst lr;
	_ =	strace $0xD0000000  }
0x3: {  	_ = 	snop  }
0x4: {  	_ = 	snop  }
0x5: {  	_ = 	snop  }
0x6: {  	_ = 	snop  }
0x7: {  	_ = 	snop  }
__scs_overlays_trampoline_lowered:
0x8: {  	[smem:$0x3FA3] =	sst s0  }
0x9: {  	[smem:$0x3FA4] =	sst s1  }
0xa: {  	[smem:$0x3FA5] =	sst s2  }
0xb: {  	[smem:$0x3FA6] =	sst s3  }
0xc: {  	[smem:$0x3FA7] =	sst s4  }
0xd: {  	[smem:$0x3FA8] =	sst s5  }
0xe: {  	[smem:$0x3FA9] =	sst s6  }
0xf: {  	[smem:$0x3FAA] =	sst s7  }
0x10: {  	[smem:$0x3FAB] =	sst s8  }
0x11: {  	[smem:$0x3FAC] =	sst s9;
	s0 =	simm.s32 @!p0 $0x0  }
0x12: {  	s1 =	sld [smem:$0x3F92];
	s0 =	simm.s32 @p0 $0x1  }
0x13: {  	[smem:$0x3FAD] =	sst s0;
	s0 =	simm.s32 @!p1 $0x0  }
0x14: {  	s2 =	sld [smem:$0x3F91];
	s0 =	simm.s32 @p1 $0x1  }
0x15: {  	[smem:$0x3FAE] =	sst s0;
	s0 =	simm.s32 @!p2 $0x0  }
0x16: {  	s3 =	sld [smem:$0x3FDB];
	s0 =	simm.s32 @p2 $0x1  }
0x17: {  	s4 =	simm.s32 $0x1BF5;
	[smem:$0x3FB0] =	sst s0  }
0x18: {  	s0 =	sld [smem:$0x3F93];
	_ =	swait.ge [sflag:s4], $0x0  }
0x19: {  	s7 =	sld [smem:$0x3F94]  }
0x1a: {  	s8 =	sadd.s32 $0xFFFFE003, lr  }
0x1b: {  	s9 =	sadd.s32 $0xFFFFFEF7, lr;
	s5 =	simm.s32 $0xFFFFFFFF;
	p2 =	slt.u32 s8, $0xFFFFF086  }
0x1c: {  	p1 =	slt.u32 s9, $0xF7A;
	s5 =	simm.s32 @!p2 $0x0  }
0x1d: {  	s5 =	simm.s32 @p1 $0x1;
	p0 =	seq.s32 s7, s2  }
0x1e: {  	s7 =	smul.u32 @!p0 $0xF7A, s2;
	p2 =	seq.s32 @!p0 s5, $0x0  }
0x1f: {  	s9 =	smul.u32 $0xF7A, s1;
	s8 =	simm.s32 @!p0 $0x1BF5;
	p2 =	por !p2, p0  }
0x20: {  	[sflag:s8] =	ssyncset.s32 @!p0 $0xFFFFF086;
	s6 =	sadd.s32 @!p0 s3, s7;
	s7 =	simm.s32 @!p0 $0x108  }
0x21: {  	s3 =	sadd.s32 s3, s9;
	s6 =	sadd.s32 @!p0 $0x88, s6;
	s7 =	simm.s32 @p2 $0x1082  }
0x22: {  	[simem:s7], [sflag:s8] =	dma.local @!p0 [hbm:s6], $0xF7A  }
0x23: {  	s9 =	sor.u32 $0xD0000000, s2;
	s6 =	simm.s32 $0x108;
	_ =	swait.ge @!p0 [sflag:s8], $0x0  }
0x24: {  	s3 =	sadd.s32 $0x88, s3;
	s6 =	simm.s32 @!p1 $0x1082;
	[sflag:s4] =	ssyncset.s32 $0xFFFFF086  }
0x25: {  	[simem:s6], [sflag:s4] =	dma.local [hbm:s3], $0xF7A  }
0x26: {  	[smem:$0x3F94] =	sst s1;
	(tag) =	ssettag s2;
	_ =	strace s9  }
0x27: {  	s1 =	sld [smem:$0x3FA4]  }
0x28: {  	s2 =	sld [smem:$0x3FA5]  }
0x29: {  	s4 =	sld [smem:$0x3FA7]  }
0x2a: {  	p0 =	seq.s32 s5, $0x0;
	s5 =	sld [smem:$0x3FA8]  }
0x2b: {  	s6 =	sld [smem:$0x3FA9]  }
0x2c: {  	s7 =	sld [smem:$0x3FAA]  }
0x2d: {  	s3 =	simm.s32 $0x108;
	s8 =	sld [smem:$0x3FAB]  }
0x2e: {  	s3 =	simm.s32 @!p0 $0x1082;
	s9 =	sld [smem:$0x3FAC]  }
0x2f: {  	lr =	sadd.s32 s0, s3;
	s0 =	sld [smem:$0x3FA3]  }
0x30: {  	s3 =	sld [smem:$0x3FA6]  }
0x31: {  	[smem:$0x3FAF] =	sst s10  }
0x32: {  	s10 =	sld [smem:$0x3FAD];
	_ =	sdelay $0x3  }
0x33: {  	p0 =	seq.s32 s10, $0x1;
	s10 =	sld [smem:$0x3FAF];
	_ =	sdelay $0x3  }
0x34: {  	[smem:$0x3FAF] =	sst s10  }
0x35: {  	s10 =	sld [smem:$0x3FAE];
	_ =	sdelay $0x3  }
0x36: {  	p1 =	seq.s32 s10, $0x1;
	s10 =	sld [smem:$0x3FAF];
	_ =	sdelay $0x3  }
0x37: {  	[smem:$0x3FAF] =	sst s10  }
0x38: {  	s10 =	sld [smem:$0x3FB0]  }
0x39: {  	_ = 	snop;
	(pc) =	sbr.ind lr, $3  }
0x3a: {  	_ = 	snop  }
0x3b: {  	_ = 	snop  }
0x3c: {  	p2 =	seq.s32 s10, $0x1;
	s10 =	sld [smem:$0x3FAF]  }
0x3d: {  	_ =	shalt  }
0x3e: {  	_ =	shalt  }
0x3f: {  	_ =	shalt  }
0x40: {  	_ =	shalt  }
0x41: {  	_ =	shalt  }
0x42: {  	_ =	shalt  }
0x43: {  	_ =	shalt  }
0x44: {  	_ =	shalt  }
0x45: {  	_ =	shalt  }
0x46: {  	_ =	shalt  }
0x47: {  	_ =	shalt  }
0x48: {  	_ =	shalt  }
0x49: {  	_ =	shalt  }
0x4a: {  	_ =	shalt  }
0x4b: {  	_ =	shalt  }
0x4c: {  	_ =	shalt  }
0x4d: {  	_ =	shalt  }
0x4e: {  	_ =	shalt  }
0x4f: {  	_ =	shalt  }
0x50: {  	_ =	shalt  }
0x51: {  	_ =	shalt  }
0x52: {  	_ =	shalt  }
0x53: {  	_ =	shalt  }
0x54: {  	_ =	shalt  }
0x55: {  	_ =	shalt  }
0x56: {  	_ =	shalt  }
0x57: {  	_ =	shalt  }
0x58: {  	_ =	shalt  }
0x59: {  	_ =	shalt  }
0x5a: {  	_ =	shalt  }
0x5b: {  	_ =	shalt  }
0x5c: {  	_ =	shalt  }
0x5d: {  	_ =	shalt  }
0x5e: {  	_ =	shalt  }
0x5f: {  	_ =	shalt  }
0x60: {  	_ =	shalt  }
0x61: {  	_ =	shalt  }
0x62: {  	_ =	shalt  }
0x63: {  	_ =	shalt  }
0x64: {  	_ =	shalt  }
0x65: {  	_ =	shalt  }
0x66: {  	_ =	shalt  }
0x67: {  	_ =	shalt  }
0x68: {  	_ =	shalt  }
0x69: {  	_ =	shalt  }
0x6a: {  	_ =	shalt  }
0x6b: {  	_ =	shalt  }
0x6c: {  	_ =	shalt  }
0x6d: {  	_ =	shalt  }
0x6e: {  	_ =	shalt  }
0x6f: {  	_ =	shalt  }
0x70: {  	_ =	shalt  }
0x71: {  	_ =	shalt  }
0x72: {  	_ =	shalt  }
0x73: {  	_ =	shalt  }
0x74: {  	_ =	shalt  }
0x75: {  	_ =	shalt  }
0x76: {  	_ =	shalt  }
0x77: {  	_ =	shalt  }
0x78: {  	_ =	shalt  }
0x79: {  	_ =	shalt  }
0x7a: {  	_ =	shalt  }
0x7b: {  	_ =	shalt  }
0x7c: {  	_ =	shalt  }
0x7d: {  	_ =	shalt  }
0x7e: {  	_ =	shalt  }
0x7f: {  	_ =	shalt  }
0x80: {  	_ =	shalt  }
0x81: {  	_ =	shalt  }
0x82: {  	_ =	shalt  }
0x83: {  	_ =	shalt  }
0x84: {  	_ =	shalt  }
0x85: {  	_ =	shalt  }
0x86: {  	_ =	shalt  }
0x87: {  	_ =	shalt  }
.Lfunc_end0:
.L_simem_size_0:
called_computation_lowered:
.L_overlay_start_0:
0x88: {  	s2 =	sld [smem:$0x3FD9]  }
0x89: {  	s3 =	sld [smem:$0x3FFE];
	_ =	sdelay $0x1  }
0x8a: {  	s1 =	srdreg.scid  }
0x8b: {  	s0 =	sand.u32 $0x1, s1  }
0x8c: {  	s16 =	sshll.u32 s0, $0xA;
	s2 =	sadd.s32 s3, s2  }
0x8d: {  	s2 =	sadd.s32 s2, s16  }
0x8e: {  	[smem:$0x3FBB] =	sst s2  }
0x8f: {  	_ = 	snop  }
0x90: {  	(tm) =	ssettm $0x1  }
0x91: {  	s17 =	sld [smem:$0x3FFB];
	_ =	sdelay $0x3  }
0x92: {  	_ =	strace s17  }
0x93: {  	s2 =	sld [smem:$0x3FFC];
	_ =	sdelay $0x3  }
0x94: {  	_ =	strace s2  }
0x95: {  	s2 =	sld [smem:$0x3FFD];
	_ =	sdelay $0x3  }
0x96: {  	_ =	strace s2  }
0x97: {  	_ =	strace $0x8FFFFFFF  }
0x98: {  	s18 =	sld [smem:$0x3FDB];
	_ =	sdelay $0x1  }
0x99: {  	s19 =	simm.s32 $_scs_section_size  }
0x9a: {  	s4 =	simm.s32 $_size__tile_overlayer_lowered;
	s5 =	simm.s32 $_tile_overlayer_lowered  }
0x9b: {  	s22 =	simm.s32 $0x1BFF;
	s21 =	sshll.u32 s5, $0x1;
	s2 =	sadd.s32 s19, s18  }
0x9c: {  	s6 =	simm.s32 $0x0;
	s20 =	sshll.u32 s4, $0x1;
	s4 =	sadd.s32 s21, s2  }
0x9d: {  	[timem:s6], [sflag:s22] =	dma.local [hbm:s4], s20  }
0x9e: {  	_ =	swait.ge [sflag:s22], s20  }
0x9f: {  	s3 =	ssub.s32 $0x0, s20;
	[sflag:s22] =	ssyncset.done $0x0  }
0xa0: {  	[sflag:s22] =	ssyncadd.s32 s3;
	_ =	sdelay $0x1  }
0xa1: {  	s23 =	simm.s32 $0x1B8B  }
0xa2: {  	_ =	swait.ge [sflag:s23], $0x1  }
0xa3: {  	[sflag:s23] =	ssyncset.done $0x0  }
0xa4: {  	s25 =	simm.s32 $0x1B8E;
	s24 =	sld [smem:$0x3FFE];
	[sflag:s23] =	ssyncadd.s32 $0xFFFFFFFF  }
0xa5: {  	s26 =	simm.s32 $execute0_lowered;
	[smem:$0x3FD2] =	sst s25  }
0xa6: {  	s4 =	sshll.u32 s26, $0x1;
	_ =	strace $0x80000046;
	[dreg:$0x1] =	wrdreg $0xFFFFFFFF  }
0xa7: {  	s28 =	simm.s32 $_size_execute0_lowered;
	s2 =	sadd.s32 s2, s4;
	[dreg:$0x0] =	wrdreg $0x0  }
0xa8: {  	s4 =	sshll.u32 s28, $0x1;
	[dreg:$0x2] =	wrdreg s2  }
0xa9: {  	[dreg:$0x3] =	wrdreg s4  }
0xaa: {  	[dreg:$0x4] =	wrdreg $0xC0  }
0xab: {  	_ =	task [dreg:s6], $0x5FFFF  }
0xac: {  	[dreg:$0x1] =	wrdreg $0xFFFFFFFF  }
0xad: {  	[dreg:$0x0] =	wrdreg $0x60  }
0xae: {  	[dreg:$0x2] =	wrdreg s24  }
0xaf: {  	[dreg:$0x3] =	wrdreg $0x9  }
0xb0: {  	_ =	task.clear_ibuf [dreg:s6], $0x4FFFF;
	_ =	strace $0x90000046  }
0xb1: {  	s29 =	simm.s32 $0x9;
	_ =	strace $0x80000048  }
0xb2: {  	_ =	swait.ge [sflag:s29], $0x1  }
0xb3: {  	[sflag:s29] =	ssyncadd.s32 $0xFFFFFFFF  }
0xb4: {  	_ =	strace $0x90000048  }
0xb5: {  	_ =	sfence  }
0xb6: {  	s30 =	sld [smem:$0x0];
	_ =	sdelay $0x2  }
0xb7: {  	s31 =	sshll.u32 s1, $0xD;
	s1 =	sshrl.u32 s1, $0x2  }
0xb8: {  	s3 =	sand.u32 $0x4000, s31;
	s1 =	sadd.s32 s1, s30  }
0xb9: {  	s0 =	sor.u32 s3, s0;
	s1 =	sshll.u32 s1, $0x11  }
0xba: {  	s0 =	sor.u32 s1, s0  }
0xbb: {  	s0 =	sadd.s32 $0x8F2B, s0  }
0xbc: {  	[sflag:s0] =	ssyncadd.remote.s32 $0x1  }
0xbd: {  	_ =	sfence.sel $0xFFFF  }
0xbe: {  	[dreg:$0x0] =	wrdreg $0xFFFFFFFF;
	(pc) =	sbr.abs _section_cstart, $3  }
0xbf: {  	[dreg:$0x1] =	wrdreg $0xFFFFFFFF  }
0xc0: {  	_ =	task.clear_ibuf [dreg:s6], $0x2FFFF;
	_ =	strace $0x9FFFFFFF  }
0xc1: {  	(tm) =	ssettm $0x7FFFFFFF  }
tec
execute0_lowered:
.L_overlay_start_1:
0x0: {  	(tag) =	ssettag $0x1  }
0x1: {  	s1 =	srdreg.scid  }
0x2: {  	s0 =	stileid.u32;
	s4 =	rddreg [dreg:$0x0];
	s2 =	simm.s32 $0x0  }
0x3: {  	s9 =	simm.s32 $0x8400;
	s3 =	sand.u32 $0x1, s1;
	s1 =	rddreg [dreg:$0x1]  }
0x4: {  	s10 =	simm.s32 $0xB400;
	s5 =	sshll.u32 s0, $0x1;
	[smem:$0x7FF] =	sst s2  }
0x5: {  	s5 =	sor.u32 s3, s5;
	s7 =	ssub.s32 $0x2, s3;
	_ =	strace $0x80000047  }
0x6: {  	s3 =	sadd.s32 $0x2800, s4;
	s6 =	smul.u32 $0x600, s5;
	s8 =	sshrl.u32 s7, $0x1  }
0x7: {  	s11 =	sshll.u32 s5, $0xA;
	s7 =	ssub.s32 s7, s8;
	s8 =	simm.s32 $0x1  }
0x8: {  	v3 =	vmov s11;
	s11 =	simm.s32 $0x0;
	s6 =	sadd.s32 s6, s4;
	s4 =	sshll.u32 s5, $0x7  }
0x9: {  	v0 =	vimm.s32 $0x0;
	v1 =	vimm.f32 $9.999999950e+11;
	v2 =	vlaneseq.u32;
	s7 =	smax.u32 s7, $0x1;
	s5 =	sadd.s32 $0xFA00, s6;
	s6 =	sadd.s32 $0x3A00, s6  }
.LBB2_1:
0xa: {  	[tilespmem:s2], [sflag:$0x1] =	stream.linear.gather [hbm4b:s3+s2], $0x8400, $0x38;
	[tilespmem:$0xE400] =	vst v63  }
0xb: {  	_ =	swait.ge [sflag:s8], $0x8400  }
0xc: {  	[sflag:s8] =	ssyncset.done $0x0  }
0xd: {  	s12 =	simm.s32 $0x40;
	s13 =	simm.s32 $0x0;
	[sflag:s8] =	ssyncadd.s32 $0xFFFF7C00  }
.LBB2_2:
0xe: {  	p0 =	sne.s32 s12, $0xBFC0;
	[tilespmem:s13+$0x8400] =	vst v0;
	s14 =	smov.u32 s12;
	s12 =	sadd.s32 $0x40, s12  }
.Ltmp0:
0xf: {  	[tilespmem:s13+$0xB400] =	vst v1;
	(pc) =	sbr.rel @p0 .LBB2_2-.Ltmp0, $2  }
0x10: {  	_ =	sdelay $0x2  }
0x11: {  	s13 =	sshra.s32 s14, $0x2  }
0x12: {  	[tilespmem:s13+$0x8400] =	vst v0  }
0x13: {  	s12 =	simm.s32 $0x0;
	[tilespmem:s13+$0xB400] =	vst v1;
	s13 =	simm.s32 $0x0  }
.LBB2_4:
0x14: {  	_ =	sdelay $0x2  }
0x15: {  	s15 =	sshll.u32 s13, $0x4  }
0x16: {  	v9 =	vld.idx.msk [tilespmem:v3+s15+$0x0 ss:$0x1], $0xffff  }
0x17: {  	v10 =	vld.idx.msk [tilespmem:v3+s15+$0x80 ss:$0x1], $0xffff  }
0x18: {  	v7 =	vld.idx.msk [tilespmem:v3+s15+$0x100 ss:$0x1], $0xffff  }
0x19: {  	v8 =	vld.idx.msk [tilespmem:v3+s15+$0x180 ss:$0x1], $0xffff  }
0x1a: {  	v4 =	vld.idx.msk [tilespmem:v3+s15+$0x200 ss:$0x1], $0xffff  }
0x1b: {  	v5 =	vld.idx.msk [tilespmem:v3+s15+$0x280 ss:$0x1], $0xffff  }
0x1c: {  	v6 =	vld.idx.msk [tilespmem:v3+s15+$0x300 ss:$0x1], $0xffff  }
0x1d: {  	s14 =	smul.u32 $0x600, s13  }
0x1e: {  	v13 =	vbroadcast v9, $0x0  }
0x1f: {  	s16 =	sand.u32 $0x70, s12;
	s17 =	sand.u32 $0x7C00, s12;
	s15 =	sadd.s32 s4, s15;
	v15 =	vmov s14;
	v14 =	vbroadcast v10, $0x0;
	v12 =	vbroadcast v7, $0x0  }
0x20: {  	s19 =	sor.u32 s16, s17;
	s18 =	sor.u32 $0x60, s14;
	v16 =	vmov s15;
	v17 =	vbroadcast v8, $0x0;
	v20 =	vbroadcast v4, $0x0  }
0x21: {  	s17 =	simm.s32 $0x10;
	s16 =	simm.s32 $0x0;
	v21 =	vld [tilespmem:s19+$0x180];
	v11 =	vmov s18;
	s18 =	simm.s32 $0x0;
	v18 =	vbroadcast v5, $0x0;
	v19 =	vbroadcast v6, $0x0  }
.LBB2_5:
0x22: {  	p0 =	sne.s32 s17, $0xFF0;
	v22 =	vld [tilespmem:s19+$0x200];
	_ =	sdelay $0x1  }
0x23: {  	v23 =	vld [tilespmem:s19+$0x280];
	_ =	sdelay $0x2  }
0x24: {  	v21 =	vmul.f32 v21, v17;
	v22 =	vmul.f32 v22, v20  }
0x25: {  	v24 =	vld [tilespmem:s19+$0x300]  }
0x26: {  	v21 =	vadd.f32 v22, v21;
	v22 =	vmul.f32 v23, v18;
	_ =	sdelay $0x1  }
0x27: {  	v21 =	vadd.f32 v22, v21;
	_ =	sdelay $0x1  }
0x28: {  	v22 =	vadd.f32 v24, v19;
	v21 =	vadd.f32 v21, v21;
	_ =	sdelay $0x1  }
0x29: {  	v21 =	vsub.f32 v22, v21  }
0x2a: {  	v22 =	vor.u32 s16, v2;
	s16 =	smov.u32 s17  }
0x2b: {  	vm1 =	vne.s32 v22, v16;
	vm0 =	vlt.f32 v21, $1.000000000e+02  }
0x2c: {  	vm0 =	vmand vm1, vm0  }
0x2d: {  	v21 =	vsel vm0, $0x1, v0  }
0x2e: {  	(xrf0) =	vadd.scan.msk.s32 $0xffff, v21;
	_ =	sdelay $0x2  }
0x2f: {  	v21 =	vld [tilespmem:s19+$0x0]  }
0x30: {  	v23 =	vld [tilespmem:s19+$0x80];
	_ =	sdelay $0x1  }
0x31: {  	v24 =	vld [tilespmem:s19+$0x100];
	v25, _, _ =	vpop (xrf0)  }
0x32: {  	v25 =	vadd.s32 v25, v15  }
0x33: {  	v25 =	vadd.s32 $0xFFFFFFFF, v25  }
0x34: {  	v21 =	vsub.f32 v21, v13;
	v23 =	vsub.f32 v23, v14;
	vm1 =	vlt.s32 v25, v11  }
0x35: {  	vm0 =	vmand vm0, vm1  }
0x36: {  	v21 =	vmul.f32 v21, v21;
	v24 =	vsub.f32 v24, v12;
	v23 =	vmul.f32 v23, v23  }
0x37: {  	v26 =	vmpcnt.ones.xlane vm0  }
0x38: {  	v21 =	vadd.f32 v23, v21;
	v23 =	vmul.f32 v24, v24  }
.Ltmp1:
0x39: {  	v15 =	vadd.s32 v15, v26;
	(pc) =	sbr.rel @p0 .LBB2_5-.Ltmp1, $4  }
0x3a: {  	s18 =	sadd.s32 $0x80, s18;
	v21 =	vadd.f32 v23, v21  }
0x3b: {  	s20 =	sand.u32 $0x7C00, s18;
	s19 =	sand.u32 $0x70, s17;
	[tilespmem:v25+s9+$0x0] =	vst.idx.msk vm0, v22  }
0x3c: {  	s19 =	sor.u32 s19, s20;
	[tilespmem:v25+s10+$0x0] =	vst.idx.msk vm0, v21  }
0x3d: {  	s17 =	sadd.s32 $0x10, s17;
	v21 =	vld [tilespmem:s19+$0x180]  }
0x3e: {  	v22 =	vld [tilespmem:s19+$0x200];
	_ =	sdelay $0x1  }
0x3f: {  	v23 =	vld [tilespmem:s19+$0x280];
	_ =	sdelay $0x2  }
0x40: {  	v17 =	vmul.f32 v21, v17;
	v20 =	vmul.f32 v22, v20  }
0x41: {  	v21 =	vld [tilespmem:s19+$0x300]  }
0x42: {  	v18 =	vmul.f32 v23, v18;
	v17 =	vadd.f32 v20, v17;
	_ =	sdelay $0x1  }
0x43: {  	v17 =	vadd.f32 v18, v17;
	_ =	sdelay $0x1  }
0x44: {  	v18 =	vadd.f32 v21, v19;
	v17 =	vadd.f32 v17, v17;
	_ =	sdelay $0x1  }
0x45: {  	v17 =	vsub.f32 v18, v17  }
0x46: {  	v18 =	vor.u32 s16, v2  }
0x47: {  	vm1 =	vne.s32 v18, v16;
	vm0 =	vlt.f32 v17, $1.000000000e+02  }
0x48: {  	vm0 =	vmand vm1, vm0  }
0x49: {  	v16 =	vsel vm0, $0x1, v0  }
0x4a: {  	(xrf0) =	vadd.scan.msk.s32 $0xffff, v16;
	_ =	sdelay $0x2  }
0x4b: {  	v17 =	vld [tilespmem:s19+$0x80]  }
0x4c: {  	v16 =	vld [tilespmem:s19+$0x0];
	_ =	sdelay $0x1  }
0x4d: {  	v19 =	vld [tilespmem:s19+$0x100];
	v20, _, _ =	vpop (xrf0)  }
0x4e: {  	v15 =	vadd.s32 v20, v15  }
0x4f: {  	v20 =	vadd.s32 $0xFFFFFFFF, v15  }
0x50: {  	v14 =	vsub.f32 v17, v14;
	v13 =	vsub.f32 v16, v13;
	vm15 =	vlt.s32 v20, v11  }
0x51: {  	vm0 =	vmand vm0, vm15  }
0x52: {  	v12 =	vsub.f32 v19, v12;
	v14 =	vmul.f32 v14, v14;
	v13 =	vmul.f32 v13, v13;
	_ =	sdelay $0x1  }
0x53: {  	v12 =	vmul.f32 v12, v12;
	v13 =	vadd.f32 v14, v13;
	_ =	sdelay $0x1  }
0x54: {  	s16 =	simm.s32 $0x0;
	v19 =	vbroadcast v5, $0x1;
	v12 =	vadd.f32 v12, v13  }
0x55: {  	s20 =	sor.u32 $0x1, s15;
	s17 =	sand.u32 $0x70, s16;
	s18 =	sand.u32 $0x7C00, s16;
	v17 =	vbroadcast v8, $0x1;
	v15 =	vbroadcast v7, $0x1;
	[tilespmem:v20+s9+$0x0] =	vst.idx.msk vm0, v18  }
0x56: {  	s31 =	sor.u32 $0xC0, s14;
	s19 =	sor.u32 s17, s18;
	v16 =	vmov s20;
	v14 =	vbroadcast v10, $0x1;
	v13 =	vbroadcast v9, $0x1;
	[tilespmem:v20+s10+$0x0] =	vst.idx.msk vm0, v12  }
0x57: {  	s17 =	simm.s32 $0x10;
	s18 =	simm.s32 $0x0;
	v18 =	vbroadcast v6, $0x1;
	v20 =	vbroadcast v4, $0x1;
	v12 =	vmov s31;
	v21 =	vld [tilespmem:s19+$0x180]  }
.LBB2_7:
0x58: {  	p0 =	sne.s32 s17, $0xFF0;
	v22 =	vld [tilespmem:s19+$0x200];
	_ =	sdelay $0x1  }
0x59: {  	v23 =	vld [tilespmem:s19+$0x280];
	_ =	sdelay $0x2  }
0x5a: {  	v21 =	vmul.f32 v21, v17;
	v22 =	vmul.f32 v22, v20  }
0x5b: {  	v24 =	vld [tilespmem:s19+$0x300]  }
0x5c: {  	v21 =	vadd.f32 v22, v21;
	v22 =	vmul.f32 v23, v19;
	_ =	sdelay $0x1  }
0x5d: {  	v21 =	vadd.f32 v22, v21;
	_ =	sdelay $0x1  }
0x5e: {  	v22 =	vadd.f32 v24, v18;
	v21 =	vadd.f32 v21, v21;
	_ =	sdelay $0x1  }
0x5f: {  	v21 =	vsub.f32 v22, v21  }
0x60: {  	v22 =	vor.u32 s16, v2;
	s16 =	smov.u32 s17  }
0x61: {  	vm1 =	vne.s32 v22, v16;
	vm0 =	vlt.f32 v21, $1.000000000e+02  }
0x62: {  	vm0 =	vmand vm1, vm0  }
0x63: {  	v21 =	vsel vm0, $0x1, v0  }
0x64: {  	(xrf0) =	vadd.scan.msk.s32 $0xffff, v21;
	_ =	sdelay $0x2  }
0x65: {  	v21 =	vld [tilespmem:s19+$0x0]  }
0x66: {  	v23 =	vld [tilespmem:s19+$0x80];
	_ =	sdelay $0x1  }
0x67: {  	v24 =	vld [tilespmem:s19+$0x100];
	v25, _, _ =	vpop (xrf0)  }
0x68: {  	v25 =	vadd.s32 v25, v11  }
0x69: {  	v25 =	vadd.s32 $0xFFFFFFFF, v25  }
0x6a: {  	v21 =	vsub.f32 v21, v13;
	v23 =	vsub.f32 v23, v14;
	vm1 =	vlt.s32 v25, v12  }
0x6b: {  	vm0 =	vmand vm0, vm1  }
0x6c: {  	v21 =	vmul.f32 v21, v21;
	v24 =	vsub.f32 v24, v15;
	v23 =	vmul.f32 v23, v23  }
0x6d: {  	v26 =	vmpcnt.ones.xlane vm0  }
0x6e: {  	v21 =	vadd.f32 v23, v21;
	v23 =	vmul.f32 v24, v24  }
.Ltmp2:
0x6f: {  	v11 =	vadd.s32 v11, v26;
	(pc) =	sbr.rel @p0 .LBB2_7-.Ltmp2, $4  }
0x70: {  	s18 =	sadd.s32 $0x80, s18;
	v21 =	vadd.f32 v23, v21  }
0x71: {  	s20 =	sand.u32 $0x7C00, s18;
	s19 =	sand.u32 $0x70, s17;
	[tilespmem:v25+s9+$0x0] =	vst.idx.msk vm0, v22  }
0x72: {  	s19 =	sor.u32 s19, s20;
	[tilespmem:v25+s10+$0x0] =	vst.idx.msk vm0, v21  }
0x73: {  	s17 =	sadd.s32 $0x10, s17;
	v21 =	vld [tilespmem:s19+$0x180]  }
0x74: {  	v22 =	vld [tilespmem:s19+$0x200];
	_ =	sdelay $0x1  }
0x75: {  	v23 =	vld [tilespmem:s19+$0x280];
	_ =	sdelay $0x2  }
0x76: {  	v17 =	vmul.f32 v21, v17;
	v20 =	vmul.f32 v22, v20  }
0x77: {  	v21 =	vld [tilespmem:s19+$0x300]  }
0x78: {  	v19 =	vmul.f32 v23, v19;
	v17 =	vadd.f32 v20, v17;
	_ =	sdelay $0x1  }
0x79: {  	v17 =	vadd.f32 v19, v17;
	_ =	sdelay $0x1  }
0x7a: {  	v18 =	vadd.f32 v21, v18;
	v17 =	vadd.f32 v17, v17;
	_ =	sdelay $0x1  }
0x7b: {  	v17 =	vsub.f32 v18, v17  }
0x7c: {  	v18 =	vor.u32 s16, v2  }
0x7d: {  	vm1 =	vne.s32 v18, v16;
	vm0 =	vlt.f32 v17, $1.000000000e+02  }
0x7e: {  	vm0 =	vmand vm1, vm0  }
0x7f: {  	v16 =	vsel vm0, $0x1, v0  }
0x80: {  	(xrf0) =	vadd.scan.msk.s32 $0xffff, v16;
	_ =	sdelay $0x2  }
0x81: {  	v17 =	vld [tilespmem:s19+$0x80]  }
0x82: {  	v16 =	vld [tilespmem:s19+$0x0];
	_ =	sdelay $0x1  }
0x83: {  	v19 =	vld [tilespmem:s19+$0x100];
	v20, _, _ =	vpop (xrf0)  }
0x84: {  	v11 =	vadd.s32 v20, v11  }
0x85: {  	v11 =	vadd.s32 $0xFFFFFFFF, v11  }
0x86: {  	v14 =	vsub.f32 v17, v14;
	v13 =	vsub.f32 v16, v13;
	vm15 =	vlt.s32 v11, v12  }
0x87: {  	vm0 =	vmand vm0, vm15  }
0x88: {  	v15 =	vsub.f32 v19, v15;
	v14 =	vmul.f32 v14, v14;
	v13 =	vmul.f32 v13, v13;
	_ =	sdelay $0x1  }
0x89: {  	v13 =	vadd.f32 v14, v13;
	v14 =	vmul.f32 v15, v15;
	_ =	sdelay $0x1  }
0x8a: {  	s16 =	simm.s32 $0x0;
	v19 =	vbroadcast v5, $0x2;
	v17 =	vbroadcast v8, $0x2;
	v16 =	vadd.f32 v14, v13  }
0x8b: {  	s17 =	sand.u32 $0x70, s16;
	s18 =	sand.u32 $0x7C00, s16;
	v20 =	vbroadcast v4, $0x2;
	v15 =	vbroadcast v7, $0x2;
	[tilespmem:v11+s9+$0x0] =	vst.idx.msk vm0, v18  }
0x8c: {  	s20 =	sor.u32 $0x2, s15;
	s31 =	sor.u32 $0x120, s14;
	s19 =	sor.u32 s17, s18;
	v13 =	vbroadcast v9, $0x2;
	v14 =	vbroadcast v10, $0x2;
	[tilespmem:v11+s10+$0x0] =	vst.idx.msk vm0, v16  }
0x8d: {  	s17 =	simm.s32 $0x10;
	s18 =	simm.s32 $0x0;
	v18 =	vbroadcast v6, $0x2;
	v16 =	vmov s20;
	v11 =	vmov s31;
	v21 =	vld [tilespmem:s19+$0x180]  }
.LBB2_9:
0x8e: {  	p0 =	sne.s32 s17, $0xFF0;
	v22 =	vld [tilespmem:s19+$0x200];
	_ =	sdelay $0x1  }
0x8f: {  	v23 =	vld [tilespmem:s19+$0x280];
	_ =	sdelay $0x2  }
0x90: {  	v21 =	vmul.f32 v21, v17;
	v22 =	vmul.f32 v22, v20  }
0x91: {  	v24 =	vld [tilespmem:s19+$0x300]  }
0x92: {  	v21 =	vadd.f32 v22, v21;
	v22 =	vmul.f32 v23, v19;
	_ =	sdelay $0x1  }
0x93: {  	v21 =	vadd.f32 v22, v21;
	_ =	sdelay $0x1  }
0x94: {  	v22 =	vadd.f32 v24, v18;
	v21 =	vadd.f32 v21, v21;
	_ =	sdelay $0x1  }
0x95: {  	v21 =	vsub.f32 v22, v21  }
0x96: {  	v22 =	vor.u32 s16, v2;
	s16 =	smov.u32 s17  }
0x97: {  	vm1 =	vne.s32 v22, v16;
	vm0 =	vlt.f32 v21, $1.000000000e+02  }
0x98: {  	vm0 =	vmand vm1, vm0  }
0x99: {  	v21 =	vsel vm0, $0x1, v0  }
0x9a: {  	(xrf0) =	vadd.scan.msk.s32 $0xffff, v21;
	_ =	sdelay $0x2  }
0x9b: {  	v21 =	vld [tilespmem:s19+$0x0]  }
0x9c: {  	v23 =	vld [tilespmem:s19+$0x80];
	_ =	sdelay $0x1  }
0x9d: {  	v24 =	vld [tilespmem:s19+$0x100];
	v25, _, _ =	vpop (xrf0)  }
0x9e: {  	v25 =	vadd.s32 v25, v12  }
0x9f: {  	v25 =	vadd.s32 $0xFFFFFFFF, v25  }
0xa0: {  	v21 =	vsub.f32 v21, v13;
	v23 =	vsub.f32 v23, v14;
	vm1 =	vlt.s32 v25, v11  }
0xa1: {  	vm0 =	vmand vm0, vm1  }
0xa2: {  	v21 =	vmul.f32 v21, v21;
	v24 =	vsub.f32 v24, v15;
	v23 =	vmul.f32 v23, v23  }
0xa3: {  	v26 =	vmpcnt.ones.xlane vm0  }
0xa4: {  	v21 =	vadd.f32 v23, v21;
	v23 =	vmul.f32 v24, v24  }
.Ltmp3:
0xa5: {  	v12 =	vadd.s32 v12, v26;
	(pc) =	sbr.rel @p0 .LBB2_9-.Ltmp3, $4  }
0xa6: {  	s18 =	sadd.s32 $0x80, s18;
	v21 =	vadd.f32 v23, v21  }
0xa7: {  	s20 =	sand.u32 $0x7C00, s18;
	s19 =	sand.u32 $0x70, s17;
	[tilespmem:v25+s9+$0x0] =	vst.idx.msk vm0, v22  }
0xa8: {  	s19 =	sor.u32 s19, s20;
	[tilespmem:v25+s10+$0x0] =	vst.idx.msk vm0, v21  }
0xa9: {  	s17 =	sadd.s32 $0x10, s17;
	v21 =	vld [tilespmem:s19+$0x180]  }
0xaa: {  	v22 =	vld [tilespmem:s19+$0x200];
	_ =	sdelay $0x1  }
0xab: {  	v23 =	vld [tilespmem:s19+$0x280];
	_ =	sdelay $0x2  }
0xac: {  	v17 =	vmul.f32 v21, v17;
	v20 =	vmul.f32 v22, v20  }
0xad: {  	v21 =	vld [tilespmem:s19+$0x300]  }
0xae: {  	v19 =	vmul.f32 v23, v19;
	v17 =	vadd.f32 v20, v17;
	_ =	sdelay $0x1  }
0xaf: {  	v17 =	vadd.f32 v19, v17;
	_ =	sdelay $0x1  }
0xb0: {  	v18 =	vadd.f32 v21, v18;
	v17 =	vadd.f32 v17, v17;
	_ =	sdelay $0x1  }
0xb1: {  	v17 =	vsub.f32 v18, v17  }
0xb2: {  	v18 =	vor.u32 s16, v2  }
0xb3: {  	vm1 =	vne.s32 v18, v16;
	vm0 =	vlt.f32 v17, $1.000000000e+02  }
0xb4: {  	vm0 =	vmand vm1, vm0  }
0xb5: {  	v16 =	vsel vm0, $0x1, v0  }
0xb6: {  	(xrf0) =	vadd.scan.msk.s32 $0xffff, v16;
	_ =	sdelay $0x2  }
0xb7: {  	v17 =	vld [tilespmem:s19+$0x80]  }
0xb8: {  	v16 =	vld [tilespmem:s19+$0x0];
	_ =	sdelay $0x1  }
0xb9: {  	v19 =	vld [tilespmem:s19+$0x100];
	v20, _, _ =	vpop (xrf0)  }
0xba: {  	v12 =	vadd.s32 v20, v12  }
0xbb: {  	v12 =	vadd.s32 $0xFFFFFFFF, v12  }
0xbc: {  	v14 =	vsub.f32 v17, v14;
	v13 =	vsub.f32 v16, v13;
	vm15 =	vlt.s32 v12, v11  }
0xbd: {  	vm0 =	vmand vm0, vm15  }
0xbe: {  	v15 =	vsub.f32 v19, v15;
	v14 =	vmul.f32 v14, v14;
	v13 =	vmul.f32 v13, v13;
	_ =	sdelay $0x1  }
0xbf: {  	v13 =	vadd.f32 v14, v13;
	v14 =	vmul.f32 v15, v15;
	_ =	sdelay $0x1  }
0xc0: {  	s16 =	simm.s32 $0x0;
	v19 =	vbroadcast v5, $0x3;
	v17 =	vbroadcast v8, $0x3;
	v16 =	vadd.f32 v14, v13  }
0xc1: {  	s17 =	sand.u32 $0x70, s16;
	s18 =	sand.u32 $0x7C00, s16;
	v20 =	vbroadcast v4, $0x3;
	v15 =	vbroadcast v7, $0x3;
	[tilespmem:v12+s9+$0x0] =	vst.idx.msk vm0, v18  }
0xc2: {  	s20 =	sor.u32 $0x3, s15;
	s31 =	sor.u32 $0x180, s14;
	s19 =	sor.u32 s17, s18;
	v13 =	vbroadcast v9, $0x3;
	v14 =	vbroadcast v10, $0x3;
	[tilespmem:v12+s10+$0x0] =	vst.idx.msk vm0, v16  }
0xc3: {  	s17 =	simm.s32 $0x10;
	s18 =	simm.s32 $0x0;
	v18 =	vbroadcast v6, $0x3;
	v16 =	vmov s20;
	v12 =	vmov s31;
	v21 =	vld [tilespmem:s19+$0x180]  }
.LBB2_11:
0xc4: {  	p0 =	sne.s32 s17, $0xFF0;
	v22 =	vld [tilespmem:s19+$0x200];
	_ =	sdelay $0x1  }
0xc5: {  	v23 =	vld [tilespmem:s19+$0x280];
	_ =	sdelay $0x2  }
0xc6: {  	v21 =	vmul.f32 v21, v17;
	v22 =	vmul.f32 v22, v20  }
0xc7: {  	v24 =	vld [tilespmem:s19+$0x300]  }
0xc8: {  	v21 =	vadd.f32 v22, v21;
	v22 =	vmul.f32 v23, v19;
	_ =	sdelay $0x1  }
0xc9: {  	v21 =	vadd.f32 v22, v21;
	_ =	sdelay $0x1  }
0xca: {  	v22 =	vadd.f32 v24, v18;
	v21 =	vadd.f32 v21, v21;
	_ =	sdelay $0x1  }
0xcb: {  	v21 =	vsub.f32 v22, v21  }
0xcc: {  	v22 =	vor.u32 s16, v2;
	s16 =	smov.u32 s17  }
0xcd: {  	vm1 =	vne.s32 v22, v16;
	vm0 =	vlt.f32 v21, $1.000000000e+02  }
0xce: {  	vm0 =	vmand vm1, vm0  }
0xcf: {  	v21 =	vsel vm0, $0x1, v0  }
0xd0: {  	(xrf0) =	vadd.scan.msk.s32 $0xffff, v21;
	_ =	sdelay $0x2  }
0xd1: {  	v21 =	vld [tilespmem:s19+$0x0]  }
0xd2: {  	v23 =	vld [tilespmem:s19+$0x80];
	_ =	sdelay $0x1  }
0xd3: {  	v24 =	vld [tilespmem:s19+$0x100];
	v25, _, _ =	vpop (xrf0)  }
0xd4: {  	v25 =	vadd.s32 v25, v11  }
0xd5: {  	v25 =	vadd.s32 $0xFFFFFFFF, v25  }
0xd6: {  	v21 =	vsub.f32 v21, v13;
	v23 =	vsub.f32 v23, v14;
	vm1 =	vlt.s32 v25, v12  }
0xd7: {  	vm0 =	vmand vm0, vm1  }
0xd8: {  	v21 =	vmul.f32 v21, v21;
	v24 =	vsub.f32 v24, v15;
	v23 =	vmul.f32 v23, v23  }
0xd9: {  	v26 =	vmpcnt.ones.xlane vm0  }
0xda: {  	v21 =	vadd.f32 v23, v21;
	v23 =	vmul.f32 v24, v24  }
.Ltmp4:
0xdb: {  	v11 =	vadd.s32 v11, v26;
	(pc) =	sbr.rel @p0 .LBB2_11-.Ltmp4, $4  }
0xdc: {  	s18 =	sadd.s32 $0x80, s18;
	v21 =	vadd.f32 v23, v21  }
0xdd: {  	s20 =	sand.u32 $0x7C00, s18;
	s19 =	sand.u32 $0x70, s17;
	[tilespmem:v25+s9+$0x0] =	vst.idx.msk vm0, v22  }
0xde: {  	s19 =	sor.u32 s19, s20;
	[tilespmem:v25+s10+$0x0] =	vst.idx.msk vm0, v21  }
0xdf: {  	s17 =	sadd.s32 $0x10, s17;
	v21 =	vld [tilespmem:s19+$0x180]  }
0xe0: {  	v22 =	vld [tilespmem:s19+$0x200];
	_ =	sdelay $0x1  }
0xe1: {  	v23 =	vld [tilespmem:s19+$0x280];
	_ =	sdelay $0x2  }
0xe2: {  	v17 =	vmul.f32 v21, v17;
	v20 =	vmul.f32 v22, v20  }
0xe3: {  	v21 =	vld [tilespmem:s19+$0x300]  }
0xe4: {  	v19 =	vmul.f32 v23, v19;
	v17 =	vadd.f32 v20, v17;
	_ =	sdelay $0x1  }
0xe5: {  	v17 =	vadd.f32 v19, v17;
	_ =	sdelay $0x1  }
0xe6: {  	v18 =	vadd.f32 v21, v18;
	v17 =	vadd.f32 v17, v17;
	_ =	sdelay $0x1  }
0xe7: {  	v17 =	vsub.f32 v18, v17  }
0xe8: {  	v18 =	vor.u32 s16, v2  }
0xe9: {  	vm1 =	vne.s32 v18, v16;
	vm0 =	vlt.f32 v17, $1.000000000e+02  }
0xea: {  	vm0 =	vmand vm1, vm0  }
0xeb: {  	v16 =	vsel vm0, $0x1, v0  }
0xec: {  	(xrf0) =	vadd.scan.msk.s32 $0xffff, v16;
	_ =	sdelay $0x2  }
0xed: {  	v17 =	vld [tilespmem:s19+$0x80]  }
0xee: {  	v16 =	vld [tilespmem:s19+$0x0];
	_ =	sdelay $0x1  }
0xef: {  	v19 =	vld [tilespmem:s19+$0x100];
	v20, _, _ =	vpop (xrf0)  }
0xf0: {  	v11 =	vadd.s32 v20, v11  }
0xf1: {  	v11 =	vadd.s32 $0xFFFFFFFF, v11  }
0xf2: {  	v14 =	vsub.f32 v17, v14;
	v13 =	vsub.f32 v16, v13;
	vm15 =	vlt.s32 v11, v12  }
0xf3: {  	vm0 =	vmand vm0, vm15  }
0xf4: {  	v15 =	vsub.f32 v19, v15;
	v14 =	vmul.f32 v14, v14;
	v13 =	vmul.f32 v13, v13;
	_ =	sdelay $0x1  }
0xf5: {  	v13 =	vadd.f32 v14, v13;
	v14 =	vmul.f32 v15, v15;
	_ =	sdelay $0x1  }
0xf6: {  	s16 =	simm.s32 $0x0;
	v19 =	vbroadcast v5, $0x4;
	v17 =	vbroadcast v8, $0x4;
	v16 =	vadd.f32 v14, v13  }
0xf7: {  	s17 =	sand.u32 $0x70, s16;
	s18 =	sand.u32 $0x7C00, s16;
	v20 =	vbroadcast v4, $0x4;
	v15 =	vbroadcast v7, $0x4;
	[tilespmem:v11+s9+$0x0] =	vst.idx.msk vm0, v18  }
0xf8: {  	s20 =	sor.u32 $0x4, s15;
	s31 =	sor.u32 $0x1E0, s14;
	s19 =	sor.u32 s17, s18;
	v13 =	vbroadcast v9, $0x4;
	v14 =	vbroadcast v10, $0x4;
	[tilespmem:v11+s10+$0x0] =	vst.idx.msk vm0, v16  }
0xf9: {  	s17 =	simm.s32 $0x10;
	s18 =	simm.s32 $0x0;
	v18 =	vbroadcast v6, $0x4;
	v16 =	vmov s20;
	v11 =	vmov s31;
	v21 =	vld [tilespmem:s19+$0x180]  }
.LBB2_13:
0xfa: {  	p0 =	sne.s32 s17, $0xFF0;
	v22 =	vld [tilespmem:s19+$0x200];
	_ =	sdelay $0x1  }
0xfb: {  	v23 =	vld [tilespmem:s19+$0x280];
	_ =	sdelay $0x2  }
0xfc: {  	v21 =	vmul.f32 v21, v17;
	v22 =	vmul.f32 v22, v20  }
0xfd: {  	v24 =	vld [tilespmem:s19+$0x300]  }
0xfe: {  	v21 =	vadd.f32 v22, v21;
	v22 =	vmul.f32 v23, v19;
	_ =	sdelay $0x1  }
0xff: {  	v21 =	vadd.f32 v22, v21;
	_ =	sdelay $0x1  }
0x100: {  	v22 =	vadd.f32 v24, v18;
	v21 =	vadd.f32 v21, v21;
	_ =	sdelay $0x1  }
0x101: {  	v21 =	vsub.f32 v22, v21  }
0x102: {  	v22 =	vor.u32 s16, v2;
	s16 =	smov.u32 s17  }
0x103: {  	vm1 =	vne.s32 v22, v16;
	vm0 =	vlt.f32 v21, $1.000000000e+02  }
0x104: {  	vm0 =	vmand vm1, vm0  }
0x105: {  	v21 =	vsel vm0, $0x1, v0  }
0x106: {  	(xrf0) =	vadd.scan.msk.s32 $0xffff, v21;
	_ =	sdelay $0x2  }
0x107: {  	v21 =	vld [tilespmem:s19+$0x0]  }
0x108: {  	v23 =	vld [tilespmem:s19+$0x80];
	_ =	sdelay $0x1  }
0x109: {  	v24 =	vld [tilespmem:s19+$0x100];
	v25, _, _ =	vpop (xrf0)  }
0x10a: {  	v25 =	vadd.s32 v25, v12  }
0x10b: {  	v25 =	vadd.s32 $0xFFFFFFFF, v25  }
0x10c: {  	v21 =	vsub.f32 v21, v13;
	v23 =	vsub.f32 v23, v14;
	vm1 =	vlt.s32 v25, v11  }
0x10d: {  	vm0 =	vmand vm0, vm1  }
0x10e: {  	v21 =	vmul.f32 v21, v21;
	v24 =	vsub.f32 v24, v15;
	v23 =	vmul.f32 v23, v23  }
0x10f: {  	v26 =	vmpcnt.ones.xlane vm0  }
0x110: {  	v21 =	vadd.f32 v23, v21;
	v23 =	vmul.f32 v24, v24  }
.Ltmp5:
0x111: {  	v12 =	vadd.s32 v12, v26;
	(pc) =	sbr.rel @p0 .LBB2_13-.Ltmp5, $4  }
0x112: {  	s18 =	sadd.s32 $0x80, s18;
	v21 =	vadd.f32 v23, v21  }
0x113: {  	s20 =	sand.u32 $0x7C00, s18;
	s19 =	sand.u32 $0x70, s17;
	[tilespmem:v25+s9+$0x0] =	vst.idx.msk vm0, v22  }
0x114: {  	s19 =	sor.u32 s19, s20;
	[tilespmem:v25+s10+$0x0] =	vst.idx.msk vm0, v21  }
0x115: {  	s17 =	sadd.s32 $0x10, s17;
	v21 =	vld [tilespmem:s19+$0x180]  }
0x116: {  	v22 =	vld [tilespmem:s19+$0x200];
	_ =	sdelay $0x1  }
0x117: {  	v23 =	vld [tilespmem:s19+$0x280];
	_ =	sdelay $0x2  }
0x118: {  	v17 =	vmul.f32 v21, v17;
	v20 =	vmul.f32 v22, v20  }
0x119: {  	v21 =	vld [tilespmem:s19+$0x300]  }
0x11a: {  	v19 =	vmul.f32 v23, v19;
	v17 =	vadd.f32 v20, v17;
	_ =	sdelay $0x1  }
0x11b: {  	v17 =	vadd.f32 v19, v17;
	_ =	sdelay $0x1  }
0x11c: {  	v18 =	vadd.f32 v21, v18;
	v17 =	vadd.f32 v17, v17;
	_ =	sdelay $0x1  }
0x11d: {  	v17 =	vsub.f32 v18, v17  }
0x11e: {  	v18 =	vor.u32 s16, v2  }
0x11f: {  	vm1 =	vne.s32 v18, v16;
	vm0 =	vlt.f32 v17, $1.000000000e+02  }
0x120: {  	vm0 =	vmand vm1, vm0  }
0x121: {  	v16 =	vsel vm0, $0x1, v0  }
0x122: {  	(xrf0) =	vadd.scan.msk.s32 $0xffff, v16;
	_ =	sdelay $0x2  }
0x123: {  	v17 =	vld [tilespmem:s19+$0x80]  }
0x124: {  	v16 =	vld [tilespmem:s19+$0x0];
	_ =	sdelay $0x1  }
0x125: {  	v19 =	vld [tilespmem:s19+$0x100];
	v20, _, _ =	vpop (xrf0)  }
0x126: {  	v12 =	vadd.s32 v20, v12  }
0x127: {  	v12 =	vadd.s32 $0xFFFFFFFF, v12  }
0x128: {  	v14 =	vsub.f32 v17, v14;
	v13 =	vsub.f32 v16, v13;
	vm15 =	vlt.s32 v12, v11  }
0x129: {  	vm0 =	vmand vm0, vm15  }
0x12a: {  	v15 =	vsub.f32 v19, v15;
	v14 =	vmul.f32 v14, v14;
	v13 =	vmul.f32 v13, v13;
	_ =	sdelay $0x1  }
0x12b: {  	v13 =	vadd.f32 v14, v13;
	v14 =	vmul.f32 v15, v15;
	_ =	sdelay $0x1  }
0x12c: {  	s16 =	simm.s32 $0x0;
	v19 =	vbroadcast v5, $0x5;
	v17 =	vbroadcast v8, $0x5;
	v16 =	vadd.f32 v14, v13  }
0x12d: {  	s17 =	sand.u32 $0x70, s16;
	s18 =	sand.u32 $0x7C00, s16;
	v20 =	vbroadcast v4, $0x5;
	v15 =	vbroadcast v7, $0x5;
	[tilespmem:v12+s9+$0x0] =	vst.idx.msk vm0, v18  }
0x12e: {  	s20 =	sor.u32 $0x5, s15;
	s31 =	sadd.s32 $0x240, s14;
	s19 =	sor.u32 s17, s18;
	v13 =	vbroadcast v9, $0x5;
	v14 =	vbroadcast v10, $0x5;
	[tilespmem:v12+s10+$0x0] =	vst.idx.msk vm0, v16  }
0x12f: {  	s17 =	simm.s32 $0x10;
	s18 =	simm.s32 $0x0;
	v18 =	vbroadcast v6, $0x5;
	v16 =	vmov s20;
	v12 =	vmov s31;
	v21 =	vld [tilespmem:s19+$0x180]  }
.LBB2_15:
0x130: {  	p0 =	sne.s32 s17, $0xFF0;
	v22 =	vld [tilespmem:s19+$0x200];
	_ =	sdelay $0x1  }
0x131: {  	v23 =	vld [tilespmem:s19+$0x280];
	_ =	sdelay $0x2  }
0x132: {  	v21 =	vmul.f32 v21, v17;
	v22 =	vmul.f32 v22, v20  }
0x133: {  	v24 =	vld [tilespmem:s19+$0x300]  }
0x134: {  	v21 =	vadd.f32 v22, v21;
	v22 =	vmul.f32 v23, v19;
	_ =	sdelay $0x1  }
0x135: {  	v21 =	vadd.f32 v22, v21;
	_ =	sdelay $0x1  }
0x136: {  	v22 =	vadd.f32 v24, v18;
	v21 =	vadd.f32 v21, v21;
	_ =	sdelay $0x1  }
0x137: {  	v21 =	vsub.f32 v22, v21  }
0x138: {  	v22 =	vor.u32 s16, v2;
	s16 =	smov.u32 s17  }
0x139: {  	vm1 =	vne.s32 v22, v16;
	vm0 =	vlt.f32 v21, $1.000000000e+02  }
0x13a: {  	vm0 =	vmand vm1, vm0  }
0x13b: {  	v21 =	vsel vm0, $0x1, v0  }
0x13c: {  	(xrf0) =	vadd.scan.msk.s32 $0xffff, v21;
	_ =	sdelay $0x2  }
0x13d: {  	v21 =	vld [tilespmem:s19+$0x0]  }
0x13e: {  	v23 =	vld [tilespmem:s19+$0x80];
	_ =	sdelay $0x1  }
0x13f: {  	v24 =	vld [tilespmem:s19+$0x100];
	v25, _, _ =	vpop (xrf0)  }
0x140: {  	v25 =	vadd.s32 v25, v11  }
0x141: {  	v25 =	vadd.s32 $0xFFFFFFFF, v25  }
0x142: {  	v21 =	vsub.f32 v21, v13;
	v23 =	vsub.f32 v23, v14;
	vm1 =	vlt.s32 v25, v12  }
0x143: {  	vm0 =	vmand vm0, vm1  }
0x144: {  	v21 =	vmul.f32 v21, v21;
	v24 =	vsub.f32 v24, v15;
	v23 =	vmul.f32 v23, v23  }
0x145: {  	v26 =	vmpcnt.ones.xlane vm0  }
0x146: {  	v21 =	vadd.f32 v23, v21;
	v23 =	vmul.f32 v24, v24  }
.Ltmp6:
0x147: {  	v11 =	vadd.s32 v11, v26;
	(pc) =	sbr.rel @p0 .LBB2_15-.Ltmp6, $4  }
0x148: {  	s18 =	sadd.s32 $0x80, s18;
	v21 =	vadd.f32 v23, v21  }
0x149: {  	s20 =	sand.u32 $0x7C00, s18;
	s19 =	sand.u32 $0x70, s17;
	[tilespmem:v25+s9+$0x0] =	vst.idx.msk vm0, v22  }
0x14a: {  	s19 =	sor.u32 s19, s20;
	[tilespmem:v25+s10+$0x0] =	vst.idx.msk vm0, v21  }
0x14b: {  	s17 =	sadd.s32 $0x10, s17;
	v21 =	vld [tilespmem:s19+$0x180]  }
0x14c: {  	v22 =	vld [tilespmem:s19+$0x200];
	_ =	sdelay $0x1  }
0x14d: {  	v23 =	vld [tilespmem:s19+$0x280];
	_ =	sdelay $0x2  }
0x14e: {  	v17 =	vmul.f32 v21, v17;
	v20 =	vmul.f32 v22, v20  }
0x14f: {  	v21 =	vld [tilespmem:s19+$0x300]  }
0x150: {  	v19 =	vmul.f32 v23, v19;
	v17 =	vadd.f32 v20, v17;
	_ =	sdelay $0x1  }
0x151: {  	v17 =	vadd.f32 v19, v17;
	_ =	sdelay $0x1  }
0x152: {  	v18 =	vadd.f32 v21, v18;
	v17 =	vadd.f32 v17, v17;
	_ =	sdelay $0x1  }
0x153: {  	v17 =	vsub.f32 v18, v17  }
0x154: {  	v18 =	vor.u32 s16, v2  }
0x155: {  	vm1 =	vne.s32 v18, v16;
	vm0 =	vlt.f32 v17, $1.000000000e+02  }
0x156: {  	vm0 =	vmand vm1, vm0  }
0x157: {  	v16 =	vsel vm0, $0x1, v0  }
0x158: {  	(xrf0) =	vadd.scan.msk.s32 $0xffff, v16;
	_ =	sdelay $0x2  }
0x159: {  	v17 =	vld [tilespmem:s19+$0x80]  }
0x15a: {  	v16 =	vld [tilespmem:s19+$0x0];
	_ =	sdelay $0x1  }
0x15b: {  	v19 =	vld [tilespmem:s19+$0x100];
	v20, _, _ =	vpop (xrf0)  }
0x15c: {  	v11 =	vadd.s32 v20, v11  }
0x15d: {  	v11 =	vadd.s32 $0xFFFFFFFF, v11  }
0x15e: {  	v14 =	vsub.f32 v17, v14;
	v13 =	vsub.f32 v16, v13;
	vm15 =	vlt.s32 v11, v12  }
0x15f: {  	vm0 =	vmand vm0, vm15  }
0x160: {  	v15 =	vsub.f32 v19, v15;
	v14 =	vmul.f32 v14, v14;
	v13 =	vmul.f32 v13, v13;
	_ =	sdelay $0x1  }
0x161: {  	v13 =	vadd.f32 v14, v13;
	v14 =	vmul.f32 v15, v15;
	_ =	sdelay $0x1  }
0x162: {  	s16 =	simm.s32 $0x0;
	v19 =	vbroadcast v5, $0x6;
	v17 =	vbroadcast v8, $0x6;
	v16 =	vadd.f32 v14, v13  }
0x163: {  	s17 =	sand.u32 $0x70, s16;
	s18 =	sand.u32 $0x7C00, s16;
	v20 =	vbroadcast v4, $0x6;
	v15 =	vbroadcast v7, $0x6;
	[tilespmem:v11+s9+$0x0] =	vst.idx.msk vm0, v18  }
0x164: {  	s20 =	sor.u32 $0x6, s15;
	s31 =	sadd.s32 $0x2A0, s14;
	s19 =	sor.u32 s17, s18;
	v13 =	vbroadcast v9, $0x6;
	v14 =	vbroadcast v10, $0x6;
	[tilespmem:v11+s10+$0x0] =	vst.idx.msk vm0, v16  }
0x165: {  	s17 =	simm.s32 $0x10;
	s18 =	simm.s32 $0x0;
	v18 =	vbroadcast v6, $0x6;
	v16 =	vmov s20;
	v11 =	vmov s31;
	v21 =	vld [tilespmem:s19+$0x180]  }
.LBB2_17:
0x166: {  	p0 =	sne.s32 s17, $0xFF0;
	v22 =	vld [tilespmem:s19+$0x200];
	_ =	sdelay $0x1  }
0x167: {  	v23 =	vld [tilespmem:s19+$0x280];
	_ =	sdelay $0x2  }
0x168: {  	v21 =	vmul.f32 v21, v17;
	v22 =	vmul.f32 v22, v20  }
0x169: {  	v24 =	vld [tilespmem:s19+$0x300]  }
0x16a: {  	v21 =	vadd.f32 v22, v21;
	v22 =	vmul.f32 v23, v19;
	_ =	sdelay $0x1  }
0x16b: {  	v21 =	vadd.f32 v22, v21;
	_ =	sdelay $0x1  }
0x16c: {  	v22 =	vadd.f32 v24, v18;
	v21 =	vadd.f32 v21, v21;
	_ =	sdelay $0x1  }
0x16d: {  	v21 =	vsub.f32 v22, v21  }
0x16e: {  	v22 =	vor.u32 s16, v2;
	s16 =	smov.u32 s17  }
0x16f: {  	vm1 =	vne.s32 v22, v16;
	vm0 =	vlt.f32 v21, $1.000000000e+02  }
0x170: {  	vm0 =	vmand vm1, vm0  }
0x171: {  	v21 =	vsel vm0, $0x1, v0  }
0x172: {  	(xrf0) =	vadd.scan.msk.s32 $0xffff, v21;
	_ =	sdelay $0x2  }
0x173: {  	v21 =	vld [tilespmem:s19+$0x0]  }
0x174: {  	v23 =	vld [tilespmem:s19+$0x80];
	_ =	sdelay $0x1  }
0x175: {  	v24 =	vld [tilespmem:s19+$0x100];
	v25, _, _ =	vpop (xrf0)  }
0x176: {  	v25 =	vadd.s32 v25, v12  }
0x177: {  	v25 =	vadd.s32 $0xFFFFFFFF, v25  }
0x178: {  	v21 =	vsub.f32 v21, v13;
	v23 =	vsub.f32 v23, v14;
	vm1 =	vlt.s32 v25, v11  }
0x179: {  	vm0 =	vmand vm0, vm1  }
0x17a: {  	v21 =	vmul.f32 v21, v21;
	v24 =	vsub.f32 v24, v15;
	v23 =	vmul.f32 v23, v23  }
0x17b: {  	v26 =	vmpcnt.ones.xlane vm0  }
0x17c: {  	v21 =	vadd.f32 v23, v21;
	v23 =	vmul.f32 v24, v24  }
.Ltmp7:
0x17d: {  	v12 =	vadd.s32 v12, v26;
	(pc) =	sbr.rel @p0 .LBB2_17-.Ltmp7, $4  }
0x17e: {  	s18 =	sadd.s32 $0x80, s18;
	v21 =	vadd.f32 v23, v21  }
0x17f: {  	s20 =	sand.u32 $0x7C00, s18;
	s19 =	sand.u32 $0x70, s17;
	[tilespmem:v25+s9+$0x0] =	vst.idx.msk vm0, v22  }
0x180: {  	s19 =	sor.u32 s19, s20;
	[tilespmem:v25+s10+$0x0] =	vst.idx.msk vm0, v21  }
0x181: {  	s17 =	sadd.s32 $0x10, s17;
	v21 =	vld [tilespmem:s19+$0x180]  }
0x182: {  	v22 =	vld [tilespmem:s19+$0x200];
	_ =	sdelay $0x1  }
0x183: {  	v23 =	vld [tilespmem:s19+$0x280];
	_ =	sdelay $0x2  }
0x184: {  	v17 =	vmul.f32 v21, v17;
	v20 =	vmul.f32 v22, v20  }
0x185: {  	v21 =	vld [tilespmem:s19+$0x300]  }
0x186: {  	v19 =	vmul.f32 v23, v19;
	v17 =	vadd.f32 v20, v17;
	_ =	sdelay $0x1  }
0x187: {  	v17 =	vadd.f32 v19, v17;
	_ =	sdelay $0x1  }
0x188: {  	v18 =	vadd.f32 v21, v18;
	v17 =	vadd.f32 v17, v17;
	_ =	sdelay $0x1  }
0x189: {  	v17 =	vsub.f32 v18, v17  }
0x18a: {  	v18 =	vor.u32 s16, v2  }
0x18b: {  	vm1 =	vne.s32 v18, v16;
	vm0 =	vlt.f32 v17, $1.000000000e+02  }
0x18c: {  	vm0 =	vmand vm1, vm0  }
0x18d: {  	v16 =	vsel vm0, $0x1, v0  }
0x18e: {  	(xrf0) =	vadd.scan.msk.s32 $0xffff, v16;
	_ =	sdelay $0x2  }
0x18f: {  	v17 =	vld [tilespmem:s19+$0x80]  }
0x190: {  	v16 =	vld [tilespmem:s19+$0x0];
	_ =	sdelay $0x1  }
0x191: {  	v19 =	vld [tilespmem:s19+$0x100];
	v20, _, _ =	vpop (xrf0)  }
0x192: {  	v12 =	vadd.s32 v20, v12  }
0x193: {  	v12 =	vadd.s32 $0xFFFFFFFF, v12  }
0x194: {  	v14 =	vsub.f32 v17, v14;
	v13 =	vsub.f32 v16, v13;
	vm15 =	vlt.s32 v12, v11  }
0x195: {  	vm0 =	vmand vm0, vm15  }
0x196: {  	v15 =	vsub.f32 v19, v15;
	v14 =	vmul.f32 v14, v14;
	v13 =	vmul.f32 v13, v13;
	_ =	sdelay $0x1  }
0x197: {  	v13 =	vadd.f32 v14, v13;
	v14 =	vmul.f32 v15, v15;
	_ =	sdelay $0x1  }
0x198: {  	s16 =	simm.s32 $0x0;
	v19 =	vbroadcast v5, $0x7;
	v17 =	vbroadcast v8, $0x7;
	v16 =	vadd.f32 v14, v13  }
0x199: {  	s17 =	sand.u32 $0x70, s16;
	s18 =	sand.u32 $0x7C00, s16;
	v20 =	vbroadcast v4, $0x7;
	v15 =	vbroadcast v7, $0x7;
	[tilespmem:v12+s9+$0x0] =	vst.idx.msk vm0, v18  }
0x19a: {  	s20 =	sor.u32 $0x7, s15;
	s31 =	sadd.s32 $0x300, s14;
	s19 =	sor.u32 s17, s18;
	v13 =	vbroadcast v9, $0x7;
	v14 =	vbroadcast v10, $0x7;
	[tilespmem:v12+s10+$0x0] =	vst.idx.msk vm0, v16  }
0x19b: {  	s17 =	simm.s32 $0x10;
	s18 =	simm.s32 $0x0;
	v18 =	vbroadcast v6, $0x7;
	v16 =	vmov s20;
	v12 =	vmov s31;
	v21 =	vld [tilespmem:s19+$0x180]  }
.LBB2_19:
0x19c: {  	p0 =	sne.s32 s17, $0xFF0;
	v22 =	vld [tilespmem:s19+$0x200];
	_ =	sdelay $0x1  }
0x19d: {  	v23 =	vld [tilespmem:s19+$0x280];
	_ =	sdelay $0x2  }
0x19e: {  	v21 =	vmul.f32 v21, v17;
	v22 =	vmul.f32 v22, v20  }
0x19f: {  	v24 =	vld [tilespmem:s19+$0x300]  }
0x1a0: {  	v21 =	vadd.f32 v22, v21;
	v22 =	vmul.f32 v23, v19;
	_ =	sdelay $0x1  }
0x1a1: {  	v21 =	vadd.f32 v22, v21;
	_ =	sdelay $0x1  }
0x1a2: {  	v22 =	vadd.f32 v24, v18;
	v21 =	vadd.f32 v21, v21;
	_ =	sdelay $0x1  }
0x1a3: {  	v21 =	vsub.f32 v22, v21  }
0x1a4: {  	v22 =	vor.u32 s16, v2;
	s16 =	smov.u32 s17  }
0x1a5: {  	vm1 =	vne.s32 v22, v16;
	vm0 =	vlt.f32 v21, $1.000000000e+02  }
0x1a6: {  	vm0 =	vmand vm1, vm0  }
0x1a7: {  	v21 =	vsel vm0, $0x1, v0  }
0x1a8: {  	(xrf0) =	vadd.scan.msk.s32 $0xffff, v21;
	_ =	sdelay $0x2  }
0x1a9: {  	v21 =	vld [tilespmem:s19+$0x0]  }
0x1aa: {  	v23 =	vld [tilespmem:s19+$0x80];
	_ =	sdelay $0x1  }
0x1ab: {  	v24 =	vld [tilespmem:s19+$0x100];
	v25, _, _ =	vpop (xrf0)  }
0x1ac: {  	v25 =	vadd.s32 v25, v11  }
0x1ad: {  	v25 =	vadd.s32 $0xFFFFFFFF, v25  }
0x1ae: {  	v21 =	vsub.f32 v21, v13;
	v23 =	vsub.f32 v23, v14;
	vm1 =	vlt.s32 v25, v12  }
0x1af: {  	vm0 =	vmand vm0, vm1  }
0x1b0: {  	v21 =	vmul.f32 v21, v21;
	v24 =	vsub.f32 v24, v15;
	v23 =	vmul.f32 v23, v23  }
0x1b1: {  	v26 =	vmpcnt.ones.xlane vm0  }
0x1b2: {  	v21 =	vadd.f32 v23, v21;
	v23 =	vmul.f32 v24, v24  }
.Ltmp8:
0x1b3: {  	v11 =	vadd.s32 v11, v26;
	(pc) =	sbr.rel @p0 .LBB2_19-.Ltmp8, $4  }
0x1b4: {  	s18 =	sadd.s32 $0x80, s18;
	v21 =	vadd.f32 v23, v21  }
0x1b5: {  	s20 =	sand.u32 $0x7C00, s18;
	s19 =	sand.u32 $0x70, s17;
	[tilespmem:v25+s9+$0x0] =	vst.idx.msk vm0, v22  }
0x1b6: {  	s19 =	sor.u32 s19, s20;
	[tilespmem:v25+s10+$0x0] =	vst.idx.msk vm0, v21  }
0x1b7: {  	s17 =	sadd.s32 $0x10, s17;
	v21 =	vld [tilespmem:s19+$0x180]  }
0x1b8: {  	v22 =	vld [tilespmem:s19+$0x200];
	_ =	sdelay $0x1  }
0x1b9: {  	v23 =	vld [tilespmem:s19+$0x280];
	_ =	sdelay $0x2  }
0x1ba: {  	v17 =	vmul.f32 v21, v17;
	v20 =	vmul.f32 v22, v20  }
0x1bb: {  	v21 =	vld [tilespmem:s19+$0x300]  }
0x1bc: {  	v19 =	vmul.f32 v23, v19;
	v17 =	vadd.f32 v20, v17;
	_ =	sdelay $0x1  }
0x1bd: {  	v17 =	vadd.f32 v19, v17;
	_ =	sdelay $0x1  }
0x1be: {  	v18 =	vadd.f32 v21, v18;
	v17 =	vadd.f32 v17, v17;
	_ =	sdelay $0x1  }
0x1bf: {  	v17 =	vsub.f32 v18, v17  }
0x1c0: {  	v18 =	vor.u32 s16, v2  }
0x1c1: {  	vm1 =	vne.s32 v18, v16;
	vm0 =	vlt.f32 v17, $1.000000000e+02  }
0x1c2: {  	vm0 =	vmand vm1, vm0  }
0x1c3: {  	v16 =	vsel vm0, $0x1, v0  }
0x1c4: {  	(xrf0) =	vadd.scan.msk.s32 $0xffff, v16;
	_ =	sdelay $0x2  }
0x1c5: {  	v17 =	vld [tilespmem:s19+$0x80]  }
0x1c6: {  	v16 =	vld [tilespmem:s19+$0x0];
	_ =	sdelay $0x1  }
0x1c7: {  	v19 =	vld [tilespmem:s19+$0x100];
	v20, _, _ =	vpop (xrf0)  }
0x1c8: {  	v11 =	vadd.s32 v20, v11  }
0x1c9: {  	v11 =	vadd.s32 $0xFFFFFFFF, v11  }
0x1ca: {  	v14 =	vsub.f32 v17, v14;
	v13 =	vsub.f32 v16, v13;
	vm15 =	vlt.s32 v11, v12  }
0x1cb: {  	vm0 =	vmand vm0, vm15  }
0x1cc: {  	v15 =	vsub.f32 v19, v15;
	v14 =	vmul.f32 v14, v14;
	v13 =	vmul.f32 v13, v13;
	_ =	sdelay $0x1  }
0x1cd: {  	v13 =	vadd.f32 v14, v13;
	v14 =	vmul.f32 v15, v15;
	_ =	sdelay $0x1  }
0x1ce: {  	s16 =	simm.s32 $0x0;
	v19 =	vbroadcast v5, $0x8;
	v17 =	vbroadcast v8, $0x8;
	v16 =	vadd.f32 v14, v13  }
0x1cf: {  	s17 =	sand.u32 $0x70, s16;
	s18 =	sand.u32 $0x7C00, s16;
	v20 =	vbroadcast v4, $0x8;
	v15 =	vbroadcast v7, $0x8;
	[tilespmem:v11+s9+$0x0] =	vst.idx.msk vm0, v18  }
0x1d0: {  	s20 =	sor.u32 $0x8, s15;
	s31 =	sadd.s32 $0x360, s14;
	s19 =	sor.u32 s17, s18;
	v13 =	vbroadcast v9, $0x8;
	v14 =	vbroadcast v10, $0x8;
	[tilespmem:v11+s10+$0x0] =	vst.idx.msk vm0, v16  }
0x1d1: {  	s17 =	simm.s32 $0x10;
	s18 =	simm.s32 $0x0;
	v18 =	vbroadcast v6, $0x8;
	v16 =	vmov s20;
	v11 =	vmov s31;
	v21 =	vld [tilespmem:s19+$0x180]  }
.LBB2_21:
0x1d2: {  	p0 =	sne.s32 s17, $0xFF0;
	v22 =	vld [tilespmem:s19+$0x200];
	_ =	sdelay $0x1  }
0x1d3: {  	v23 =	vld [tilespmem:s19+$0x280];
	_ =	sdelay $0x2  }
0x1d4: {  	v21 =	vmul.f32 v21, v17;
	v22 =	vmul.f32 v22, v20  }
0x1d5: {  	v24 =	vld [tilespmem:s19+$0x300]  }
0x1d6: {  	v21 =	vadd.f32 v22, v21;
	v22 =	vmul.f32 v23, v19;
	_ =	sdelay $0x1  }
0x1d7: {  	v21 =	vadd.f32 v22, v21;
	_ =	sdelay $0x1  }
0x1d8: {  	v22 =	vadd.f32 v24, v18;
	v21 =	vadd.f32 v21, v21;
	_ =	sdelay $0x1  }
0x1d9: {  	v21 =	vsub.f32 v22, v21  }
0x1da: {  	v22 =	vor.u32 s16, v2;
	s16 =	smov.u32 s17  }
0x1db: {  	vm1 =	vne.s32 v22, v16;
	vm0 =	vlt.f32 v21, $1.000000000e+02  }
0x1dc: {  	vm0 =	vmand vm1, vm0  }
0x1dd: {  	v21 =	vsel vm0, $0x1, v0  }
0x1de: {  	(xrf0) =	vadd.scan.msk.s32 $0xffff, v21;
	_ =	sdelay $0x2  }
0x1df: {  	v21 =	vld [tilespmem:s19+$0x0]  }
0x1e0: {  	v23 =	vld [tilespmem:s19+$0x80];
	_ =	sdelay $0x1  }
0x1e1: {  	v24 =	vld [tilespmem:s19+$0x100];
	v25, _, _ =	vpop (xrf0)  }
0x1e2: {  	v25 =	vadd.s32 v25, v12  }
0x1e3: {  	v25 =	vadd.s32 $0xFFFFFFFF, v25  }
0x1e4: {  	v21 =	vsub.f32 v21, v13;
	v23 =	vsub.f32 v23, v14;
	vm1 =	vlt.s32 v25, v11  }
0x1e5: {  	vm0 =	vmand vm0, vm1  }
0x1e6: {  	v21 =	vmul.f32 v21, v21;
	v24 =	vsub.f32 v24, v15;
	v23 =	vmul.f32 v23, v23  }
0x1e7: {  	v26 =	vmpcnt.ones.xlane vm0  }
0x1e8: {  	v21 =	vadd.f32 v23, v21;
	v23 =	vmul.f32 v24, v24  }
.Ltmp9:
0x1e9: {  	v12 =	vadd.s32 v12, v26;
	(pc) =	sbr.rel @p0 .LBB2_21-.Ltmp9, $4  }
0x1ea: {  	s18 =	sadd.s32 $0x80, s18;
	v21 =	vadd.f32 v23, v21  }
0x1eb: {  	s20 =	sand.u32 $0x7C00, s18;
	s19 =	sand.u32 $0x70, s17;
	[tilespmem:v25+s9+$0x0] =	vst.idx.msk vm0, v22  }
0x1ec: {  	s19 =	sor.u32 s19, s20;
	[tilespmem:v25+s10+$0x0] =	vst.idx.msk vm0, v21  }
0x1ed: {  	s17 =	sadd.s32 $0x10, s17;
	v21 =	vld [tilespmem:s19+$0x180]  }
0x1ee: {  	v22 =	vld [tilespmem:s19+$0x200];
	_ =	sdelay $0x1  }
0x1ef: {  	v23 =	vld [tilespmem:s19+$0x280];
	_ =	sdelay $0x2  }
0x1f0: {  	v17 =	vmul.f32 v21, v17;
	v20 =	vmul.f32 v22, v20  }
0x1f1: {  	v21 =	vld [tilespmem:s19+$0x300]  }
0x1f2: {  	v19 =	vmul.f32 v23, v19;
	v17 =	vadd.f32 v20, v17;
	_ =	sdelay $0x1  }
0x1f3: {  	v17 =	vadd.f32 v19, v17;
	_ =	sdelay $0x1  }
0x1f4: {  	v18 =	vadd.f32 v21, v18;
	v17 =	vadd.f32 v17, v17;
	_ =	sdelay $0x1  }
0x1f5: {  	v17 =	vsub.f32 v18, v17  }
0x1f6: {  	v18 =	vor.u32 s16, v2  }
0x1f7: {  	vm1 =	vne.s32 v18, v16;
	vm0 =	vlt.f32 v17, $1.000000000e+02  }
0x1f8: {  	vm0 =	vmand vm1, vm0  }
0x1f9: {  	v16 =	vsel vm0, $0x1, v0  }
0x1fa: {  	(xrf0) =	vadd.scan.msk.s32 $0xffff, v16;
	_ =	sdelay $0x2  }
0x1fb: {  	v17 =	vld [tilespmem:s19+$0x80]  }
0x1fc: {  	v16 =	vld [tilespmem:s19+$0x0];
	_ =	sdelay $0x1  }
0x1fd: {  	v19 =	vld [tilespmem:s19+$0x100];
	v20, _, _ =	vpop (xrf0)  }
0x1fe: {  	v12 =	vadd.s32 v20, v12  }
0x1ff: {  	v12 =	vadd.s32 $0xFFFFFFFF, v12  }
0x200: {  	v14 =	vsub.f32 v17, v14;
	v13 =	vsub.f32 v16, v13;
	vm15 =	vlt.s32 v12, v11  }
0x201: {  	vm0 =	vmand vm0, vm15  }
0x202: {  	v15 =	vsub.f32 v19, v15;
	v14 =	vmul.f32 v14, v14;
	v13 =	vmul.f32 v13, v13;
	_ =	sdelay $0x1  }
0x203: {  	v13 =	vadd.f32 v14, v13;
	v14 =	vmul.f32 v15, v15;
	_ =	sdelay $0x1  }
0x204: {  	s16 =	simm.s32 $0x0;
	v19 =	vbroadcast v5, $0x9;
	v17 =	vbroadcast v8, $0x9;
	v16 =	vadd.f32 v14, v13  }
0x205: {  	s17 =	sand.u32 $0x70, s16;
	s18 =	sand.u32 $0x7C00, s16;
	v20 =	vbroadcast v4, $0x9;
	v15 =	vbroadcast v7, $0x9;
	[tilespmem:v12+s9+$0x0] =	vst.idx.msk vm0, v18  }
0x206: {  	s20 =	sor.u32 $0x9, s15;
	s31 =	sadd.s32 $0x3C0, s14;
	s19 =	sor.u32 s17, s18;
	v13 =	vbroadcast v9, $0x9;
	v14 =	vbroadcast v10, $0x9;
	[tilespmem:v12+s10+$0x0] =	vst.idx.msk vm0, v16  }
0x207: {  	s17 =	simm.s32 $0x10;
	s18 =	simm.s32 $0x0;
	v18 =	vbroadcast v6, $0x9;
	v16 =	vmov s20;
	v12 =	vmov s31;
	v21 =	vld [tilespmem:s19+$0x180]  }
.LBB2_23:
0x208: {  	p0 =	sne.s32 s17, $0xFF0;
	v22 =	vld [tilespmem:s19+$0x200];
	_ =	sdelay $0x1  }
0x209: {  	v23 =	vld [tilespmem:s19+$0x280];
	_ =	sdelay $0x2  }
0x20a: {  	v21 =	vmul.f32 v21, v17;
	v22 =	vmul.f32 v22, v20  }
0x20b: {  	v24 =	vld [tilespmem:s19+$0x300]  }
0x20c: {  	v21 =	vadd.f32 v22, v21;
	v22 =	vmul.f32 v23, v19;
	_ =	sdelay $0x1  }
0x20d: {  	v21 =	vadd.f32 v22, v21;
	_ =	sdelay $0x1  }
0x20e: {  	v22 =	vadd.f32 v24, v18;
	v21 =	vadd.f32 v21, v21;
	_ =	sdelay $0x1  }
0x20f: {  	v21 =	vsub.f32 v22, v21  }
0x210: {  	v22 =	vor.u32 s16, v2;
	s16 =	smov.u32 s17  }
0x211: {  	vm1 =	vne.s32 v22, v16;
	vm0 =	vlt.f32 v21, $1.000000000e+02  }
0x212: {  	vm0 =	vmand vm1, vm0  }
0x213: {  	v21 =	vsel vm0, $0x1, v0  }
0x214: {  	(xrf0) =	vadd.scan.msk.s32 $0xffff, v21;
	_ =	sdelay $0x2  }
0x215: {  	v21 =	vld [tilespmem:s19+$0x0]  }
0x216: {  	v23 =	vld [tilespmem:s19+$0x80];
	_ =	sdelay $0x1  }
0x217: {  	v24 =	vld [tilespmem:s19+$0x100];
	v25, _, _ =	vpop (xrf0)  }
0x218: {  	v25 =	vadd.s32 v25, v11  }
0x219: {  	v25 =	vadd.s32 $0xFFFFFFFF, v25  }
0x21a: {  	v21 =	vsub.f32 v21, v13;
	v23 =	vsub.f32 v23, v14;
	vm1 =	vlt.s32 v25, v12  }
0x21b: {  	vm0 =	vmand vm0, vm1  }
0x21c: {  	v21 =	vmul.f32 v21, v21;
	v24 =	vsub.f32 v24, v15;
	v23 =	vmul.f32 v23, v23  }
0x21d: {  	v26 =	vmpcnt.ones.xlane vm0  }
0x21e: {  	v21 =	vadd.f32 v23, v21;
	v23 =	vmul.f32 v24, v24  }
.Ltmp10:
0x21f: {  	v11 =	vadd.s32 v11, v26;
	(pc) =	sbr.rel @p0 .LBB2_23-.Ltmp10, $4  }
0x220: {  	s18 =	sadd.s32 $0x80, s18;
	v21 =	vadd.f32 v23, v21  }
0x221: {  	s20 =	sand.u32 $0x7C00, s18;
	s19 =	sand.u32 $0x70, s17;
	[tilespmem:v25+s9+$0x0] =	vst.idx.msk vm0, v22  }
0x222: {  	s19 =	sor.u32 s19, s20;
	[tilespmem:v25+s10+$0x0] =	vst.idx.msk vm0, v21  }
0x223: {  	s17 =	sadd.s32 $0x10, s17;
	v21 =	vld [tilespmem:s19+$0x180]  }
0x224: {  	v22 =	vld [tilespmem:s19+$0x200];
	_ =	sdelay $0x1  }
0x225: {  	v23 =	vld [tilespmem:s19+$0x280];
	_ =	sdelay $0x2  }
0x226: {  	v17 =	vmul.f32 v21, v17;
	v20 =	vmul.f32 v22, v20  }
0x227: {  	v21 =	vld [tilespmem:s19+$0x300]  }
0x228: {  	v19 =	vmul.f32 v23, v19;
	v17 =	vadd.f32 v20, v17;
	_ =	sdelay $0x1  }
0x229: {  	v17 =	vadd.f32 v19, v17;
	_ =	sdelay $0x1  }
0x22a: {  	v18 =	vadd.f32 v21, v18;
	v17 =	vadd.f32 v17, v17;
	_ =	sdelay $0x1  }
0x22b: {  	v17 =	vsub.f32 v18, v17  }
0x22c: {  	v18 =	vor.u32 s16, v2  }
0x22d: {  	vm1 =	vne.s32 v18, v16;
	vm0 =	vlt.f32 v17, $1.000000000e+02  }
0x22e: {  	vm0 =	vmand vm1, vm0  }
0x22f: {  	v16 =	vsel vm0, $0x1, v0  }
0x230: {  	(xrf0) =	vadd.scan.msk.s32 $0xffff, v16;
	_ =	sdelay $0x2  }
0x231: {  	v17 =	vld [tilespmem:s19+$0x80]  }
0x232: {  	v16 =	vld [tilespmem:s19+$0x0];
	_ =	sdelay $0x1  }
0x233: {  	v19 =	vld [tilespmem:s19+$0x100];
	v20, _, _ =	vpop (xrf0)  }
0x234: {  	v11 =	vadd.s32 v20, v11  }
0x235: {  	v11 =	vadd.s32 $0xFFFFFFFF, v11  }
0x236: {  	v14 =	vsub.f32 v17, v14;
	v13 =	vsub.f32 v16, v13;
	vm15 =	vlt.s32 v11, v12  }
0x237: {  	vm0 =	vmand vm0, vm15  }
0x238: {  	v15 =	vsub.f32 v19, v15;
	v14 =	vmul.f32 v14, v14;
	v13 =	vmul.f32 v13, v13;
	_ =	sdelay $0x1  }
0x239: {  	v13 =	vadd.f32 v14, v13;
	v14 =	vmul.f32 v15, v15;
	_ =	sdelay $0x1  }
0x23a: {  	s16 =	simm.s32 $0x0;
	v19 =	vbroadcast v5, $0xA;
	v17 =	vbroadcast v8, $0xA;
	v16 =	vadd.f32 v14, v13  }
0x23b: {  	s17 =	sand.u32 $0x70, s16;
	s18 =	sand.u32 $0x7C00, s16;
	v20 =	vbroadcast v4, $0xA;
	v15 =	vbroadcast v7, $0xA;
	[tilespmem:v11+s9+$0x0] =	vst.idx.msk vm0, v18  }
0x23c: {  	s20 =	sor.u32 $0xA, s15;
	s31 =	sadd.s32 $0x420, s14;
	s19 =	sor.u32 s17, s18;
	v13 =	vbroadcast v9, $0xA;
	v14 =	vbroadcast v10, $0xA;
	[tilespmem:v11+s10+$0x0] =	vst.idx.msk vm0, v16  }
0x23d: {  	s17 =	simm.s32 $0x10;
	s18 =	simm.s32 $0x0;
	v18 =	vbroadcast v6, $0xA;
	v16 =	vmov s20;
	v11 =	vmov s31;
	v21 =	vld [tilespmem:s19+$0x180]  }
.LBB2_25:
0x23e: {  	p0 =	sne.s32 s17, $0xFF0;
	v22 =	vld [tilespmem:s19+$0x200];
	_ =	sdelay $0x1  }
0x23f: {  	v23 =	vld [tilespmem:s19+$0x280];
	_ =	sdelay $0x2  }
0x240: {  	v21 =	vmul.f32 v21, v17;
	v22 =	vmul.f32 v22, v20  }
0x241: {  	v24 =	vld [tilespmem:s19+$0x300]  }
0x242: {  	v21 =	vadd.f32 v22, v21;
	v22 =	vmul.f32 v23, v19;
	_ =	sdelay $0x1  }
0x243: {  	v21 =	vadd.f32 v22, v21;
	_ =	sdelay $0x1  }
0x244: {  	v22 =	vadd.f32 v24, v18;
	v21 =	vadd.f32 v21, v21;
	_ =	sdelay $0x1  }
0x245: {  	v21 =	vsub.f32 v22, v21  }
0x246: {  	v22 =	vor.u32 s16, v2;
	s16 =	smov.u32 s17  }
0x247: {  	vm1 =	vne.s32 v22, v16;
	vm0 =	vlt.f32 v21, $1.000000000e+02  }
0x248: {  	vm0 =	vmand vm1, vm0  }
0x249: {  	v21 =	vsel vm0, $0x1, v0  }
0x24a: {  	(xrf0) =	vadd.scan.msk.s32 $0xffff, v21;
	_ =	sdelay $0x2  }
0x24b: {  	v21 =	vld [tilespmem:s19+$0x0]  }
0x24c: {  	v23 =	vld [tilespmem:s19+$0x80];
	_ =	sdelay $0x1  }
0x24d: {  	v24 =	vld [tilespmem:s19+$0x100];
	v25, _, _ =	vpop (xrf0)  }
0x24e: {  	v25 =	vadd.s32 v25, v12  }
0x24f: {  	v25 =	vadd.s32 $0xFFFFFFFF, v25  }
0x250: {  	v21 =	vsub.f32 v21, v13;
	v23 =	vsub.f32 v23, v14;
	vm1 =	vlt.s32 v25, v11  }
0x251: {  	vm0 =	vmand vm0, vm1  }
0x252: {  	v21 =	vmul.f32 v21, v21;
	v24 =	vsub.f32 v24, v15;
	v23 =	vmul.f32 v23, v23  }
0x253: {  	v26 =	vmpcnt.ones.xlane vm0  }
0x254: {  	v21 =	vadd.f32 v23, v21;
	v23 =	vmul.f32 v24, v24  }
.Ltmp11:
0x255: {  	v12 =	vadd.s32 v12, v26;
	(pc) =	sbr.rel @p0 .LBB2_25-.Ltmp11, $4  }
0x256: {  	s18 =	sadd.s32 $0x80, s18;
	v21 =	vadd.f32 v23, v21  }
0x257: {  	s20 =	sand.u32 $0x7C00, s18;
	s19 =	sand.u32 $0x70, s17;
	[tilespmem:v25+s9+$0x0] =	vst.idx.msk vm0, v22  }
0x258: {  	s19 =	sor.u32 s19, s20;
	[tilespmem:v25+s10+$0x0] =	vst.idx.msk vm0, v21  }
0x259: {  	s17 =	sadd.s32 $0x10, s17;
	v21 =	vld [tilespmem:s19+$0x180]  }
0x25a: {  	v22 =	vld [tilespmem:s19+$0x200];
	_ =	sdelay $0x1  }
0x25b: {  	v23 =	vld [tilespmem:s19+$0x280];
	_ =	sdelay $0x2  }
0x25c: {  	v17 =	vmul.f32 v21, v17;
	v20 =	vmul.f32 v22, v20  }
0x25d: {  	v21 =	vld [tilespmem:s19+$0x300]  }
0x25e: {  	v19 =	vmul.f32 v23, v19;
	v17 =	vadd.f32 v20, v17;
	_ =	sdelay $0x1  }
0x25f: {  	v17 =	vadd.f32 v19, v17;
	_ =	sdelay $0x1  }
0x260: {  	v18 =	vadd.f32 v21, v18;
	v17 =	vadd.f32 v17, v17;
	_ =	sdelay $0x1  }
0x261: {  	v17 =	vsub.f32 v18, v17  }
0x262: {  	v18 =	vor.u32 s16, v2  }
0x263: {  	vm1 =	vne.s32 v18, v16;
	vm0 =	vlt.f32 v17, $1.000000000e+02  }
0x264: {  	vm0 =	vmand vm1, vm0  }
0x265: {  	v16 =	vsel vm0, $0x1, v0  }
0x266: {  	(xrf0) =	vadd.scan.msk.s32 $0xffff, v16;
	_ =	sdelay $0x2  }
0x267: {  	v17 =	vld [tilespmem:s19+$0x80]  }
0x268: {  	v16 =	vld [tilespmem:s19+$0x0];
	_ =	sdelay $0x1  }
0x269: {  	v19 =	vld [tilespmem:s19+$0x100];
	v20, _, _ =	vpop (xrf0)  }
0x26a: {  	v12 =	vadd.s32 v20, v12  }
0x26b: {  	v12 =	vadd.s32 $0xFFFFFFFF, v12  }
0x26c: {  	v14 =	vsub.f32 v17, v14;
	v13 =	vsub.f32 v16, v13;
	vm15 =	vlt.s32 v12, v11  }
0x26d: {  	vm0 =	vmand vm0, vm15  }
0x26e: {  	v15 =	vsub.f32 v19, v15;
	v14 =	vmul.f32 v14, v14;
	v13 =	vmul.f32 v13, v13;
	_ =	sdelay $0x1  }
0x26f: {  	v13 =	vadd.f32 v14, v13;
	v14 =	vmul.f32 v15, v15;
	_ =	sdelay $0x1  }
0x270: {  	s16 =	simm.s32 $0x0;
	v19 =	vbroadcast v5, $0xB;
	v17 =	vbroadcast v8, $0xB;
	v16 =	vadd.f32 v14, v13  }
0x271: {  	s17 =	sand.u32 $0x70, s16;
	s18 =	sand.u32 $0x7C00, s16;
	v20 =	vbroadcast v4, $0xB;
	v15 =	vbroadcast v7, $0xB;
	[tilespmem:v12+s9+$0x0] =	vst.idx.msk vm0, v18  }
0x272: {  	s20 =	sor.u32 $0xB, s15;
	s31 =	sadd.s32 $0x480, s14;
	s19 =	sor.u32 s17, s18;
	v13 =	vbroadcast v9, $0xB;
	v14 =	vbroadcast v10, $0xB;
	[tilespmem:v12+s10+$0x0] =	vst.idx.msk vm0, v16  }
0x273: {  	s17 =	simm.s32 $0x10;
	s18 =	simm.s32 $0x0;
	v18 =	vbroadcast v6, $0xB;
	v16 =	vmov s20;
	v12 =	vmov s31;
	v21 =	vld [tilespmem:s19+$0x180]  }
.LBB2_27:
0x274: {  	p0 =	sne.s32 s17, $0xFF0;
	v22 =	vld [tilespmem:s19+$0x200];
	_ =	sdelay $0x1  }
0x275: {  	v23 =	vld [tilespmem:s19+$0x280];
	_ =	sdelay $0x2  }
0x276: {  	v21 =	vmul.f32 v21, v17;
	v22 =	vmul.f32 v22, v20  }
0x277: {  	v24 =	vld [tilespmem:s19+$0x300]  }
0x278: {  	v21 =	vadd.f32 v22, v21;
	v22 =	vmul.f32 v23, v19;
	_ =	sdelay $0x1  }
0x279: {  	v21 =	vadd.f32 v22, v21;
	_ =	sdelay $0x1  }
0x27a: {  	v22 =	vadd.f32 v24, v18;
	v21 =	vadd.f32 v21, v21;
	_ =	sdelay $0x1  }
0x27b: {  	v21 =	vsub.f32 v22, v21  }
0x27c: {  	v22 =	vor.u32 s16, v2;
	s16 =	smov.u32 s17  }
0x27d: {  	vm1 =	vne.s32 v22, v16;
	vm0 =	vlt.f32 v21, $1.000000000e+02  }
0x27e: {  	vm0 =	vmand vm1, vm0  }
0x27f: {  	v21 =	vsel vm0, $0x1, v0  }
0x280: {  	(xrf0) =	vadd.scan.msk.s32 $0xffff, v21;
	_ =	sdelay $0x2  }
0x281: {  	v21 =	vld [tilespmem:s19+$0x0]  }
0x282: {  	v23 =	vld [tilespmem:s19+$0x80];
	_ =	sdelay $0x1  }
0x283: {  	v24 =	vld [tilespmem:s19+$0x100];
	v25, _, _ =	vpop (xrf0)  }
0x284: {  	v25 =	vadd.s32 v25, v11  }
0x285: {  	v25 =	vadd.s32 $0xFFFFFFFF, v25  }
0x286: {  	v21 =	vsub.f32 v21, v13;
	v23 =	vsub.f32 v23, v14;
	vm1 =	vlt.s32 v25, v12  }
0x287: {  	vm0 =	vmand vm0, vm1  }
0x288: {  	v21 =	vmul.f32 v21, v21;
	v24 =	vsub.f32 v24, v15;
	v23 =	vmul.f32 v23, v23  }
0x289: {  	v26 =	vmpcnt.ones.xlane vm0  }
0x28a: {  	v21 =	vadd.f32 v23, v21;
	v23 =	vmul.f32 v24, v24  }
.Ltmp12:
0x28b: {  	v11 =	vadd.s32 v11, v26;
	(pc) =	sbr.rel @p0 .LBB2_27-.Ltmp12, $4  }
0x28c: {  	s18 =	sadd.s32 $0x80, s18;
	v21 =	vadd.f32 v23, v21  }
0x28d: {  	s20 =	sand.u32 $0x7C00, s18;
	s19 =	sand.u32 $0x70, s17;
	[tilespmem:v25+s9+$0x0] =	vst.idx.msk vm0, v22  }
0x28e: {  	s19 =	sor.u32 s19, s20;
	[tilespmem:v25+s10+$0x0] =	vst.idx.msk vm0, v21  }
0x28f: {  	s17 =	sadd.s32 $0x10, s17;
	v21 =	vld [tilespmem:s19+$0x180]  }
0x290: {  	v22 =	vld [tilespmem:s19+$0x200];
	_ =	sdelay $0x1  }
0x291: {  	v23 =	vld [tilespmem:s19+$0x280];
	_ =	sdelay $0x2  }
0x292: {  	v17 =	vmul.f32 v21, v17;
	v20 =	vmul.f32 v22, v20  }
0x293: {  	v21 =	vld [tilespmem:s19+$0x300]  }
0x294: {  	v19 =	vmul.f32 v23, v19;
	v17 =	vadd.f32 v20, v17;
	_ =	sdelay $0x1  }
0x295: {  	v17 =	vadd.f32 v19, v17;
	_ =	sdelay $0x1  }
0x296: {  	v18 =	vadd.f32 v21, v18;
	v17 =	vadd.f32 v17, v17;
	_ =	sdelay $0x1  }
0x297: {  	v17 =	vsub.f32 v18, v17  }
0x298: {  	v18 =	vor.u32 s16, v2  }
0x299: {  	vm1 =	vne.s32 v18, v16;
	vm0 =	vlt.f32 v17, $1.000000000e+02  }
0x29a: {  	vm0 =	vmand vm1, vm0  }
0x29b: {  	v16 =	vsel vm0, $0x1, v0  }
0x29c: {  	(xrf0) =	vadd.scan.msk.s32 $0xffff, v16;
	_ =	sdelay $0x2  }
0x29d: {  	v17 =	vld [tilespmem:s19+$0x80]  }
0x29e: {  	v16 =	vld [tilespmem:s19+$0x0];
	_ =	sdelay $0x1  }
0x29f: {  	v19 =	vld [tilespmem:s19+$0x100];
	v20, _, _ =	vpop (xrf0)  }
0x2a0: {  	v11 =	vadd.s32 v20, v11  }
0x2a1: {  	v11 =	vadd.s32 $0xFFFFFFFF, v11  }
0x2a2: {  	v14 =	vsub.f32 v17, v14;
	v13 =	vsub.f32 v16, v13;
	vm15 =	vlt.s32 v11, v12  }
0x2a3: {  	vm0 =	vmand vm0, vm15  }
0x2a4: {  	v15 =	vsub.f32 v19, v15;
	v14 =	vmul.f32 v14, v14;
	v13 =	vmul.f32 v13, v13;
	_ =	sdelay $0x1  }
0x2a5: {  	v13 =	vadd.f32 v14, v13;
	v14 =	vmul.f32 v15, v15;
	_ =	sdelay $0x1  }
0x2a6: {  	s16 =	simm.s32 $0x0;
	v19 =	vbroadcast v5, $0xC;
	v17 =	vbroadcast v8, $0xC;
	v16 =	vadd.f32 v14, v13  }
0x2a7: {  	s17 =	sand.u32 $0x70, s16;
	s18 =	sand.u32 $0x7C00, s16;
	v20 =	vbroadcast v4, $0xC;
	v15 =	vbroadcast v7, $0xC;
	[tilespmem:v11+s9+$0x0] =	vst.idx.msk vm0, v18  }
0x2a8: {  	s20 =	sor.u32 $0xC, s15;
	s31 =	sadd.s32 $0x4E0, s14;
	s19 =	sor.u32 s17, s18;
	v13 =	vbroadcast v9, $0xC;
	v14 =	vbroadcast v10, $0xC;
	[tilespmem:v11+s10+$0x0] =	vst.idx.msk vm0, v16  }
0x2a9: {  	s17 =	simm.s32 $0x10;
	s18 =	simm.s32 $0x0;
	v18 =	vbroadcast v6, $0xC;
	v16 =	vmov s20;
	v11 =	vmov s31;
	v21 =	vld [tilespmem:s19+$0x180]  }
.LBB2_29:
0x2aa: {  	p0 =	sne.s32 s17, $0xFF0;
	v22 =	vld [tilespmem:s19+$0x200];
	_ =	sdelay $0x1  }
0x2ab: {  	v23 =	vld [tilespmem:s19+$0x280];
	_ =	sdelay $0x2  }
0x2ac: {  	v21 =	vmul.f32 v21, v17;
	v22 =	vmul.f32 v22, v20  }
0x2ad: {  	v24 =	vld [tilespmem:s19+$0x300]  }
0x2ae: {  	v21 =	vadd.f32 v22, v21;
	v22 =	vmul.f32 v23, v19;
	_ =	sdelay $0x1  }
0x2af: {  	v21 =	vadd.f32 v22, v21;
	_ =	sdelay $0x1  }
0x2b0: {  	v22 =	vadd.f32 v24, v18;
	v21 =	vadd.f32 v21, v21;
	_ =	sdelay $0x1  }
0x2b1: {  	v21 =	vsub.f32 v22, v21  }
0x2b2: {  	v22 =	vor.u32 s16, v2;
	s16 =	smov.u32 s17  }
0x2b3: {  	vm1 =	vne.s32 v22, v16;
	vm0 =	vlt.f32 v21, $1.000000000e+02  }
0x2b4: {  	vm0 =	vmand vm1, vm0  }
0x2b5: {  	v21 =	vsel vm0, $0x1, v0  }
0x2b6: {  	(xrf0) =	vadd.scan.msk.s32 $0xffff, v21;
	_ =	sdelay $0x2  }
0x2b7: {  	v21 =	vld [tilespmem:s19+$0x0]  }
0x2b8: {  	v23 =	vld [tilespmem:s19+$0x80];
	_ =	sdelay $0x1  }
0x2b9: {  	v24 =	vld [tilespmem:s19+$0x100];
	v25, _, _ =	vpop (xrf0)  }
0x2ba: {  	v25 =	vadd.s32 v25, v12  }
0x2bb: {  	v25 =	vadd.s32 $0xFFFFFFFF, v25  }
0x2bc: {  	v21 =	vsub.f32 v21, v13;
	v23 =	vsub.f32 v23, v14;
	vm1 =	vlt.s32 v25, v11  }
0x2bd: {  	vm0 =	vmand vm0, vm1  }
0x2be: {  	v21 =	vmul.f32 v21, v21;
	v24 =	vsub.f32 v24, v15;
	v23 =	vmul.f32 v23, v23  }
0x2bf: {  	v26 =	vmpcnt.ones.xlane vm0  }
0x2c0: {  	v21 =	vadd.f32 v23, v21;
	v23 =	vmul.f32 v24, v24  }
.Ltmp13:
0x2c1: {  	v12 =	vadd.s32 v12, v26;
	(pc) =	sbr.rel @p0 .LBB2_29-.Ltmp13, $4  }
0x2c2: {  	s18 =	sadd.s32 $0x80, s18;
	v21 =	vadd.f32 v23, v21  }
0x2c3: {  	s20 =	sand.u32 $0x7C00, s18;
	s19 =	sand.u32 $0x70, s17;
	[tilespmem:v25+s9+$0x0] =	vst.idx.msk vm0, v22  }
0x2c4: {  	s19 =	sor.u32 s19, s20;
	[tilespmem:v25+s10+$0x0] =	vst.idx.msk vm0, v21  }
0x2c5: {  	s17 =	sadd.s32 $0x10, s17;
	v21 =	vld [tilespmem:s19+$0x180]  }
0x2c6: {  	v22 =	vld [tilespmem:s19+$0x200];
	_ =	sdelay $0x1  }
0x2c7: {  	v23 =	vld [tilespmem:s19+$0x280];
	_ =	sdelay $0x2  }
0x2c8: {  	v17 =	vmul.f32 v21, v17;
	v20 =	vmul.f32 v22, v20  }
0x2c9: {  	v21 =	vld [tilespmem:s19+$0x300]  }
0x2ca: {  	v19 =	vmul.f32 v23, v19;
	v17 =	vadd.f32 v20, v17;
	_ =	sdelay $0x1  }
0x2cb: {  	v17 =	vadd.f32 v19, v17;
	_ =	sdelay $0x1  }
0x2cc: {  	v18 =	vadd.f32 v21, v18;
	v17 =	vadd.f32 v17, v17;
	_ =	sdelay $0x1  }
0x2cd: {  	v17 =	vsub.f32 v18, v17  }
0x2ce: {  	v18 =	vor.u32 s16, v2  }
0x2cf: {  	vm1 =	vne.s32 v18, v16;
	vm0 =	vlt.f32 v17, $1.000000000e+02  }
0x2d0: {  	vm0 =	vmand vm1, vm0  }
0x2d1: {  	v16 =	vsel vm0, $0x1, v0  }
0x2d2: {  	(xrf0) =	vadd.scan.msk.s32 $0xffff, v16;
	_ =	sdelay $0x2  }
0x2d3: {  	v17 =	vld [tilespmem:s19+$0x80]  }
0x2d4: {  	v16 =	vld [tilespmem:s19+$0x0];
	_ =	sdelay $0x1  }
0x2d5: {  	v19 =	vld [tilespmem:s19+$0x100];
	v20, _, _ =	vpop (xrf0)  }
0x2d6: {  	v12 =	vadd.s32 v20, v12  }
0x2d7: {  	v12 =	vadd.s32 $0xFFFFFFFF, v12  }
0x2d8: {  	v14 =	vsub.f32 v17, v14;
	v13 =	vsub.f32 v16, v13;
	vm15 =	vlt.s32 v12, v11  }
0x2d9: {  	vm0 =	vmand vm0, vm15  }
0x2da: {  	v15 =	vsub.f32 v19, v15;
	v14 =	vmul.f32 v14, v14;
	v13 =	vmul.f32 v13, v13;
	_ =	sdelay $0x1  }
0x2db: {  	v13 =	vadd.f32 v14, v13;
	v14 =	vmul.f32 v15, v15;
	_ =	sdelay $0x1  }
0x2dc: {  	s16 =	simm.s32 $0x0;
	v19 =	vbroadcast v5, $0xD;
	v17 =	vbroadcast v8, $0xD;
	v16 =	vadd.f32 v14, v13  }
0x2dd: {  	s17 =	sand.u32 $0x70, s16;
	s18 =	sand.u32 $0x7C00, s16;
	v20 =	vbroadcast v4, $0xD;
	v15 =	vbroadcast v7, $0xD;
	[tilespmem:v12+s9+$0x0] =	vst.idx.msk vm0, v18  }
0x2de: {  	s20 =	sor.u32 $0xD, s15;
	s31 =	sadd.s32 $0x540, s14;
	s19 =	sor.u32 s17, s18;
	v13 =	vbroadcast v9, $0xD;
	v14 =	vbroadcast v10, $0xD;
	[tilespmem:v12+s10+$0x0] =	vst.idx.msk vm0, v16  }
0x2df: {  	s17 =	simm.s32 $0x10;
	s18 =	simm.s32 $0x0;
	v18 =	vbroadcast v6, $0xD;
	v16 =	vmov s20;
	v12 =	vmov s31;
	v21 =	vld [tilespmem:s19+$0x180]  }
.LBB2_31:
0x2e0: {  	p0 =	sne.s32 s17, $0xFF0;
	v22 =	vld [tilespmem:s19+$0x200];
	_ =	sdelay $0x1  }
0x2e1: {  	v23 =	vld [tilespmem:s19+$0x280];
	_ =	sdelay $0x2  }
0x2e2: {  	v21 =	vmul.f32 v21, v17;
	v22 =	vmul.f32 v22, v20  }
0x2e3: {  	v24 =	vld [tilespmem:s19+$0x300]  }
0x2e4: {  	v21 =	vadd.f32 v22, v21;
	v22 =	vmul.f32 v23, v19;
	_ =	sdelay $0x1  }
0x2e5: {  	v21 =	vadd.f32 v22, v21;
	_ =	sdelay $0x1  }
0x2e6: {  	v22 =	vadd.f32 v24, v18;
	v21 =	vadd.f32 v21, v21;
	_ =	sdelay $0x1  }
0x2e7: {  	v21 =	vsub.f32 v22, v21  }
0x2e8: {  	v22 =	vor.u32 s16, v2;
	s16 =	smov.u32 s17  }
0x2e9: {  	vm1 =	vne.s32 v22, v16;
	vm0 =	vlt.f32 v21, $1.000000000e+02  }
0x2ea: {  	vm0 =	vmand vm1, vm0  }
0x2eb: {  	v21 =	vsel vm0, $0x1, v0  }
0x2ec: {  	(xrf0) =	vadd.scan.msk.s32 $0xffff, v21;
	_ =	sdelay $0x2  }
0x2ed: {  	v21 =	vld [tilespmem:s19+$0x0]  }
0x2ee: {  	v23 =	vld [tilespmem:s19+$0x80];
	_ =	sdelay $0x1  }
0x2ef: {  	v24 =	vld [tilespmem:s19+$0x100];
	v25, _, _ =	vpop (xrf0)  }
0x2f0: {  	v25 =	vadd.s32 v25, v11  }
0x2f1: {  	v25 =	vadd.s32 $0xFFFFFFFF, v25  }
0x2f2: {  	v21 =	vsub.f32 v21, v13;
	v23 =	vsub.f32 v23, v14;
	vm1 =	vlt.s32 v25, v12  }
0x2f3: {  	vm0 =	vmand vm0, vm1  }
0x2f4: {  	v21 =	vmul.f32 v21, v21;
	v24 =	vsub.f32 v24, v15;
	v23 =	vmul.f32 v23, v23  }
0x2f5: {  	v26 =	vmpcnt.ones.xlane vm0  }
0x2f6: {  	v21 =	vadd.f32 v23, v21;
	v23 =	vmul.f32 v24, v24  }
.Ltmp14:
0x2f7: {  	v11 =	vadd.s32 v11, v26;
	(pc) =	sbr.rel @p0 .LBB2_31-.Ltmp14, $4  }
0x2f8: {  	s18 =	sadd.s32 $0x80, s18;
	v21 =	vadd.f32 v23, v21  }
0x2f9: {  	s20 =	sand.u32 $0x7C00, s18;
	s19 =	sand.u32 $0x70, s17;
	[tilespmem:v25+s9+$0x0] =	vst.idx.msk vm0, v22  }
0x2fa: {  	s19 =	sor.u32 s19, s20;
	[tilespmem:v25+s10+$0x0] =	vst.idx.msk vm0, v21  }
0x2fb: {  	s17 =	sadd.s32 $0x10, s17;
	v21 =	vld [tilespmem:s19+$0x180]  }
0x2fc: {  	v22 =	vld [tilespmem:s19+$0x200];
	_ =	sdelay $0x1  }
0x2fd: {  	v23 =	vld [tilespmem:s19+$0x280];
	_ =	sdelay $0x2  }
0x2fe: {  	v17 =	vmul.f32 v21, v17;
	v20 =	vmul.f32 v22, v20  }
0x2ff: {  	v21 =	vld [tilespmem:s19+$0x300]  }
0x300: {  	v19 =	vmul.f32 v23, v19;
	v17 =	vadd.f32 v20, v17;
	_ =	sdelay $0x1  }
0x301: {  	v17 =	vadd.f32 v19, v17;
	_ =	sdelay $0x1  }
0x302: {  	v18 =	vadd.f32 v21, v18;
	v17 =	vadd.f32 v17, v17;
	_ =	sdelay $0x1  }
0x303: {  	v17 =	vsub.f32 v18, v17  }
0x304: {  	v18 =	vor.u32 s16, v2  }
0x305: {  	vm1 =	vne.s32 v18, v16;
	vm0 =	vlt.f32 v17, $1.000000000e+02  }
0x306: {  	vm0 =	vmand vm1, vm0  }
0x307: {  	v16 =	vsel vm0, $0x1, v0  }
0x308: {  	(xrf0) =	vadd.scan.msk.s32 $0xffff, v16;
	_ =	sdelay $0x2  }
0x309: {  	v17 =	vld [tilespmem:s19+$0x80]  }
0x30a: {  	v16 =	vld [tilespmem:s19+$0x0];
	_ =	sdelay $0x1  }
0x30b: {  	v19 =	vld [tilespmem:s19+$0x100];
	v20, _, _ =	vpop (xrf0)  }
0x30c: {  	v11 =	vadd.s32 v20, v11  }
0x30d: {  	v11 =	vadd.s32 $0xFFFFFFFF, v11  }
0x30e: {  	v14 =	vsub.f32 v17, v14;
	v13 =	vsub.f32 v16, v13;
	vm15 =	vlt.s32 v11, v12  }
0x30f: {  	vm0 =	vmand vm0, vm15  }
0x310: {  	v15 =	vsub.f32 v19, v15;
	v14 =	vmul.f32 v14, v14;
	v13 =	vmul.f32 v13, v13;
	_ =	sdelay $0x1  }
0x311: {  	v13 =	vadd.f32 v14, v13;
	v14 =	vmul.f32 v15, v15;
	_ =	sdelay $0x1  }
0x312: {  	s16 =	simm.s32 $0x0;
	v19 =	vbroadcast v5, $0xE;
	v17 =	vbroadcast v8, $0xE;
	v16 =	vadd.f32 v14, v13  }
0x313: {  	s17 =	sand.u32 $0x70, s16;
	s18 =	sand.u32 $0x7C00, s16;
	v20 =	vbroadcast v4, $0xE;
	v15 =	vbroadcast v7, $0xE;
	[tilespmem:v11+s9+$0x0] =	vst.idx.msk vm0, v18  }
0x314: {  	s20 =	sor.u32 $0xE, s15;
	s31 =	sadd.s32 $0x5A0, s14;
	s19 =	sor.u32 s17, s18;
	v13 =	vbroadcast v9, $0xE;
	v14 =	vbroadcast v10, $0xE;
	[tilespmem:v11+s10+$0x0] =	vst.idx.msk vm0, v16  }
0x315: {  	s17 =	simm.s32 $0x10;
	s18 =	simm.s32 $0x0;
	v18 =	vbroadcast v6, $0xE;
	v16 =	vmov s20;
	v11 =	vmov s31;
	v21 =	vld [tilespmem:s19+$0x180]  }
.LBB2_33:
0x316: {  	p0 =	sne.s32 s17, $0xFF0;
	v22 =	vld [tilespmem:s19+$0x200];
	_ =	sdelay $0x1  }
0x317: {  	v23 =	vld [tilespmem:s19+$0x280];
	_ =	sdelay $0x2  }
0x318: {  	v21 =	vmul.f32 v21, v17;
	v22 =	vmul.f32 v22, v20  }
0x319: {  	v24 =	vld [tilespmem:s19+$0x300]  }
0x31a: {  	v21 =	vadd.f32 v22, v21;
	v22 =	vmul.f32 v23, v19;
	_ =	sdelay $0x1  }
0x31b: {  	v21 =	vadd.f32 v22, v21;
	_ =	sdelay $0x1  }
0x31c: {  	v22 =	vadd.f32 v24, v18;
	v21 =	vadd.f32 v21, v21;
	_ =	sdelay $0x1  }
0x31d: {  	v21 =	vsub.f32 v22, v21  }
0x31e: {  	v22 =	vor.u32 s16, v2;
	s16 =	smov.u32 s17  }
0x31f: {  	vm1 =	vne.s32 v22, v16;
	vm0 =	vlt.f32 v21, $1.000000000e+02  }
0x320: {  	vm0 =	vmand vm1, vm0  }
0x321: {  	v21 =	vsel vm0, $0x1, v0  }
0x322: {  	(xrf0) =	vadd.scan.msk.s32 $0xffff, v21;
	_ =	sdelay $0x2  }
0x323: {  	v21 =	vld [tilespmem:s19+$0x0]  }
0x324: {  	v23 =	vld [tilespmem:s19+$0x80];
	_ =	sdelay $0x1  }
0x325: {  	v24 =	vld [tilespmem:s19+$0x100];
	v25, _, _ =	vpop (xrf0)  }
0x326: {  	v25 =	vadd.s32 v25, v12  }
0x327: {  	v25 =	vadd.s32 $0xFFFFFFFF, v25  }
0x328: {  	v21 =	vsub.f32 v21, v13;
	v23 =	vsub.f32 v23, v14;
	vm1 =	vlt.s32 v25, v11  }
0x329: {  	vm0 =	vmand vm0, vm1  }
0x32a: {  	v21 =	vmul.f32 v21, v21;
	v24 =	vsub.f32 v24, v15;
	v23 =	vmul.f32 v23, v23  }
0x32b: {  	v26 =	vmpcnt.ones.xlane vm0  }
0x32c: {  	v21 =	vadd.f32 v23, v21;
	v23 =	vmul.f32 v24, v24  }
.Ltmp15:
0x32d: {  	v12 =	vadd.s32 v12, v26;
	(pc) =	sbr.rel @p0 .LBB2_33-.Ltmp15, $4  }
0x32e: {  	s18 =	sadd.s32 $0x80, s18;
	v21 =	vadd.f32 v23, v21  }
0x32f: {  	s20 =	sand.u32 $0x7C00, s18;
	s19 =	sand.u32 $0x70, s17;
	[tilespmem:v25+s9+$0x0] =	vst.idx.msk vm0, v22  }
0x330: {  	s19 =	sor.u32 s19, s20;
	[tilespmem:v25+s10+$0x0] =	vst.idx.msk vm0, v21  }
0x331: {  	s17 =	sadd.s32 $0x10, s17;
	v21 =	vld [tilespmem:s19+$0x180]  }
0x332: {  	v22 =	vld [tilespmem:s19+$0x200];
	_ =	sdelay $0x1  }
0x333: {  	v23 =	vld [tilespmem:s19+$0x280];
	_ =	sdelay $0x2  }
0x334: {  	v17 =	vmul.f32 v21, v17;
	v20 =	vmul.f32 v22, v20  }
0x335: {  	v57 =	vld [tilespmem:s19+$0x300]  }
0x336: {  	v19 =	vmul.f32 v23, v19;
	v17 =	vadd.f32 v20, v17;
	_ =	sdelay $0x1  }
0x337: {  	v17 =	vadd.f32 v19, v17;
	_ =	sdelay $0x1  }
0x338: {  	v18 =	vadd.f32 v57, v18;
	v17 =	vadd.f32 v17, v17;
	_ =	sdelay $0x1  }
0x339: {  	v17 =	vsub.f32 v18, v17  }
0x33a: {  	v58 =	vor.u32 s16, v2  }
0x33b: {  	vm1 =	vne.s32 v58, v16;
	vm0 =	vlt.f32 v17, $1.000000000e+02  }
0x33c: {  	vm0 =	vmand vm1, vm0  }
0x33d: {  	v59 =	vsel vm0, $0x1, v0  }
0x33e: {  	(xrf0) =	vadd.scan.msk.s32 $0xffff, v59;
	_ =	sdelay $0x2  }
0x33f: {  	v60 =	vld [tilespmem:s19+$0x0]  }
0x340: {  	v61 =	vld [tilespmem:s19+$0x80];
	_ =	sdelay $0x1  }
0x341: {  	v62 =	vld [tilespmem:s19+$0x100];
	v63, _, _ =	vpop (xrf0)  }
0x342: {  	v12 =	vadd.s32 v63, v12  }
0x343: {  	v12 =	vadd.s32 $0xFFFFFFFF, v12  }
0x344: {  	v13 =	vsub.f32 v60, v13;
	v14 =	vsub.f32 v61, v14;
	vm15 =	vlt.s32 v12, v11  }
0x345: {  	vm0 =	vmand vm0, vm15  }
0x346: {  	v15 =	vsub.f32 v62, v15;
	v13 =	vmul.f32 v13, v13;
	v14 =	vmul.f32 v14, v14;
	_ =	sdelay $0x1  }
0x347: {  	v13 =	vadd.f32 v14, v13;
	v14 =	vmul.f32 v15, v15;
	_ =	sdelay $0x1  }
0x348: {  	v9 =	vbroadcast v9, $0xF;
	v10 =	vbroadcast v10, $0xF;
	s16 =	simm.s32 $0x0;
	v13 =	vadd.f32 v14, v13  }
0x349: {  	v7 =	vbroadcast v7, $0xF;
	v8 =	vbroadcast v8, $0xF;
	s17 =	sand.u32 $0x70, s16;
	s18 =	sand.u32 $0x7C00, s16;
	[tilespmem:v12+s9+$0x0] =	vst.idx.msk vm0, v58  }
0x34a: {  	s15 =	sor.u32 $0xF, s15;
	s14 =	sadd.s32 $0x600, s14;
	v6 =	vbroadcast v6, $0xF;
	s17 =	sor.u32 s17, s18;
	[tilespmem:v12+s10+$0x0] =	vst.idx.msk vm0, v13;
	v13 =	vbroadcast v4, $0xF  }
0x34b: {  	v12 =	vbroadcast v5, $0xF;
	v5 =	vmov s15;
	v4 =	vmov s14;
	s14 =	simm.s32 $0x10;
	s15 =	simm.s32 $0x0;
	v14 =	vld [tilespmem:s17+$0x180]  }
.LBB2_35:
0x34c: {  	p0 =	sne.s32 s14, $0xFF0;
	v15 =	vld [tilespmem:s17+$0x200];
	_ =	sdelay $0x1  }
0x34d: {  	v16 =	vld [tilespmem:s17+$0x280];
	_ =	sdelay $0x2  }
0x34e: {  	v14 =	vmul.f32 v14, v8;
	v15 =	vmul.f32 v15, v13  }
0x34f: {  	v17 =	vld [tilespmem:s17+$0x300]  }
0x350: {  	v14 =	vadd.f32 v15, v14;
	v15 =	vmul.f32 v16, v12;
	_ =	sdelay $0x1  }
0x351: {  	v14 =	vadd.f32 v15, v14;
	_ =	sdelay $0x1  }
0x352: {  	v15 =	vadd.f32 v17, v6;
	v14 =	vadd.f32 v14, v14;
	_ =	sdelay $0x1  }
0x353: {  	v14 =	vsub.f32 v15, v14  }
0x354: {  	v15 =	vor.u32 s16, v2;
	s16 =	smov.u32 s14  }
0x355: {  	vm1 =	vne.s32 v15, v5;
	vm0 =	vlt.f32 v14, $1.000000000e+02  }
0x356: {  	vm0 =	vmand vm1, vm0  }
0x357: {  	v14 =	vsel vm0, $0x1, v0  }
0x358: {  	(xrf0) =	vadd.scan.msk.s32 $0xffff, v14;
	_ =	sdelay $0x2  }
0x359: {  	v14 =	vld [tilespmem:s17+$0x0]  }
0x35a: {  	v16 =	vld [tilespmem:s17+$0x80];
	_ =	sdelay $0x1  }
0x35b: {  	v17 =	vld [tilespmem:s17+$0x100];
	v18, _, _ =	vpop (xrf0)  }
0x35c: {  	v18 =	vadd.s32 v18, v11  }
0x35d: {  	v18 =	vadd.s32 $0xFFFFFFFF, v18  }
0x35e: {  	v14 =	vsub.f32 v14, v9;
	v16 =	vsub.f32 v16, v10;
	vm1 =	vlt.s32 v18, v4  }
0x35f: {  	vm0 =	vmand vm0, vm1  }
0x360: {  	v14 =	vmul.f32 v14, v14;
	v17 =	vsub.f32 v17, v7;
	v16 =	vmul.f32 v16, v16  }
0x361: {  	v19 =	vmpcnt.ones.xlane vm0  }
0x362: {  	v14 =	vadd.f32 v16, v14;
	v16 =	vmul.f32 v17, v17  }
.Ltmp16:
0x363: {  	v11 =	vadd.s32 v11, v19;
	(pc) =	sbr.rel @p0 .LBB2_35-.Ltmp16, $4  }
0x364: {  	s15 =	sadd.s32 $0x80, s15;
	v14 =	vadd.f32 v16, v14  }
0x365: {  	s18 =	sand.u32 $0x7C00, s15;
	s17 =	sand.u32 $0x70, s14;
	[tilespmem:v18+s9+$0x0] =	vst.idx.msk vm0, v15  }
0x366: {  	s17 =	sor.u32 s17, s18;
	[tilespmem:v18+s10+$0x0] =	vst.idx.msk vm0, v14  }
0x367: {  	s14 =	sadd.s32 $0x10, s14;
	v14 =	vld [tilespmem:s17+$0x180]  }
0x368: {  	v15 =	vld [tilespmem:s17+$0x200];
	_ =	sdelay $0x1  }
0x369: {  	v16 =	vld [tilespmem:s17+$0x280];
	_ =	sdelay $0x2  }
0x36a: {  	v8 =	vmul.f32 v14, v8;
	v13 =	vmul.f32 v15, v13  }
0x36b: {  	v59 =	vld [tilespmem:s17+$0x300]  }
0x36c: {  	v12 =	vmul.f32 v16, v12;
	v8 =	vadd.f32 v13, v8;
	_ =	sdelay $0x1  }
0x36d: {  	v8 =	vadd.f32 v12, v8;
	_ =	sdelay $0x1  }
0x36e: {  	v6 =	vadd.f32 v59, v6;
	v8 =	vadd.f32 v8, v8;
	_ =	sdelay $0x1  }
0x36f: {  	v6 =	vsub.f32 v6, v8  }
0x370: {  	v60 =	vor.u32 s16, v2  }
0x371: {  	vm1 =	vne.s32 v60, v5;
	vm0 =	vlt.f32 v6, $1.000000000e+02  }
0x372: {  	vm0 =	vmand vm1, vm0  }
0x373: {  	v5 =	vsel vm0, $0x1, v0  }
0x374: {  	(xrf0) =	vadd.scan.msk.s32 $0xffff, v5;
	_ =	sdelay $0x2  }
0x375: {  	v61 =	vld [tilespmem:s17+$0x80]  }
0x376: {  	v5 =	vld [tilespmem:s17+$0x0];
	_ =	sdelay $0x1  }
0x377: {  	v62 =	vld [tilespmem:s17+$0x100];
	v63, _, _ =	vpop (xrf0)  }
0x378: {  	v11 =	vadd.s32 v63, v11  }
0x379: {  	v11 =	vadd.s32 $0xFFFFFFFF, v11  }
0x37a: {  	v6 =	vsub.f32 v61, v10;
	v5 =	vsub.f32 v5, v9;
	vm15 =	vlt.s32 v11, v4  }
0x37b: {  	vm0 =	vmand vm0, vm15  }
0x37c: {  	s13 =	sadd.s32 $0x1, s13;
	v6 =	vmul.f32 v6, v6;
	v5 =	vmul.f32 v5, v5;
	v4 =	vsub.f32 v62, v7  }
0x37d: {  	p0 =	sne.s32 s13, $0x8  }
.Ltmp17:
0x37e: {  	v5 =	vadd.f32 v6, v5;
	v4 =	vmul.f32 v4, v4;
	(pc) =	sbr.rel @p0 .LBB2_4-.Ltmp17, $4  }
0x37f: {  	_ = 	snop  }
0x380: {  	v4 =	vadd.f32 v4, v5  }
0x381: {  	[tilespmem:v11+s9+$0x0] =	vst.idx.msk vm0, v60  }
0x382: {  	[tilespmem:v11+s10+$0x0] =	vst.idx.msk vm0, v4  }
0x383: {  	[hbm4b:s5+s2] =	stream.linear.scatter [tilespmem:s9], [sflag:$0x1], $0x3000, $0x38;
	[tilespmem:$0xE400] =	vst v63  }
0x384: {  	s11 =	sadd.s32 $0x1, s11;
	_ =	swait.ge [sflag:s8], $0x3000  }
0x385: {  	p0 =	sne.s32 s11, s7;
	[sflag:s8] =	ssyncset.done $0x0  }
.Ltmp18:
0x386: {  	[sflag:s8] =	ssyncadd.s32 $0xFFFFD000;
	(pc) =	sbr.rel @p0 .LBB2_1-.Ltmp18, $4  }
0x387: {  	[hbm4b:s6+s2] =	stream.linear.scatter [tilespmem:s10], [sflag:$0x1], $0x3000, $0x38;
	[tilespmem:$0xE400] =	vst v63  }
0x388: {  	_ =	swait.ge [sflag:s8], $0x3000  }
0x389: {  	[sflag:s8] =	ssyncset.done $0x0  }
0x38a: {  	[sflag:s8] =	ssyncadd.s32 $0xFFFFD000  }
0x38b: {  	_ =	sfence.sel $0x180000  }
0x38c: {  	[bflag:$0x0] =	sbarrier.arrive $0xFFFF  }
0x38d: {  	p0 =	sne.s32 s0, $0x0;
	_ =	strace $0x90000047  }
0x38e: {  	s0 =	sadd.s32 @!p0 $0x100000, s1;
	[bflag:$0x2] =	sbarrier.arrive $0xFFFF  }
0x38f: {  	[sflag:s0] =	ssyncadd.tile.s32 @!p0 $0x1;
	_ =	shalt  }
.Lfunc_end2:
_tile_overlayer_lowered:
.L_overlay_start_2:
0x390: {  	(tag) =	ssettag $0x2  }
0x391: {  	s0 =	rddreg [dreg:$0x0];
	s2 =	stileid.u32  }
0x392: {  	s1 =	rddreg [dreg:$0x1];
	p0 =	sne.s32 s2, $0x0  }
0x393: {  	s3 =	rddreg [dreg:$0x2];
	[bflag:$0x3] =	sbarrier.arrive $0xFFFF;
	s2 =	simm.s32 @!p0 $0x1C01  }
0x394: {  	[timem:s3], [sflag:s2] =	dma.local @!p0 [hbm:s0], s1  }
0x395: {  	s0 =	simm.s32 @!p0 $0x1  }
0x396: {  	_ =	swait.ge @!p0 [sflag:s0], s1  }
0x397: {  	s1 =	ssub.s32 @!p0 $0x0, s1;
	[sflag:s0] =	ssyncset.done @!p0 $0x0  }
0x398: {  	[sflag:s0] =	ssyncadd.s32 @!p0 s1  }
0x399: {  	[bflag:$0x3] =	sbarrier.arrive $0xFFFF  }
0x39a: {  	_ =	shalt  }

</sc_bundles>
